<compile_context>
chip_gen: v7x
topology: tpu7x:2x2x1
jax: 0.10.2.dev20260603
libtpu: 0.0.44.dev20260713+nightly
codegen_flags: <defaults>
</compile_context>

<pallas_src>
import functools

import jax
import jax.numpy as jnp
from jax import lax
from jax.experimental import pallas as pl
from jax.experimental.pallas import tpu as pltpu
from jax.experimental.pallas import tpu_sc as plsc

NC = 2
NS = 16
LANES = 16



def _edge_linear_body(ea_ref, we_ref, be_ref, out_ref):
    out_ref[...] = (
        jnp.dot(ea_ref[...], we_ref[...], preferred_element_type=jnp.float32)
        + be_ref[...]
    )


def _edge_linear(edge_attr, We, be, block=8192):
    E, DE = edge_attr.shape
    D = We.shape[1]
    while E % block:
        block //= 2
    assert E % block == 0
    return pl.pallas_call(
        _edge_linear_body,
        grid=(E // block,),
        in_specs=[
            pl.BlockSpec((block, DE), lambda i: (i, 0)),
            pl.BlockSpec((DE, D), lambda i: (0, 0)),
            pl.BlockSpec((1, D), lambda i: (0, 0)),
        ],
        out_specs=pl.BlockSpec((block, D), lambda i: (i, 0)),
        out_shape=jax.ShapeDtypeStruct((E, D), jnp.float32),
    )(edge_attr, We, be.reshape(1, D))


def _node_mlp_body(h_ref, a0_ref, a1_ref, w1_ref, b1_ref, w2_ref, b2_ref,
                   alpha_ref, out_ref):
    h = h_ref[...]
    s = h + a0_ref[...] + a1_ref[...]
    t = jnp.dot(s, w1_ref[...], preferred_element_type=jnp.float32) + b1_ref[...]
    t = jnp.maximum(t, 0.0)
    xn = jnp.dot(t, w2_ref[...], preferred_element_type=jnp.float32) + b2_ref[...]
    a = alpha_ref[0, 0]
    out_ref[...] = a * h + (1.0 - a) * xn


def _node_mlp(h, a0, a1, W1, b1, W2, b2, alpha, block=2000):
    Nn, D = h.shape
    assert Nn % block == 0
    return pl.pallas_call(
        _node_mlp_body,
        grid=(Nn // block,),
        in_specs=[
            pl.BlockSpec((block, D), lambda i: (i, 0)),
            pl.BlockSpec((block, D), lambda i: (i, 0)),
            pl.BlockSpec((block, D), lambda i: (i, 0)),
            pl.BlockSpec((D, D), lambda i: (0, 0)),
            pl.BlockSpec((1, D), lambda i: (0, 0)),
            pl.BlockSpec((D, D), lambda i: (0, 0)),
            pl.BlockSpec((1, D), lambda i: (0, 0)),
            pl.BlockSpec((1, 1), lambda i: (0, 0)),
        ],
        out_specs=pl.BlockSpec((block, D), lambda i: (i, 0)),
        out_shape=jax.ShapeDtypeStruct((Nn, D), jnp.float32),
    )(h, a0, a1, W1, b1.reshape(1, D), W2, b2.reshape(1, D),
      alpha.reshape(1, 1))



def _sc_message_pass(h, e, eidx, zeros_nd, chunk=16, nbuf=5):
    E, D = e.shape
    Np = zeros_nd.shape[0]
    NW = NC * NS
    per_w = E // NW
    assert per_w * NW == E and per_w % chunk == 0 and chunk % 8 == 0
    n_chunks = per_w // chunk
    assert n_chunks % nbuf == 0 and nbuf >= 3
    assert eidx.shape == (NW, n_chunks, 2, chunk)
    rows_per_sub = Np // NS
    assert rows_per_sub * NS == Np and rows_per_sub % 8 == 0

    mesh = plsc.VectorSubcoreMesh(core_axis_name="c", subcore_axis_name="s")

    @functools.partial(
        pl.kernel,
        out_type=jax.ShapeDtypeStruct((NC, Np, D), jnp.float32),
        mesh=mesh,
        scratch_types=(
            [pltpu.VMEM((chunk,), jnp.int32) for _ in range(2 * nbuf)]
            + [pltpu.VMEM((chunk, D), jnp.float32) for _ in range(2 * nbuf)]
            + [pltpu.VMEM_SHARED((Np, D), jnp.float32)]
            + [pltpu.SemaphoreType.DMA for _ in range(5 * nbuf)]
        ),
    )
    def k(h_hbm, e_hbm, eidx_hbm, z_hbm, out_hbm, *rest):
        sv = rest[0:nbuf]
        dv = rest[nbuf:2 * nbuf]
        xg = rest[2 * nbuf:3 * nbuf]
        ev = rest[3 * nbuf:4 * nbuf]
        agg_sh = rest[4 * nbuf]
        si = rest[4 * nbuf + 1:4 * nbuf + 1 + nbuf]
        sd = rest[4 * nbuf + 1 + nbuf:4 * nbuf + 1 + 2 * nbuf]
        se = rest[4 * nbuf + 1 + 2 * nbuf:4 * nbuf + 1 + 3 * nbuf]
        sg = rest[4 * nbuf + 1 + 3 * nbuf:4 * nbuf + 1 + 4 * nbuf]
        ss = rest[4 * nbuf + 1 + 4 * nbuf:4 * nbuf + 1 + 5 * nbuf]

        cid = lax.axis_index("c")
        sid = lax.axis_index("s")
        wid = cid * NS + sid
        base = wid * per_w

        def fire_ie(jj, b):
            pltpu.async_copy(eidx_hbm.at[wid, jj, 0], sv[b], si[b])
            pltpu.async_copy(eidx_hbm.at[wid, jj, 1], dv[b], sd[b])
            pltpu.async_copy(e_hbm.at[pl.ds(base + jj * chunk, chunk), :],
                             ev[b], se[b])

        def fire_gather(jj, b):
            pltpu.make_async_copy(eidx_hbm.at[wid, jj, 0], sv[b], si[b]).wait()
            pltpu.async_copy(h_hbm.at[sv[b]], xg[b], sg[b])

        for c in range(nbuf - 1):
            fire_ie(c, c)
        for c in range(2):
            fire_gather(c, c)

        r0 = sid * rows_per_sub
        pltpu.sync_copy(z_hbm.at[pl.ds(r0, rows_per_sub), :],
                        agg_sh.at[pl.ds(r0, rows_per_sub), :])
        plsc.subcore_barrier()

        @pl.loop(0, n_chunks, step=nbuf)
        def _(j0):
            for b in range(nbuf):
                jj = j0 + b
                bm1 = (b + nbuf - 1) % nbuf
                b2 = (b + 2) % nbuf

                @pl.when(jj >= 1)
                def _():
                    pltpu.make_async_copy(
                        xg[bm1], agg_sh.at[dv[bm1]], ss[bm1]).wait()

                @pl.when(jj + nbuf - 1 < n_chunks)
                def _():
                    fire_ie(jj + nbuf - 1, bm1)

                @pl.when(jj + 2 < n_chunks)
                def _():
                    fire_gather(jj + 2, b2)

                pltpu.make_async_copy(
                    e_hbm.at[pl.ds(base, chunk), :], ev[b], se[b]).wait()
                pltpu.make_async_copy(
                    eidx_hbm.at[wid, jj, 1], dv[b], sd[b]).wait()
                pltpu.make_async_copy(
                    h_hbm.at[sv[b]], xg[b], sg[b]).wait()

                @plsc.parallel_loop(0, chunk)
                def _(r):
                    for c0 in range(0, D, LANES):
                        v = xg[b][r, pl.ds(c0, LANES)] \
                            + ev[b][r, pl.ds(c0, LANES)]
                        xg[b][r, pl.ds(c0, LANES)] = jnp.maximum(v, 0.0)

                pltpu.async_copy(xg[b], agg_sh.at[dv[b]], ss[b],
                                 add=True)

        lb = (n_chunks - 1) % nbuf
        pltpu.make_async_copy(
            xg[lb], agg_sh.at[dv[lb]], ss[lb]).wait()

        plsc.subcore_barrier()
        pltpu.sync_copy(agg_sh.at[pl.ds(r0, rows_per_sub), :],
                        out_hbm.at[cid, pl.ds(r0, rows_per_sub), :])

    return k(h, e, eidx, zeros_nd)



def kernel(x, edge_index, edge_attr, params):
    chunk, nbuf = 40, 4
    Nn, D = x.shape
    E = edge_index.shape[1]
    NW = NC * NS
    Np = ((Nn + 8 * NS - 1) // (8 * NS)) * (8 * NS)
    step = chunk * nbuf
    while (NW * step) % 2048:
        step *= 2
    per_w = -(-E // (NW * step)) * step
    Ep = NW * per_w
    if Ep > E:
        pad_ar = jnp.arange(Ep - E, dtype=jnp.int32)
        edge_index = jnp.concatenate(
            [edge_index,
             jnp.stack([pad_ar % Nn, Nn + pad_ar % (Np - Nn)])], axis=1)
        edge_attr = jnp.concatenate(
            [edge_attr, jnp.zeros((Ep - E, edge_attr.shape[1]),
                                  edge_attr.dtype)])
    n_chunks = per_w // chunk
    eidx = edge_index.reshape(2, NW, n_chunks, chunk).transpose(1, 2, 0, 3)
    zeros_nd = jnp.zeros((Np, D), jnp.float32)

    es = [_edge_linear(edge_attr, We, be) for (We, be, *_rest) in params]

    h = x
    xs = [x]
    for l, (We, be, W1, b1, W2, b2, alpha) in enumerate(params):
        agg2 = _sc_message_pass(h, es[l], eidx, zeros_nd,
                                chunk=chunk, nbuf=nbuf)
        h = _node_mlp(h, agg2[0], agg2[1], W1, b1, W2, b2, alpha)
        xs.append(h)
    return jnp.concatenate(xs, axis=-1)

# --- scband reference (transcript-rebuilt; emitter-appended) ---
"""Pipeline reference for scband-graph-encoder-23802708754725 (READ-ONLY COPY).

The authoritative reference and input builder live on the scoring server;
editing this copy changes nothing except your own understanding.
"""

import jax, jax.numpy as jnp
import numpy as np

N = 10000
E = 320000
D = 128
DE = 16
L = 3


def _gine_layer(x, src, dst, edge_attr, We, be, W1, b1, W2, b2):
    # GINEConv (eps=0): out = nn((1+eps)*x + sum_j relu(x_j + lin(e_ji)))
    e = edge_attr @ We + be
    m = jax.nn.relu(x[src] + e)
    agg = jax.ops.segment_sum(m, dst, num_segments=x.shape[0])
    h = x + agg
    h = jax.nn.relu(h @ W1 + b1)
    return h @ W2 + b2


def setup_inputs(seed: int = 0) -> dict:
    key = jax.random.key(seed)
    ks = jax.random.split(key, 3 + 3 * L)
    inp = {}
    inp["x"] = jax.random.normal(ks[0], (N, D), dtype=jnp.float32)
    inp["edge_index"] = jax.random.randint(ks[1], (2, E), 0, N, dtype=jnp.int32)
    inp["edge_attr"] = jax.random.normal(ks[2], (E, DE), dtype=jnp.float32)
    params = []
    for l in range(L):
        k0 = ks[3 + 3 * l]
        k1 = ks[4 + 3 * l]
        k2 = ks[5 + 3 * l]
        We = jax.random.normal(k0, (DE, D), dtype=jnp.float32) * (1.0 / np.sqrt(DE))
        be = jnp.zeros((D,), dtype=jnp.float32)
        W1 = jax.random.normal(k1, (D, D), dtype=jnp.float32) * (1.0 / np.sqrt(D))
        b1 = jnp.zeros((D,), dtype=jnp.float32)
        W2 = jax.random.normal(k2, (D, D), dtype=jnp.float32) * (1.0 / np.sqrt(D))
        b2 = jnp.zeros((D,), dtype=jnp.float32)
        alpha = jnp.full((1,), 0.5, dtype=jnp.float32)
        params.append((We, be, W1, b1, W2, b2, alpha))
    inp["params"] = tuple(params)
    return inp


def reference(x, edge_index, edge_attr, params):
    src = edge_index[0]
    dst = edge_index[1]
    xs = [x]
    h = x
    for (We, be, W1, b1, W2, b2, alpha) in params:
        x_new = _gine_layer(h, src, dst, edge_attr, We, be, W1, b1, W2, b2)
        # SkipConnection with in_dim == out_dim -> transform is Identity
        h = alpha * h + (1.0 - alpha) * x_new
        xs.append(h)
    return jnp.concatenate(xs, axis=-1)

if __name__ == "__main__":
    import jax
    _d = setup_inputs()
    print(jax.jit(kernel)(*tuple(_d.values())))

</pallas_src>

<mosaic_0001>
#map = affine_map<(d0, d1) -> (0, 0)>
#map1 = affine_map<(d0, d1) -> (0, 0, 0, 0)>
#map2 = affine_map<(d0, d1) -> (0, 0, 0)>
module attributes {stable_mosaic.version = 14 : i64} {
  func.func @k(%arg0: i32, %arg1: i32, %arg2: memref<10000x128xf32, #tpu.memory_space<hbm>>, %arg3: memref<327680x128xf32, #tpu.memory_space<hbm>>, %arg4: memref<32x256x2x40xi32, #tpu.memory_space<hbm>>, %arg5: memref<10112x128xf32, #tpu.memory_space<hbm>>, %arg6: memref<2x10112x128xf32, #tpu.memory_space<hbm>>, %arg7: memref<40xi32, #tpu.memory_space<vmem>>, %arg8: memref<40xi32, #tpu.memory_space<vmem>>, %arg9: memref<40xi32, #tpu.memory_space<vmem>>, %arg10: memref<40xi32, #tpu.memory_space<vmem>>, %arg11: memref<40xi32, #tpu.memory_space<vmem>>, %arg12: memref<40xi32, #tpu.memory_space<vmem>>, %arg13: memref<40xi32, #tpu.memory_space<vmem>>, %arg14: memref<40xi32, #tpu.memory_space<vmem>>, %arg15: memref<40x128xf32, #tpu.memory_space<vmem>>, %arg16: memref<40x128xf32, #tpu.memory_space<vmem>>, %arg17: memref<40x128xf32, #tpu.memory_space<vmem>>, %arg18: memref<40x128xf32, #tpu.memory_space<vmem>>, %arg19: memref<40x128xf32, #tpu.memory_space<vmem>>, %arg20: memref<40x128xf32, #tpu.memory_space<vmem>>, %arg21: memref<40x128xf32, #tpu.memory_space<vmem>>, %arg22: memref<40x128xf32, #tpu.memory_space<vmem>>, %arg23: memref<10112x128xf32, #tpu.memory_space<vmem_shared>>, %arg24: memref<!tpu.dma_semaphore, #tpu.memory_space<semaphore_mem>>, %arg25: memref<!tpu.dma_semaphore, #tpu.memory_space<semaphore_mem>>, %arg26: memref<!tpu.dma_semaphore, #tpu.memory_space<semaphore_mem>>, %arg27: memref<!tpu.dma_semaphore, #tpu.memory_space<semaphore_mem>>, %arg28: memref<!tpu.dma_semaphore, #tpu.memory_space<semaphore_mem>>, %arg29: memref<!tpu.dma_semaphore, #tpu.memory_space<semaphore_mem>>, %arg30: memref<!tpu.dma_semaphore, #tpu.memory_space<semaphore_mem>>, %arg31: memref<!tpu.dma_semaphore, #tpu.memory_space<semaphore_mem>>, %arg32: memref<!tpu.dma_semaphore, #tpu.memory_space<semaphore_mem>>, %arg33: memref<!tpu.dma_semaphore, #tpu.memory_space<semaphore_mem>>, %arg34: memref<!tpu.dma_semaphore, #tpu.memory_space<semaphore_mem>>, %arg35: memref<!tpu.dma_semaphore, #tpu.memory_space<semaphore_mem>>, %arg36: memref<!tpu.dma_semaphore, #tpu.memory_space<semaphore_mem>>, %arg37: memref<!tpu.dma_semaphore, #tpu.memory_space<semaphore_mem>>, %arg38: memref<!tpu.dma_semaphore, #tpu.memory_space<semaphore_mem>>, %arg39: memref<!tpu.dma_semaphore, #tpu.memory_space<semaphore_mem>>, %arg40: memref<!tpu.dma_semaphore, #tpu.memory_space<semaphore_mem>>, %arg41: memref<!tpu.dma_semaphore, #tpu.memory_space<semaphore_mem>>, %arg42: memref<!tpu.dma_semaphore, #tpu.memory_space<semaphore_mem>>, %arg43: memref<!tpu.dma_semaphore, #tpu.memory_space<semaphore_mem>>) attributes {dimension_semantics = [#tpu.dimension_semantics<core_parallel>, #tpu.dimension_semantics<subcore_parallel>], iteration_bounds = array<i64: 2, 16>, scalar_prefetch = 0 : i64, scratch_operands = 37 : i64, tpu.core_type = #tpu.core_type<sc_vector_subcore>, window_params = [{transform_indices = #map}, {transform_indices = #map}, {transform_indices = #map1}, {transform_indices = #map}, {transform_indices = #map2}]} {
    %mul3A = arith.constant 16 : i32
    %mul3A_0 = arith.muli %arg0, %mul3A : i32
    %add3A = arith.addi %mul3A_0, %arg1 : i32
    %mul3A_1 = arith.constant 10240 : i32
    %mul3A_2 = arith.muli %add3A, %mul3A_1 : i32
    %dma_start3A = arith.constant 0 : i32
    %dma_start3A_3 = arith.constant 0 : i32
    %dma_start3A_4 = arith.constant 0 : i32
    %dma_start3A_5 = tpu.memref_slice %arg4[%add3A, %dma_start3A, %dma_start3A_3, %dma_start3A_4] : memref<32x256x2x40xi32, #tpu.memory_space<hbm>> -> memref<1x1x1x40xi32, #tpu.memory_space<hbm>>
    %dma_start3A_6 = tpu.memref_squeeze %dma_start3A_5 : memref<1x1x1x40xi32, #tpu.memory_space<hbm>> -> memref<40xi32, #tpu.memory_space<hbm>>
    %dma_start3A_7 = arith.constant 0 : i32
    %dma_start3A_8 = tpu.memref_slice %arg4[%add3A, %dma_start3A, %dma_start3A_3, %dma_start3A_7] : memref<32x256x2x40xi32, #tpu.memory_space<hbm>> -> memref<1x1x1x40xi32, #tpu.memory_space<hbm>>
    %dma_start3A_9 = tpu.memref_squeeze %dma_start3A_8 : memref<1x1x1x40xi32, #tpu.memory_space<hbm>> -> memref<40xi32, #tpu.memory_space<hbm>>
    tpu.enqueue_dma source(%dma_start3A_9 : memref<40xi32, #tpu.memory_space<hbm>>) target(%arg7 : memref<40xi32, #tpu.memory_space<vmem>>) target_semaphore(%arg24 : memref<!tpu.dma_semaphore, #tpu.memory_space<semaphore_mem>>)
    %dma_start3A_10 = arith.constant 0 : i32
    %dma_start3A_11 = arith.constant 1 : i32
    %dma_start3A_12 = arith.constant 0 : i32
    %dma_start3A_13 = tpu.memref_slice %arg4[%add3A, %dma_start3A_10, %dma_start3A_11, %dma_start3A_12] : memref<32x256x2x40xi32, #tpu.memory_space<hbm>> -> memref<1x1x1x40xi32, #tpu.memory_space<hbm>>
    %dma_start3A_14 = tpu.memref_squeeze %dma_start3A_13 : memref<1x1x1x40xi32, #tpu.memory_space<hbm>> -> memref<40xi32, #tpu.memory_space<hbm>>
    %dma_start3A_15 = arith.constant 0 : i32
    %dma_start3A_16 = tpu.memref_slice %arg4[%add3A, %dma_start3A_10, %dma_start3A_11, %dma_start3A_15] : memref<32x256x2x40xi32, #tpu.memory_space<hbm>> -> memref<1x1x1x40xi32, #tpu.memory_space<hbm>>
    %dma_start3A_17 = tpu.memref_squeeze %dma_start3A_16 : memref<1x1x1x40xi32, #tpu.memory_space<hbm>> -> memref<40xi32, #tpu.memory_space<hbm>>
    tpu.enqueue_dma source(%dma_start3A_17 : memref<40xi32, #tpu.memory_space<hbm>>) target(%arg11 : memref<40xi32, #tpu.memory_space<vmem>>) target_semaphore(%arg28 : memref<!tpu.dma_semaphore, #tpu.memory_space<semaphore_mem>>)
    %add3A_18 = arith.constant 0 : i32
    %add3A_19 = arith.addi %mul3A_2, %add3A_18 : i32
    %dma_start3A_20 = arith.constant 0 : i32
    %dma_start3A_21 = tpu.memref_slice %arg3[%add3A_19, %dma_start3A_20] : memref<327680x128xf32, #tpu.memory_space<hbm>> -> memref<40x128xf32, #tpu.memory_space<hbm>>
    %dma_start3A_22 = arith.constant 0 : i32
    %dma_start3A_23 = tpu.memref_slice %arg3[%add3A_19, %dma_start3A_22] : memref<327680x128xf32, #tpu.memory_space<hbm>> -> memref<40x128xf32, #tpu.memory_space<hbm>>
    tpu.enqueue_dma source(%dma_start3A_23 : memref<40x128xf32, #tpu.memory_space<hbm>>) target(%arg19 : memref<40x128xf32, #tpu.memory_space<vmem>>) target_semaphore(%arg32 : memref<!tpu.dma_semaphore, #tpu.memory_space<semaphore_mem>>)
    %dma_start3A_24 = arith.constant 1 : i32
    %dma_start3A_25 = arith.constant 0 : i32
    %dma_start3A_26 = arith.constant 0 : i32
    %dma_start3A_27 = tpu.memref_slice %arg4[%add3A, %dma_start3A_24, %dma_start3A_25, %dma_start3A_26] : memref<32x256x2x40xi32, #tpu.memory_space<hbm>> -> memref<1x1x1x40xi32, #tpu.memory_space<hbm>>
    %dma_start3A_28 = tpu.memref_squeeze %dma_start3A_27 : memref<1x1x1x40xi32, #tpu.memory_space<hbm>> -> memref<40xi32, #tpu.memory_space<hbm>>
    %dma_start3A_29 = arith.constant 0 : i32
    %dma_start3A_30 = tpu.memref_slice %arg4[%add3A, %dma_start3A_24, %dma_start3A_25, %dma_start3A_29] : memref<32x256x2x40xi32, #tpu.memory_space<hbm>> -> memref<1x1x1x40xi32, #tpu.memory_space<hbm>>
    %dma_start3A_31 = tpu.memref_squeeze %dma_start3A_30 : memref<1x1x1x40xi32, #tpu.memory_space<hbm>> -> memref<40xi32, #tpu.memory_space<hbm>>
    tpu.enqueue_dma source(%dma_start3A_31 : memref<40xi32, #tpu.memory_space<hbm>>) target(%arg8 : memref<40xi32, #tpu.memory_space<vmem>>) target_semaphore(%arg25 : memref<!tpu.dma_semaphore, #tpu.memory_space<semaphore_mem>>)
    %dma_start3A_32 = arith.constant 1 : i32
    %dma_start3A_33 = arith.constant 1 : i32
    %dma_start3A_34 = arith.constant 0 : i32
    %dma_start3A_35 = tpu.memref_slice %arg4[%add3A, %dma_start3A_32, %dma_start3A_33, %dma_start3A_34] : memref<32x256x2x40xi32, #tpu.memory_space<hbm>> -> memref<1x1x1x40xi32, #tpu.memory_space<hbm>>
    %dma_start3A_36 = tpu.memref_squeeze %dma_start3A_35 : memref<1x1x1x40xi32, #tpu.memory_space<hbm>> -> memref<40xi32, #tpu.memory_space<hbm>>
    %dma_start3A_37 = arith.constant 0 : i32
    %dma_start3A_38 = tpu.memref_slice %arg4[%add3A, %dma_start3A_32, %dma_start3A_33, %dma_start3A_37] : memref<32x256x2x40xi32, #tpu.memory_space<hbm>> -> memref<1x1x1x40xi32, #tpu.memory_space<hbm>>
    %dma_start3A_39 = tpu.memref_squeeze %dma_start3A_38 : memref<1x1x1x40xi32, #tpu.memory_space<hbm>> -> memref<40xi32, #tpu.memory_space<hbm>>
    tpu.enqueue_dma source(%dma_start3A_39 : memref<40xi32, #tpu.memory_space<hbm>>) target(%arg12 : memref<40xi32, #tpu.memory_space<vmem>>) target_semaphore(%arg29 : memref<!tpu.dma_semaphore, #tpu.memory_space<semaphore_mem>>)
    %add3A_40 = arith.constant 40 : i32
    %add3A_41 = arith.addi %mul3A_2, %add3A_40 : i32
    %dma_start3A_42 = arith.constant 0 : i32
    %dma_start3A_43 = tpu.memref_slice %arg3[%add3A_41, %dma_start3A_42] : memref<327680x128xf32, #tpu.memory_space<hbm>> -> memref<40x128xf32, #tpu.memory_space<hbm>>
    %dma_start3A_44 = arith.constant 0 : i32
    %dma_start3A_45 = tpu.memref_slice %arg3[%add3A_41, %dma_start3A_44] : memref<327680x128xf32, #tpu.memory_space<hbm>> -> memref<40x128xf32, #tpu.memory_space<hbm>>
    tpu.enqueue_dma source(%dma_start3A_45 : memref<40x128xf32, #tpu.memory_space<hbm>>) target(%arg20 : memref<40x128xf32, #tpu.memory_space<vmem>>) target_semaphore(%arg33 : memref<!tpu.dma_semaphore, #tpu.memory_space<semaphore_mem>>)
    %dma_start3A_46 = arith.constant 2 : i32
    %dma_start3A_47 = arith.constant 0 : i32
    %dma_start3A_48 = arith.constant 0 : i32
    %dma_start3A_49 = tpu.memref_slice %arg4[%add3A, %dma_start3A_46, %dma_start3A_47, %dma_start3A_48] : memref<32x256x2x40xi32, #tpu.memory_space<hbm>> -> memref<1x1x1x40xi32, #tpu.memory_space<hbm>>
    %dma_start3A_50 = tpu.memref_squeeze %dma_start3A_49 : memref<1x1x1x40xi32, #tpu.memory_space<hbm>> -> memref<40xi32, #tpu.memory_space<hbm>>
    %dma_start3A_51 = arith.constant 0 : i32
    %dma_start3A_52 = tpu.memref_slice %arg4[%add3A, %dma_start3A_46, %dma_start3A_47, %dma_start3A_51] : memref<32x256x2x40xi32, #tpu.memory_space<hbm>> -> memref<1x1x1x40xi32, #tpu.memory_space<hbm>>
    %dma_start3A_53 = tpu.memref_squeeze %dma_start3A_52 : memref<1x1x1x40xi32, #tpu.memory_space<hbm>> -> memref<40xi32, #tpu.memory_space<hbm>>
    tpu.enqueue_dma source(%dma_start3A_53 : memref<40xi32, #tpu.memory_space<hbm>>) target(%arg9 : memref<40xi32, #tpu.memory_space<vmem>>) target_semaphore(%arg26 : memref<!tpu.dma_semaphore, #tpu.memory_space<semaphore_mem>>)
    %dma_start3A_54 = arith.constant 2 : i32
    %dma_start3A_55 = arith.constant 1 : i32
    %dma_start3A_56 = arith.constant 0 : i32
    %dma_start3A_57 = tpu.memref_slice %arg4[%add3A, %dma_start3A_54, %dma_start3A_55, %dma_start3A_56] : memref<32x256x2x40xi32, #tpu.memory_space<hbm>> -> memref<1x1x1x40xi32, #tpu.memory_space<hbm>>
    %dma_start3A_58 = tpu.memref_squeeze %dma_start3A_57 : memref<1x1x1x40xi32, #tpu.memory_space<hbm>> -> memref<40xi32, #tpu.memory_space<hbm>>
    %dma_start3A_59 = arith.constant 0 : i32
    %dma_start3A_60 = tpu.memref_slice %arg4[%add3A, %dma_start3A_54, %dma_start3A_55, %dma_start3A_59] : memref<32x256x2x40xi32, #tpu.memory_space<hbm>> -> memref<1x1x1x40xi32, #tpu.memory_space<hbm>>
    %dma_start3A_61 = tpu.memref_squeeze %dma_start3A_60 : memref<1x1x1x40xi32, #tpu.memory_space<hbm>> -> memref<40xi32, #tpu.memory_space<hbm>>
    tpu.enqueue_dma source(%dma_start3A_61 : memref<40xi32, #tpu.memory_space<hbm>>) target(%arg13 : memref<40xi32, #tpu.memory_space<vmem>>) target_semaphore(%arg30 : memref<!tpu.dma_semaphore, #tpu.memory_space<semaphore_mem>>)
    %add3A_62 = arith.constant 80 : i32
    %add3A_63 = arith.addi %mul3A_2, %add3A_62 : i32
    %dma_start3A_64 = arith.constant 0 : i32
    %dma_start3A_65 = tpu.memref_slice %arg3[%add3A_63, %dma_start3A_64] : memref<327680x128xf32, #tpu.memory_space<hbm>> -> memref<40x128xf32, #tpu.memory_space<hbm>>
    %dma_start3A_66 = arith.constant 0 : i32
    %dma_start3A_67 = tpu.memref_slice %arg3[%add3A_63, %dma_start3A_66] : memref<327680x128xf32, #tpu.memory_space<hbm>> -> memref<40x128xf32, #tpu.memory_space<hbm>>
    tpu.enqueue_dma source(%dma_start3A_67 : memref<40x128xf32, #tpu.memory_space<hbm>>) target(%arg21 : memref<40x128xf32, #tpu.memory_space<vmem>>) target_semaphore(%arg34 : memref<!tpu.dma_semaphore, #tpu.memory_space<semaphore_mem>>)
    %dma_wait3A = arith.constant 0 : i32
    %dma_wait3A_68 = arith.constant 0 : i32
    %dma_wait3A_69 = arith.constant 0 : i32
    %dma_wait3A_70 = tpu.memref_slice %arg4[%add3A, %dma_wait3A, %dma_wait3A_68, %dma_wait3A_69] : memref<32x256x2x40xi32, #tpu.memory_space<hbm>> -> memref<1x1x1x40xi32, #tpu.memory_space<hbm>>
    %dma_wait3A_71 = tpu.memref_squeeze %dma_wait3A_70 : memref<1x1x1x40xi32, #tpu.memory_space<hbm>> -> memref<40xi32, #tpu.memory_space<hbm>>
    %dma_wait3A_72 = arith.constant 0 : i32
    %dma_wait3A_73 = tpu.memref_slice %arg4[%add3A, %dma_wait3A, %dma_wait3A_68, %dma_wait3A_72] : memref<32x256x2x40xi32, #tpu.memory_space<hbm>> -> memref<1x1x1x40xi32, #tpu.memory_space<hbm>>
    %dma_wait3A_74 = tpu.memref_squeeze %dma_wait3A_73 : memref<1x1x1x40xi32, #tpu.memory_space<hbm>> -> memref<40xi32, #tpu.memory_space<hbm>>
    tpu.wait_dma2 semaphore(%arg24 : memref<!tpu.dma_semaphore, #tpu.memory_space<semaphore_mem>>) src(%dma_wait3A_74 : memref<40xi32, #tpu.memory_space<hbm>>) dst(%arg7 : memref<40xi32, #tpu.memory_space<vmem>>)
    %dma_start3A_75 = arith.constant 0 : i32
    %dma_start3A_76 = arith.constant 0 : i32
    %dma_start3A_77 = tpu.memref_slice %arg2[%dma_start3A_75, %dma_start3A_76] : memref<10000x128xf32, #tpu.memory_space<hbm>> -> memref<10000x128xf32, #tpu.memory_space<hbm>>
    tpu.enqueue_indirect_dma source(%dma_start3A_77 : memref<10000x128xf32, #tpu.memory_space<hbm>>) target(%arg15 : memref<40x128xf32, #tpu.memory_space<vmem>>) offsets(%arg7 : memref<40xi32, #tpu.memory_space<vmem>>) semaphore(%arg36 : memref<!tpu.dma_semaphore, #tpu.memory_space<semaphore_mem>>)
    %dma_wait3A_78 = arith.constant 1 : i32
    %dma_wait3A_79 = arith.constant 0 : i32
    %dma_wait3A_80 = arith.constant 0 : i32
    %dma_wait3A_81 = tpu.memref_slice %arg4[%add3A, %dma_wait3A_78, %dma_wait3A_79, %dma_wait3A_80] : memref<32x256x2x40xi32, #tpu.memory_space<hbm>> -> memref<1x1x1x40xi32, #tpu.memory_space<hbm>>
    %dma_wait3A_82 = tpu.memref_squeeze %dma_wait3A_81 : memref<1x1x1x40xi32, #tpu.memory_space<hbm>> -> memref<40xi32, #tpu.memory_space<hbm>>
    %dma_wait3A_83 = arith.constant 0 : i32
    %dma_wait3A_84 = tpu.memref_slice %arg4[%add3A, %dma_wait3A_78, %dma_wait3A_79, %dma_wait3A_83] : memref<32x256x2x40xi32, #tpu.memory_space<hbm>> -> memref<1x1x1x40xi32, #tpu.memory_space<hbm>>
    %dma_wait3A_85 = tpu.memref_squeeze %dma_wait3A_84 : memref<1x1x1x40xi32, #tpu.memory_space<hbm>> -> memref<40xi32, #tpu.memory_space<hbm>>
    tpu.wait_dma2 semaphore(%arg25 : memref<!tpu.dma_semaphore, #tpu.memory_space<semaphore_mem>>) src(%dma_wait3A_85 : memref<40xi32, #tpu.memory_space<hbm>>) dst(%arg8 : memref<40xi32, #tpu.memory_space<vmem>>)
    %dma_start3A_86 = arith.constant 0 : i32
    %dma_start3A_87 = arith.constant 0 : i32
    %dma_start3A_88 = tpu.memref_slice %arg2[%dma_start3A_86, %dma_start3A_87] : memref<10000x128xf32, #tpu.memory_space<hbm>> -> memref<10000x128xf32, #tpu.memory_space<hbm>>
    tpu.enqueue_indirect_dma source(%dma_start3A_88 : memref<10000x128xf32, #tpu.memory_space<hbm>>) target(%arg16 : memref<40x128xf32, #tpu.memory_space<vmem>>) offsets(%arg8 : memref<40xi32, #tpu.memory_space<vmem>>) semaphore(%arg37 : memref<!tpu.dma_semaphore, #tpu.memory_space<semaphore_mem>>)
    %mul3A_89 = arith.constant 632 : i32
    %mul3A_90 = arith.muli %arg1, %mul3A_89 : i32
    "tpu.region"() ({
      %run_scoped3A = tpu.sem_alloc : memref<!tpu.dma_semaphore, #tpu.memory_space<semaphore_mem>>
      %dma_start3A_99 = arith.constant 0 : i32
      %dma_start3A_100 = tpu.memref_slice %arg23[%mul3A_90, %dma_start3A_99] : memref<10112x128xf32, #tpu.memory_space<vmem_shared>> -> memref<632x128xf32, #tpu.memory_space<vmem_shared>>
      %dma_start3A_101 = arith.constant 0 : i32
      %dma_start3A_102 = tpu.memref_slice %arg5[%mul3A_90, %dma_start3A_101] : memref<10112x128xf32, #tpu.memory_space<hbm>> -> memref<632x128xf32, #tpu.memory_space<hbm>>
      tpu.enqueue_dma source(%dma_start3A_102 : memref<632x128xf32, #tpu.memory_space<hbm>>) target(%dma_start3A_100 : memref<632x128xf32, #tpu.memory_space<vmem_shared>>) target_semaphore(%run_scoped3A : memref<!tpu.dma_semaphore, #tpu.memory_space<semaphore_mem>>)
      %dma_wait3A_103 = arith.constant 0 : i32
      %dma_wait3A_104 = tpu.memref_slice %arg23[%mul3A_90, %dma_wait3A_103] : memref<10112x128xf32, #tpu.memory_space<vmem_shared>> -> memref<632x128xf32, #tpu.memory_space<vmem_shared>>
      %dma_wait3A_105 = arith.constant 0 : i32
      %dma_wait3A_106 = tpu.memref_slice %arg5[%mul3A_90, %dma_wait3A_105] : memref<10112x128xf32, #tpu.memory_space<hbm>> -> memref<632x128xf32, #tpu.memory_space<hbm>>
      tpu.wait_dma2 semaphore(%run_scoped3A : memref<!tpu.dma_semaphore, #tpu.memory_space<semaphore_mem>>) src(%dma_wait3A_106 : memref<632x128xf32, #tpu.memory_space<hbm>>) dst(%dma_wait3A_104 : memref<632x128xf32, #tpu.memory_space<vmem_shared>>)
      tpu.yield
    }) : () -> ()
    %barrier3A = arith.constant 0 : index
    tpu.barrier barrier_id(%barrier3A)
    %scan3A = arith.constant 0 : i32
    %scan3A_91 = arith.constant 64 : i32
    %scan3A_92 = arith.addi %scan3A, %scan3A_91 : i32
    %scan3A_93 = arith.constant 1 : i32
    scf.for %scan3A_99 = %scan3A to %scan3A_92 step %scan3A_93  : i32 {
      %mul3A_100 = arith.constant 4 : i32
      %mul3A_101 = arith.muli %scan3A_99, %mul3A_100 : i32
      %add3A_102 = arith.constant 0 : i32
      %add3A_103 = arith.addi %add3A_102, %mul3A_101 : i32
      %add3A_104 = arith.constant 0 : i32
      %add3A_105 = arith.addi %add3A_103, %add3A_104 : i32
      %ge3A = arith.constant 1 : i32
      %ge3A_106 = arith.cmpi sge, %add3A_105, %ge3A : i32
      %convert_element_type3A = arith.extui %ge3A_106 : i1 to i32
      %cond3A = arith.constant 0 : i32
      %cond3A_107 = arith.cmpi ne, %convert_element_type3A, %cond3A : i32
      scf.if %cond3A_107 {
        %dma_wait3A_270 = arith.constant 0 : i32
        %dma_wait3A_271 = arith.constant 0 : i32
        %dma_wait3A_272 = tpu.memref_slice %arg23[%dma_wait3A_270, %dma_wait3A_271] : memref<10112x128xf32, #tpu.memory_space<vmem_shared>> -> memref<10112x128xf32, #tpu.memory_space<vmem_shared>>
        tpu.wait_indirect_dma semaphore(%arg43 : memref<!tpu.dma_semaphore, #tpu.memory_space<semaphore_mem>>) src(%arg18 : memref<40x128xf32, #tpu.memory_space<vmem>>) dst(%dma_wait3A_272 : memref<10112x128xf32, #tpu.memory_space<vmem_shared>>)
      } else {
      }
      %add3A_108 = arith.constant 4 : i32
      %add3A_109 = arith.addi %add3A_105, %add3A_108 : i32
      %sub3A = arith.constant 1 : i32
      %sub3A_110 = arith.subi %add3A_109, %sub3A : i32
      %lt3A = arith.constant 256 : i32
      %lt3A_111 = arith.cmpi slt, %sub3A_110, %lt3A : i32
      %convert_element_type3A_112 = arith.extui %lt3A_111 : i1 to i32
      %cond3A_113 = arith.constant 0 : i32
      %cond3A_114 = arith.cmpi ne, %convert_element_type3A_112, %cond3A_113 : i32
      scf.if %cond3A_114 {
        %add3A_270 = arith.constant 4 : i32
        %add3A_271 = arith.addi %add3A_105, %add3A_270 : i32
        %sub3A_272 = arith.constant 1 : i32
        %sub3A_273 = arith.subi %add3A_271, %sub3A_272 : i32
        %dma_start3A_274 = arith.constant 0 : i32
        %dma_start3A_275 = arith.constant 0 : i32
        %dma_start3A_276 = tpu.memref_slice %arg4[%add3A, %sub3A_273, %dma_start3A_274, %dma_start3A_275] : memref<32x256x2x40xi32, #tpu.memory_space<hbm>> -> memref<1x1x1x40xi32, #tpu.memory_space<hbm>>
        %dma_start3A_277 = tpu.memref_squeeze %dma_start3A_276 : memref<1x1x1x40xi32, #tpu.memory_space<hbm>> -> memref<40xi32, #tpu.memory_space<hbm>>
        %dma_start3A_278 = arith.constant 0 : i32
        %dma_start3A_279 = tpu.memref_slice %arg4[%add3A, %sub3A_273, %dma_start3A_274, %dma_start3A_278] : memref<32x256x2x40xi32, #tpu.memory_space<hbm>> -> memref<1x1x1x40xi32, #tpu.memory_space<hbm>>
        %dma_start3A_280 = tpu.memref_squeeze %dma_start3A_279 : memref<1x1x1x40xi32, #tpu.memory_space<hbm>> -> memref<40xi32, #tpu.memory_space<hbm>>
        tpu.enqueue_dma source(%dma_start3A_280 : memref<40xi32, #tpu.memory_space<hbm>>) target(%arg10 : memref<40xi32, #tpu.memory_space<vmem>>) target_semaphore(%arg27 : memref<!tpu.dma_semaphore, #tpu.memory_space<semaphore_mem>>)
        %dma_start3A_281 = arith.constant 1 : i32
        %dma_start3A_282 = arith.constant 0 : i32
        %dma_start3A_283 = tpu.memref_slice %arg4[%add3A, %sub3A_273, %dma_start3A_281, %dma_start3A_282] : memref<32x256x2x40xi32, #tpu.memory_space<hbm>> -> memref<1x1x1x40xi32, #tpu.memory_space<hbm>>
        %dma_start3A_284 = tpu.memref_squeeze %dma_start3A_283 : memref<1x1x1x40xi32, #tpu.memory_space<hbm>> -> memref<40xi32, #tpu.memory_space<hbm>>
        %dma_start3A_285 = arith.constant 0 : i32
        %dma_start3A_286 = tpu.memref_slice %arg4[%add3A, %sub3A_273, %dma_start3A_281, %dma_start3A_285] : memref<32x256x2x40xi32, #tpu.memory_space<hbm>> -> memref<1x1x1x40xi32, #tpu.memory_space<hbm>>
        %dma_start3A_287 = tpu.memref_squeeze %dma_start3A_286 : memref<1x1x1x40xi32, #tpu.memory_space<hbm>> -> memref<40xi32, #tpu.memory_space<hbm>>
        tpu.enqueue_dma source(%dma_start3A_287 : memref<40xi32, #tpu.memory_space<hbm>>) target(%arg14 : memref<40xi32, #tpu.memory_space<vmem>>) target_semaphore(%arg31 : memref<!tpu.dma_semaphore, #tpu.memory_space<semaphore_mem>>)
        %mul3A_288 = arith.constant 40 : i32
        %mul3A_289 = arith.muli %sub3A_273, %mul3A_288 : i32
        %add3A_290 = arith.addi %mul3A_2, %mul3A_289 : i32
        %dma_start3A_291 = arith.constant 0 : i32
        %dma_start3A_292 = tpu.memref_slice %arg3[%add3A_290, %dma_start3A_291] : memref<327680x128xf32, #tpu.memory_space<hbm>> -> memref<40x128xf32, #tpu.memory_space<hbm>>
        %dma_start3A_293 = arith.constant 0 : i32
        %dma_start3A_294 = tpu.memref_slice %arg3[%add3A_290, %dma_start3A_293] : memref<327680x128xf32, #tpu.memory_space<hbm>> -> memref<40x128xf32, #tpu.memory_space<hbm>>
        tpu.enqueue_dma source(%dma_start3A_294 : memref<40x128xf32, #tpu.memory_space<hbm>>) target(%arg22 : memref<40x128xf32, #tpu.memory_space<vmem>>) target_semaphore(%arg35 : memref<!tpu.dma_semaphore, #tpu.memory_space<semaphore_mem>>)
      } else {
      }
      %add3A_115 = arith.constant 2 : i32
      %add3A_116 = arith.addi %add3A_105, %add3A_115 : i32
      %lt3A_117 = arith.constant 256 : i32
      %lt3A_118 = arith.cmpi slt, %add3A_116, %lt3A_117 : i32
      %convert_element_type3A_119 = arith.extui %lt3A_118 : i1 to i32
      %cond3A_120 = arith.constant 0 : i32
      %cond3A_121 = arith.cmpi ne, %convert_element_type3A_119, %cond3A_120 : i32
      scf.if %cond3A_121 {
        %add3A_270 = arith.constant 2 : i32
        %add3A_271 = arith.addi %add3A_105, %add3A_270 : i32
        %dma_wait3A_272 = arith.constant 0 : i32
        %dma_wait3A_273 = arith.constant 0 : i32
        %dma_wait3A_274 = tpu.memref_slice %arg4[%add3A, %add3A_271, %dma_wait3A_272, %dma_wait3A_273] : memref<32x256x2x40xi32, #tpu.memory_space<hbm>> -> memref<1x1x1x40xi32, #tpu.memory_space<hbm>>
        %dma_wait3A_275 = tpu.memref_squeeze %dma_wait3A_274 : memref<1x1x1x40xi32, #tpu.memory_space<hbm>> -> memref<40xi32, #tpu.memory_space<hbm>>
        %dma_wait3A_276 = arith.constant 0 : i32
        %dma_wait3A_277 = tpu.memref_slice %arg4[%add3A, %add3A_271, %dma_wait3A_272, %dma_wait3A_276] : memref<32x256x2x40xi32, #tpu.memory_space<hbm>> -> memref<1x1x1x40xi32, #tpu.memory_space<hbm>>
        %dma_wait3A_278 = tpu.memref_squeeze %dma_wait3A_277 : memref<1x1x1x40xi32, #tpu.memory_space<hbm>> -> memref<40xi32, #tpu.memory_space<hbm>>
        tpu.wait_dma2 semaphore(%arg26 : memref<!tpu.dma_semaphore, #tpu.memory_space<semaphore_mem>>) src(%dma_wait3A_278 : memref<40xi32, #tpu.memory_space<hbm>>) dst(%arg9 : memref<40xi32, #tpu.memory_space<vmem>>)
        %dma_start3A_279 = arith.constant 0 : i32
        %dma_start3A_280 = arith.constant 0 : i32
        %dma_start3A_281 = tpu.memref_slice %arg2[%dma_start3A_279, %dma_start3A_280] : memref<10000x128xf32, #tpu.memory_space<hbm>> -> memref<10000x128xf32, #tpu.memory_space<hbm>>
        tpu.enqueue_indirect_dma source(%dma_start3A_281 : memref<10000x128xf32, #tpu.memory_space<hbm>>) target(%arg17 : memref<40x128xf32, #tpu.memory_space<vmem>>) offsets(%arg9 : memref<40xi32, #tpu.memory_space<vmem>>) semaphore(%arg38 : memref<!tpu.dma_semaphore, #tpu.memory_space<semaphore_mem>>)
      } else {
      }
      %dma_wait3A_122 = arith.constant 0 : i32
      %dma_wait3A_123 = tpu.memref_slice %arg3[%mul3A_2, %dma_wait3A_122] : memref<327680x128xf32, #tpu.memory_space<hbm>> -> memref<40x128xf32, #tpu.memory_space<hbm>>
      %dma_wait3A_124 = arith.constant 0 : i32
      %dma_wait3A_125 = tpu.memref_slice %arg3[%mul3A_2, %dma_wait3A_124] : memref<327680x128xf32, #tpu.memory_space<hbm>> -> memref<40x128xf32, #tpu.memory_space<hbm>>
      tpu.wait_dma2 semaphore(%arg32 : memref<!tpu.dma_semaphore, #tpu.memory_space<semaphore_mem>>) src(%dma_wait3A_125 : memref<40x128xf32, #tpu.memory_space<hbm>>) dst(%arg19 : memref<40x128xf32, #tpu.memory_space<vmem>>)
      %dma_wait3A_126 = arith.constant 1 : i32
      %dma_wait3A_127 = arith.constant 0 : i32
      %dma_wait3A_128 = tpu.memref_slice %arg4[%add3A, %add3A_105, %dma_wait3A_126, %dma_wait3A_127] : memref<32x256x2x40xi32, #tpu.memory_space<hbm>> -> memref<1x1x1x40xi32, #tpu.memory_space<hbm>>
      %dma_wait3A_129 = tpu.memref_squeeze %dma_wait3A_128 : memref<1x1x1x40xi32, #tpu.memory_space<hbm>> -> memref<40xi32, #tpu.memory_space<hbm>>
      %dma_wait3A_130 = arith.constant 0 : i32
      %dma_wait3A_131 = tpu.memref_slice %arg4[%add3A, %add3A_105, %dma_wait3A_126, %dma_wait3A_130] : memref<32x256x2x40xi32, #tpu.memory_space<hbm>> -> memref<1x1x1x40xi32, #tpu.memory_space<hbm>>
      %dma_wait3A_132 = tpu.memref_squeeze %dma_wait3A_131 : memref<1x1x1x40xi32, #tpu.memory_space<hbm>> -> memref<40xi32, #tpu.memory_space<hbm>>
      tpu.wait_dma2 semaphore(%arg28 : memref<!tpu.dma_semaphore, #tpu.memory_space<semaphore_mem>>) src(%dma_wait3A_132 : memref<40xi32, #tpu.memory_space<hbm>>) dst(%arg11 : memref<40xi32, #tpu.memory_space<vmem>>)
      %dma_wait3A_133 = arith.constant 0 : i32
      %dma_wait3A_134 = arith.constant 0 : i32
      %dma_wait3A_135 = tpu.memref_slice %arg2[%dma_wait3A_133, %dma_wait3A_134] : memref<10000x128xf32, #tpu.memory_space<hbm>> -> memref<10000x128xf32, #tpu.memory_space<hbm>>
      tpu.wait_indirect_dma semaphore(%arg36 : memref<!tpu.dma_semaphore, #tpu.memory_space<semaphore_mem>>) src(%dma_wait3A_135 : memref<10000x128xf32, #tpu.memory_space<hbm>>) dst(%arg15 : memref<40x128xf32, #tpu.memory_space<vmem>>)
      %parallel_loop3A = arith.constant 0 : i32
      %parallel_loop3A_136 = arith.constant 40 : i32
      %parallel_loop3A_137 = arith.constant 1 : i32
      scf.for %parallel_loop3A_270 = %parallel_loop3A to %parallel_loop3A_136 step %parallel_loop3A_137  : i32 {
        %parallel_loop3A_271 = arith.index_cast %parallel_loop3A_270 : i32 to index
        %parallel_loop3A_272 = arith.constant 0 : index
        %parallel_loop3A_273 = tpu.vector_load %arg15[%parallel_loop3A_271, %parallel_loop3A_272] {strides = array<i32>} : memref<40x128xf32, #tpu.memory_space<vmem>>, vector<1x16xf32>,
        %parallel_loop3A_274 = vector.shape_cast %parallel_loop3A_273 : vector<1x16xf32> to vector<16xf32>
        %parallel_loop3A_275 = arith.index_cast %parallel_loop3A_270 : i32 to index
        %parallel_loop3A_276 = arith.constant 0 : index
        %parallel_loop3A_277 = tpu.vector_load %arg19[%parallel_loop3A_275, %parallel_loop3A_276] {strides = array<i32>} : memref<40x128xf32, #tpu.memory_space<vmem>>, vector<1x16xf32>,
        %parallel_loop3A_278 = vector.shape_cast %parallel_loop3A_277 : vector<1x16xf32> to vector<16xf32>
        %parallel_loop3A_279 = arith.addf %parallel_loop3A_274, %parallel_loop3A_278 : vector<16xf32>
        %parallel_loop3A_280 = arith.constant 0.000000e+00 : f32
        %parallel_loop3A_281 = vector.broadcast %parallel_loop3A_280 : f32 to vector<16xf32>
        %parallel_loop3A_282 = arith.maximumf %parallel_loop3A_279, %parallel_loop3A_281 : vector<16xf32>
        %parallel_loop3A_283 = arith.index_cast %parallel_loop3A_270 : i32 to index
        %parallel_loop3A_284 = arith.constant 0 : index
        %parallel_loop3A_285 = tpu.vector_load %arg15[%parallel_loop3A_283, %parallel_loop3A_284] {strides = array<i32>} : memref<40x128xf32, #tpu.memory_space<vmem>>, vector<1x16xf32>,
        %parallel_loop3A_286 = vector.shape_cast %parallel_loop3A_285 : vector<1x16xf32> to vector<16xf32>
        %parallel_loop3A_287 = vector.shape_cast %parallel_loop3A_282 : vector<16xf32> to vector<1x16xf32>
        tpu.vector_store %arg15[%parallel_loop3A_283, %parallel_loop3A_284], %parallel_loop3A_287 {strides = array<i32>} : memref<40x128xf32, #tpu.memory_space<vmem>>, vector<1x16xf32>,
        %parallel_loop3A_288 = arith.index_cast %parallel_loop3A_270 : i32 to index
        %parallel_loop3A_289 = arith.constant 16 : index
        %parallel_loop3A_290 = tpu.vector_load %arg15[%parallel_loop3A_288, %parallel_loop3A_289] {strides = array<i32>} : memref<40x128xf32, #tpu.memory_space<vmem>>, vector<1x16xf32>,
        %parallel_loop3A_291 = vector.shape_cast %parallel_loop3A_290 : vector<1x16xf32> to vector<16xf32>
        %parallel_loop3A_292 = arith.index_cast %parallel_loop3A_270 : i32 to index
        %parallel_loop3A_293 = arith.constant 16 : index
        %parallel_loop3A_294 = tpu.vector_load %arg19[%parallel_loop3A_292, %parallel_loop3A_293] {strides = array<i32>} : memref<40x128xf32, #tpu.memory_space<vmem>>, vector<1x16xf32>,
        %parallel_loop3A_295 = vector.shape_cast %parallel_loop3A_294 : vector<1x16xf32> to vector<16xf32>
        %parallel_loop3A_296 = arith.addf %parallel_loop3A_291, %parallel_loop3A_295 : vector<16xf32>
        %parallel_loop3A_297 = arith.constant 0.000000e+00 : f32
        %parallel_loop3A_298 = vector.broadcast %parallel_loop3A_297 : f32 to vector<16xf32>
        %parallel_loop3A_299 = arith.maximumf %parallel_loop3A_296, %parallel_loop3A_298 : vector<16xf32>
        %parallel_loop3A_300 = arith.index_cast %parallel_loop3A_270 : i32 to index
        %parallel_loop3A_301 = arith.constant 16 : index
        %parallel_loop3A_302 = tpu.vector_load %arg15[%parallel_loop3A_300, %parallel_loop3A_301] {strides = array<i32>} : memref<40x128xf32, #tpu.memory_space<vmem>>, vector<1x16xf32>,
        %parallel_loop3A_303 = vector.shape_cast %parallel_loop3A_302 : vector<1x16xf32> to vector<16xf32>
        %parallel_loop3A_304 = vector.shape_cast %parallel_loop3A_299 : vector<16xf32> to vector<1x16xf32>
        tpu.vector_store %arg15[%parallel_loop3A_300, %parallel_loop3A_301], %parallel_loop3A_304 {strides = array<i32>} : memref<40x128xf32, #tpu.memory_space<vmem>>, vector<1x16xf32>,
        %parallel_loop3A_305 = arith.index_cast %parallel_loop3A_270 : i32 to index
        %parallel_loop3A_306 = arith.constant 32 : index
        %parallel_loop3A_307 = tpu.vector_load %arg15[%parallel_loop3A_305, %parallel_loop3A_306] {strides = array<i32>} : memref<40x128xf32, #tpu.memory_space<vmem>>, vector<1x16xf32>,
        %parallel_loop3A_308 = vector.shape_cast %parallel_loop3A_307 : vector<1x16xf32> to vector<16xf32>
        %parallel_loop3A_309 = arith.index_cast %parallel_loop3A_270 : i32 to index
        %parallel_loop3A_310 = arith.constant 32 : index
        %parallel_loop3A_311 = tpu.vector_load %arg19[%parallel_loop3A_309, %parallel_loop3A_310] {strides = array<i32>} : memref<40x128xf32, #tpu.memory_space<vmem>>, vector<1x16xf32>,
        %parallel_loop3A_312 = vector.shape_cast %parallel_loop3A_311 : vector<1x16xf32> to vector<16xf32>
        %parallel_loop3A_313 = arith.addf %parallel_loop3A_308, %parallel_loop3A_312 : vector<16xf32>
        %parallel_loop3A_314 = arith.constant 0.000000e+00 : f32
        %parallel_loop3A_315 = vector.broadcast %parallel_loop3A_314 : f32 to vector<16xf32>
        %parallel_loop3A_316 = arith.maximumf %parallel_loop3A_313, %parallel_loop3A_315 : vector<16xf32>
        %parallel_loop3A_317 = arith.index_cast %parallel_loop3A_270 : i32 to index
        %parallel_loop3A_318 = arith.constant 32 : index
        %parallel_loop3A_319 = tpu.vector_load %arg15[%parallel_loop3A_317, %parallel_loop3A_318] {strides = array<i32>} : memref<40x128xf32, #tpu.memory_space<vmem>>, vector<1x16xf32>,
        %parallel_loop3A_320 = vector.shape_cast %parallel_loop3A_319 : vector<1x16xf32> to vector<16xf32>
        %parallel_loop3A_321 = vector.shape_cast %parallel_loop3A_316 : vector<16xf32> to vector<1x16xf32>
        tpu.vector_store %arg15[%parallel_loop3A_317, %parallel_loop3A_318], %parallel_loop3A_321 {strides = array<i32>} : memref<40x128xf32, #tpu.memory_space<vmem>>, vector<1x16xf32>,
        %parallel_loop3A_322 = arith.index_cast %parallel_loop3A_270 : i32 to index
        %parallel_loop3A_323 = arith.constant 48 : index
        %parallel_loop3A_324 = tpu.vector_load %arg15[%parallel_loop3A_322, %parallel_loop3A_323] {strides = array<i32>} : memref<40x128xf32, #tpu.memory_space<vmem>>, vector<1x16xf32>,
        %parallel_loop3A_325 = vector.shape_cast %parallel_loop3A_324 : vector<1x16xf32> to vector<16xf32>
        %parallel_loop3A_326 = arith.index_cast %parallel_loop3A_270 : i32 to index
        %parallel_loop3A_327 = arith.constant 48 : index
        %parallel_loop3A_328 = tpu.vector_load %arg19[%parallel_loop3A_326, %parallel_loop3A_327] {strides = array<i32>} : memref<40x128xf32, #tpu.memory_space<vmem>>, vector<1x16xf32>,
        %parallel_loop3A_329 = vector.shape_cast %parallel_loop3A_328 : vector<1x16xf32> to vector<16xf32>
        %parallel_loop3A_330 = arith.addf %parallel_loop3A_325, %parallel_loop3A_329 : vector<16xf32>
        %parallel_loop3A_331 = arith.constant 0.000000e+00 : f32
        %parallel_loop3A_332 = vector.broadcast %parallel_loop3A_331 : f32 to vector<16xf32>
        %parallel_loop3A_333 = arith.maximumf %parallel_loop3A_330, %parallel_loop3A_332 : vector<16xf32>
        %parallel_loop3A_334 = arith.index_cast %parallel_loop3A_270 : i32 to index
        %parallel_loop3A_335 = arith.constant 48 : index
        %parallel_loop3A_336 = tpu.vector_load %arg15[%parallel_loop3A_334, %parallel_loop3A_335] {strides = array<i32>} : memref<40x128xf32, #tpu.memory_space<vmem>>, vector<1x16xf32>,
        %parallel_loop3A_337 = vector.shape_cast %parallel_loop3A_336 : vector<1x16xf32> to vector<16xf32>
        %parallel_loop3A_338 = vector.shape_cast %parallel_loop3A_333 : vector<16xf32> to vector<1x16xf32>
        tpu.vector_store %arg15[%parallel_loop3A_334, %parallel_loop3A_335], %parallel_loop3A_338 {strides = array<i32>} : memref<40x128xf32, #tpu.memory_space<vmem>>, vector<1x16xf32>,
        %parallel_loop3A_339 = arith.index_cast %parallel_loop3A_270 : i32 to index
        %parallel_loop3A_340 = arith.constant 64 : index
        %parallel_loop3A_341 = tpu.vector_load %arg15[%parallel_loop3A_339, %parallel_loop3A_340] {strides = array<i32>} : memref<40x128xf32, #tpu.memory_space<vmem>>, vector<1x16xf32>,
        %parallel_loop3A_342 = vector.shape_cast %parallel_loop3A_341 : vector<1x16xf32> to vector<16xf32>
        %parallel_loop3A_343 = arith.index_cast %parallel_loop3A_270 : i32 to index
        %parallel_loop3A_344 = arith.constant 64 : index
        %parallel_loop3A_345 = tpu.vector_load %arg19[%parallel_loop3A_343, %parallel_loop3A_344] {strides = array<i32>} : memref<40x128xf32, #tpu.memory_space<vmem>>, vector<1x16xf32>,
        %parallel_loop3A_346 = vector.shape_cast %parallel_loop3A_345 : vector<1x16xf32> to vector<16xf32>
        %parallel_loop3A_347 = arith.addf %parallel_loop3A_342, %parallel_loop3A_346 : vector<16xf32>
        %parallel_loop3A_348 = arith.constant 0.000000e+00 : f32
        %parallel_loop3A_349 = vector.broadcast %parallel_loop3A_348 : f32 to vector<16xf32>
        %parallel_loop3A_350 = arith.maximumf %parallel_loop3A_347, %parallel_loop3A_349 : vector<16xf32>
        %parallel_loop3A_351 = arith.index_cast %parallel_loop3A_270 : i32 to index
        %parallel_loop3A_352 = arith.constant 64 : index
        %parallel_loop3A_353 = tpu.vector_load %arg15[%parallel_loop3A_351, %parallel_loop3A_352] {strides = array<i32>} : memref<40x128xf32, #tpu.memory_space<vmem>>, vector<1x16xf32>,
        %parallel_loop3A_354 = vector.shape_cast %parallel_loop3A_353 : vector<1x16xf32> to vector<16xf32>
        %parallel_loop3A_355 = vector.shape_cast %parallel_loop3A_350 : vector<16xf32> to vector<1x16xf32>
        tpu.vector_store %arg15[%parallel_loop3A_351, %parallel_loop3A_352], %parallel_loop3A_355 {strides = array<i32>} : memref<40x128xf32, #tpu.memory_space<vmem>>, vector<1x16xf32>,
        %parallel_loop3A_356 = arith.index_cast %parallel_loop3A_270 : i32 to index
        %parallel_loop3A_357 = arith.constant 80 : index
        %parallel_loop3A_358 = tpu.vector_load %arg15[%parallel_loop3A_356, %parallel_loop3A_357] {strides = array<i32>} : memref<40x128xf32, #tpu.memory_space<vmem>>, vector<1x16xf32>,
        %parallel_loop3A_359 = vector.shape_cast %parallel_loop3A_358 : vector<1x16xf32> to vector<16xf32>
        %parallel_loop3A_360 = arith.index_cast %parallel_loop3A_270 : i32 to index
        %parallel_loop3A_361 = arith.constant 80 : index
        %parallel_loop3A_362 = tpu.vector_load %arg19[%parallel_loop3A_360, %parallel_loop3A_361] {strides = array<i32>} : memref<40x128xf32, #tpu.memory_space<vmem>>, vector<1x16xf32>,
        %parallel_loop3A_363 = vector.shape_cast %parallel_loop3A_362 : vector<1x16xf32> to vector<16xf32>
        %parallel_loop3A_364 = arith.addf %parallel_loop3A_359, %parallel_loop3A_363 : vector<16xf32>
        %parallel_loop3A_365 = arith.constant 0.000000e+00 : f32
        %parallel_loop3A_366 = vector.broadcast %parallel_loop3A_365 : f32 to vector<16xf32>
        %parallel_loop3A_367 = arith.maximumf %parallel_loop3A_364, %parallel_loop3A_366 : vector<16xf32>
        %parallel_loop3A_368 = arith.index_cast %parallel_loop3A_270 : i32 to index
        %parallel_loop3A_369 = arith.constant 80 : index
        %parallel_loop3A_370 = tpu.vector_load %arg15[%parallel_loop3A_368, %parallel_loop3A_369] {strides = array<i32>} : memref<40x128xf32, #tpu.memory_space<vmem>>, vector<1x16xf32>,
        %parallel_loop3A_371 = vector.shape_cast %parallel_loop3A_370 : vector<1x16xf32> to vector<16xf32>
        %parallel_loop3A_372 = vector.shape_cast %parallel_loop3A_367 : vector<16xf32> to vector<1x16xf32>
        tpu.vector_store %arg15[%parallel_loop3A_368, %parallel_loop3A_369], %parallel_loop3A_372 {strides = array<i32>} : memref<40x128xf32, #tpu.memory_space<vmem>>, vector<1x16xf32>,
        %parallel_loop3A_373 = arith.index_cast %parallel_loop3A_270 : i32 to index
        %parallel_loop3A_374 = arith.constant 96 : index
        %parallel_loop3A_375 = tpu.vector_load %arg15[%parallel_loop3A_373, %parallel_loop3A_374] {strides = array<i32>} : memref<40x128xf32, #tpu.memory_space<vmem>>, vector<1x16xf32>,
        %parallel_loop3A_376 = vector.shape_cast %parallel_loop3A_375 : vector<1x16xf32> to vector<16xf32>
        %parallel_loop3A_377 = arith.index_cast %parallel_loop3A_270 : i32 to index
        %parallel_loop3A_378 = arith.constant 96 : index
        %parallel_loop3A_379 = tpu.vector_load %arg19[%parallel_loop3A_377, %parallel_loop3A_378] {strides = array<i32>} : memref<40x128xf32, #tpu.memory_space<vmem>>, vector<1x16xf32>,
        %parallel_loop3A_380 = vector.shape_cast %parallel_loop3A_379 : vector<1x16xf32> to vector<16xf32>
        %parallel_loop3A_381 = arith.addf %parallel_loop3A_376, %parallel_loop3A_380 : vector<16xf32>
        %parallel_loop3A_382 = arith.constant 0.000000e+00 : f32
        %parallel_loop3A_383 = vector.broadcast %parallel_loop3A_382 : f32 to vector<16xf32>
        %parallel_loop3A_384 = arith.maximumf %parallel_loop3A_381, %parallel_loop3A_383 : vector<16xf32>
        %parallel_loop3A_385 = arith.index_cast %parallel_loop3A_270 : i32 to index
        %parallel_loop3A_386 = arith.constant 96 : index
        %parallel_loop3A_387 = tpu.vector_load %arg15[%parallel_loop3A_385, %parallel_loop3A_386] {strides = array<i32>} : memref<40x128xf32, #tpu.memory_space<vmem>>, vector<1x16xf32>,
        %parallel_loop3A_388 = vector.shape_cast %parallel_loop3A_387 : vector<1x16xf32> to vector<16xf32>
        %parallel_loop3A_389 = vector.shape_cast %parallel_loop3A_384 : vector<16xf32> to vector<1x16xf32>
        tpu.vector_store %arg15[%parallel_loop3A_385, %parallel_loop3A_386], %parallel_loop3A_389 {strides = array<i32>} : memref<40x128xf32, #tpu.memory_space<vmem>>, vector<1x16xf32>,
        %parallel_loop3A_390 = arith.index_cast %parallel_loop3A_270 : i32 to index
        %parallel_loop3A_391 = arith.constant 112 : index
        %parallel_loop3A_392 = tpu.vector_load %arg15[%parallel_loop3A_390, %parallel_loop3A_391] {strides = array<i32>} : memref<40x128xf32, #tpu.memory_space<vmem>>, vector<1x16xf32>,
        %parallel_loop3A_393 = vector.shape_cast %parallel_loop3A_392 : vector<1x16xf32> to vector<16xf32>
        %parallel_loop3A_394 = arith.index_cast %parallel_loop3A_270 : i32 to index
        %parallel_loop3A_395 = arith.constant 112 : index
        %parallel_loop3A_396 = tpu.vector_load %arg19[%parallel_loop3A_394, %parallel_loop3A_395] {strides = array<i32>} : memref<40x128xf32, #tpu.memory_space<vmem>>, vector<1x16xf32>,
        %parallel_loop3A_397 = vector.shape_cast %parallel_loop3A_396 : vector<1x16xf32> to vector<16xf32>
        %parallel_loop3A_398 = arith.addf %parallel_loop3A_393, %parallel_loop3A_397 : vector<16xf32>
        %parallel_loop3A_399 = arith.constant 0.000000e+00 : f32
        %parallel_loop3A_400 = vector.broadcast %parallel_loop3A_399 : f32 to vector<16xf32>
        %parallel_loop3A_401 = arith.maximumf %parallel_loop3A_398, %parallel_loop3A_400 : vector<16xf32>
        %parallel_loop3A_402 = arith.index_cast %parallel_loop3A_270 : i32 to index
        %parallel_loop3A_403 = arith.constant 112 : index
        %parallel_loop3A_404 = tpu.vector_load %arg15[%parallel_loop3A_402, %parallel_loop3A_403] {strides = array<i32>} : memref<40x128xf32, #tpu.memory_space<vmem>>, vector<1x16xf32>,
        %parallel_loop3A_405 = vector.shape_cast %parallel_loop3A_404 : vector<1x16xf32> to vector<16xf32>
        %parallel_loop3A_406 = vector.shape_cast %parallel_loop3A_401 : vector<16xf32> to vector<1x16xf32>
        tpu.vector_store %arg15[%parallel_loop3A_402, %parallel_loop3A_403], %parallel_loop3A_406 {strides = array<i32>} : memref<40x128xf32, #tpu.memory_space<vmem>>, vector<1x16xf32>,
      } {sc.loop_unroll_factor = 1 : i64, sc.parallel_access}
      %dma_start3A_138 = arith.constant 0 : i32
      %dma_start3A_139 = arith.constant 0 : i32
      %dma_start3A_140 = tpu.memref_slice %arg23[%dma_start3A_138, %dma_start3A_139] : memref<10112x128xf32, #tpu.memory_space<vmem_shared>> -> memref<10112x128xf32, #tpu.memory_space<vmem_shared>>
      tpu.enqueue_indirect_dma source(%arg15 : memref<40x128xf32, #tpu.memory_space<vmem>>) target(%dma_start3A_140 : memref<10112x128xf32, #tpu.memory_space<vmem_shared>>) offsets(%arg11 : memref<40xi32, #tpu.memory_space<vmem>>) semaphore(%arg40 : memref<!tpu.dma_semaphore, #tpu.memory_space<semaphore_mem>>) {add = true}
      %add3A_141 = arith.constant 1 : i32
      %add3A_142 = arith.addi %add3A_103, %add3A_141 : i32
      %ge3A_143 = arith.constant 1 : i32
      %ge3A_144 = arith.cmpi sge, %add3A_142, %ge3A_143 : i32
      %convert_element_type3A_145 = arith.extui %ge3A_144 : i1 to i32
      %cond3A_146 = arith.constant 0 : i32
      %cond3A_147 = arith.cmpi ne, %convert_element_type3A_145, %cond3A_146 : i32
      scf.if %cond3A_147 {
        %dma_wait3A_270 = arith.constant 0 : i32
        %dma_wait3A_271 = arith.constant 0 : i32
        %dma_wait3A_272 = tpu.memref_slice %arg23[%dma_wait3A_270, %dma_wait3A_271] : memref<10112x128xf32, #tpu.memory_space<vmem_shared>> -> memref<10112x128xf32, #tpu.memory_space<vmem_shared>>
        tpu.wait_indirect_dma semaphore(%arg40 : memref<!tpu.dma_semaphore, #tpu.memory_space<semaphore_mem>>) src(%arg15 : memref<40x128xf32, #tpu.memory_space<vmem>>) dst(%dma_wait3A_272 : memref<10112x128xf32, #tpu.memory_space<vmem_shared>>)
      } else {
      }
      %add3A_148 = arith.constant 4 : i32
      %add3A_149 = arith.addi %add3A_142, %add3A_148 : i32
      %sub3A_150 = arith.constant 1 : i32
      %sub3A_151 = arith.subi %add3A_149, %sub3A_150 : i32
      %lt3A_152 = arith.constant 256 : i32
      %lt3A_153 = arith.cmpi slt, %sub3A_151, %lt3A_152 : i32
      %convert_element_type3A_154 = arith.extui %lt3A_153 : i1 to i32
      %cond3A_155 = arith.constant 0 : i32
      %cond3A_156 = arith.cmpi ne, %convert_element_type3A_154, %cond3A_155 : i32
      scf.if %cond3A_156 {
        %add3A_270 = arith.constant 4 : i32
        %add3A_271 = arith.addi %add3A_142, %add3A_270 : i32
        %sub3A_272 = arith.constant 1 : i32
        %sub3A_273 = arith.subi %add3A_271, %sub3A_272 : i32
        %dma_start3A_274 = arith.constant 0 : i32
        %dma_start3A_275 = arith.constant 0 : i32
        %dma_start3A_276 = tpu.memref_slice %arg4[%add3A, %sub3A_273, %dma_start3A_274, %dma_start3A_275] : memref<32x256x2x40xi32, #tpu.memory_space<hbm>> -> memref<1x1x1x40xi32, #tpu.memory_space<hbm>>
        %dma_start3A_277 = tpu.memref_squeeze %dma_start3A_276 : memref<1x1x1x40xi32, #tpu.memory_space<hbm>> -> memref<40xi32, #tpu.memory_space<hbm>>
        %dma_start3A_278 = arith.constant 0 : i32
        %dma_start3A_279 = tpu.memref_slice %arg4[%add3A, %sub3A_273, %dma_start3A_274, %dma_start3A_278] : memref<32x256x2x40xi32, #tpu.memory_space<hbm>> -> memref<1x1x1x40xi32, #tpu.memory_space<hbm>>
        %dma_start3A_280 = tpu.memref_squeeze %dma_start3A_279 : memref<1x1x1x40xi32, #tpu.memory_space<hbm>> -> memref<40xi32, #tpu.memory_space<hbm>>
        tpu.enqueue_dma source(%dma_start3A_280 : memref<40xi32, #tpu.memory_space<hbm>>) target(%arg7 : memref<40xi32, #tpu.memory_space<vmem>>) target_semaphore(%arg24 : memref<!tpu.dma_semaphore, #tpu.memory_space<semaphore_mem>>)
        %dma_start3A_281 = arith.constant 1 : i32
        %dma_start3A_282 = arith.constant 0 : i32
        %dma_start3A_283 = tpu.memref_slice %arg4[%add3A, %sub3A_273, %dma_start3A_281, %dma_start3A_282] : memref<32x256x2x40xi32, #tpu.memory_space<hbm>> -> memref<1x1x1x40xi32, #tpu.memory_space<hbm>>
        %dma_start3A_284 = tpu.memref_squeeze %dma_start3A_283 : memref<1x1x1x40xi32, #tpu.memory_space<hbm>> -> memref<40xi32, #tpu.memory_space<hbm>>
        %dma_start3A_285 = arith.constant 0 : i32
        %dma_start3A_286 = tpu.memref_slice %arg4[%add3A, %sub3A_273, %dma_start3A_281, %dma_start3A_285] : memref<32x256x2x40xi32, #tpu.memory_space<hbm>> -> memref<1x1x1x40xi32, #tpu.memory_space<hbm>>
        %dma_start3A_287 = tpu.memref_squeeze %dma_start3A_286 : memref<1x1x1x40xi32, #tpu.memory_space<hbm>> -> memref<40xi32, #tpu.memory_space<hbm>>
        tpu.enqueue_dma source(%dma_start3A_287 : memref<40xi32, #tpu.memory_space<hbm>>) target(%arg11 : memref<40xi32, #tpu.memory_space<vmem>>) target_semaphore(%arg28 : memref<!tpu.dma_semaphore, #tpu.memory_space<semaphore_mem>>)
        %mul3A_288 = arith.constant 40 : i32
        %mul3A_289 = arith.muli %sub3A_273, %mul3A_288 : i32
        %add3A_290 = arith.addi %mul3A_2, %mul3A_289 : i32
        %dma_start3A_291 = arith.constant 0 : i32
        %dma_start3A_292 = tpu.memref_slice %arg3[%add3A_290, %dma_start3A_291] : memref<327680x128xf32, #tpu.memory_space<hbm>> -> memref<40x128xf32, #tpu.memory_space<hbm>>
        %dma_start3A_293 = arith.constant 0 : i32
        %dma_start3A_294 = tpu.memref_slice %arg3[%add3A_290, %dma_start3A_293] : memref<327680x128xf32, #tpu.memory_space<hbm>> -> memref<40x128xf32, #tpu.memory_space<hbm>>
        tpu.enqueue_dma source(%dma_start3A_294 : memref<40x128xf32, #tpu.memory_space<hbm>>) target(%arg19 : memref<40x128xf32, #tpu.memory_space<vmem>>) target_semaphore(%arg32 : memref<!tpu.dma_semaphore, #tpu.memory_space<semaphore_mem>>)
      } else {
      }
      %add3A_157 = arith.constant 2 : i32
      %add3A_158 = arith.addi %add3A_142, %add3A_157 : i32
      %lt3A_159 = arith.constant 256 : i32
      %lt3A_160 = arith.cmpi slt, %add3A_158, %lt3A_159 : i32
      %convert_element_type3A_161 = arith.extui %lt3A_160 : i1 to i32
      %cond3A_162 = arith.constant 0 : i32
      %cond3A_163 = arith.cmpi ne, %convert_element_type3A_161, %cond3A_162 : i32
      scf.if %cond3A_163 {
        %add3A_270 = arith.constant 2 : i32
        %add3A_271 = arith.addi %add3A_142, %add3A_270 : i32
        %dma_wait3A_272 = arith.constant 0 : i32
        %dma_wait3A_273 = arith.constant 0 : i32
        %dma_wait3A_274 = tpu.memref_slice %arg4[%add3A, %add3A_271, %dma_wait3A_272, %dma_wait3A_273] : memref<32x256x2x40xi32, #tpu.memory_space<hbm>> -> memref<1x1x1x40xi32, #tpu.memory_space<hbm>>
        %dma_wait3A_275 = tpu.memref_squeeze %dma_wait3A_274 : memref<1x1x1x40xi32, #tpu.memory_space<hbm>> -> memref<40xi32, #tpu.memory_space<hbm>>
        %dma_wait3A_276 = arith.constant 0 : i32
        %dma_wait3A_277 = tpu.memref_slice %arg4[%add3A, %add3A_271, %dma_wait3A_272, %dma_wait3A_276] : memref<32x256x2x40xi32, #tpu.memory_space<hbm>> -> memref<1x1x1x40xi32, #tpu.memory_space<hbm>>
        %dma_wait3A_278 = tpu.memref_squeeze %dma_wait3A_277 : memref<1x1x1x40xi32, #tpu.memory_space<hbm>> -> memref<40xi32, #tpu.memory_space<hbm>>
        tpu.wait_dma2 semaphore(%arg27 : memref<!tpu.dma_semaphore, #tpu.memory_space<semaphore_mem>>) src(%dma_wait3A_278 : memref<40xi32, #tpu.memory_space<hbm>>) dst(%arg10 : memref<40xi32, #tpu.memory_space<vmem>>)
        %dma_start3A_279 = arith.constant 0 : i32
        %dma_start3A_280 = arith.constant 0 : i32
        %dma_start3A_281 = tpu.memref_slice %arg2[%dma_start3A_279, %dma_start3A_280] : memref<10000x128xf32, #tpu.memory_space<hbm>> -> memref<10000x128xf32, #tpu.memory_space<hbm>>
        tpu.enqueue_indirect_dma source(%dma_start3A_281 : memref<10000x128xf32, #tpu.memory_space<hbm>>) target(%arg18 : memref<40x128xf32, #tpu.memory_space<vmem>>) offsets(%arg10 : memref<40xi32, #tpu.memory_space<vmem>>) semaphore(%arg39 : memref<!tpu.dma_semaphore, #tpu.memory_space<semaphore_mem>>)
      } else {
      }
      %dma_wait3A_164 = arith.constant 0 : i32
      %dma_wait3A_165 = tpu.memref_slice %arg3[%mul3A_2, %dma_wait3A_164] : memref<327680x128xf32, #tpu.memory_space<hbm>> -> memref<40x128xf32, #tpu.memory_space<hbm>>
      %dma_wait3A_166 = arith.constant 0 : i32
      %dma_wait3A_167 = tpu.memref_slice %arg3[%mul3A_2, %dma_wait3A_166] : memref<327680x128xf32, #tpu.memory_space<hbm>> -> memref<40x128xf32, #tpu.memory_space<hbm>>
      tpu.wait_dma2 semaphore(%arg33 : memref<!tpu.dma_semaphore, #tpu.memory_space<semaphore_mem>>) src(%dma_wait3A_167 : memref<40x128xf32, #tpu.memory_space<hbm>>) dst(%arg20 : memref<40x128xf32, #tpu.memory_space<vmem>>)
      %dma_wait3A_168 = arith.constant 1 : i32
      %dma_wait3A_169 = arith.constant 0 : i32
      %dma_wait3A_170 = tpu.memref_slice %arg4[%add3A, %add3A_142, %dma_wait3A_168, %dma_wait3A_169] : memref<32x256x2x40xi32, #tpu.memory_space<hbm>> -> memref<1x1x1x40xi32, #tpu.memory_space<hbm>>
      %dma_wait3A_171 = tpu.memref_squeeze %dma_wait3A_170 : memref<1x1x1x40xi32, #tpu.memory_space<hbm>> -> memref<40xi32, #tpu.memory_space<hbm>>
      %dma_wait3A_172 = arith.constant 0 : i32
      %dma_wait3A_173 = tpu.memref_slice %arg4[%add3A, %add3A_142, %dma_wait3A_168, %dma_wait3A_172] : memref<32x256x2x40xi32, #tpu.memory_space<hbm>> -> memref<1x1x1x40xi32, #tpu.memory_space<hbm>>
      %dma_wait3A_174 = tpu.memref_squeeze %dma_wait3A_173 : memref<1x1x1x40xi32, #tpu.memory_space<hbm>> -> memref<40xi32, #tpu.memory_space<hbm>>
      tpu.wait_dma2 semaphore(%arg29 : memref<!tpu.dma_semaphore, #tpu.memory_space<semaphore_mem>>) src(%dma_wait3A_174 : memref<40xi32, #tpu.memory_space<hbm>>) dst(%arg12 : memref<40xi32, #tpu.memory_space<vmem>>)
      %dma_wait3A_175 = arith.constant 0 : i32
      %dma_wait3A_176 = arith.constant 0 : i32
      %dma_wait3A_177 = tpu.memref_slice %arg2[%dma_wait3A_175, %dma_wait3A_176] : memref<10000x128xf32, #tpu.memory_space<hbm>> -> memref<10000x128xf32, #tpu.memory_space<hbm>>
      tpu.wait_indirect_dma semaphore(%arg37 : memref<!tpu.dma_semaphore, #tpu.memory_space<semaphore_mem>>) src(%dma_wait3A_177 : memref<10000x128xf32, #tpu.memory_space<hbm>>) dst(%arg16 : memref<40x128xf32, #tpu.memory_space<vmem>>)
      %parallel_loop3A_178 = arith.constant 0 : i32
      %parallel_loop3A_179 = arith.constant 40 : i32
      %parallel_loop3A_180 = arith.constant 1 : i32
      scf.for %parallel_loop3A_270 = %parallel_loop3A_178 to %parallel_loop3A_179 step %parallel_loop3A_180  : i32 {
        %parallel_loop3A_271 = arith.index_cast %parallel_loop3A_270 : i32 to index
        %parallel_loop3A_272 = arith.constant 0 : index
        %parallel_loop3A_273 = tpu.vector_load %arg16[%parallel_loop3A_271, %parallel_loop3A_272] {strides = array<i32>} : memref<40x128xf32, #tpu.memory_space<vmem>>, vector<1x16xf32>,
        %parallel_loop3A_274 = vector.shape_cast %parallel_loop3A_273 : vector<1x16xf32> to vector<16xf32>
        %parallel_loop3A_275 = arith.index_cast %parallel_loop3A_270 : i32 to index
        %parallel_loop3A_276 = arith.constant 0 : index
        %parallel_loop3A_277 = tpu.vector_load %arg20[%parallel_loop3A_275, %parallel_loop3A_276] {strides = array<i32>} : memref<40x128xf32, #tpu.memory_space<vmem>>, vector<1x16xf32>,
        %parallel_loop3A_278 = vector.shape_cast %parallel_loop3A_277 : vector<1x16xf32> to vector<16xf32>
        %parallel_loop3A_279 = arith.addf %parallel_loop3A_274, %parallel_loop3A_278 : vector<16xf32>
        %parallel_loop3A_280 = arith.constant 0.000000e+00 : f32
        %parallel_loop3A_281 = vector.broadcast %parallel_loop3A_280 : f32 to vector<16xf32>
        %parallel_loop3A_282 = arith.maximumf %parallel_loop3A_279, %parallel_loop3A_281 : vector<16xf32>
        %parallel_loop3A_283 = arith.index_cast %parallel_loop3A_270 : i32 to index
        %parallel_loop3A_284 = arith.constant 0 : index
        %parallel_loop3A_285 = tpu.vector_load %arg16[%parallel_loop3A_283, %parallel_loop3A_284] {strides = array<i32>} : memref<40x128xf32, #tpu.memory_space<vmem>>, vector<1x16xf32>,
        %parallel_loop3A_286 = vector.shape_cast %parallel_loop3A_285 : vector<1x16xf32> to vector<16xf32>
        %parallel_loop3A_287 = vector.shape_cast %parallel_loop3A_282 : vector<16xf32> to vector<1x16xf32>
        tpu.vector_store %arg16[%parallel_loop3A_283, %parallel_loop3A_284], %parallel_loop3A_287 {strides = array<i32>} : memref<40x128xf32, #tpu.memory_space<vmem>>, vector<1x16xf32>,
        %parallel_loop3A_288 = arith.index_cast %parallel_loop3A_270 : i32 to index
        %parallel_loop3A_289 = arith.constant 16 : index
        %parallel_loop3A_290 = tpu.vector_load %arg16[%parallel_loop3A_288, %parallel_loop3A_289] {strides = array<i32>} : memref<40x128xf32, #tpu.memory_space<vmem>>, vector<1x16xf32>,
        %parallel_loop3A_291 = vector.shape_cast %parallel_loop3A_290 : vector<1x16xf32> to vector<16xf32>
        %parallel_loop3A_292 = arith.index_cast %parallel_loop3A_270 : i32 to index
        %parallel_loop3A_293 = arith.constant 16 : index
        %parallel_loop3A_294 = tpu.vector_load %arg20[%parallel_loop3A_292, %parallel_loop3A_293] {strides = array<i32>} : memref<40x128xf32, #tpu.memory_space<vmem>>, vector<1x16xf32>,
        %parallel_loop3A_295 = vector.shape_cast %parallel_loop3A_294 : vector<1x16xf32> to vector<16xf32>
        %parallel_loop3A_296 = arith.addf %parallel_loop3A_291, %parallel_loop3A_295 : vector<16xf32>
        %parallel_loop3A_297 = arith.constant 0.000000e+00 : f32
        %parallel_loop3A_298 = vector.broadcast %parallel_loop3A_297 : f32 to vector<16xf32>
        %parallel_loop3A_299 = arith.maximumf %parallel_loop3A_296, %parallel_loop3A_298 : vector<16xf32>
        %parallel_loop3A_300 = arith.index_cast %parallel_loop3A_270 : i32 to index
        %parallel_loop3A_301 = arith.constant 16 : index
        %parallel_loop3A_302 = tpu.vector_load %arg16[%parallel_loop3A_300, %parallel_loop3A_301] {strides = array<i32>} : memref<40x128xf32, #tpu.memory_space<vmem>>, vector<1x16xf32>,
        %parallel_loop3A_303 = vector.shape_cast %parallel_loop3A_302 : vector<1x16xf32> to vector<16xf32>
        %parallel_loop3A_304 = vector.shape_cast %parallel_loop3A_299 : vector<16xf32> to vector<1x16xf32>
        tpu.vector_store %arg16[%parallel_loop3A_300, %parallel_loop3A_301], %parallel_loop3A_304 {strides = array<i32>} : memref<40x128xf32, #tpu.memory_space<vmem>>, vector<1x16xf32>,
        %parallel_loop3A_305 = arith.index_cast %parallel_loop3A_270 : i32 to index
        %parallel_loop3A_306 = arith.constant 32 : index
        %parallel_loop3A_307 = tpu.vector_load %arg16[%parallel_loop3A_305, %parallel_loop3A_306] {strides = array<i32>} : memref<40x128xf32, #tpu.memory_space<vmem>>, vector<1x16xf32>,
        %parallel_loop3A_308 = vector.shape_cast %parallel_loop3A_307 : vector<1x16xf32> to vector<16xf32>
        %parallel_loop3A_309 = arith.index_cast %parallel_loop3A_270 : i32 to index
        %parallel_loop3A_310 = arith.constant 32 : index
        %parallel_loop3A_311 = tpu.vector_load %arg20[%parallel_loop3A_309, %parallel_loop3A_310] {strides = array<i32>} : memref<40x128xf32, #tpu.memory_space<vmem>>, vector<1x16xf32>,
        %parallel_loop3A_312 = vector.shape_cast %parallel_loop3A_311 : vector<1x16xf32> to vector<16xf32>
        %parallel_loop3A_313 = arith.addf %parallel_loop3A_308, %parallel_loop3A_312 : vector<16xf32>
        %parallel_loop3A_314 = arith.constant 0.000000e+00 : f32
        %parallel_loop3A_315 = vector.broadcast %parallel_loop3A_314 : f32 to vector<16xf32>
        %parallel_loop3A_316 = arith.maximumf %parallel_loop3A_313, %parallel_loop3A_315 : vector<16xf32>
        %parallel_loop3A_317 = arith.index_cast %parallel_loop3A_270 : i32 to index
        %parallel_loop3A_318 = arith.constant 32 : index
        %parallel_loop3A_319 = tpu.vector_load %arg16[%parallel_loop3A_317, %parallel_loop3A_318] {strides = array<i32>} : memref<40x128xf32, #tpu.memory_space<vmem>>, vector<1x16xf32>,
        %parallel_loop3A_320 = vector.shape_cast %parallel_loop3A_319 : vector<1x16xf32> to vector<16xf32>
        %parallel_loop3A_321 = vector.shape_cast %parallel_loop3A_316 : vector<16xf32> to vector<1x16xf32>
        tpu.vector_store %arg16[%parallel_loop3A_317, %parallel_loop3A_318], %parallel_loop3A_321 {strides = array<i32>} : memref<40x128xf32, #tpu.memory_space<vmem>>, vector<1x16xf32>,
        %parallel_loop3A_322 = arith.index_cast %parallel_loop3A_270 : i32 to index
        %parallel_loop3A_323 = arith.constant 48 : index
        %parallel_loop3A_324 = tpu.vector_load %arg16[%parallel_loop3A_322, %parallel_loop3A_323] {strides = array<i32>} : memref<40x128xf32, #tpu.memory_space<vmem>>, vector<1x16xf32>,
        %parallel_loop3A_325 = vector.shape_cast %parallel_loop3A_324 : vector<1x16xf32> to vector<16xf32>
        %parallel_loop3A_326 = arith.index_cast %parallel_loop3A_270 : i32 to index
        %parallel_loop3A_327 = arith.constant 48 : index
        %parallel_loop3A_328 = tpu.vector_load %arg20[%parallel_loop3A_326, %parallel_loop3A_327] {strides = array<i32>} : memref<40x128xf32, #tpu.memory_space<vmem>>, vector<1x16xf32>,
        %parallel_loop3A_329 = vector.shape_cast %parallel_loop3A_328 : vector<1x16xf32> to vector<16xf32>
        %parallel_loop3A_330 = arith.addf %parallel_loop3A_325, %parallel_loop3A_329 : vector<16xf32>
        %parallel_loop3A_331 = arith.constant 0.000000e+00 : f32
        %parallel_loop3A_332 = vector.broadcast %parallel_loop3A_331 : f32 to vector<16xf32>
        %parallel_loop3A_333 = arith.maximumf %parallel_loop3A_330, %parallel_loop3A_332 : vector<16xf32>
        %parallel_loop3A_334 = arith.index_cast %parallel_loop3A_270 : i32 to index
        %parallel_loop3A_335 = arith.constant 48 : index
        %parallel_loop3A_336 = tpu.vector_load %arg16[%parallel_loop3A_334, %parallel_loop3A_335] {strides = array<i32>} : memref<40x128xf32, #tpu.memory_space<vmem>>, vector<1x16xf32>,
        %parallel_loop3A_337 = vector.shape_cast %parallel_loop3A_336 : vector<1x16xf32> to vector<16xf32>
        %parallel_loop3A_338 = vector.shape_cast %parallel_loop3A_333 : vector<16xf32> to vector<1x16xf32>
        tpu.vector_store %arg16[%parallel_loop3A_334, %parallel_loop3A_335], %parallel_loop3A_338 {strides = array<i32>} : memref<40x128xf32, #tpu.memory_space<vmem>>, vector<1x16xf32>,
        %parallel_loop3A_339 = arith.index_cast %parallel_loop3A_270 : i32 to index
        %parallel_loop3A_340 = arith.constant 64 : index
        %parallel_loop3A_341 = tpu.vector_load %arg16[%parallel_loop3A_339, %parallel_loop3A_340] {strides = array<i32>} : memref<40x128xf32, #tpu.memory_space<vmem>>, vector<1x16xf32>,
        %parallel_loop3A_342 = vector.shape_cast %parallel_loop3A_341 : vector<1x16xf32> to vector<16xf32>
        %parallel_loop3A_343 = arith.index_cast %parallel_loop3A_270 : i32 to index
        %parallel_loop3A_344 = arith.constant 64 : index
        %parallel_loop3A_345 = tpu.vector_load %arg20[%parallel_loop3A_343, %parallel_loop3A_344] {strides = array<i32>} : memref<40x128xf32, #tpu.memory_space<vmem>>, vector<1x16xf32>,
        %parallel_loop3A_346 = vector.shape_cast %parallel_loop3A_345 : vector<1x16xf32> to vector<16xf32>
        %parallel_loop3A_347 = arith.addf %parallel_loop3A_342, %parallel_loop3A_346 : vector<16xf32>
        %parallel_loop3A_348 = arith.constant 0.000000e+00 : f32
        %parallel_loop3A_349 = vector.broadcast %parallel_loop3A_348 : f32 to vector<16xf32>
        %parallel_loop3A_350 = arith.maximumf %parallel_loop3A_347, %parallel_loop3A_349 : vector<16xf32>
        %parallel_loop3A_351 = arith.index_cast %parallel_loop3A_270 : i32 to index
        %parallel_loop3A_352 = arith.constant 64 : index
        %parallel_loop3A_353 = tpu.vector_load %arg16[%parallel_loop3A_351, %parallel_loop3A_352] {strides = array<i32>} : memref<40x128xf32, #tpu.memory_space<vmem>>, vector<1x16xf32>,
        %parallel_loop3A_354 = vector.shape_cast %parallel_loop3A_353 : vector<1x16xf32> to vector<16xf32>
        %parallel_loop3A_355 = vector.shape_cast %parallel_loop3A_350 : vector<16xf32> to vector<1x16xf32>
        tpu.vector_store %arg16[%parallel_loop3A_351, %parallel_loop3A_352], %parallel_loop3A_355 {strides = array<i32>} : memref<40x128xf32, #tpu.memory_space<vmem>>, vector<1x16xf32>,
        %parallel_loop3A_356 = arith.index_cast %parallel_loop3A_270 : i32 to index
        %parallel_loop3A_357 = arith.constant 80 : index
        %parallel_loop3A_358 = tpu.vector_load %arg16[%parallel_loop3A_356, %parallel_loop3A_357] {strides = array<i32>} : memref<40x128xf32, #tpu.memory_space<vmem>>, vector<1x16xf32>,
        %parallel_loop3A_359 = vector.shape_cast %parallel_loop3A_358 : vector<1x16xf32> to vector<16xf32>
        %parallel_loop3A_360 = arith.index_cast %parallel_loop3A_270 : i32 to index
        %parallel_loop3A_361 = arith.constant 80 : index
        %parallel_loop3A_362 = tpu.vector_load %arg20[%parallel_loop3A_360, %parallel_loop3A_361] {strides = array<i32>} : memref<40x128xf32, #tpu.memory_space<vmem>>, vector<1x16xf32>,
        %parallel_loop3A_363 = vector.shape_cast %parallel_loop3A_362 : vector<1x16xf32> to vector<16xf32>
        %parallel_loop3A_364 = arith.addf %parallel_loop3A_359, %parallel_loop3A_363 : vector<16xf32>
        %parallel_loop3A_365 = arith.constant 0.000000e+00 : f32
        %parallel_loop3A_366 = vector.broadcast %parallel_loop3A_365 : f32 to vector<16xf32>
        %parallel_loop3A_367 = arith.maximumf %parallel_loop3A_364, %parallel_loop3A_366 : vector<16xf32>
        %parallel_loop3A_368 = arith.index_cast %parallel_loop3A_270 : i32 to index
        %parallel_loop3A_369 = arith.constant 80 : index
        %parallel_loop3A_370 = tpu.vector_load %arg16[%parallel_loop3A_368, %parallel_loop3A_369] {strides = array<i32>} : memref<40x128xf32, #tpu.memory_space<vmem>>, vector<1x16xf32>,
        %parallel_loop3A_371 = vector.shape_cast %parallel_loop3A_370 : vector<1x16xf32> to vector<16xf32>
        %parallel_loop3A_372 = vector.shape_cast %parallel_loop3A_367 : vector<16xf32> to vector<1x16xf32>
        tpu.vector_store %arg16[%parallel_loop3A_368, %parallel_loop3A_369], %parallel_loop3A_372 {strides = array<i32>} : memref<40x128xf32, #tpu.memory_space<vmem>>, vector<1x16xf32>,
        %parallel_loop3A_373 = arith.index_cast %parallel_loop3A_270 : i32 to index
        %parallel_loop3A_374 = arith.constant 96 : index
        %parallel_loop3A_375 = tpu.vector_load %arg16[%parallel_loop3A_373, %parallel_loop3A_374] {strides = array<i32>} : memref<40x128xf32, #tpu.memory_space<vmem>>, vector<1x16xf32>,
        %parallel_loop3A_376 = vector.shape_cast %parallel_loop3A_375 : vector<1x16xf32> to vector<16xf32>
        %parallel_loop3A_377 = arith.index_cast %parallel_loop3A_270 : i32 to index
        %parallel_loop3A_378 = arith.constant 96 : index
        %parallel_loop3A_379 = tpu.vector_load %arg20[%parallel_loop3A_377, %parallel_loop3A_378] {strides = array<i32>} : memref<40x128xf32, #tpu.memory_space<vmem>>, vector<1x16xf32>,
        %parallel_loop3A_380 = vector.shape_cast %parallel_loop3A_379 : vector<1x16xf32> to vector<16xf32>
        %parallel_loop3A_381 = arith.addf %parallel_loop3A_376, %parallel_loop3A_380 : vector<16xf32>
        %parallel_loop3A_382 = arith.constant 0.000000e+00 : f32
        %parallel_loop3A_383 = vector.broadcast %parallel_loop3A_382 : f32 to vector<16xf32>
        %parallel_loop3A_384 = arith.maximumf %parallel_loop3A_381, %parallel_loop3A_383 : vector<16xf32>
        %parallel_loop3A_385 = arith.index_cast %parallel_loop3A_270 : i32 to index
        %parallel_loop3A_386 = arith.constant 96 : index
        %parallel_loop3A_387 = tpu.vector_load %arg16[%parallel_loop3A_385, %parallel_loop3A_386] {strides = array<i32>} : memref<40x128xf32, #tpu.memory_space<vmem>>, vector<1x16xf32>,
        %parallel_loop3A_388 = vector.shape_cast %parallel_loop3A_387 : vector<1x16xf32> to vector<16xf32>
        %parallel_loop3A_389 = vector.shape_cast %parallel_loop3A_384 : vector<16xf32> to vector<1x16xf32>
        tpu.vector_store %arg16[%parallel_loop3A_385, %parallel_loop3A_386], %parallel_loop3A_389 {strides = array<i32>} : memref<40x128xf32, #tpu.memory_space<vmem>>, vector<1x16xf32>,
        %parallel_loop3A_390 = arith.index_cast %parallel_loop3A_270 : i32 to index
        %parallel_loop3A_391 = arith.constant 112 : index
        %parallel_loop3A_392 = tpu.vector_load %arg16[%parallel_loop3A_390, %parallel_loop3A_391] {strides = array<i32>} : memref<40x128xf32, #tpu.memory_space<vmem>>, vector<1x16xf32>,
        %parallel_loop3A_393 = vector.shape_cast %parallel_loop3A_392 : vector<1x16xf32> to vector<16xf32>
        %parallel_loop3A_394 = arith.index_cast %parallel_loop3A_270 : i32 to index
        %parallel_loop3A_395 = arith.constant 112 : index
        %parallel_loop3A_396 = tpu.vector_load %arg20[%parallel_loop3A_394, %parallel_loop3A_395] {strides = array<i32>} : memref<40x128xf32, #tpu.memory_space<vmem>>, vector<1x16xf32>,
        %parallel_loop3A_397 = vector.shape_cast %parallel_loop3A_396 : vector<1x16xf32> to vector<16xf32>
        %parallel_loop3A_398 = arith.addf %parallel_loop3A_393, %parallel_loop3A_397 : vector<16xf32>
        %parallel_loop3A_399 = arith.constant 0.000000e+00 : f32
        %parallel_loop3A_400 = vector.broadcast %parallel_loop3A_399 : f32 to vector<16xf32>
        %parallel_loop3A_401 = arith.maximumf %parallel_loop3A_398, %parallel_loop3A_400 : vector<16xf32>
        %parallel_loop3A_402 = arith.index_cast %parallel_loop3A_270 : i32 to index
        %parallel_loop3A_403 = arith.constant 112 : index
        %parallel_loop3A_404 = tpu.vector_load %arg16[%parallel_loop3A_402, %parallel_loop3A_403] {strides = array<i32>} : memref<40x128xf32, #tpu.memory_space<vmem>>, vector<1x16xf32>,
        %parallel_loop3A_405 = vector.shape_cast %parallel_loop3A_404 : vector<1x16xf32> to vector<16xf32>
        %parallel_loop3A_406 = vector.shape_cast %parallel_loop3A_401 : vector<16xf32> to vector<1x16xf32>
        tpu.vector_store %arg16[%parallel_loop3A_402, %parallel_loop3A_403], %parallel_loop3A_406 {strides = array<i32>} : memref<40x128xf32, #tpu.memory_space<vmem>>, vector<1x16xf32>,
      } {sc.loop_unroll_factor = 1 : i64, sc.parallel_access}
      %dma_start3A_181 = arith.constant 0 : i32
      %dma_start3A_182 = arith.constant 0 : i32
      %dma_start3A_183 = tpu.memref_slice %arg23[%dma_start3A_181, %dma_start3A_182] : memref<10112x128xf32, #tpu.memory_space<vmem_shared>> -> memref<10112x128xf32, #tpu.memory_space<vmem_shared>>
      tpu.enqueue_indirect_dma source(%arg16 : memref<40x128xf32, #tpu.memory_space<vmem>>) target(%dma_start3A_183 : memref<10112x128xf32, #tpu.memory_space<vmem_shared>>) offsets(%arg12 : memref<40xi32, #tpu.memory_space<vmem>>) semaphore(%arg41 : memref<!tpu.dma_semaphore, #tpu.memory_space<semaphore_mem>>) {add = true}
      %add3A_184 = arith.constant 2 : i32
      %add3A_185 = arith.addi %add3A_103, %add3A_184 : i32
      %ge3A_186 = arith.constant 1 : i32
      %ge3A_187 = arith.cmpi sge, %add3A_185, %ge3A_186 : i32
      %convert_element_type3A_188 = arith.extui %ge3A_187 : i1 to i32
      %cond3A_189 = arith.constant 0 : i32
      %cond3A_190 = arith.cmpi ne, %convert_element_type3A_188, %cond3A_189 : i32
      scf.if %cond3A_190 {
        %dma_wait3A_270 = arith.constant 0 : i32
        %dma_wait3A_271 = arith.constant 0 : i32
        %dma_wait3A_272 = tpu.memref_slice %arg23[%dma_wait3A_270, %dma_wait3A_271] : memref<10112x128xf32, #tpu.memory_space<vmem_shared>> -> memref<10112x128xf32, #tpu.memory_space<vmem_shared>>
        tpu.wait_indirect_dma semaphore(%arg41 : memref<!tpu.dma_semaphore, #tpu.memory_space<semaphore_mem>>) src(%arg16 : memref<40x128xf32, #tpu.memory_space<vmem>>) dst(%dma_wait3A_272 : memref<10112x128xf32, #tpu.memory_space<vmem_shared>>)
      } else {
      }
      %add3A_191 = arith.constant 4 : i32
      %add3A_192 = arith.addi %add3A_185, %add3A_191 : i32
      %sub3A_193 = arith.constant 1 : i32
      %sub3A_194 = arith.subi %add3A_192, %sub3A_193 : i32
      %lt3A_195 = arith.constant 256 : i32
      %lt3A_196 = arith.cmpi slt, %sub3A_194, %lt3A_195 : i32
      %convert_element_type3A_197 = arith.extui %lt3A_196 : i1 to i32
      %cond3A_198 = arith.constant 0 : i32
      %cond3A_199 = arith.cmpi ne, %convert_element_type3A_197, %cond3A_198 : i32
      scf.if %cond3A_199 {
        %add3A_270 = arith.constant 4 : i32
        %add3A_271 = arith.addi %add3A_185, %add3A_270 : i32
        %sub3A_272 = arith.constant 1 : i32
        %sub3A_273 = arith.subi %add3A_271, %sub3A_272 : i32
        %dma_start3A_274 = arith.constant 0 : i32
        %dma_start3A_275 = arith.constant 0 : i32
        %dma_start3A_276 = tpu.memref_slice %arg4[%add3A, %sub3A_273, %dma_start3A_274, %dma_start3A_275] : memref<32x256x2x40xi32, #tpu.memory_space<hbm>> -> memref<1x1x1x40xi32, #tpu.memory_space<hbm>>
        %dma_start3A_277 = tpu.memref_squeeze %dma_start3A_276 : memref<1x1x1x40xi32, #tpu.memory_space<hbm>> -> memref<40xi32, #tpu.memory_space<hbm>>
        %dma_start3A_278 = arith.constant 0 : i32
        %dma_start3A_279 = tpu.memref_slice %arg4[%add3A, %sub3A_273, %dma_start3A_274, %dma_start3A_278] : memref<32x256x2x40xi32, #tpu.memory_space<hbm>> -> memref<1x1x1x40xi32, #tpu.memory_space<hbm>>
        %dma_start3A_280 = tpu.memref_squeeze %dma_start3A_279 : memref<1x1x1x40xi32, #tpu.memory_space<hbm>> -> memref<40xi32, #tpu.memory_space<hbm>>
        tpu.enqueue_dma source(%dma_start3A_280 : memref<40xi32, #tpu.memory_space<hbm>>) target(%arg8 : memref<40xi32, #tpu.memory_space<vmem>>) target_semaphore(%arg25 : memref<!tpu.dma_semaphore, #tpu.memory_space<semaphore_mem>>)
        %dma_start3A_281 = arith.constant 1 : i32
        %dma_start3A_282 = arith.constant 0 : i32
        %dma_start3A_283 = tpu.memref_slice %arg4[%add3A, %sub3A_273, %dma_start3A_281, %dma_start3A_282] : memref<32x256x2x40xi32, #tpu.memory_space<hbm>> -> memref<1x1x1x40xi32, #tpu.memory_space<hbm>>
        %dma_start3A_284 = tpu.memref_squeeze %dma_start3A_283 : memref<1x1x1x40xi32, #tpu.memory_space<hbm>> -> memref<40xi32, #tpu.memory_space<hbm>>
        %dma_start3A_285 = arith.constant 0 : i32
        %dma_start3A_286 = tpu.memref_slice %arg4[%add3A, %sub3A_273, %dma_start3A_281, %dma_start3A_285] : memref<32x256x2x40xi32, #tpu.memory_space<hbm>> -> memref<1x1x1x40xi32, #tpu.memory_space<hbm>>
        %dma_start3A_287 = tpu.memref_squeeze %dma_start3A_286 : memref<1x1x1x40xi32, #tpu.memory_space<hbm>> -> memref<40xi32, #tpu.memory_space<hbm>>
        tpu.enqueue_dma source(%dma_start3A_287 : memref<40xi32, #tpu.memory_space<hbm>>) target(%arg12 : memref<40xi32, #tpu.memory_space<vmem>>) target_semaphore(%arg29 : memref<!tpu.dma_semaphore, #tpu.memory_space<semaphore_mem>>)
        %mul3A_288 = arith.constant 40 : i32
        %mul3A_289 = arith.muli %sub3A_273, %mul3A_288 : i32
        %add3A_290 = arith.addi %mul3A_2, %mul3A_289 : i32
        %dma_start3A_291 = arith.constant 0 : i32
        %dma_start3A_292 = tpu.memref_slice %arg3[%add3A_290, %dma_start3A_291] : memref<327680x128xf32, #tpu.memory_space<hbm>> -> memref<40x128xf32, #tpu.memory_space<hbm>>
        %dma_start3A_293 = arith.constant 0 : i32
        %dma_start3A_294 = tpu.memref_slice %arg3[%add3A_290, %dma_start3A_293] : memref<327680x128xf32, #tpu.memory_space<hbm>> -> memref<40x128xf32, #tpu.memory_space<hbm>>
        tpu.enqueue_dma source(%dma_start3A_294 : memref<40x128xf32, #tpu.memory_space<hbm>>) target(%arg20 : memref<40x128xf32, #tpu.memory_space<vmem>>) target_semaphore(%arg33 : memref<!tpu.dma_semaphore, #tpu.memory_space<semaphore_mem>>)
      } else {
      }
      %add3A_200 = arith.constant 2 : i32
      %add3A_201 = arith.addi %add3A_185, %add3A_200 : i32
      %lt3A_202 = arith.constant 256 : i32
      %lt3A_203 = arith.cmpi slt, %add3A_201, %lt3A_202 : i32
      %convert_element_type3A_204 = arith.extui %lt3A_203 : i1 to i32
      %cond3A_205 = arith.constant 0 : i32
      %cond3A_206 = arith.cmpi ne, %convert_element_type3A_204, %cond3A_205 : i32
      scf.if %cond3A_206 {
        %add3A_270 = arith.constant 2 : i32
        %add3A_271 = arith.addi %add3A_185, %add3A_270 : i32
        %dma_wait3A_272 = arith.constant 0 : i32
        %dma_wait3A_273 = arith.constant 0 : i32
        %dma_wait3A_274 = tpu.memref_slice %arg4[%add3A, %add3A_271, %dma_wait3A_272, %dma_wait3A_273] : memref<32x256x2x40xi32, #tpu.memory_space<hbm>> -> memref<1x1x1x40xi32, #tpu.memory_space<hbm>>
        %dma_wait3A_275 = tpu.memref_squeeze %dma_wait3A_274 : memref<1x1x1x40xi32, #tpu.memory_space<hbm>> -> memref<40xi32, #tpu.memory_space<hbm>>
        %dma_wait3A_276 = arith.constant 0 : i32
        %dma_wait3A_277 = tpu.memref_slice %arg4[%add3A, %add3A_271, %dma_wait3A_272, %dma_wait3A_276] : memref<32x256x2x40xi32, #tpu.memory_space<hbm>> -> memref<1x1x1x40xi32, #tpu.memory_space<hbm>>
        %dma_wait3A_278 = tpu.memref_squeeze %dma_wait3A_277 : memref<1x1x1x40xi32, #tpu.memory_space<hbm>> -> memref<40xi32, #tpu.memory_space<hbm>>
        tpu.wait_dma2 semaphore(%arg24 : memref<!tpu.dma_semaphore, #tpu.memory_space<semaphore_mem>>) src(%dma_wait3A_278 : memref<40xi32, #tpu.memory_space<hbm>>) dst(%arg7 : memref<40xi32, #tpu.memory_space<vmem>>)
        %dma_start3A_279 = arith.constant 0 : i32
        %dma_start3A_280 = arith.constant 0 : i32
        %dma_start3A_281 = tpu.memref_slice %arg2[%dma_start3A_279, %dma_start3A_280] : memref<10000x128xf32, #tpu.memory_space<hbm>> -> memref<10000x128xf32, #tpu.memory_space<hbm>>
        tpu.enqueue_indirect_dma source(%dma_start3A_281 : memref<10000x128xf32, #tpu.memory_space<hbm>>) target(%arg15 : memref<40x128xf32, #tpu.memory_space<vmem>>) offsets(%arg7 : memref<40xi32, #tpu.memory_space<vmem>>) semaphore(%arg36 : memref<!tpu.dma_semaphore, #tpu.memory_space<semaphore_mem>>)
      } else {
      }
      %dma_wait3A_207 = arith.constant 0 : i32
      %dma_wait3A_208 = tpu.memref_slice %arg3[%mul3A_2, %dma_wait3A_207] : memref<327680x128xf32, #tpu.memory_space<hbm>> -> memref<40x128xf32, #tpu.memory_space<hbm>>
      %dma_wait3A_209 = arith.constant 0 : i32
      %dma_wait3A_210 = tpu.memref_slice %arg3[%mul3A_2, %dma_wait3A_209] : memref<327680x128xf32, #tpu.memory_space<hbm>> -> memref<40x128xf32, #tpu.memory_space<hbm>>
      tpu.wait_dma2 semaphore(%arg34 : memref<!tpu.dma_semaphore, #tpu.memory_space<semaphore_mem>>) src(%dma_wait3A_210 : memref<40x128xf32, #tpu.memory_space<hbm>>) dst(%arg21 : memref<40x128xf32, #tpu.memory_space<vmem>>)
      %dma_wait3A_211 = arith.constant 1 : i32
      %dma_wait3A_212 = arith.constant 0 : i32
      %dma_wait3A_213 = tpu.memref_slice %arg4[%add3A, %add3A_185, %dma_wait3A_211, %dma_wait3A_212] : memref<32x256x2x40xi32, #tpu.memory_space<hbm>> -> memref<1x1x1x40xi32, #tpu.memory_space<hbm>>
      %dma_wait3A_214 = tpu.memref_squeeze %dma_wait3A_213 : memref<1x1x1x40xi32, #tpu.memory_space<hbm>> -> memref<40xi32, #tpu.memory_space<hbm>>
      %dma_wait3A_215 = arith.constant 0 : i32
      %dma_wait3A_216 = tpu.memref_slice %arg4[%add3A, %add3A_185, %dma_wait3A_211, %dma_wait3A_215] : memref<32x256x2x40xi32, #tpu.memory_space<hbm>> -> memref<1x1x1x40xi32, #tpu.memory_space<hbm>>
      %dma_wait3A_217 = tpu.memref_squeeze %dma_wait3A_216 : memref<1x1x1x40xi32, #tpu.memory_space<hbm>> -> memref<40xi32, #tpu.memory_space<hbm>>
      tpu.wait_dma2 semaphore(%arg30 : memref<!tpu.dma_semaphore, #tpu.memory_space<semaphore_mem>>) src(%dma_wait3A_217 : memref<40xi32, #tpu.memory_space<hbm>>) dst(%arg13 : memref<40xi32, #tpu.memory_space<vmem>>)
      %dma_wait3A_218 = arith.constant 0 : i32
      %dma_wait3A_219 = arith.constant 0 : i32
      %dma_wait3A_220 = tpu.memref_slice %arg2[%dma_wait3A_218, %dma_wait3A_219] : memref<10000x128xf32, #tpu.memory_space<hbm>> -> memref<10000x128xf32, #tpu.memory_space<hbm>>
      tpu.wait_indirect_dma semaphore(%arg38 : memref<!tpu.dma_semaphore, #tpu.memory_space<semaphore_mem>>) src(%dma_wait3A_220 : memref<10000x128xf32, #tpu.memory_space<hbm>>) dst(%arg17 : memref<40x128xf32, #tpu.memory_space<vmem>>)
      %parallel_loop3A_221 = arith.constant 0 : i32
      %parallel_loop3A_222 = arith.constant 40 : i32
      %parallel_loop3A_223 = arith.constant 1 : i32
      scf.for %parallel_loop3A_270 = %parallel_loop3A_221 to %parallel_loop3A_222 step %parallel_loop3A_223  : i32 {
        %parallel_loop3A_271 = arith.index_cast %parallel_loop3A_270 : i32 to index
        %parallel_loop3A_272 = arith.constant 0 : index
        %parallel_loop3A_273 = tpu.vector_load %arg17[%parallel_loop3A_271, %parallel_loop3A_272] {strides = array<i32>} : memref<40x128xf32, #tpu.memory_space<vmem>>, vector<1x16xf32>,
        %parallel_loop3A_274 = vector.shape_cast %parallel_loop3A_273 : vector<1x16xf32> to vector<16xf32>
        %parallel_loop3A_275 = arith.index_cast %parallel_loop3A_270 : i32 to index
        %parallel_loop3A_276 = arith.constant 0 : index
        %parallel_loop3A_277 = tpu.vector_load %arg21[%parallel_loop3A_275, %parallel_loop3A_276] {strides = array<i32>} : memref<40x128xf32, #tpu.memory_space<vmem>>, vector<1x16xf32>,
        %parallel_loop3A_278 = vector.shape_cast %parallel_loop3A_277 : vector<1x16xf32> to vector<16xf32>
        %parallel_loop3A_279 = arith.addf %parallel_loop3A_274, %parallel_loop3A_278 : vector<16xf32>
        %parallel_loop3A_280 = arith.constant 0.000000e+00 : f32
        %parallel_loop3A_281 = vector.broadcast %parallel_loop3A_280 : f32 to vector<16xf32>
        %parallel_loop3A_282 = arith.maximumf %parallel_loop3A_279, %parallel_loop3A_281 : vector<16xf32>
        %parallel_loop3A_283 = arith.index_cast %parallel_loop3A_270 : i32 to index
        %parallel_loop3A_284 = arith.constant 0 : index
        %parallel_loop3A_285 = tpu.vector_load %arg17[%parallel_loop3A_283, %parallel_loop3A_284] {strides = array<i32>} : memref<40x128xf32, #tpu.memory_space<vmem>>, vector<1x16xf32>,
        %parallel_loop3A_286 = vector.shape_cast %parallel_loop3A_285 : vector<1x16xf32> to vector<16xf32>
        %parallel_loop3A_287 = vector.shape_cast %parallel_loop3A_282 : vector<16xf32> to vector<1x16xf32>
        tpu.vector_store %arg17[%parallel_loop3A_283, %parallel_loop3A_284], %parallel_loop3A_287 {strides = array<i32>} : memref<40x128xf32, #tpu.memory_space<vmem>>, vector<1x16xf32>,
        %parallel_loop3A_288 = arith.index_cast %parallel_loop3A_270 : i32 to index
        %parallel_loop3A_289 = arith.constant 16 : index
        %parallel_loop3A_290 = tpu.vector_load %arg17[%parallel_loop3A_288, %parallel_loop3A_289] {strides = array<i32>} : memref<40x128xf32, #tpu.memory_space<vmem>>, vector<1x16xf32>,
        %parallel_loop3A_291 = vector.shape_cast %parallel_loop3A_290 : vector<1x16xf32> to vector<16xf32>
        %parallel_loop3A_292 = arith.index_cast %parallel_loop3A_270 : i32 to index
        %parallel_loop3A_293 = arith.constant 16 : index
        %parallel_loop3A_294 = tpu.vector_load %arg21[%parallel_loop3A_292, %parallel_loop3A_293] {strides = array<i32>} : memref<40x128xf32, #tpu.memory_space<vmem>>, vector<1x16xf32>,
        %parallel_loop3A_295 = vector.shape_cast %parallel_loop3A_294 : vector<1x16xf32> to vector<16xf32>
        %parallel_loop3A_296 = arith.addf %parallel_loop3A_291, %parallel_loop3A_295 : vector<16xf32>
        %parallel_loop3A_297 = arith.constant 0.000000e+00 : f32
        %parallel_loop3A_298 = vector.broadcast %parallel_loop3A_297 : f32 to vector<16xf32>
        %parallel_loop3A_299 = arith.maximumf %parallel_loop3A_296, %parallel_loop3A_298 : vector<16xf32>
        %parallel_loop3A_300 = arith.index_cast %parallel_loop3A_270 : i32 to index
        %parallel_loop3A_301 = arith.constant 16 : index
        %parallel_loop3A_302 = tpu.vector_load %arg17[%parallel_loop3A_300, %parallel_loop3A_301] {strides = array<i32>} : memref<40x128xf32, #tpu.memory_space<vmem>>, vector<1x16xf32>,
        %parallel_loop3A_303 = vector.shape_cast %parallel_loop3A_302 : vector<1x16xf32> to vector<16xf32>
        %parallel_loop3A_304 = vector.shape_cast %parallel_loop3A_299 : vector<16xf32> to vector<1x16xf32>
        tpu.vector_store %arg17[%parallel_loop3A_300, %parallel_loop3A_301], %parallel_loop3A_304 {strides = array<i32>} : memref<40x128xf32, #tpu.memory_space<vmem>>, vector<1x16xf32>,
        %parallel_loop3A_305 = arith.index_cast %parallel_loop3A_270 : i32 to index
        %parallel_loop3A_306 = arith.constant 32 : index
        %parallel_loop3A_307 = tpu.vector_load %arg17[%parallel_loop3A_305, %parallel_loop3A_306] {strides = array<i32>} : memref<40x128xf32, #tpu.memory_space<vmem>>, vector<1x16xf32>,
        %parallel_loop3A_308 = vector.shape_cast %parallel_loop3A_307 : vector<1x16xf32> to vector<16xf32>
        %parallel_loop3A_309 = arith.index_cast %parallel_loop3A_270 : i32 to index
        %parallel_loop3A_310 = arith.constant 32 : index
        %parallel_loop3A_311 = tpu.vector_load %arg21[%parallel_loop3A_309, %parallel_loop3A_310] {strides = array<i32>} : memref<40x128xf32, #tpu.memory_space<vmem>>, vector<1x16xf32>,
        %parallel_loop3A_312 = vector.shape_cast %parallel_loop3A_311 : vector<1x16xf32> to vector<16xf32>
        %parallel_loop3A_313 = arith.addf %parallel_loop3A_308, %parallel_loop3A_312 : vector<16xf32>
        %parallel_loop3A_314 = arith.constant 0.000000e+00 : f32
        %parallel_loop3A_315 = vector.broadcast %parallel_loop3A_314 : f32 to vector<16xf32>
        %parallel_loop3A_316 = arith.maximumf %parallel_loop3A_313, %parallel_loop3A_315 : vector<16xf32>
        %parallel_loop3A_317 = arith.index_cast %parallel_loop3A_270 : i32 to index
        %parallel_loop3A_318 = arith.constant 32 : index
        %parallel_loop3A_319 = tpu.vector_load %arg17[%parallel_loop3A_317, %parallel_loop3A_318] {strides = array<i32>} : memref<40x128xf32, #tpu.memory_space<vmem>>, vector<1x16xf32>,
        %parallel_loop3A_320 = vector.shape_cast %parallel_loop3A_319 : vector<1x16xf32> to vector<16xf32>
        %parallel_loop3A_321 = vector.shape_cast %parallel_loop3A_316 : vector<16xf32> to vector<1x16xf32>
        tpu.vector_store %arg17[%parallel_loop3A_317, %parallel_loop3A_318], %parallel_loop3A_321 {strides = array<i32>} : memref<40x128xf32, #tpu.memory_space<vmem>>, vector<1x16xf32>,
        %parallel_loop3A_322 = arith.index_cast %parallel_loop3A_270 : i32 to index
        %parallel_loop3A_323 = arith.constant 48 : index
        %parallel_loop3A_324 = tpu.vector_load %arg17[%parallel_loop3A_322, %parallel_loop3A_323] {strides = array<i32>} : memref<40x128xf32, #tpu.memory_space<vmem>>, vector<1x16xf32>,
        %parallel_loop3A_325 = vector.shape_cast %parallel_loop3A_324 : vector<1x16xf32> to vector<16xf32>
        %parallel_loop3A_326 = arith.index_cast %parallel_loop3A_270 : i32 to index
        %parallel_loop3A_327 = arith.constant 48 : index
        %parallel_loop3A_328 = tpu.vector_load %arg21[%parallel_loop3A_326, %parallel_loop3A_327] {strides = array<i32>} : memref<40x128xf32, #tpu.memory_space<vmem>>, vector<1x16xf32>,
        %parallel_loop3A_329 = vector.shape_cast %parallel_loop3A_328 : vector<1x16xf32> to vector<16xf32>
        %parallel_loop3A_330 = arith.addf %parallel_loop3A_325, %parallel_loop3A_329 : vector<16xf32>
        %parallel_loop3A_331 = arith.constant 0.000000e+00 : f32
        %parallel_loop3A_332 = vector.broadcast %parallel_loop3A_331 : f32 to vector<16xf32>
        %parallel_loop3A_333 = arith.maximumf %parallel_loop3A_330, %parallel_loop3A_332 : vector<16xf32>
        %parallel_loop3A_334 = arith.index_cast %parallel_loop3A_270 : i32 to index
        %parallel_loop3A_335 = arith.constant 48 : index
        %parallel_loop3A_336 = tpu.vector_load %arg17[%parallel_loop3A_334, %parallel_loop3A_335] {strides = array<i32>} : memref<40x128xf32, #tpu.memory_space<vmem>>, vector<1x16xf32>,
        %parallel_loop3A_337 = vector.shape_cast %parallel_loop3A_336 : vector<1x16xf32> to vector<16xf32>
        %parallel_loop3A_338 = vector.shape_cast %parallel_loop3A_333 : vector<16xf32> to vector<1x16xf32>
        tpu.vector_store %arg17[%parallel_loop3A_334, %parallel_loop3A_335], %parallel_loop3A_338 {strides = array<i32>} : memref<40x128xf32, #tpu.memory_space<vmem>>, vector<1x16xf32>,
        %parallel_loop3A_339 = arith.index_cast %parallel_loop3A_270 : i32 to index
        %parallel_loop3A_340 = arith.constant 64 : index
        %parallel_loop3A_341 = tpu.vector_load %arg17[%parallel_loop3A_339, %parallel_loop3A_340] {strides = array<i32>} : memref<40x128xf32, #tpu.memory_space<vmem>>, vector<1x16xf32>,
        %parallel_loop3A_342 = vector.shape_cast %parallel_loop3A_341 : vector<1x16xf32> to vector<16xf32>
        %parallel_loop3A_343 = arith.index_cast %parallel_loop3A_270 : i32 to index
        %parallel_loop3A_344 = arith.constant 64 : index
        %parallel_loop3A_345 = tpu.vector_load %arg21[%parallel_loop3A_343, %parallel_loop3A_344] {strides = array<i32>} : memref<40x128xf32, #tpu.memory_space<vmem>>, vector<1x16xf32>,
        %parallel_loop3A_346 = vector.shape_cast %parallel_loop3A_345 : vector<1x16xf32> to vector<16xf32>
        %parallel_loop3A_347 = arith.addf %parallel_loop3A_342, %parallel_loop3A_346 : vector<16xf32>
        %parallel_loop3A_348 = arith.constant 0.000000e+00 : f32
        %parallel_loop3A_349 = vector.broadcast %parallel_loop3A_348 : f32 to vector<16xf32>
        %parallel_loop3A_350 = arith.maximumf %parallel_loop3A_347, %parallel_loop3A_349 : vector<16xf32>
        %parallel_loop3A_351 = arith.index_cast %parallel_loop3A_270 : i32 to index
        %parallel_loop3A_352 = arith.constant 64 : index
        %parallel_loop3A_353 = tpu.vector_load %arg17[%parallel_loop3A_351, %parallel_loop3A_352] {strides = array<i32>} : memref<40x128xf32, #tpu.memory_space<vmem>>, vector<1x16xf32>,
        %parallel_loop3A_354 = vector.shape_cast %parallel_loop3A_353 : vector<1x16xf32> to vector<16xf32>
        %parallel_loop3A_355 = vector.shape_cast %parallel_loop3A_350 : vector<16xf32> to vector<1x16xf32>
        tpu.vector_store %arg17[%parallel_loop3A_351, %parallel_loop3A_352], %parallel_loop3A_355 {strides = array<i32>} : memref<40x128xf32, #tpu.memory_space<vmem>>, vector<1x16xf32>,
        %parallel_loop3A_356 = arith.index_cast %parallel_loop3A_270 : i32 to index
        %parallel_loop3A_357 = arith.constant 80 : index
        %parallel_loop3A_358 = tpu.vector_load %arg17[%parallel_loop3A_356, %parallel_loop3A_357] {strides = array<i32>} : memref<40x128xf32, #tpu.memory_space<vmem>>, vector<1x16xf32>,
        %parallel_loop3A_359 = vector.shape_cast %parallel_loop3A_358 : vector<1x16xf32> to vector<16xf32>
        %parallel_loop3A_360 = arith.index_cast %parallel_loop3A_270 : i32 to index
        %parallel_loop3A_361 = arith.constant 80 : index
        %parallel_loop3A_362 = tpu.vector_load %arg21[%parallel_loop3A_360, %parallel_loop3A_361] {strides = array<i32>} : memref<40x128xf32, #tpu.memory_space<vmem>>, vector<1x16xf32>,
        %parallel_loop3A_363 = vector.shape_cast %parallel_loop3A_362 : vector<1x16xf32> to vector<16xf32>
        %parallel_loop3A_364 = arith.addf %parallel_loop3A_359, %parallel_loop3A_363 : vector<16xf32>
        %parallel_loop3A_365 = arith.constant 0.000000e+00 : f32
        %parallel_loop3A_366 = vector.broadcast %parallel_loop3A_365 : f32 to vector<16xf32>
        %parallel_loop3A_367 = arith.maximumf %parallel_loop3A_364, %parallel_loop3A_366 : vector<16xf32>
        %parallel_loop3A_368 = arith.index_cast %parallel_loop3A_270 : i32 to index
        %parallel_loop3A_369 = arith.constant 80 : index
        %parallel_loop3A_370 = tpu.vector_load %arg17[%parallel_loop3A_368, %parallel_loop3A_369] {strides = array<i32>} : memref<40x128xf32, #tpu.memory_space<vmem>>, vector<1x16xf32>,
        %parallel_loop3A_371 = vector.shape_cast %parallel_loop3A_370 : vector<1x16xf32> to vector<16xf32>
        %parallel_loop3A_372 = vector.shape_cast %parallel_loop3A_367 : vector<16xf32> to vector<1x16xf32>
        tpu.vector_store %arg17[%parallel_loop3A_368, %parallel_loop3A_369], %parallel_loop3A_372 {strides = array<i32>} : memref<40x128xf32, #tpu.memory_space<vmem>>, vector<1x16xf32>,
        %parallel_loop3A_373 = arith.index_cast %parallel_loop3A_270 : i32 to index
        %parallel_loop3A_374 = arith.constant 96 : index
        %parallel_loop3A_375 = tpu.vector_load %arg17[%parallel_loop3A_373, %parallel_loop3A_374] {strides = array<i32>} : memref<40x128xf32, #tpu.memory_space<vmem>>, vector<1x16xf32>,
        %parallel_loop3A_376 = vector.shape_cast %parallel_loop3A_375 : vector<1x16xf32> to vector<16xf32>
        %parallel_loop3A_377 = arith.index_cast %parallel_loop3A_270 : i32 to index
        %parallel_loop3A_378 = arith.constant 96 : index
        %parallel_loop3A_379 = tpu.vector_load %arg21[%parallel_loop3A_377, %parallel_loop3A_378] {strides = array<i32>} : memref<40x128xf32, #tpu.memory_space<vmem>>, vector<1x16xf32>,
        %parallel_loop3A_380 = vector.shape_cast %parallel_loop3A_379 : vector<1x16xf32> to vector<16xf32>
        %parallel_loop3A_381 = arith.addf %parallel_loop3A_376, %parallel_loop3A_380 : vector<16xf32>
        %parallel_loop3A_382 = arith.constant 0.000000e+00 : f32
        %parallel_loop3A_383 = vector.broadcast %parallel_loop3A_382 : f32 to vector<16xf32>
        %parallel_loop3A_384 = arith.maximumf %parallel_loop3A_381, %parallel_loop3A_383 : vector<16xf32>
        %parallel_loop3A_385 = arith.index_cast %parallel_loop3A_270 : i32 to index
        %parallel_loop3A_386 = arith.constant 96 : index
        %parallel_loop3A_387 = tpu.vector_load %arg17[%parallel_loop3A_385, %parallel_loop3A_386] {strides = array<i32>} : memref<40x128xf32, #tpu.memory_space<vmem>>, vector<1x16xf32>,
        %parallel_loop3A_388 = vector.shape_cast %parallel_loop3A_387 : vector<1x16xf32> to vector<16xf32>
        %parallel_loop3A_389 = vector.shape_cast %parallel_loop3A_384 : vector<16xf32> to vector<1x16xf32>
        tpu.vector_store %arg17[%parallel_loop3A_385, %parallel_loop3A_386], %parallel_loop3A_389 {strides = array<i32>} : memref<40x128xf32, #tpu.memory_space<vmem>>, vector<1x16xf32>,
        %parallel_loop3A_390 = arith.index_cast %parallel_loop3A_270 : i32 to index
        %parallel_loop3A_391 = arith.constant 112 : index
        %parallel_loop3A_392 = tpu.vector_load %arg17[%parallel_loop3A_390, %parallel_loop3A_391] {strides = array<i32>} : memref<40x128xf32, #tpu.memory_space<vmem>>, vector<1x16xf32>,
        %parallel_loop3A_393 = vector.shape_cast %parallel_loop3A_392 : vector<1x16xf32> to vector<16xf32>
        %parallel_loop3A_394 = arith.index_cast %parallel_loop3A_270 : i32 to index
        %parallel_loop3A_395 = arith.constant 112 : index
        %parallel_loop3A_396 = tpu.vector_load %arg21[%parallel_loop3A_394, %parallel_loop3A_395] {strides = array<i32>} : memref<40x128xf32, #tpu.memory_space<vmem>>, vector<1x16xf32>,
        %parallel_loop3A_397 = vector.shape_cast %parallel_loop3A_396 : vector<1x16xf32> to vector<16xf32>
        %parallel_loop3A_398 = arith.addf %parallel_loop3A_393, %parallel_loop3A_397 : vector<16xf32>
        %parallel_loop3A_399 = arith.constant 0.000000e+00 : f32
        %parallel_loop3A_400 = vector.broadcast %parallel_loop3A_399 : f32 to vector<16xf32>
        %parallel_loop3A_401 = arith.maximumf %parallel_loop3A_398, %parallel_loop3A_400 : vector<16xf32>
        %parallel_loop3A_402 = arith.index_cast %parallel_loop3A_270 : i32 to index
        %parallel_loop3A_403 = arith.constant 112 : index
        %parallel_loop3A_404 = tpu.vector_load %arg17[%parallel_loop3A_402, %parallel_loop3A_403] {strides = array<i32>} : memref<40x128xf32, #tpu.memory_space<vmem>>, vector<1x16xf32>,
        %parallel_loop3A_405 = vector.shape_cast %parallel_loop3A_404 : vector<1x16xf32> to vector<16xf32>
        %parallel_loop3A_406 = vector.shape_cast %parallel_loop3A_401 : vector<16xf32> to vector<1x16xf32>
        tpu.vector_store %arg17[%parallel_loop3A_402, %parallel_loop3A_403], %parallel_loop3A_406 {strides = array<i32>} : memref<40x128xf32, #tpu.memory_space<vmem>>, vector<1x16xf32>,
      } {sc.loop_unroll_factor = 1 : i64, sc.parallel_access}
      %dma_start3A_224 = arith.constant 0 : i32
      %dma_start3A_225 = arith.constant 0 : i32
      %dma_start3A_226 = tpu.memref_slice %arg23[%dma_start3A_224, %dma_start3A_225] : memref<10112x128xf32, #tpu.memory_space<vmem_shared>> -> memref<10112x128xf32, #tpu.memory_space<vmem_shared>>
      tpu.enqueue_indirect_dma source(%arg17 : memref<40x128xf32, #tpu.memory_space<vmem>>) target(%dma_start3A_226 : memref<10112x128xf32, #tpu.memory_space<vmem_shared>>) offsets(%arg13 : memref<40xi32, #tpu.memory_space<vmem>>) semaphore(%arg42 : memref<!tpu.dma_semaphore, #tpu.memory_space<semaphore_mem>>) {add = true}
      %add3A_227 = arith.constant 3 : i32
      %add3A_228 = arith.addi %add3A_103, %add3A_227 : i32
      %ge3A_229 = arith.constant 1 : i32
      %ge3A_230 = arith.cmpi sge, %add3A_228, %ge3A_229 : i32
      %convert_element_type3A_231 = arith.extui %ge3A_230 : i1 to i32
      %cond3A_232 = arith.constant 0 : i32
      %cond3A_233 = arith.cmpi ne, %convert_element_type3A_231, %cond3A_232 : i32
      scf.if %cond3A_233 {
        %dma_wait3A_270 = arith.constant 0 : i32
        %dma_wait3A_271 = arith.constant 0 : i32
        %dma_wait3A_272 = tpu.memref_slice %arg23[%dma_wait3A_270, %dma_wait3A_271] : memref<10112x128xf32, #tpu.memory_space<vmem_shared>> -> memref<10112x128xf32, #tpu.memory_space<vmem_shared>>
        tpu.wait_indirect_dma semaphore(%arg42 : memref<!tpu.dma_semaphore, #tpu.memory_space<semaphore_mem>>) src(%arg17 : memref<40x128xf32, #tpu.memory_space<vmem>>) dst(%dma_wait3A_272 : memref<10112x128xf32, #tpu.memory_space<vmem_shared>>)
      } else {
      }
      %add3A_234 = arith.constant 4 : i32
      %add3A_235 = arith.addi %add3A_228, %add3A_234 : i32
      %sub3A_236 = arith.constant 1 : i32
      %sub3A_237 = arith.subi %add3A_235, %sub3A_236 : i32
      %lt3A_238 = arith.constant 256 : i32
      %lt3A_239 = arith.cmpi slt, %sub3A_237, %lt3A_238 : i32
      %convert_element_type3A_240 = arith.extui %lt3A_239 : i1 to i32
      %cond3A_241 = arith.constant 0 : i32
      %cond3A_242 = arith.cmpi ne, %convert_element_type3A_240, %cond3A_241 : i32
      scf.if %cond3A_242 {
        %add3A_270 = arith.constant 4 : i32
        %add3A_271 = arith.addi %add3A_228, %add3A_270 : i32
        %sub3A_272 = arith.constant 1 : i32
        %sub3A_273 = arith.subi %add3A_271, %sub3A_272 : i32
        %dma_start3A_274 = arith.constant 0 : i32
        %dma_start3A_275 = arith.constant 0 : i32
        %dma_start3A_276 = tpu.memref_slice %arg4[%add3A, %sub3A_273, %dma_start3A_274, %dma_start3A_275] : memref<32x256x2x40xi32, #tpu.memory_space<hbm>> -> memref<1x1x1x40xi32, #tpu.memory_space<hbm>>
        %dma_start3A_277 = tpu.memref_squeeze %dma_start3A_276 : memref<1x1x1x40xi32, #tpu.memory_space<hbm>> -> memref<40xi32, #tpu.memory_space<hbm>>
        %dma_start3A_278 = arith.constant 0 : i32
        %dma_start3A_279 = tpu.memref_slice %arg4[%add3A, %sub3A_273, %dma_start3A_274, %dma_start3A_278] : memref<32x256x2x40xi32, #tpu.memory_space<hbm>> -> memref<1x1x1x40xi32, #tpu.memory_space<hbm>>
        %dma_start3A_280 = tpu.memref_squeeze %dma_start3A_279 : memref<1x1x1x40xi32, #tpu.memory_space<hbm>> -> memref<40xi32, #tpu.memory_space<hbm>>
        tpu.enqueue_dma source(%dma_start3A_280 : memref<40xi32, #tpu.memory_space<hbm>>) target(%arg9 : memref<40xi32, #tpu.memory_space<vmem>>) target_semaphore(%arg26 : memref<!tpu.dma_semaphore, #tpu.memory_space<semaphore_mem>>)
        %dma_start3A_281 = arith.constant 1 : i32
        %dma_start3A_282 = arith.constant 0 : i32
        %dma_start3A_283 = tpu.memref_slice %arg4[%add3A, %sub3A_273, %dma_start3A_281, %dma_start3A_282] : memref<32x256x2x40xi32, #tpu.memory_space<hbm>> -> memref<1x1x1x40xi32, #tpu.memory_space<hbm>>
        %dma_start3A_284 = tpu.memref_squeeze %dma_start3A_283 : memref<1x1x1x40xi32, #tpu.memory_space<hbm>> -> memref<40xi32, #tpu.memory_space<hbm>>
        %dma_start3A_285 = arith.constant 0 : i32
        %dma_start3A_286 = tpu.memref_slice %arg4[%add3A, %sub3A_273, %dma_start3A_281, %dma_start3A_285] : memref<32x256x2x40xi32, #tpu.memory_space<hbm>> -> memref<1x1x1x40xi32, #tpu.memory_space<hbm>>
        %dma_start3A_287 = tpu.memref_squeeze %dma_start3A_286 : memref<1x1x1x40xi32, #tpu.memory_space<hbm>> -> memref<40xi32, #tpu.memory_space<hbm>>
        tpu.enqueue_dma source(%dma_start3A_287 : memref<40xi32, #tpu.memory_space<hbm>>) target(%arg13 : memref<40xi32, #tpu.memory_space<vmem>>) target_semaphore(%arg30 : memref<!tpu.dma_semaphore, #tpu.memory_space<semaphore_mem>>)
        %mul3A_288 = arith.constant 40 : i32
        %mul3A_289 = arith.muli %sub3A_273, %mul3A_288 : i32
        %add3A_290 = arith.addi %mul3A_2, %mul3A_289 : i32
        %dma_start3A_291 = arith.constant 0 : i32
        %dma_start3A_292 = tpu.memref_slice %arg3[%add3A_290, %dma_start3A_291] : memref<327680x128xf32, #tpu.memory_space<hbm>> -> memref<40x128xf32, #tpu.memory_space<hbm>>
        %dma_start3A_293 = arith.constant 0 : i32
        %dma_start3A_294 = tpu.memref_slice %arg3[%add3A_290, %dma_start3A_293] : memref<327680x128xf32, #tpu.memory_space<hbm>> -> memref<40x128xf32, #tpu.memory_space<hbm>>
        tpu.enqueue_dma source(%dma_start3A_294 : memref<40x128xf32, #tpu.memory_space<hbm>>) target(%arg21 : memref<40x128xf32, #tpu.memory_space<vmem>>) target_semaphore(%arg34 : memref<!tpu.dma_semaphore, #tpu.memory_space<semaphore_mem>>)
      } else {
      }
      %add3A_243 = arith.constant 2 : i32
      %add3A_244 = arith.addi %add3A_228, %add3A_243 : i32
      %lt3A_245 = arith.constant 256 : i32
      %lt3A_246 = arith.cmpi slt, %add3A_244, %lt3A_245 : i32
      %convert_element_type3A_247 = arith.extui %lt3A_246 : i1 to i32
      %cond3A_248 = arith.constant 0 : i32
      %cond3A_249 = arith.cmpi ne, %convert_element_type3A_247, %cond3A_248 : i32
      scf.if %cond3A_249 {
        %add3A_270 = arith.constant 2 : i32
        %add3A_271 = arith.addi %add3A_228, %add3A_270 : i32
        %dma_wait3A_272 = arith.constant 0 : i32
        %dma_wait3A_273 = arith.constant 0 : i32
        %dma_wait3A_274 = tpu.memref_slice %arg4[%add3A, %add3A_271, %dma_wait3A_272, %dma_wait3A_273] : memref<32x256x2x40xi32, #tpu.memory_space<hbm>> -> memref<1x1x1x40xi32, #tpu.memory_space<hbm>>
        %dma_wait3A_275 = tpu.memref_squeeze %dma_wait3A_274 : memref<1x1x1x40xi32, #tpu.memory_space<hbm>> -> memref<40xi32, #tpu.memory_space<hbm>>
        %dma_wait3A_276 = arith.constant 0 : i32
        %dma_wait3A_277 = tpu.memref_slice %arg4[%add3A, %add3A_271, %dma_wait3A_272, %dma_wait3A_276] : memref<32x256x2x40xi32, #tpu.memory_space<hbm>> -> memref<1x1x1x40xi32, #tpu.memory_space<hbm>>
        %dma_wait3A_278 = tpu.memref_squeeze %dma_wait3A_277 : memref<1x1x1x40xi32, #tpu.memory_space<hbm>> -> memref<40xi32, #tpu.memory_space<hbm>>
        tpu.wait_dma2 semaphore(%arg25 : memref<!tpu.dma_semaphore, #tpu.memory_space<semaphore_mem>>) src(%dma_wait3A_278 : memref<40xi32, #tpu.memory_space<hbm>>) dst(%arg8 : memref<40xi32, #tpu.memory_space<vmem>>)
        %dma_start3A_279 = arith.constant 0 : i32
        %dma_start3A_280 = arith.constant 0 : i32
        %dma_start3A_281 = tpu.memref_slice %arg2[%dma_start3A_279, %dma_start3A_280] : memref<10000x128xf32, #tpu.memory_space<hbm>> -> memref<10000x128xf32, #tpu.memory_space<hbm>>
        tpu.enqueue_indirect_dma source(%dma_start3A_281 : memref<10000x128xf32, #tpu.memory_space<hbm>>) target(%arg16 : memref<40x128xf32, #tpu.memory_space<vmem>>) offsets(%arg8 : memref<40xi32, #tpu.memory_space<vmem>>) semaphore(%arg37 : memref<!tpu.dma_semaphore, #tpu.memory_space<semaphore_mem>>)
      } else {
      }
      %dma_wait3A_250 = arith.constant 0 : i32
      %dma_wait3A_251 = tpu.memref_slice %arg3[%mul3A_2, %dma_wait3A_250] : memref<327680x128xf32, #tpu.memory_space<hbm>> -> memref<40x128xf32, #tpu.memory_space<hbm>>
      %dma_wait3A_252 = arith.constant 0 : i32
      %dma_wait3A_253 = tpu.memref_slice %arg3[%mul3A_2, %dma_wait3A_252] : memref<327680x128xf32, #tpu.memory_space<hbm>> -> memref<40x128xf32, #tpu.memory_space<hbm>>
      tpu.wait_dma2 semaphore(%arg35 : memref<!tpu.dma_semaphore, #tpu.memory_space<semaphore_mem>>) src(%dma_wait3A_253 : memref<40x128xf32, #tpu.memory_space<hbm>>) dst(%arg22 : memref<40x128xf32, #tpu.memory_space<vmem>>)
      %dma_wait3A_254 = arith.constant 1 : i32
      %dma_wait3A_255 = arith.constant 0 : i32
      %dma_wait3A_256 = tpu.memref_slice %arg4[%add3A, %add3A_228, %dma_wait3A_254, %dma_wait3A_255] : memref<32x256x2x40xi32, #tpu.memory_space<hbm>> -> memref<1x1x1x40xi32, #tpu.memory_space<hbm>>
      %dma_wait3A_257 = tpu.memref_squeeze %dma_wait3A_256 : memref<1x1x1x40xi32, #tpu.memory_space<hbm>> -> memref<40xi32, #tpu.memory_space<hbm>>
      %dma_wait3A_258 = arith.constant 0 : i32
      %dma_wait3A_259 = tpu.memref_slice %arg4[%add3A, %add3A_228, %dma_wait3A_254, %dma_wait3A_258] : memref<32x256x2x40xi32, #tpu.memory_space<hbm>> -> memref<1x1x1x40xi32, #tpu.memory_space<hbm>>
      %dma_wait3A_260 = tpu.memref_squeeze %dma_wait3A_259 : memref<1x1x1x40xi32, #tpu.memory_space<hbm>> -> memref<40xi32, #tpu.memory_space<hbm>>
      tpu.wait_dma2 semaphore(%arg31 : memref<!tpu.dma_semaphore, #tpu.memory_space<semaphore_mem>>) src(%dma_wait3A_260 : memref<40xi32, #tpu.memory_space<hbm>>) dst(%arg14 : memref<40xi32, #tpu.memory_space<vmem>>)
      %dma_wait3A_261 = arith.constant 0 : i32
      %dma_wait3A_262 = arith.constant 0 : i32
      %dma_wait3A_263 = tpu.memref_slice %arg2[%dma_wait3A_261, %dma_wait3A_262] : memref<10000x128xf32, #tpu.memory_space<hbm>> -> memref<10000x128xf32, #tpu.memory_space<hbm>>
      tpu.wait_indirect_dma semaphore(%arg39 : memref<!tpu.dma_semaphore, #tpu.memory_space<semaphore_mem>>) src(%dma_wait3A_263 : memref<10000x128xf32, #tpu.memory_space<hbm>>) dst(%arg18 : memref<40x128xf32, #tpu.memory_space<vmem>>)
      %parallel_loop3A_264 = arith.constant 0 : i32
      %parallel_loop3A_265 = arith.constant 40 : i32
      %parallel_loop3A_266 = arith.constant 1 : i32
      scf.for %parallel_loop3A_270 = %parallel_loop3A_264 to %parallel_loop3A_265 step %parallel_loop3A_266  : i32 {
        %parallel_loop3A_271 = arith.index_cast %parallel_loop3A_270 : i32 to index
        %parallel_loop3A_272 = arith.constant 0 : index
        %parallel_loop3A_273 = tpu.vector_load %arg18[%parallel_loop3A_271, %parallel_loop3A_272] {strides = array<i32>} : memref<40x128xf32, #tpu.memory_space<vmem>>, vector<1x16xf32>,
        %parallel_loop3A_274 = vector.shape_cast %parallel_loop3A_273 : vector<1x16xf32> to vector<16xf32>
        %parallel_loop3A_275 = arith.index_cast %parallel_loop3A_270 : i32 to index
        %parallel_loop3A_276 = arith.constant 0 : index
        %parallel_loop3A_277 = tpu.vector_load %arg22[%parallel_loop3A_275, %parallel_loop3A_276] {strides = array<i32>} : memref<40x128xf32, #tpu.memory_space<vmem>>, vector<1x16xf32>,
        %parallel_loop3A_278 = vector.shape_cast %parallel_loop3A_277 : vector<1x16xf32> to vector<16xf32>
        %parallel_loop3A_279 = arith.addf %parallel_loop3A_274, %parallel_loop3A_278 : vector<16xf32>
        %parallel_loop3A_280 = arith.constant 0.000000e+00 : f32
        %parallel_loop3A_281 = vector.broadcast %parallel_loop3A_280 : f32 to vector<16xf32>
        %parallel_loop3A_282 = arith.maximumf %parallel_loop3A_279, %parallel_loop3A_281 : vector<16xf32>
        %parallel_loop3A_283 = arith.index_cast %parallel_loop3A_270 : i32 to index
        %parallel_loop3A_284 = arith.constant 0 : index
        %parallel_loop3A_285 = tpu.vector_load %arg18[%parallel_loop3A_283, %parallel_loop3A_284] {strides = array<i32>} : memref<40x128xf32, #tpu.memory_space<vmem>>, vector<1x16xf32>,
        %parallel_loop3A_286 = vector.shape_cast %parallel_loop3A_285 : vector<1x16xf32> to vector<16xf32>
        %parallel_loop3A_287 = vector.shape_cast %parallel_loop3A_282 : vector<16xf32> to vector<1x16xf32>
        tpu.vector_store %arg18[%parallel_loop3A_283, %parallel_loop3A_284], %parallel_loop3A_287 {strides = array<i32>} : memref<40x128xf32, #tpu.memory_space<vmem>>, vector<1x16xf32>,
        %parallel_loop3A_288 = arith.index_cast %parallel_loop3A_270 : i32 to index
        %parallel_loop3A_289 = arith.constant 16 : index
        %parallel_loop3A_290 = tpu.vector_load %arg18[%parallel_loop3A_288, %parallel_loop3A_289] {strides = array<i32>} : memref<40x128xf32, #tpu.memory_space<vmem>>, vector<1x16xf32>,
        %parallel_loop3A_291 = vector.shape_cast %parallel_loop3A_290 : vector<1x16xf32> to vector<16xf32>
        %parallel_loop3A_292 = arith.index_cast %parallel_loop3A_270 : i32 to index
        %parallel_loop3A_293 = arith.constant 16 : index
        %parallel_loop3A_294 = tpu.vector_load %arg22[%parallel_loop3A_292, %parallel_loop3A_293] {strides = array<i32>} : memref<40x128xf32, #tpu.memory_space<vmem>>, vector<1x16xf32>,
        %parallel_loop3A_295 = vector.shape_cast %parallel_loop3A_294 : vector<1x16xf32> to vector<16xf32>
        %parallel_loop3A_296 = arith.addf %parallel_loop3A_291, %parallel_loop3A_295 : vector<16xf32>
        %parallel_loop3A_297 = arith.constant 0.000000e+00 : f32
        %parallel_loop3A_298 = vector.broadcast %parallel_loop3A_297 : f32 to vector<16xf32>
        %parallel_loop3A_299 = arith.maximumf %parallel_loop3A_296, %parallel_loop3A_298 : vector<16xf32>
        %parallel_loop3A_300 = arith.index_cast %parallel_loop3A_270 : i32 to index
        %parallel_loop3A_301 = arith.constant 16 : index
        %parallel_loop3A_302 = tpu.vector_load %arg18[%parallel_loop3A_300, %parallel_loop3A_301] {strides = array<i32>} : memref<40x128xf32, #tpu.memory_space<vmem>>, vector<1x16xf32>,
        %parallel_loop3A_303 = vector.shape_cast %parallel_loop3A_302 : vector<1x16xf32> to vector<16xf32>
        %parallel_loop3A_304 = vector.shape_cast %parallel_loop3A_299 : vector<16xf32> to vector<1x16xf32>
        tpu.vector_store %arg18[%parallel_loop3A_300, %parallel_loop3A_301], %parallel_loop3A_304 {strides = array<i32>} : memref<40x128xf32, #tpu.memory_space<vmem>>, vector<1x16xf32>,
        %parallel_loop3A_305 = arith.index_cast %parallel_loop3A_270 : i32 to index
        %parallel_loop3A_306 = arith.constant 32 : index
        %parallel_loop3A_307 = tpu.vector_load %arg18[%parallel_loop3A_305, %parallel_loop3A_306] {strides = array<i32>} : memref<40x128xf32, #tpu.memory_space<vmem>>, vector<1x16xf32>,
        %parallel_loop3A_308 = vector.shape_cast %parallel_loop3A_307 : vector<1x16xf32> to vector<16xf32>
        %parallel_loop3A_309 = arith.index_cast %parallel_loop3A_270 : i32 to index
        %parallel_loop3A_310 = arith.constant 32 : index
        %parallel_loop3A_311 = tpu.vector_load %arg22[%parallel_loop3A_309, %parallel_loop3A_310] {strides = array<i32>} : memref<40x128xf32, #tpu.memory_space<vmem>>, vector<1x16xf32>,
        %parallel_loop3A_312 = vector.shape_cast %parallel_loop3A_311 : vector<1x16xf32> to vector<16xf32>
        %parallel_loop3A_313 = arith.addf %parallel_loop3A_308, %parallel_loop3A_312 : vector<16xf32>
        %parallel_loop3A_314 = arith.constant 0.000000e+00 : f32
        %parallel_loop3A_315 = vector.broadcast %parallel_loop3A_314 : f32 to vector<16xf32>
        %parallel_loop3A_316 = arith.maximumf %parallel_loop3A_313, %parallel_loop3A_315 : vector<16xf32>
        %parallel_loop3A_317 = arith.index_cast %parallel_loop3A_270 : i32 to index
        %parallel_loop3A_318 = arith.constant 32 : index
        %parallel_loop3A_319 = tpu.vector_load %arg18[%parallel_loop3A_317, %parallel_loop3A_318] {strides = array<i32>} : memref<40x128xf32, #tpu.memory_space<vmem>>, vector<1x16xf32>,
        %parallel_loop3A_320 = vector.shape_cast %parallel_loop3A_319 : vector<1x16xf32> to vector<16xf32>
        %parallel_loop3A_321 = vector.shape_cast %parallel_loop3A_316 : vector<16xf32> to vector<1x16xf32>
        tpu.vector_store %arg18[%parallel_loop3A_317, %parallel_loop3A_318], %parallel_loop3A_321 {strides = array<i32>} : memref<40x128xf32, #tpu.memory_space<vmem>>, vector<1x16xf32>,
        %parallel_loop3A_322 = arith.index_cast %parallel_loop3A_270 : i32 to index
        %parallel_loop3A_323 = arith.constant 48 : index
        %parallel_loop3A_324 = tpu.vector_load %arg18[%parallel_loop3A_322, %parallel_loop3A_323] {strides = array<i32>} : memref<40x128xf32, #tpu.memory_space<vmem>>, vector<1x16xf32>,
        %parallel_loop3A_325 = vector.shape_cast %parallel_loop3A_324 : vector<1x16xf32> to vector<16xf32>
        %parallel_loop3A_326 = arith.index_cast %parallel_loop3A_270 : i32 to index
        %parallel_loop3A_327 = arith.constant 48 : index
        %parallel_loop3A_328 = tpu.vector_load %arg22[%parallel_loop3A_326, %parallel_loop3A_327] {strides = array<i32>} : memref<40x128xf32, #tpu.memory_space<vmem>>, vector<1x16xf32>,
        %parallel_loop3A_329 = vector.shape_cast %parallel_loop3A_328 : vector<1x16xf32> to vector<16xf32>
        %parallel_loop3A_330 = arith.addf %parallel_loop3A_325, %parallel_loop3A_329 : vector<16xf32>
        %parallel_loop3A_331 = arith.constant 0.000000e+00 : f32
        %parallel_loop3A_332 = vector.broadcast %parallel_loop3A_331 : f32 to vector<16xf32>
        %parallel_loop3A_333 = arith.maximumf %parallel_loop3A_330, %parallel_loop3A_332 : vector<16xf32>
        %parallel_loop3A_334 = arith.index_cast %parallel_loop3A_270 : i32 to index
        %parallel_loop3A_335 = arith.constant 48 : index
        %parallel_loop3A_336 = tpu.vector_load %arg18[%parallel_loop3A_334, %parallel_loop3A_335] {strides = array<i32>} : memref<40x128xf32, #tpu.memory_space<vmem>>, vector<1x16xf32>,
        %parallel_loop3A_337 = vector.shape_cast %parallel_loop3A_336 : vector<1x16xf32> to vector<16xf32>
        %parallel_loop3A_338 = vector.shape_cast %parallel_loop3A_333 : vector<16xf32> to vector<1x16xf32>
        tpu.vector_store %arg18[%parallel_loop3A_334, %parallel_loop3A_335], %parallel_loop3A_338 {strides = array<i32>} : memref<40x128xf32, #tpu.memory_space<vmem>>, vector<1x16xf32>,
        %parallel_loop3A_339 = arith.index_cast %parallel_loop3A_270 : i32 to index
        %parallel_loop3A_340 = arith.constant 64 : index
        %parallel_loop3A_341 = tpu.vector_load %arg18[%parallel_loop3A_339, %parallel_loop3A_340] {strides = array<i32>} : memref<40x128xf32, #tpu.memory_space<vmem>>, vector<1x16xf32>,
        %parallel_loop3A_342 = vector.shape_cast %parallel_loop3A_341 : vector<1x16xf32> to vector<16xf32>
        %parallel_loop3A_343 = arith.index_cast %parallel_loop3A_270 : i32 to index
        %parallel_loop3A_344 = arith.constant 64 : index
        %parallel_loop3A_345 = tpu.vector_load %arg22[%parallel_loop3A_343, %parallel_loop3A_344] {strides = array<i32>} : memref<40x128xf32, #tpu.memory_space<vmem>>, vector<1x16xf32>,
        %parallel_loop3A_346 = vector.shape_cast %parallel_loop3A_345 : vector<1x16xf32> to vector<16xf32>
        %parallel_loop3A_347 = arith.addf %parallel_loop3A_342, %parallel_loop3A_346 : vector<16xf32>
        %parallel_loop3A_348 = arith.constant 0.000000e+00 : f32
        %parallel_loop3A_349 = vector.broadcast %parallel_loop3A_348 : f32 to vector<16xf32>
        %parallel_loop3A_350 = arith.maximumf %parallel_loop3A_347, %parallel_loop3A_349 : vector<16xf32>
        %parallel_loop3A_351 = arith.index_cast %parallel_loop3A_270 : i32 to index
        %parallel_loop3A_352 = arith.constant 64 : index
        %parallel_loop3A_353 = tpu.vector_load %arg18[%parallel_loop3A_351, %parallel_loop3A_352] {strides = array<i32>} : memref<40x128xf32, #tpu.memory_space<vmem>>, vector<1x16xf32>,
        %parallel_loop3A_354 = vector.shape_cast %parallel_loop3A_353 : vector<1x16xf32> to vector<16xf32>
        %parallel_loop3A_355 = vector.shape_cast %parallel_loop3A_350 : vector<16xf32> to vector<1x16xf32>
        tpu.vector_store %arg18[%parallel_loop3A_351, %parallel_loop3A_352], %parallel_loop3A_355 {strides = array<i32>} : memref<40x128xf32, #tpu.memory_space<vmem>>, vector<1x16xf32>,
        %parallel_loop3A_356 = arith.index_cast %parallel_loop3A_270 : i32 to index
        %parallel_loop3A_357 = arith.constant 80 : index
        %parallel_loop3A_358 = tpu.vector_load %arg18[%parallel_loop3A_356, %parallel_loop3A_357] {strides = array<i32>} : memref<40x128xf32, #tpu.memory_space<vmem>>, vector<1x16xf32>,
        %parallel_loop3A_359 = vector.shape_cast %parallel_loop3A_358 : vector<1x16xf32> to vector<16xf32>
        %parallel_loop3A_360 = arith.index_cast %parallel_loop3A_270 : i32 to index
        %parallel_loop3A_361 = arith.constant 80 : index
        %parallel_loop3A_362 = tpu.vector_load %arg22[%parallel_loop3A_360, %parallel_loop3A_361] {strides = array<i32>} : memref<40x128xf32, #tpu.memory_space<vmem>>, vector<1x16xf32>,
        %parallel_loop3A_363 = vector.shape_cast %parallel_loop3A_362 : vector<1x16xf32> to vector<16xf32>
        %parallel_loop3A_364 = arith.addf %parallel_loop3A_359, %parallel_loop3A_363 : vector<16xf32>
        %parallel_loop3A_365 = arith.constant 0.000000e+00 : f32
        %parallel_loop3A_366 = vector.broadcast %parallel_loop3A_365 : f32 to vector<16xf32>
        %parallel_loop3A_367 = arith.maximumf %parallel_loop3A_364, %parallel_loop3A_366 : vector<16xf32>
        %parallel_loop3A_368 = arith.index_cast %parallel_loop3A_270 : i32 to index
        %parallel_loop3A_369 = arith.constant 80 : index
        %parallel_loop3A_370 = tpu.vector_load %arg18[%parallel_loop3A_368, %parallel_loop3A_369] {strides = array<i32>} : memref<40x128xf32, #tpu.memory_space<vmem>>, vector<1x16xf32>,
        %parallel_loop3A_371 = vector.shape_cast %parallel_loop3A_370 : vector<1x16xf32> to vector<16xf32>
        %parallel_loop3A_372 = vector.shape_cast %parallel_loop3A_367 : vector<16xf32> to vector<1x16xf32>
        tpu.vector_store %arg18[%parallel_loop3A_368, %parallel_loop3A_369], %parallel_loop3A_372 {strides = array<i32>} : memref<40x128xf32, #tpu.memory_space<vmem>>, vector<1x16xf32>,
        %parallel_loop3A_373 = arith.index_cast %parallel_loop3A_270 : i32 to index
        %parallel_loop3A_374 = arith.constant 96 : index
        %parallel_loop3A_375 = tpu.vector_load %arg18[%parallel_loop3A_373, %parallel_loop3A_374] {strides = array<i32>} : memref<40x128xf32, #tpu.memory_space<vmem>>, vector<1x16xf32>,
        %parallel_loop3A_376 = vector.shape_cast %parallel_loop3A_375 : vector<1x16xf32> to vector<16xf32>
        %parallel_loop3A_377 = arith.index_cast %parallel_loop3A_270 : i32 to index
        %parallel_loop3A_378 = arith.constant 96 : index
        %parallel_loop3A_379 = tpu.vector_load %arg22[%parallel_loop3A_377, %parallel_loop3A_378] {strides = array<i32>} : memref<40x128xf32, #tpu.memory_space<vmem>>, vector<1x16xf32>,
        %parallel_loop3A_380 = vector.shape_cast %parallel_loop3A_379 : vector<1x16xf32> to vector<16xf32>
        %parallel_loop3A_381 = arith.addf %parallel_loop3A_376, %parallel_loop3A_380 : vector<16xf32>
        %parallel_loop3A_382 = arith.constant 0.000000e+00 : f32
        %parallel_loop3A_383 = vector.broadcast %parallel_loop3A_382 : f32 to vector<16xf32>
        %parallel_loop3A_384 = arith.maximumf %parallel_loop3A_381, %parallel_loop3A_383 : vector<16xf32>
        %parallel_loop3A_385 = arith.index_cast %parallel_loop3A_270 : i32 to index
        %parallel_loop3A_386 = arith.constant 96 : index
        %parallel_loop3A_387 = tpu.vector_load %arg18[%parallel_loop3A_385, %parallel_loop3A_386] {strides = array<i32>} : memref<40x128xf32, #tpu.memory_space<vmem>>, vector<1x16xf32>,
        %parallel_loop3A_388 = vector.shape_cast %parallel_loop3A_387 : vector<1x16xf32> to vector<16xf32>
        %parallel_loop3A_389 = vector.shape_cast %parallel_loop3A_384 : vector<16xf32> to vector<1x16xf32>
        tpu.vector_store %arg18[%parallel_loop3A_385, %parallel_loop3A_386], %parallel_loop3A_389 {strides = array<i32>} : memref<40x128xf32, #tpu.memory_space<vmem>>, vector<1x16xf32>,
        %parallel_loop3A_390 = arith.index_cast %parallel_loop3A_270 : i32 to index
        %parallel_loop3A_391 = arith.constant 112 : index
        %parallel_loop3A_392 = tpu.vector_load %arg18[%parallel_loop3A_390, %parallel_loop3A_391] {strides = array<i32>} : memref<40x128xf32, #tpu.memory_space<vmem>>, vector<1x16xf32>,
        %parallel_loop3A_393 = vector.shape_cast %parallel_loop3A_392 : vector<1x16xf32> to vector<16xf32>
        %parallel_loop3A_394 = arith.index_cast %parallel_loop3A_270 : i32 to index
        %parallel_loop3A_395 = arith.constant 112 : index
        %parallel_loop3A_396 = tpu.vector_load %arg22[%parallel_loop3A_394, %parallel_loop3A_395] {strides = array<i32>} : memref<40x128xf32, #tpu.memory_space<vmem>>, vector<1x16xf32>,
        %parallel_loop3A_397 = vector.shape_cast %parallel_loop3A_396 : vector<1x16xf32> to vector<16xf32>
        %parallel_loop3A_398 = arith.addf %parallel_loop3A_393, %parallel_loop3A_397 : vector<16xf32>
        %parallel_loop3A_399 = arith.constant 0.000000e+00 : f32
        %parallel_loop3A_400 = vector.broadcast %parallel_loop3A_399 : f32 to vector<16xf32>
        %parallel_loop3A_401 = arith.maximumf %parallel_loop3A_398, %parallel_loop3A_400 : vector<16xf32>
        %parallel_loop3A_402 = arith.index_cast %parallel_loop3A_270 : i32 to index
        %parallel_loop3A_403 = arith.constant 112 : index
        %parallel_loop3A_404 = tpu.vector_load %arg18[%parallel_loop3A_402, %parallel_loop3A_403] {strides = array<i32>} : memref<40x128xf32, #tpu.memory_space<vmem>>, vector<1x16xf32>,
        %parallel_loop3A_405 = vector.shape_cast %parallel_loop3A_404 : vector<1x16xf32> to vector<16xf32>
        %parallel_loop3A_406 = vector.shape_cast %parallel_loop3A_401 : vector<16xf32> to vector<1x16xf32>
        tpu.vector_store %arg18[%parallel_loop3A_402, %parallel_loop3A_403], %parallel_loop3A_406 {strides = array<i32>} : memref<40x128xf32, #tpu.memory_space<vmem>>, vector<1x16xf32>,
      } {sc.loop_unroll_factor = 1 : i64, sc.parallel_access}
      %dma_start3A_267 = arith.constant 0 : i32
      %dma_start3A_268 = arith.constant 0 : i32
      %dma_start3A_269 = tpu.memref_slice %arg23[%dma_start3A_267, %dma_start3A_268] : memref<10112x128xf32, #tpu.memory_space<vmem_shared>> -> memref<10112x128xf32, #tpu.memory_space<vmem_shared>>
      tpu.enqueue_indirect_dma source(%arg18 : memref<40x128xf32, #tpu.memory_space<vmem>>) target(%dma_start3A_269 : memref<10112x128xf32, #tpu.memory_space<vmem_shared>>) offsets(%arg14 : memref<40xi32, #tpu.memory_space<vmem>>) semaphore(%arg43 : memref<!tpu.dma_semaphore, #tpu.memory_space<semaphore_mem>>) {add = true}
    }
    %scan3A_94 = arith.constant 64 : i32
    %dma_wait3A_95 = arith.constant 0 : i32
    %dma_wait3A_96 = arith.constant 0 : i32
    %dma_wait3A_97 = tpu.memref_slice %arg23[%dma_wait3A_95, %dma_wait3A_96] : memref<10112x128xf32, #tpu.memory_space<vmem_shared>> -> memref<10112x128xf32, #tpu.memory_space<vmem_shared>>
    tpu.wait_indirect_dma semaphore(%arg43 : memref<!tpu.dma_semaphore, #tpu.memory_space<semaphore_mem>>) src(%arg18 : memref<40x128xf32, #tpu.memory_space<vmem>>) dst(%dma_wait3A_97 : memref<10112x128xf32, #tpu.memory_space<vmem_shared>>)
    %barrier3A_98 = arith.constant 0 : index
    tpu.barrier barrier_id(%barrier3A_98)
    "tpu.region"() ({
      %run_scoped3A = tpu.sem_alloc : memref<!tpu.dma_semaphore, #tpu.memory_space<semaphore_mem>>
      %dma_start3A_99 = arith.constant 0 : i32
      %dma_start3A_100 = tpu.memref_slice %arg6[%arg0, %mul3A_90, %dma_start3A_99] : memref<2x10112x128xf32, #tpu.memory_space<hbm>> -> memref<1x632x128xf32, #tpu.memory_space<hbm>>
      %dma_start3A_101 = tpu.memref_squeeze %dma_start3A_100 : memref<1x632x128xf32, #tpu.memory_space<hbm>> -> memref<632x128xf32, #tpu.memory_space<hbm>>
      %dma_start3A_102 = arith.constant 0 : i32
      %dma_start3A_103 = tpu.memref_slice %arg23[%mul3A_90, %dma_start3A_102] : memref<10112x128xf32, #tpu.memory_space<vmem_shared>> -> memref<632x128xf32, #tpu.memory_space<vmem_shared>>
      tpu.enqueue_dma source(%dma_start3A_103 : memref<632x128xf32, #tpu.memory_space<vmem_shared>>) target(%dma_start3A_101 : memref<632x128xf32, #tpu.memory_space<hbm>>) target_semaphore(%run_scoped3A : memref<!tpu.dma_semaphore, #tpu.memory_space<semaphore_mem>>)
      %dma_wait3A_104 = arith.constant 0 : i32
      %dma_wait3A_105 = tpu.memref_slice %arg6[%arg0, %mul3A_90, %dma_wait3A_104] : memref<2x10112x128xf32, #tpu.memory_space<hbm>> -> memref<1x632x128xf32, #tpu.memory_space<hbm>>
      %dma_wait3A_106 = tpu.memref_squeeze %dma_wait3A_105 : memref<1x632x128xf32, #tpu.memory_space<hbm>> -> memref<632x128xf32, #tpu.memory_space<hbm>>
      %dma_wait3A_107 = arith.constant 0 : i32
      %dma_wait3A_108 = tpu.memref_slice %arg23[%mul3A_90, %dma_wait3A_107] : memref<10112x128xf32, #tpu.memory_space<vmem_shared>> -> memref<632x128xf32, #tpu.memory_space<vmem_shared>>
      tpu.wait_dma2 semaphore(%run_scoped3A : memref<!tpu.dma_semaphore, #tpu.memory_space<semaphore_mem>>) src(%dma_wait3A_108 : memref<632x128xf32, #tpu.memory_space<vmem_shared>>) dst(%dma_wait3A_106 : memref<632x128xf32, #tpu.memory_space<hbm>>)
      tpu.yield
    }) : () -> ()
    return
  }
}

#map = affine_map<(d0, d1) -> (0, 0)>
#map1 = affine_map<(d0, d1) -> (0, 0, 0, 0)>
#map2 = affine_map<(d0, d1) -> (0, 0, 0)>
module attributes {stable_mosaic.version = 14 : i64} {
  func.func @k(%arg0: i32, %arg1: i32, %arg2: memref<10000x128xf32, #tpu.memory_space<hbm>>, %arg3: memref<327680x128xf32, #tpu.memory_space<hbm>>, %arg4: memref<32x256x2x40xi32, #tpu.memory_space<hbm>>, %arg5: memref<10112x128xf32, #tpu.memory_space<hbm>>, %arg6: memref<2x10112x128xf32, #tpu.memory_space<hbm>>, %arg7: memref<40xi32, #tpu.memory_space<vmem>>, %arg8: memref<40xi32, #tpu.memory_space<vmem>>, %arg9: memref<40xi32, #tpu.memory_space<vmem>>, %arg10: memref<40xi32, #tpu.memory_space<vmem>>, %arg11: memref<40xi32, #tpu.memory_space<vmem>>, %arg12: memref<40xi32, #tpu.memory_space<vmem>>, %arg13: memref<40xi32, #tpu.memory_space<vmem>>, %arg14: memref<40xi32, #tpu.memory_space<vmem>>, %arg15: memref<40x128xf32, #tpu.memory_space<vmem>>, %arg16: memref<40x128xf32, #tpu.memory_space<vmem>>, %arg17: memref<40x128xf32, #tpu.memory_space<vmem>>, %arg18: memref<40x128xf32, #tpu.memory_space<vmem>>, %arg19: memref<40x128xf32, #tpu.memory_space<vmem>>, %arg20: memref<40x128xf32, #tpu.memory_space<vmem>>, %arg21: memref<40x128xf32, #tpu.memory_space<vmem>>, %arg22: memref<40x128xf32, #tpu.memory_space<vmem>>, %arg23: memref<10112x128xf32, #tpu.memory_space<vmem_shared>>, %arg24: memref<!tpu.dma_semaphore, #tpu.memory_space<semaphore_mem>>, %arg25: memref<!tpu.dma_semaphore, #tpu.memory_space<semaphore_mem>>, %arg26: memref<!tpu.dma_semaphore, #tpu.memory_space<semaphore_mem>>, %arg27: memref<!tpu.dma_semaphore, #tpu.memory_space<semaphore_mem>>, %arg28: memref<!tpu.dma_semaphore, #tpu.memory_space<semaphore_mem>>, %arg29: memref<!tpu.dma_semaphore, #tpu.memory_space<semaphore_mem>>, %arg30: memref<!tpu.dma_semaphore, #tpu.memory_space<semaphore_mem>>, %arg31: memref<!tpu.dma_semaphore, #tpu.memory_space<semaphore_mem>>, %arg32: memref<!tpu.dma_semaphore, #tpu.memory_space<semaphore_mem>>, %arg33: memref<!tpu.dma_semaphore, #tpu.memory_space<semaphore_mem>>, %arg34: memref<!tpu.dma_semaphore, #tpu.memory_space<semaphore_mem>>, %arg35: memref<!tpu.dma_semaphore, #tpu.memory_space<semaphore_mem>>, %arg36: memref<!tpu.dma_semaphore, #tpu.memory_space<semaphore_mem>>, %arg37: memref<!tpu.dma_semaphore, #tpu.memory_space<semaphore_mem>>, %arg38: memref<!tpu.dma_semaphore, #tpu.memory_space<semaphore_mem>>, %arg39: memref<!tpu.dma_semaphore, #tpu.memory_space<semaphore_mem>>, %arg40: memref<!tpu.dma_semaphore, #tpu.memory_space<semaphore_mem>>, %arg41: memref<!tpu.dma_semaphore, #tpu.memory_space<semaphore_mem>>, %arg42: memref<!tpu.dma_semaphore, #tpu.memory_space<semaphore_mem>>, %arg43: memref<!tpu.dma_semaphore, #tpu.memory_space<semaphore_mem>>) attributes {dimension_semantics = [#tpu.dimension_semantics<core_parallel>, #tpu.dimension_semantics<subcore_parallel>], iteration_bounds = array<i64: 2, 16>, scalar_prefetch = 0 : i64, scratch_operands = 37 : i64, tpu.core_type = #tpu.core_type<sc_vector_subcore>, window_params = [{transform_indices = #map}, {transform_indices = #map}, {transform_indices = #map1}, {transform_indices = #map}, {transform_indices = #map2}]} {
    %mul3A = arith.constant 16 : i32
    %mul3A_0 = arith.muli %arg0, %mul3A : i32
    %add3A = arith.addi %mul3A_0, %arg1 : i32
    %mul3A_1 = arith.constant 10240 : i32
    %mul3A_2 = arith.muli %add3A, %mul3A_1 : i32
    %dma_start3A = arith.constant 0 : i32
    %dma_start3A_3 = arith.constant 0 : i32
    %dma_start3A_4 = arith.constant 0 : i32
    %dma_start3A_5 = tpu.memref_slice %arg4[%add3A, %dma_start3A, %dma_start3A_3, %dma_start3A_4] : memref<32x256x2x40xi32, #tpu.memory_space<hbm>> -> memref<1x1x1x40xi32, #tpu.memory_space<hbm>>
    %dma_start3A_6 = tpu.memref_squeeze %dma_start3A_5 : memref<1x1x1x40xi32, #tpu.memory_space<hbm>> -> memref<40xi32, #tpu.memory_space<hbm>>
    %dma_start3A_7 = arith.constant 0 : i32
    %dma_start3A_8 = tpu.memref_slice %arg4[%add3A, %dma_start3A, %dma_start3A_3, %dma_start3A_7] : memref<32x256x2x40xi32, #tpu.memory_space<hbm>> -> memref<1x1x1x40xi32, #tpu.memory_space<hbm>>
    %dma_start3A_9 = tpu.memref_squeeze %dma_start3A_8 : memref<1x1x1x40xi32, #tpu.memory_space<hbm>> -> memref<40xi32, #tpu.memory_space<hbm>>
    tpu.enqueue_dma source(%dma_start3A_9 : memref<40xi32, #tpu.memory_space<hbm>>) target(%arg7 : memref<40xi32, #tpu.memory_space<vmem>>) target_semaphore(%arg24 : memref<!tpu.dma_semaphore, #tpu.memory_space<semaphore_mem>>)
    %dma_start3A_10 = arith.constant 0 : i32
    %dma_start3A_11 = arith.constant 1 : i32
    %dma_start3A_12 = arith.constant 0 : i32
    %dma_start3A_13 = tpu.memref_slice %arg4[%add3A, %dma_start3A_10, %dma_start3A_11, %dma_start3A_12] : memref<32x256x2x40xi32, #tpu.memory_space<hbm>> -> memref<1x1x1x40xi32, #tpu.memory_space<hbm>>
    %dma_start3A_14 = tpu.memref_squeeze %dma_start3A_13 : memref<1x1x1x40xi32, #tpu.memory_space<hbm>> -> memref<40xi32, #tpu.memory_space<hbm>>
    %dma_start3A_15 = arith.constant 0 : i32
    %dma_start3A_16 = tpu.memref_slice %arg4[%add3A, %dma_start3A_10, %dma_start3A_11, %dma_start3A_15] : memref<32x256x2x40xi32, #tpu.memory_space<hbm>> -> memref<1x1x1x40xi32, #tpu.memory_space<hbm>>
    %dma_start3A_17 = tpu.memref_squeeze %dma_start3A_16 : memref<1x1x1x40xi32, #tpu.memory_space<hbm>> -> memref<40xi32, #tpu.memory_space<hbm>>
    tpu.enqueue_dma source(%dma_start3A_17 : memref<40xi32, #tpu.memory_space<hbm>>) target(%arg11 : memref<40xi32, #tpu.memory_space<vmem>>) target_semaphore(%arg28 : memref<!tpu.dma_semaphore, #tpu.memory_space<semaphore_mem>>)
    %add3A_18 = arith.constant 0 : i32
    %add3A_19 = arith.addi %mul3A_2, %add3A_18 : i32
    %dma_start3A_20 = arith.constant 0 : i32
    %dma_start3A_21 = tpu.memref_slice %arg3[%add3A_19, %dma_start3A_20] : memref<327680x128xf32, #tpu.memory_space<hbm>> -> memref<40x128xf32, #tpu.memory_space<hbm>>
    %dma_start3A_22 = arith.constant 0 : i32
    %dma_start3A_23 = tpu.memref_slice %arg3[%add3A_19, %dma_start3A_22] : memref<327680x128xf32, #tpu.memory_space<hbm>> -> memref<40x128xf32, #tpu.memory_space<hbm>>
    tpu.enqueue_dma source(%dma_start3A_23 : memref<40x128xf32, #tpu.memory_space<hbm>>) target(%arg19 : memref<40x128xf32, #tpu.memory_space<vmem>>) target_semaphore(%arg32 : memref<!tpu.dma_semaphore, #tpu.memory_space<semaphore_mem>>)
    %dma_start3A_24 = arith.constant 1 : i32
    %dma_start3A_25 = arith.constant 0 : i32
    %dma_start3A_26 = arith.constant 0 : i32
    %dma_start3A_27 = tpu.memref_slice %arg4[%add3A, %dma_start3A_24, %dma_start3A_25, %dma_start3A_26] : memref<32x256x2x40xi32, #tpu.memory_space<hbm>> -> memref<1x1x1x40xi32, #tpu.memory_space<hbm>>
    %dma_start3A_28 = tpu.memref_squeeze %dma_start3A_27 : memref<1x1x1x40xi32, #tpu.memory_space<hbm>> -> memref<40xi32, #tpu.memory_space<hbm>>
    %dma_start3A_29 = arith.constant 0 : i32
    %dma_start3A_30 = tpu.memref_slice %arg4[%add3A, %dma_start3A_24, %dma_start3A_25, %dma_start3A_29] : memref<32x256x2x40xi32, #tpu.memory_space<hbm>> -> memref<1x1x1x40xi32, #tpu.memory_space<hbm>>
    %dma_start3A_31 = tpu.memref_squeeze %dma_start3A_30 : memref<1x1x1x40xi32, #tpu.memory_space<hbm>> -> memref<40xi32, #tpu.memory_space<hbm>>
    tpu.enqueue_dma source(%dma_start3A_31 : memref<40xi32, #tpu.memory_space<hbm>>) target(%arg8 : memref<40xi32, #tpu.memory_space<vmem>>) target_semaphore(%arg25 : memref<!tpu.dma_semaphore, #tpu.memory_space<semaphore_mem>>)
    %dma_start3A_32 = arith.constant 1 : i32
    %dma_start3A_33 = arith.constant 1 : i32
    %dma_start3A_34 = arith.constant 0 : i32
    %dma_start3A_35 = tpu.memref_slice %arg4[%add3A, %dma_start3A_32, %dma_start3A_33, %dma_start3A_34] : memref<32x256x2x40xi32, #tpu.memory_space<hbm>> -> memref<1x1x1x40xi32, #tpu.memory_space<hbm>>
    %dma_start3A_36 = tpu.memref_squeeze %dma_start3A_35 : memref<1x1x1x40xi32, #tpu.memory_space<hbm>> -> memref<40xi32, #tpu.memory_space<hbm>>
    %dma_start3A_37 = arith.constant 0 : i32
    %dma_start3A_38 = tpu.memref_slice %arg4[%add3A, %dma_start3A_32, %dma_start3A_33, %dma_start3A_37] : memref<32x256x2x40xi32, #tpu.memory_space<hbm>> -> memref<1x1x1x40xi32, #tpu.memory_space<hbm>>
    %dma_start3A_39 = tpu.memref_squeeze %dma_start3A_38 : memref<1x1x1x40xi32, #tpu.memory_space<hbm>> -> memref<40xi32, #tpu.memory_space<hbm>>
    tpu.enqueue_dma source(%dma_start3A_39 : memref<40xi32, #tpu.memory_space<hbm>>) target(%arg12 : memref<40xi32, #tpu.memory_space<vmem>>) target_semaphore(%arg29 : memref<!tpu.dma_semaphore, #tpu.memory_space<semaphore_mem>>)
    %add3A_40 = arith.constant 40 : i32
    %add3A_41 = arith.addi %mul3A_2, %add3A_40 : i32
    %dma_start3A_42 = arith.constant 0 : i32
    %dma_start3A_43 = tpu.memref_slice %arg3[%add3A_41, %dma_start3A_42] : memref<327680x128xf32, #tpu.memory_space<hbm>> -> memref<40x128xf32, #tpu.memory_space<hbm>>
    %dma_start3A_44 = arith.constant 0 : i32
    %dma_start3A_45 = tpu.memref_slice %arg3[%add3A_41, %dma_start3A_44] : memref<327680x128xf32, #tpu.memory_space<hbm>> -> memref<40x128xf32, #tpu.memory_space<hbm>>
    tpu.enqueue_dma source(%dma_start3A_45 : memref<40x128xf32, #tpu.memory_space<hbm>>) target(%arg20 : memref<40x128xf32, #tpu.memory_space<vmem>>) target_semaphore(%arg33 : memref<!tpu.dma_semaphore, #tpu.memory_space<semaphore_mem>>)
    %dma_start3A_46 = arith.constant 2 : i32
    %dma_start3A_47 = arith.constant 0 : i32
    %dma_start3A_48 = arith.constant 0 : i32
    %dma_start3A_49 = tpu.memref_slice %arg4[%add3A, %dma_start3A_46, %dma_start3A_47, %dma_start3A_48] : memref<32x256x2x40xi32, #tpu.memory_space<hbm>> -> memref<1x1x1x40xi32, #tpu.memory_space<hbm>>
    %dma_start3A_50 = tpu.memref_squeeze %dma_start3A_49 : memref<1x1x1x40xi32, #tpu.memory_space<hbm>> -> memref<40xi32, #tpu.memory_space<hbm>>
    %dma_start3A_51 = arith.constant 0 : i32
    %dma_start3A_52 = tpu.memref_slice %arg4[%add3A, %dma_start3A_46, %dma_start3A_47, %dma_start3A_51] : memref<32x256x2x40xi32, #tpu.memory_space<hbm>> -> memref<1x1x1x40xi32, #tpu.memory_space<hbm>>
    %dma_start3A_53 = tpu.memref_squeeze %dma_start3A_52 : memref<1x1x1x40xi32, #tpu.memory_space<hbm>> -> memref<40xi32, #tpu.memory_space<hbm>>
    tpu.enqueue_dma source(%dma_start3A_53 : memref<40xi32, #tpu.memory_space<hbm>>) target(%arg9 : memref<40xi32, #tpu.memory_space<vmem>>) target_semaphore(%arg26 : memref<!tpu.dma_semaphore, #tpu.memory_space<semaphore_mem>>)
    %dma_start3A_54 = arith.constant 2 : i32
    %dma_start3A_55 = arith.constant 1 : i32
    %dma_start3A_56 = arith.constant 0 : i32
    %dma_start3A_57 = tpu.memref_slice %arg4[%add3A, %dma_start3A_54, %dma_start3A_55, %dma_start3A_56] : memref<32x256x2x40xi32, #tpu.memory_space<hbm>> -> memref<1x1x1x40xi32, #tpu.memory_space<hbm>>
    %dma_start3A_58 = tpu.memref_squeeze %dma_start3A_57 : memref<1x1x1x40xi32, #tpu.memory_space<hbm>> -> memref<40xi32, #tpu.memory_space<hbm>>
    %dma_start3A_59 = arith.constant 0 : i32
    %dma_start3A_60 = tpu.memref_slice %arg4[%add3A, %dma_start3A_54, %dma_start3A_55, %dma_start3A_59] : memref<32x256x2x40xi32, #tpu.memory_space<hbm>> -> memref<1x1x1x40xi32, #tpu.memory_space<hbm>>
    %dma_start3A_61 = tpu.memref_squeeze %dma_start3A_60 : memref<1x1x1x40xi32, #tpu.memory_space<hbm>> -> memref<40xi32, #tpu.memory_space<hbm>>
    tpu.enqueue_dma source(%dma_start3A_61 : memref<40xi32, #tpu.memory_space<hbm>>) target(%arg13 : memref<40xi32, #tpu.memory_space<vmem>>) target_semaphore(%arg30 : memref<!tpu.dma_semaphore, #tpu.memory_space<semaphore_mem>>)
    %add3A_62 = arith.constant 80 : i32
    %add3A_63 = arith.addi %mul3A_2, %add3A_62 : i32
    %dma_start3A_64 = arith.constant 0 : i32
    %dma_start3A_65 = tpu.memref_slice %arg3[%add3A_63, %dma_start3A_64] : memref<327680x128xf32, #tpu.memory_space<hbm>> -> memref<40x128xf32, #tpu.memory_space<hbm>>
    %dma_start3A_66 = arith.constant 0 : i32
    %dma_start3A_67 = tpu.memref_slice %arg3[%add3A_63, %dma_start3A_66] : memref<327680x128xf32, #tpu.memory_space<hbm>> -> memref<40x128xf32, #tpu.memory_space<hbm>>
    tpu.enqueue_dma source(%dma_start3A_67 : memref<40x128xf32, #tpu.memory_space<hbm>>) target(%arg21 : memref<40x128xf32, #tpu.memory_space<vmem>>) target_semaphore(%arg34 : memref<!tpu.dma_semaphore, #tpu.memory_space<semaphore_mem>>)
    %dma_wait3A = arith.constant 0 : i32
    %dma_wait3A_68 = arith.constant 0 : i32
    %dma_wait3A_69 = arith.constant 0 : i32
    %dma_wait3A_70 = tpu.memref_slice %arg4[%add3A, %dma_wait3A, %dma_wait3A_68, %dma_wait3A_69] : memref<32x256x2x40xi32, #tpu.memory_space<hbm>> -> memref<1x1x1x40xi32, #tpu.memory_space<hbm>>
    %dma_wait3A_71 = tpu.memref_squeeze %dma_wait3A_70 : memref<1x1x1x40xi32, #tpu.memory_space<hbm>> -> memref<40xi32, #tpu.memory_space<hbm>>
    %dma_wait3A_72 = arith.constant 0 : i32
    %dma_wait3A_73 = tpu.memref_slice %arg4[%add3A, %dma_wait3A, %dma_wait3A_68, %dma_wait3A_72] : memref<32x256x2x40xi32, #tpu.memory_space<hbm>> -> memref<1x1x1x40xi32, #tpu.memory_space<hbm>>
    %dma_wait3A_74 = tpu.memref_squeeze %dma_wait3A_73 : memref<1x1x1x40xi32, #tpu.memory_space<hbm>> -> memref<40xi32, #tpu.memory_space<hbm>>
    tpu.wait_dma2 semaphore(%arg24 : memref<!tpu.dma_semaphore, #tpu.memory_space<semaphore_mem>>) src(%dma_wait3A_74 : memref<40xi32, #tpu.memory_space<hbm>>) dst(%arg7 : memref<40xi32, #tpu.memory_space<vmem>>)
    %dma_start3A_75 = arith.constant 0 : i32
    %dma_start3A_76 = arith.constant 0 : i32
    %dma_start3A_77 = tpu.memref_slice %arg2[%dma_start3A_75, %dma_start3A_76] : memref<10000x128xf32, #tpu.memory_space<hbm>> -> memref<10000x128xf32, #tpu.memory_space<hbm>>
    tpu.enqueue_indirect_dma source(%dma_start3A_77 : memref<10000x128xf32, #tpu.memory_space<hbm>>) target(%arg15 : memref<40x128xf32, #tpu.memory_space<vmem>>) offsets(%arg7 : memref<40xi32, #tpu.memory_space<vmem>>) semaphore(%arg36 : memref<!tpu.dma_semaphore, #tpu.memory_space<semaphore_mem>>)
    %dma_wait3A_78 = arith.constant 1 : i32
    %dma_wait3A_79 = arith.constant 0 : i32
    %dma_wait3A_80 = arith.constant 0 : i32
    %dma_wait3A_81 = tpu.memref_slice %arg4[%add3A, %dma_wait3A_78, %dma_wait3A_79, %dma_wait3A_80] : memref<32x256x2x40xi32, #tpu.memory_space<hbm>> -> memref<1x1x1x40xi32, #tpu.memory_space<hbm>>
    %dma_wait3A_82 = tpu.memref_squeeze %dma_wait3A_81 : memref<1x1x1x40xi32, #tpu.memory_space<hbm>> -> memref<40xi32, #tpu.memory_space<hbm>>
    %dma_wait3A_83 = arith.constant 0 : i32
    %dma_wait3A_84 = tpu.memref_slice %arg4[%add3A, %dma_wait3A_78, %dma_wait3A_79, %dma_wait3A_83] : memref<32x256x2x40xi32, #tpu.memory_space<hbm>> -> memref<1x1x1x40xi32, #tpu.memory_space<hbm>>
    %dma_wait3A_85 = tpu.memref_squeeze %dma_wait3A_84 : memref<1x1x1x40xi32, #tpu.memory_space<hbm>> -> memref<40xi32, #tpu.memory_space<hbm>>
    tpu.wait_dma2 semaphore(%arg25 : memref<!tpu.dma_semaphore, #tpu.memory_space<semaphore_mem>>) src(%dma_wait3A_85 : memref<40xi32, #tpu.memory_space<hbm>>) dst(%arg8 : memref<40xi32, #tpu.memory_space<vmem>>)
    %dma_start3A_86 = arith.constant 0 : i32
    %dma_start3A_87 = arith.constant 0 : i32
    %dma_start3A_88 = tpu.memref_slice %arg2[%dma_start3A_86, %dma_start3A_87] : memref<10000x128xf32, #tpu.memory_space<hbm>> -> memref<10000x128xf32, #tpu.memory_space<hbm>>
    tpu.enqueue_indirect_dma source(%dma_start3A_88 : memref<10000x128xf32, #tpu.memory_space<hbm>>) target(%arg16 : memref<40x128xf32, #tpu.memory_space<vmem>>) offsets(%arg8 : memref<40xi32, #tpu.memory_space<vmem>>) semaphore(%arg37 : memref<!tpu.dma_semaphore, #tpu.memory_space<semaphore_mem>>)
    %mul3A_89 = arith.constant 632 : i32
    %mul3A_90 = arith.muli %arg1, %mul3A_89 : i32
    "tpu.region"() ({
      %run_scoped3A = tpu.sem_alloc : memref<!tpu.dma_semaphore, #tpu.memory_space<semaphore_mem>>
      %dma_start3A_99 = arith.constant 0 : i32
      %dma_start3A_100 = tpu.memref_slice %arg23[%mul3A_90, %dma_start3A_99] : memref<10112x128xf32, #tpu.memory_space<vmem_shared>> -> memref<632x128xf32, #tpu.memory_space<vmem_shared>>
      %dma_start3A_101 = arith.constant 0 : i32
      %dma_start3A_102 = tpu.memref_slice %arg5[%mul3A_90, %dma_start3A_101] : memref<10112x128xf32, #tpu.memory_space<hbm>> -> memref<632x128xf32, #tpu.memory_space<hbm>>
      tpu.enqueue_dma source(%dma_start3A_102 : memref<632x128xf32, #tpu.memory_space<hbm>>) target(%dma_start3A_100 : memref<632x128xf32, #tpu.memory_space<vmem_shared>>) target_semaphore(%run_scoped3A : memref<!tpu.dma_semaphore, #tpu.memory_space<semaphore_mem>>)
      %dma_wait3A_103 = arith.constant 0 : i32
      %dma_wait3A_104 = tpu.memref_slice %arg23[%mul3A_90, %dma_wait3A_103] : memref<10112x128xf32, #tpu.memory_space<vmem_shared>> -> memref<632x128xf32, #tpu.memory_space<vmem_shared>>
      %dma_wait3A_105 = arith.constant 0 : i32
      %dma_wait3A_106 = tpu.memref_slice %arg5[%mul3A_90, %dma_wait3A_105] : memref<10112x128xf32, #tpu.memory_space<hbm>> -> memref<632x128xf32, #tpu.memory_space<hbm>>
      tpu.wait_dma2 semaphore(%run_scoped3A : memref<!tpu.dma_semaphore, #tpu.memory_space<semaphore_mem>>) src(%dma_wait3A_106 : memref<632x128xf32, #tpu.memory_space<hbm>>) dst(%dma_wait3A_104 : memref<632x128xf32, #tpu.memory_space<vmem_shared>>)
      tpu.yield
    }) : () -> ()
    %barrier3A = arith.constant 0 : index
    tpu.barrier barrier_id(%barrier3A)
    %scan3A = arith.constant 0 : i32
    %scan3A_91 = arith.constant 64 : i32
    %scan3A_92 = arith.addi %scan3A, %scan3A_91 : i32
    %scan3A_93 = arith.constant 1 : i32
    scf.for %scan3A_99 = %scan3A to %scan3A_92 step %scan3A_93  : i32 {
      %mul3A_100 = arith.constant 4 : i32
      %mul3A_101 = arith.muli %scan3A_99, %mul3A_100 : i32
      %add3A_102 = arith.constant 0 : i32
      %add3A_103 = arith.addi %add3A_102, %mul3A_101 : i32
      %add3A_104 = arith.constant 0 : i32
      %add3A_105 = arith.addi %add3A_103, %add3A_104 : i32
      %ge3A = arith.constant 1 : i32
      %ge3A_106 = arith.cmpi sge, %add3A_105, %ge3A : i32
      %convert_element_type3A = arith.extui %ge3A_106 : i1 to i32
      %cond3A = arith.constant 0 : i32
      %cond3A_107 = arith.cmpi ne, %convert_element_type3A, %cond3A : i32
      scf.if %cond3A_107 {
        %dma_wait3A_270 = arith.constant 0 : i32
        %dma_wait3A_271 = arith.constant 0 : i32
        %dma_wait3A_272 = tpu.memref_slice %arg23[%dma_wait3A_270, %dma_wait3A_271] : memref<10112x128xf32, #tpu.memory_space<vmem_shared>> -> memref<10112x128xf32, #tpu.memory_space<vmem_shared>>
        tpu.wait_indirect_dma semaphore(%arg43 : memref<!tpu.dma_semaphore, #tpu.memory_space<semaphore_mem>>) src(%arg18 : memref<40x128xf32, #tpu.memory_space<vmem>>) dst(%dma_wait3A_272 : memref<10112x128xf32, #tpu.memory_space<vmem_shared>>)
      } else {
      }
      %add3A_108 = arith.constant 4 : i32
      %add3A_109 = arith.addi %add3A_105, %add3A_108 : i32
      %sub3A = arith.constant 1 : i32
      %sub3A_110 = arith.subi %add3A_109, %sub3A : i32
      %lt3A = arith.constant 256 : i32
      %lt3A_111 = arith.cmpi slt, %sub3A_110, %lt3A : i32
      %convert_element_type3A_112 = arith.extui %lt3A_111 : i1 to i32
      %cond3A_113 = arith.constant 0 : i32
      %cond3A_114 = arith.cmpi ne, %convert_element_type3A_112, %cond3A_113 : i32
      scf.if %cond3A_114 {
        %add3A_270 = arith.constant 4 : i32
        %add3A_271 = arith.addi %add3A_105, %add3A_270 : i32
        %sub3A_272 = arith.constant 1 : i32
        %sub3A_273 = arith.subi %add3A_271, %sub3A_272 : i32
        %dma_start3A_274 = arith.constant 0 : i32
        %dma_start3A_275 = arith.constant 0 : i32
        %dma_start3A_276 = tpu.memref_slice %arg4[%add3A, %sub3A_273, %dma_start3A_274, %dma_start3A_275] : memref<32x256x2x40xi32, #tpu.memory_space<hbm>> -> memref<1x1x1x40xi32, #tpu.memory_space<hbm>>
        %dma_start3A_277 = tpu.memref_squeeze %dma_start3A_276 : memref<1x1x1x40xi32, #tpu.memory_space<hbm>> -> memref<40xi32, #tpu.memory_space<hbm>>
        %dma_start3A_278 = arith.constant 0 : i32
        %dma_start3A_279 = tpu.memref_slice %arg4[%add3A, %sub3A_273, %dma_start3A_274, %dma_start3A_278] : memref<32x256x2x40xi32, #tpu.memory_space<hbm>> -> memref<1x1x1x40xi32, #tpu.memory_space<hbm>>
        %dma_start3A_280 = tpu.memref_squeeze %dma_start3A_279 : memref<1x1x1x40xi32, #tpu.memory_space<hbm>> -> memref<40xi32, #tpu.memory_space<hbm>>
        tpu.enqueue_dma source(%dma_start3A_280 : memref<40xi32, #tpu.memory_space<hbm>>) target(%arg10 : memref<40xi32, #tpu.memory_space<vmem>>) target_semaphore(%arg27 : memref<!tpu.dma_semaphore, #tpu.memory_space<semaphore_mem>>)
        %dma_start3A_281 = arith.constant 1 : i32
        %dma_start3A_282 = arith.constant 0 : i32
        %dma_start3A_283 = tpu.memref_slice %arg4[%add3A, %sub3A_273, %dma_start3A_281, %dma_start3A_282] : memref<32x256x2x40xi32, #tpu.memory_space<hbm>> -> memref<1x1x1x40xi32, #tpu.memory_space<hbm>>
        %dma_start3A_284 = tpu.memref_squeeze %dma_start3A_283 : memref<1x1x1x40xi32, #tpu.memory_space<hbm>> -> memref<40xi32, #tpu.memory_space<hbm>>
        %dma_start3A_285 = arith.constant 0 : i32
        %dma_start3A_286 = tpu.memref_slice %arg4[%add3A, %sub3A_273, %dma_start3A_281, %dma_start3A_285] : memref<32x256x2x40xi32, #tpu.memory_space<hbm>> -> memref<1x1x1x40xi32, #tpu.memory_space<hbm>>
        %dma_start3A_287 = tpu.memref_squeeze %dma_start3A_286 : memref<1x1x1x40xi32, #tpu.memory_space<hbm>> -> memref<40xi32, #tpu.memory_space<hbm>>
        tpu.enqueue_dma source(%dma_start3A_287 : memref<40xi32, #tpu.memory_space<hbm>>) target(%arg14 : memref<40xi32, #tpu.memory_space<vmem>>) target_semaphore(%arg31 : memref<!tpu.dma_semaphore, #tpu.memory_space<semaphore_mem>>)
        %mul3A_288 = arith.constant 40 : i32
        %mul3A_289 = arith.muli %sub3A_273, %mul3A_288 : i32
        %add3A_290 = arith.addi %mul3A_2, %mul3A_289 : i32
        %dma_start3A_291 = arith.constant 0 : i32
        %dma_start3A_292 = tpu.memref_slice %arg3[%add3A_290, %dma_start3A_291] : memref<327680x128xf32, #tpu.memory_space<hbm>> -> memref<40x128xf32, #tpu.memory_space<hbm>>
        %dma_start3A_293 = arith.constant 0 : i32
        %dma_start3A_294 = tpu.memref_slice %arg3[%add3A_290, %dma_start3A_293] : memref<327680x128xf32, #tpu.memory_space<hbm>> -> memref<40x128xf32, #tpu.memory_space<hbm>>
        tpu.enqueue_dma source(%dma_start3A_294 : memref<40x128xf32, #tpu.memory_space<hbm>>) target(%arg22 : memref<40x128xf32, #tpu.memory_space<vmem>>) target_semaphore(%arg35 : memref<!tpu.dma_semaphore, #tpu.memory_space<semaphore_mem>>)
      } else {
      }
      %add3A_115 = arith.constant 2 : i32
      %add3A_116 = arith.addi %add3A_105, %add3A_115 : i32
      %lt3A_117 = arith.constant 256 : i32
      %lt3A_118 = arith.cmpi slt, %add3A_116, %lt3A_117 : i32
      %convert_element_type3A_119 = arith.extui %lt3A_118 : i1 to i32
      %cond3A_120 = arith.constant 0 : i32
      %cond3A_121 = arith.cmpi ne, %convert_element_type3A_119, %cond3A_120 : i32
      scf.if %cond3A_121 {
        %add3A_270 = arith.constant 2 : i32
        %add3A_271 = arith.addi %add3A_105, %add3A_270 : i32
        %dma_wait3A_272 = arith.constant 0 : i32
        %dma_wait3A_273 = arith.constant 0 : i32
        %dma_wait3A_274 = tpu.memref_slice %arg4[%add3A, %add3A_271, %dma_wait3A_272, %dma_wait3A_273] : memref<32x256x2x40xi32, #tpu.memory_space<hbm>> -> memref<1x1x1x40xi32, #tpu.memory_space<hbm>>
        %dma_wait3A_275 = tpu.memref_squeeze %dma_wait3A_274 : memref<1x1x1x40xi32, #tpu.memory_space<hbm>> -> memref<40xi32, #tpu.memory_space<hbm>>
        %dma_wait3A_276 = arith.constant 0 : i32
        %dma_wait3A_277 = tpu.memref_slice %arg4[%add3A, %add3A_271, %dma_wait3A_272, %dma_wait3A_276] : memref<32x256x2x40xi32, #tpu.memory_space<hbm>> -> memref<1x1x1x40xi32, #tpu.memory_space<hbm>>
        %dma_wait3A_278 = tpu.memref_squeeze %dma_wait3A_277 : memref<1x1x1x40xi32, #tpu.memory_space<hbm>> -> memref<40xi32, #tpu.memory_space<hbm>>
        tpu.wait_dma2 semaphore(%arg26 : memref<!tpu.dma_semaphore, #tpu.memory_space<semaphore_mem>>) src(%dma_wait3A_278 : memref<40xi32, #tpu.memory_space<hbm>>) dst(%arg9 : memref<40xi32, #tpu.memory_space<vmem>>)
        %dma_start3A_279 = arith.constant 0 : i32
        %dma_start3A_280 = arith.constant 0 : i32
        %dma_start3A_281 = tpu.memref_slice %arg2[%dma_start3A_279, %dma_start3A_280] : memref<10000x128xf32, #tpu.memory_space<hbm>> -> memref<10000x128xf32, #tpu.memory_space<hbm>>
        tpu.enqueue_indirect_dma source(%dma_start3A_281 : memref<10000x128xf32, #tpu.memory_space<hbm>>) target(%arg17 : memref<40x128xf32, #tpu.memory_space<vmem>>) offsets(%arg9 : memref<40xi32, #tpu.memory_space<vmem>>) semaphore(%arg38 : memref<!tpu.dma_semaphore, #tpu.memory_space<semaphore_mem>>)
      } else {
      }
      %dma_wait3A_122 = arith.constant 0 : i32
      %dma_wait3A_123 = tpu.memref_slice %arg3[%mul3A_2, %dma_wait3A_122] : memref<327680x128xf32, #tpu.memory_space<hbm>> -> memref<40x128xf32, #tpu.memory_space<hbm>>
      %dma_wait3A_124 = arith.constant 0 : i32
      %dma_wait3A_125 = tpu.memref_slice %arg3[%mul3A_2, %dma_wait3A_124] : memref<327680x128xf32, #tpu.memory_space<hbm>> -> memref<40x128xf32, #tpu.memory_space<hbm>>
      tpu.wait_dma2 semaphore(%arg32 : memref<!tpu.dma_semaphore, #tpu.memory_space<semaphore_mem>>) src(%dma_wait3A_125 : memref<40x128xf32, #tpu.memory_space<hbm>>) dst(%arg19 : memref<40x128xf32, #tpu.memory_space<vmem>>)
      %dma_wait3A_126 = arith.constant 1 : i32
      %dma_wait3A_127 = arith.constant 0 : i32
      %dma_wait3A_128 = tpu.memref_slice %arg4[%add3A, %add3A_105, %dma_wait3A_126, %dma_wait3A_127] : memref<32x256x2x40xi32, #tpu.memory_space<hbm>> -> memref<1x1x1x40xi32, #tpu.memory_space<hbm>>
      %dma_wait3A_129 = tpu.memref_squeeze %dma_wait3A_128 : memref<1x1x1x40xi32, #tpu.memory_space<hbm>> -> memref<40xi32, #tpu.memory_space<hbm>>
      %dma_wait3A_130 = arith.constant 0 : i32
      %dma_wait3A_131 = tpu.memref_slice %arg4[%add3A, %add3A_105, %dma_wait3A_126, %dma_wait3A_130] : memref<32x256x2x40xi32, #tpu.memory_space<hbm>> -> memref<1x1x1x40xi32, #tpu.memory_space<hbm>>
      %dma_wait3A_132 = tpu.memref_squeeze %dma_wait3A_131 : memref<1x1x1x40xi32, #tpu.memory_space<hbm>> -> memref<40xi32, #tpu.memory_space<hbm>>
      tpu.wait_dma2 semaphore(%arg28 : memref<!tpu.dma_semaphore, #tpu.memory_space<semaphore_mem>>) src(%dma_wait3A_132 : memref<40xi32, #tpu.memory_space<hbm>>) dst(%arg11 : memref<40xi32, #tpu.memory_space<vmem>>)
      %dma_wait3A_133 = arith.constant 0 : i32
      %dma_wait3A_134 = arith.constant 0 : i32
      %dma_wait3A_135 = tpu.memref_slice %arg2[%dma_wait3A_133, %dma_wait3A_134] : memref<10000x128xf32, #tpu.memory_space<hbm>> -> memref<10000x128xf32, #tpu.memory_space<hbm>>
      tpu.wait_indirect_dma semaphore(%arg36 : memref<!tpu.dma_semaphore, #tpu.memory_space<semaphore_mem>>) src(%dma_wait3A_135 : memref<10000x128xf32, #tpu.memory_space<hbm>>) dst(%arg15 : memref<40x128xf32, #tpu.memory_space<vmem>>)
      %parallel_loop3A = arith.constant 0 : i32
      %parallel_loop3A_136 = arith.constant 40 : i32
      %parallel_loop3A_137 = arith.constant 1 : i32
      scf.for %parallel_loop3A_270 = %parallel_loop3A to %parallel_loop3A_136 step %parallel_loop3A_137  : i32 {
        %parallel_loop3A_271 = arith.index_cast %parallel_loop3A_270 : i32 to index
        %parallel_loop3A_272 = arith.constant 0 : index
        %parallel_loop3A_273 = tpu.vector_load %arg15[%parallel_loop3A_271, %parallel_loop3A_272] {strides = array<i32>} : memref<40x128xf32, #tpu.memory_space<vmem>>, vector<1x16xf32>,
        %parallel_loop3A_274 = vector.shape_cast %parallel_loop3A_273 : vector<1x16xf32> to vector<16xf32>
        %parallel_loop3A_275 = arith.index_cast %parallel_loop3A_270 : i32 to index
        %parallel_loop3A_276 = arith.constant 0 : index
        %parallel_loop3A_277 = tpu.vector_load %arg19[%parallel_loop3A_275, %parallel_loop3A_276] {strides = array<i32>} : memref<40x128xf32, #tpu.memory_space<vmem>>, vector<1x16xf32>,
        %parallel_loop3A_278 = vector.shape_cast %parallel_loop3A_277 : vector<1x16xf32> to vector<16xf32>
        %parallel_loop3A_279 = arith.addf %parallel_loop3A_274, %parallel_loop3A_278 : vector<16xf32>
        %parallel_loop3A_280 = arith.constant 0.000000e+00 : f32
        %parallel_loop3A_281 = vector.broadcast %parallel_loop3A_280 : f32 to vector<16xf32>
        %parallel_loop3A_282 = arith.maximumf %parallel_loop3A_279, %parallel_loop3A_281 : vector<16xf32>
        %parallel_loop3A_283 = arith.index_cast %parallel_loop3A_270 : i32 to index
        %parallel_loop3A_284 = arith.constant 0 : index
        %parallel_loop3A_285 = tpu.vector_load %arg15[%parallel_loop3A_283, %parallel_loop3A_284] {strides = array<i32>} : memref<40x128xf32, #tpu.memory_space<vmem>>, vector<1x16xf32>,
        %parallel_loop3A_286 = vector.shape_cast %parallel_loop3A_285 : vector<1x16xf32> to vector<16xf32>
        %parallel_loop3A_287 = vector.shape_cast %parallel_loop3A_282 : vector<16xf32> to vector<1x16xf32>
        tpu.vector_store %arg15[%parallel_loop3A_283, %parallel_loop3A_284], %parallel_loop3A_287 {strides = array<i32>} : memref<40x128xf32, #tpu.memory_space<vmem>>, vector<1x16xf32>,
        %parallel_loop3A_288 = arith.index_cast %parallel_loop3A_270 : i32 to index
        %parallel_loop3A_289 = arith.constant 16 : index
        %parallel_loop3A_290 = tpu.vector_load %arg15[%parallel_loop3A_288, %parallel_loop3A_289] {strides = array<i32>} : memref<40x128xf32, #tpu.memory_space<vmem>>, vector<1x16xf32>,
        %parallel_loop3A_291 = vector.shape_cast %parallel_loop3A_290 : vector<1x16xf32> to vector<16xf32>
        %parallel_loop3A_292 = arith.index_cast %parallel_loop3A_270 : i32 to index
        %parallel_loop3A_293 = arith.constant 16 : index
        %parallel_loop3A_294 = tpu.vector_load %arg19[%parallel_loop3A_292, %parallel_loop3A_293] {strides = array<i32>} : memref<40x128xf32, #tpu.memory_space<vmem>>, vector<1x16xf32>,
        %parallel_loop3A_295 = vector.shape_cast %parallel_loop3A_294 : vector<1x16xf32> to vector<16xf32>
        %parallel_loop3A_296 = arith.addf %parallel_loop3A_291, %parallel_loop3A_295 : vector<16xf32>
        %parallel_loop3A_297 = arith.constant 0.000000e+00 : f32
        %parallel_loop3A_298 = vector.broadcast %parallel_loop3A_297 : f32 to vector<16xf32>
        %parallel_loop3A_299 = arith.maximumf %parallel_loop3A_296, %parallel_loop3A_298 : vector<16xf32>
        %parallel_loop3A_300 = arith.index_cast %parallel_loop3A_270 : i32 to index
        %parallel_loop3A_301 = arith.constant 16 : index
        %parallel_loop3A_302 = tpu.vector_load %arg15[%parallel_loop3A_300, %parallel_loop3A_301] {strides = array<i32>} : memref<40x128xf32, #tpu.memory_space<vmem>>, vector<1x16xf32>,
        %parallel_loop3A_303 = vector.shape_cast %parallel_loop3A_302 : vector<1x16xf32> to vector<16xf32>
        %parallel_loop3A_304 = vector.shape_cast %parallel_loop3A_299 : vector<16xf32> to vector<1x16xf32>
        tpu.vector_store %arg15[%parallel_loop3A_300, %parallel_loop3A_301], %parallel_loop3A_304 {strides = array<i32>} : memref<40x128xf32, #tpu.memory_space<vmem>>, vector<1x16xf32>,
        %parallel_loop3A_305 = arith.index_cast %parallel_loop3A_270 : i32 to index
        %parallel_loop3A_306 = arith.constant 32 : index
        %parallel_loop3A_307 = tpu.vector_load %arg15[%parallel_loop3A_305, %parallel_loop3A_306] {strides = array<i32>} : memref<40x128xf32, #tpu.memory_space<vmem>>, vector<1x16xf32>,
        %parallel_loop3A_308 = vector.shape_cast %parallel_loop3A_307 : vector<1x16xf32> to vector<16xf32>
        %parallel_loop3A_309 = arith.index_cast %parallel_loop3A_270 : i32 to index
        %parallel_loop3A_310 = arith.constant 32 : index
        %parallel_loop3A_311 = tpu.vector_load %arg19[%parallel_loop3A_309, %parallel_loop3A_310] {strides = array<i32>} : memref<40x128xf32, #tpu.memory_space<vmem>>, vector<1x16xf32>,
        %parallel_loop3A_312 = vector.shape_cast %parallel_loop3A_311 : vector<1x16xf32> to vector<16xf32>
        %parallel_loop3A_313 = arith.addf %parallel_loop3A_308, %parallel_loop3A_312 : vector<16xf32>
        %parallel_loop3A_314 = arith.constant 0.000000e+00 : f32
        %parallel_loop3A_315 = vector.broadcast %parallel_loop3A_314 : f32 to vector<16xf32>
        %parallel_loop3A_316 = arith.maximumf %parallel_loop3A_313, %parallel_loop3A_315 : vector<16xf32>
        %parallel_loop3A_317 = arith.index_cast %parallel_loop3A_270 : i32 to index
        %parallel_loop3A_318 = arith.constant 32 : index
        %parallel_loop3A_319 = tpu.vector_load %arg15[%parallel_loop3A_317, %parallel_loop3A_318] {strides = array<i32>} : memref<40x128xf32, #tpu.memory_space<vmem>>, vector<1x16xf32>,
        %parallel_loop3A_320 = vector.shape_cast %parallel_loop3A_319 : vector<1x16xf32> to vector<16xf32>
        %parallel_loop3A_321 = vector.shape_cast %parallel_loop3A_316 : vector<16xf32> to vector<1x16xf32>
        tpu.vector_store %arg15[%parallel_loop3A_317, %parallel_loop3A_318], %parallel_loop3A_321 {strides = array<i32>} : memref<40x128xf32, #tpu.memory_space<vmem>>, vector<1x16xf32>,
        %parallel_loop3A_322 = arith.index_cast %parallel_loop3A_270 : i32 to index
        %parallel_loop3A_323 = arith.constant 48 : index
        %parallel_loop3A_324 = tpu.vector_load %arg15[%parallel_loop3A_322, %parallel_loop3A_323] {strides = array<i32>} : memref<40x128xf32, #tpu.memory_space<vmem>>, vector<1x16xf32>,
        %parallel_loop3A_325 = vector.shape_cast %parallel_loop3A_324 : vector<1x16xf32> to vector<16xf32>
        %parallel_loop3A_326 = arith.index_cast %parallel_loop3A_270 : i32 to index
        %parallel_loop3A_327 = arith.constant 48 : index
        %parallel_loop3A_328 = tpu.vector_load %arg19[%parallel_loop3A_326, %parallel_loop3A_327] {strides = array<i32>} : memref<40x128xf32, #tpu.memory_space<vmem>>, vector<1x16xf32>,
        %parallel_loop3A_329 = vector.shape_cast %parallel_loop3A_328 : vector<1x16xf32> to vector<16xf32>
        %parallel_loop3A_330 = arith.addf %parallel_loop3A_325, %parallel_loop3A_329 : vector<16xf32>
        %parallel_loop3A_331 = arith.constant 0.000000e+00 : f32
        %parallel_loop3A_332 = vector.broadcast %parallel_loop3A_331 : f32 to vector<16xf32>
        %parallel_loop3A_333 = arith.maximumf %parallel_loop3A_330, %parallel_loop3A_332 : vector<16xf32>
        %parallel_loop3A_334 = arith.index_cast %parallel_loop3A_270 : i32 to index
        %parallel_loop3A_335 = arith.constant 48 : index
        %parallel_loop3A_336 = tpu.vector_load %arg15[%parallel_loop3A_334, %parallel_loop3A_335] {strides = array<i32>} : memref<40x128xf32, #tpu.memory_space<vmem>>, vector<1x16xf32>,
        %parallel_loop3A_337 = vector.shape_cast %parallel_loop3A_336 : vector<1x16xf32> to vector<16xf32>
        %parallel_loop3A_338 = vector.shape_cast %parallel_loop3A_333 : vector<16xf32> to vector<1x16xf32>
        tpu.vector_store %arg15[%parallel_loop3A_334, %parallel_loop3A_335], %parallel_loop3A_338 {strides = array<i32>} : memref<40x128xf32, #tpu.memory_space<vmem>>, vector<1x16xf32>,
        %parallel_loop3A_339 = arith.index_cast %parallel_loop3A_270 : i32 to index
        %parallel_loop3A_340 = arith.constant 64 : index
        %parallel_loop3A_341 = tpu.vector_load %arg15[%parallel_loop3A_339, %parallel_loop3A_340] {strides = array<i32>} : memref<40x128xf32, #tpu.memory_space<vmem>>, vector<1x16xf32>,
        %parallel_loop3A_342 = vector.shape_cast %parallel_loop3A_341 : vector<1x16xf32> to vector<16xf32>
        %parallel_loop3A_343 = arith.index_cast %parallel_loop3A_270 : i32 to index
        %parallel_loop3A_344 = arith.constant 64 : index
        %parallel_loop3A_345 = tpu.vector_load %arg19[%parallel_loop3A_343, %parallel_loop3A_344] {strides = array<i32>} : memref<40x128xf32, #tpu.memory_space<vmem>>, vector<1x16xf32>,
        %parallel_loop3A_346 = vector.shape_cast %parallel_loop3A_345 : vector<1x16xf32> to vector<16xf32>
        %parallel_loop3A_347 = arith.addf %parallel_loop3A_342, %parallel_loop3A_346 : vector<16xf32>
        %parallel_loop3A_348 = arith.constant 0.000000e+00 : f32
        %parallel_loop3A_349 = vector.broadcast %parallel_loop3A_348 : f32 to vector<16xf32>
        %parallel_loop3A_350 = arith.maximumf %parallel_loop3A_347, %parallel_loop3A_349 : vector<16xf32>
        %parallel_loop3A_351 = arith.index_cast %parallel_loop3A_270 : i32 to index
        %parallel_loop3A_352 = arith.constant 64 : index
        %parallel_loop3A_353 = tpu.vector_load %arg15[%parallel_loop3A_351, %parallel_loop3A_352] {strides = array<i32>} : memref<40x128xf32, #tpu.memory_space<vmem>>, vector<1x16xf32>,
        %parallel_loop3A_354 = vector.shape_cast %parallel_loop3A_353 : vector<1x16xf32> to vector<16xf32>
        %parallel_loop3A_355 = vector.shape_cast %parallel_loop3A_350 : vector<16xf32> to vector<1x16xf32>
        tpu.vector_store %arg15[%parallel_loop3A_351, %parallel_loop3A_352], %parallel_loop3A_355 {strides = array<i32>} : memref<40x128xf32, #tpu.memory_space<vmem>>, vector<1x16xf32>,
        %parallel_loop3A_356 = arith.index_cast %parallel_loop3A_270 : i32 to index
        %parallel_loop3A_357 = arith.constant 80 : index
        %parallel_loop3A_358 = tpu.vector_load %arg15[%parallel_loop3A_356, %parallel_loop3A_357] {strides = array<i32>} : memref<40x128xf32, #tpu.memory_space<vmem>>, vector<1x16xf32>,
        %parallel_loop3A_359 = vector.shape_cast %parallel_loop3A_358 : vector<1x16xf32> to vector<16xf32>
        %parallel_loop3A_360 = arith.index_cast %parallel_loop3A_270 : i32 to index
        %parallel_loop3A_361 = arith.constant 80 : index
        %parallel_loop3A_362 = tpu.vector_load %arg19[%parallel_loop3A_360, %parallel_loop3A_361] {strides = array<i32>} : memref<40x128xf32, #tpu.memory_space<vmem>>, vector<1x16xf32>,
        %parallel_loop3A_363 = vector.shape_cast %parallel_loop3A_362 : vector<1x16xf32> to vector<16xf32>
        %parallel_loop3A_364 = arith.addf %parallel_loop3A_359, %parallel_loop3A_363 : vector<16xf32>
        %parallel_loop3A_365 = arith.constant 0.000000e+00 : f32
        %parallel_loop3A_366 = vector.broadcast %parallel_loop3A_365 : f32 to vector<16xf32>
        %parallel_loop3A_367 = arith.maximumf %parallel_loop3A_364, %parallel_loop3A_366 : vector<16xf32>
        %parallel_loop3A_368 = arith.index_cast %parallel_loop3A_270 : i32 to index
        %parallel_loop3A_369 = arith.constant 80 : index
        %parallel_loop3A_370 = tpu.vector_load %arg15[%parallel_loop3A_368, %parallel_loop3A_369] {strides = array<i32>} : memref<40x128xf32, #tpu.memory_space<vmem>>, vector<1x16xf32>,
        %parallel_loop3A_371 = vector.shape_cast %parallel_loop3A_370 : vector<1x16xf32> to vector<16xf32>
        %parallel_loop3A_372 = vector.shape_cast %parallel_loop3A_367 : vector<16xf32> to vector<1x16xf32>
        tpu.vector_store %arg15[%parallel_loop3A_368, %parallel_loop3A_369], %parallel_loop3A_372 {strides = array<i32>} : memref<40x128xf32, #tpu.memory_space<vmem>>, vector<1x16xf32>,
        %parallel_loop3A_373 = arith.index_cast %parallel_loop3A_270 : i32 to index
        %parallel_loop3A_374 = arith.constant 96 : index
        %parallel_loop3A_375 = tpu.vector_load %arg15[%parallel_loop3A_373, %parallel_loop3A_374] {strides = array<i32>} : memref<40x128xf32, #tpu.memory_space<vmem>>, vector<1x16xf32>,
        %parallel_loop3A_376 = vector.shape_cast %parallel_loop3A_375 : vector<1x16xf32> to vector<16xf32>
        %parallel_loop3A_377 = arith.index_cast %parallel_loop3A_270 : i32 to index
        %parallel_loop3A_378 = arith.constant 96 : index
        %parallel_loop3A_379 = tpu.vector_load %arg19[%parallel_loop3A_377, %parallel_loop3A_378] {strides = array<i32>} : memref<40x128xf32, #tpu.memory_space<vmem>>, vector<1x16xf32>,
        %parallel_loop3A_380 = vector.shape_cast %parallel_loop3A_379 : vector<1x16xf32> to vector<16xf32>
        %parallel_loop3A_381 = arith.addf %parallel_loop3A_376, %parallel_loop3A_380 : vector<16xf32>
        %parallel_loop3A_382 = arith.constant 0.000000e+00 : f32
        %parallel_loop3A_383 = vector.broadcast %parallel_loop3A_382 : f32 to vector<16xf32>
        %parallel_loop3A_384 = arith.maximumf %parallel_loop3A_381, %parallel_loop3A_383 : vector<16xf32>
        %parallel_loop3A_385 = arith.index_cast %parallel_loop3A_270 : i32 to index
        %parallel_loop3A_386 = arith.constant 96 : index
        %parallel_loop3A_387 = tpu.vector_load %arg15[%parallel_loop3A_385, %parallel_loop3A_386] {strides = array<i32>} : memref<40x128xf32, #tpu.memory_space<vmem>>, vector<1x16xf32>,
        %parallel_loop3A_388 = vector.shape_cast %parallel_loop3A_387 : vector<1x16xf32> to vector<16xf32>
        %parallel_loop3A_389 = vector.shape_cast %parallel_loop3A_384 : vector<16xf32> to vector<1x16xf32>
        tpu.vector_store %arg15[%parallel_loop3A_385, %parallel_loop3A_386], %parallel_loop3A_389 {strides = array<i32>} : memref<40x128xf32, #tpu.memory_space<vmem>>, vector<1x16xf32>,
        %parallel_loop3A_390 = arith.index_cast %parallel_loop3A_270 : i32 to index
        %parallel_loop3A_391 = arith.constant 112 : index
        %parallel_loop3A_392 = tpu.vector_load %arg15[%parallel_loop3A_390, %parallel_loop3A_391] {strides = array<i32>} : memref<40x128xf32, #tpu.memory_space<vmem>>, vector<1x16xf32>,
        %parallel_loop3A_393 = vector.shape_cast %parallel_loop3A_392 : vector<1x16xf32> to vector<16xf32>
        %parallel_loop3A_394 = arith.index_cast %parallel_loop3A_270 : i32 to index
        %parallel_loop3A_395 = arith.constant 112 : index
        %parallel_loop3A_396 = tpu.vector_load %arg19[%parallel_loop3A_394, %parallel_loop3A_395] {strides = array<i32>} : memref<40x128xf32, #tpu.memory_space<vmem>>, vector<1x16xf32>,
        %parallel_loop3A_397 = vector.shape_cast %parallel_loop3A_396 : vector<1x16xf32> to vector<16xf32>
        %parallel_loop3A_398 = arith.addf %parallel_loop3A_393, %parallel_loop3A_397 : vector<16xf32>
        %parallel_loop3A_399 = arith.constant 0.000000e+00 : f32
        %parallel_loop3A_400 = vector.broadcast %parallel_loop3A_399 : f32 to vector<16xf32>
        %parallel_loop3A_401 = arith.maximumf %parallel_loop3A_398, %parallel_loop3A_400 : vector<16xf32>
        %parallel_loop3A_402 = arith.index_cast %parallel_loop3A_270 : i32 to index
        %parallel_loop3A_403 = arith.constant 112 : index
        %parallel_loop3A_404 = tpu.vector_load %arg15[%parallel_loop3A_402, %parallel_loop3A_403] {strides = array<i32>} : memref<40x128xf32, #tpu.memory_space<vmem>>, vector<1x16xf32>,
        %parallel_loop3A_405 = vector.shape_cast %parallel_loop3A_404 : vector<1x16xf32> to vector<16xf32>
        %parallel_loop3A_406 = vector.shape_cast %parallel_loop3A_401 : vector<16xf32> to vector<1x16xf32>
        tpu.vector_store %arg15[%parallel_loop3A_402, %parallel_loop3A_403], %parallel_loop3A_406 {strides = array<i32>} : memref<40x128xf32, #tpu.memory_space<vmem>>, vector<1x16xf32>,
      } {sc.loop_unroll_factor = 1 : i64, sc.parallel_access}
      %dma_start3A_138 = arith.constant 0 : i32
      %dma_start3A_139 = arith.constant 0 : i32
      %dma_start3A_140 = tpu.memref_slice %arg23[%dma_start3A_138, %dma_start3A_139] : memref<10112x128xf32, #tpu.memory_space<vmem_shared>> -> memref<10112x128xf32, #tpu.memory_space<vmem_shared>>
      tpu.enqueue_indirect_dma source(%arg15 : memref<40x128xf32, #tpu.memory_space<vmem>>) target(%dma_start3A_140 : memref<10112x128xf32, #tpu.memory_space<vmem_shared>>) offsets(%arg11 : memref<40xi32, #tpu.memory_space<vmem>>) semaphore(%arg40 : memref<!tpu.dma_semaphore, #tpu.memory_space<semaphore_mem>>) {add = true}
      %add3A_141 = arith.constant 1 : i32
      %add3A_142 = arith.addi %add3A_103, %add3A_141 : i32
      %ge3A_143 = arith.constant 1 : i32
      %ge3A_144 = arith.cmpi sge, %add3A_142, %ge3A_143 : i32
      %convert_element_type3A_145 = arith.extui %ge3A_144 : i1 to i32
      %cond3A_146 = arith.constant 0 : i32
      %cond3A_147 = arith.cmpi ne, %convert_element_type3A_145, %cond3A_146 : i32
      scf.if %cond3A_147 {
        %dma_wait3A_270 = arith.constant 0 : i32
        %dma_wait3A_271 = arith.constant 0 : i32
        %dma_wait3A_272 = tpu.memref_slice %arg23[%dma_wait3A_270, %dma_wait3A_271] : memref<10112x128xf32, #tpu.memory_space<vmem_shared>> -> memref<10112x128xf32, #tpu.memory_space<vmem_shared>>
        tpu.wait_indirect_dma semaphore(%arg40 : memref<!tpu.dma_semaphore, #tpu.memory_space<semaphore_mem>>) src(%arg15 : memref<40x128xf32, #tpu.memory_space<vmem>>) dst(%dma_wait3A_272 : memref<10112x128xf32, #tpu.memory_space<vmem_shared>>)
      } else {
      }
      %add3A_148 = arith.constant 4 : i32
      %add3A_149 = arith.addi %add3A_142, %add3A_148 : i32
      %sub3A_150 = arith.constant 1 : i32
      %sub3A_151 = arith.subi %add3A_149, %sub3A_150 : i32
      %lt3A_152 = arith.constant 256 : i32
      %lt3A_153 = arith.cmpi slt, %sub3A_151, %lt3A_152 : i32
      %convert_element_type3A_154 = arith.extui %lt3A_153 : i1 to i32
      %cond3A_155 = arith.constant 0 : i32
      %cond3A_156 = arith.cmpi ne, %convert_element_type3A_154, %cond3A_155 : i32
      scf.if %cond3A_156 {
        %add3A_270 = arith.constant 4 : i32
        %add3A_271 = arith.addi %add3A_142, %add3A_270 : i32
        %sub3A_272 = arith.constant 1 : i32
        %sub3A_273 = arith.subi %add3A_271, %sub3A_272 : i32
        %dma_start3A_274 = arith.constant 0 : i32
        %dma_start3A_275 = arith.constant 0 : i32
        %dma_start3A_276 = tpu.memref_slice %arg4[%add3A, %sub3A_273, %dma_start3A_274, %dma_start3A_275] : memref<32x256x2x40xi32, #tpu.memory_space<hbm>> -> memref<1x1x1x40xi32, #tpu.memory_space<hbm>>
        %dma_start3A_277 = tpu.memref_squeeze %dma_start3A_276 : memref<1x1x1x40xi32, #tpu.memory_space<hbm>> -> memref<40xi32, #tpu.memory_space<hbm>>
        %dma_start3A_278 = arith.constant 0 : i32
        %dma_start3A_279 = tpu.memref_slice %arg4[%add3A, %sub3A_273, %dma_start3A_274, %dma_start3A_278] : memref<32x256x2x40xi32, #tpu.memory_space<hbm>> -> memref<1x1x1x40xi32, #tpu.memory_space<hbm>>
        %dma_start3A_280 = tpu.memref_squeeze %dma_start3A_279 : memref<1x1x1x40xi32, #tpu.memory_space<hbm>> -> memref<40xi32, #tpu.memory_space<hbm>>
        tpu.enqueue_dma source(%dma_start3A_280 : memref<40xi32, #tpu.memory_space<hbm>>) target(%arg7 : memref<40xi32, #tpu.memory_space<vmem>>) target_semaphore(%arg24 : memref<!tpu.dma_semaphore, #tpu.memory_space<semaphore_mem>>)
        %dma_start3A_281 = arith.constant 1 : i32
        %dma_start3A_282 = arith.constant 0 : i32
        %dma_start3A_283 = tpu.memref_slice %arg4[%add3A, %sub3A_273, %dma_start3A_281, %dma_start3A_282] : memref<32x256x2x40xi32, #tpu.memory_space<hbm>> -> memref<1x1x1x40xi32, #tpu.memory_space<hbm>>
        %dma_start3A_284 = tpu.memref_squeeze %dma_start3A_283 : memref<1x1x1x40xi32, #tpu.memory_space<hbm>> -> memref<40xi32, #tpu.memory_space<hbm>>
        %dma_start3A_285 = arith.constant 0 : i32
        %dma_start3A_286 = tpu.memref_slice %arg4[%add3A, %sub3A_273, %dma_start3A_281, %dma_start3A_285] : memref<32x256x2x40xi32, #tpu.memory_space<hbm>> -> memref<1x1x1x40xi32, #tpu.memory_space<hbm>>
        %dma_start3A_287 = tpu.memref_squeeze %dma_start3A_286 : memref<1x1x1x40xi32, #tpu.memory_space<hbm>> -> memref<40xi32, #tpu.memory_space<hbm>>
        tpu.enqueue_dma source(%dma_start3A_287 : memref<40xi32, #tpu.memory_space<hbm>>) target(%arg11 : memref<40xi32, #tpu.memory_space<vmem>>) target_semaphore(%arg28 : memref<!tpu.dma_semaphore, #tpu.memory_space<semaphore_mem>>)
        %mul3A_288 = arith.constant 40 : i32
        %mul3A_289 = arith.muli %sub3A_273, %mul3A_288 : i32
        %add3A_290 = arith.addi %mul3A_2, %mul3A_289 : i32
        %dma_start3A_291 = arith.constant 0 : i32
        %dma_start3A_292 = tpu.memref_slice %arg3[%add3A_290, %dma_start3A_291] : memref<327680x128xf32, #tpu.memory_space<hbm>> -> memref<40x128xf32, #tpu.memory_space<hbm>>
        %dma_start3A_293 = arith.constant 0 : i32
        %dma_start3A_294 = tpu.memref_slice %arg3[%add3A_290, %dma_start3A_293] : memref<327680x128xf32, #tpu.memory_space<hbm>> -> memref<40x128xf32, #tpu.memory_space<hbm>>
        tpu.enqueue_dma source(%dma_start3A_294 : memref<40x128xf32, #tpu.memory_space<hbm>>) target(%arg19 : memref<40x128xf32, #tpu.memory_space<vmem>>) target_semaphore(%arg32 : memref<!tpu.dma_semaphore, #tpu.memory_space<semaphore_mem>>)
      } else {
      }
      %add3A_157 = arith.constant 2 : i32
      %add3A_158 = arith.addi %add3A_142, %add3A_157 : i32
      %lt3A_159 = arith.constant 256 : i32
      %lt3A_160 = arith.cmpi slt, %add3A_158, %lt3A_159 : i32
      %convert_element_type3A_161 = arith.extui %lt3A_160 : i1 to i32
      %cond3A_162 = arith.constant 0 : i32
      %cond3A_163 = arith.cmpi ne, %convert_element_type3A_161, %cond3A_162 : i32
      scf.if %cond3A_163 {
        %add3A_270 = arith.constant 2 : i32
        %add3A_271 = arith.addi %add3A_142, %add3A_270 : i32
        %dma_wait3A_272 = arith.constant 0 : i32
        %dma_wait3A_273 = arith.constant 0 : i32
        %dma_wait3A_274 = tpu.memref_slice %arg4[%add3A, %add3A_271, %dma_wait3A_272, %dma_wait3A_273] : memref<32x256x2x40xi32, #tpu.memory_space<hbm>> -> memref<1x1x1x40xi32, #tpu.memory_space<hbm>>
        %dma_wait3A_275 = tpu.memref_squeeze %dma_wait3A_274 : memref<1x1x1x40xi32, #tpu.memory_space<hbm>> -> memref<40xi32, #tpu.memory_space<hbm>>
        %dma_wait3A_276 = arith.constant 0 : i32
        %dma_wait3A_277 = tpu.memref_slice %arg4[%add3A, %add3A_271, %dma_wait3A_272, %dma_wait3A_276] : memref<32x256x2x40xi32, #tpu.memory_space<hbm>> -> memref<1x1x1x40xi32, #tpu.memory_space<hbm>>
        %dma_wait3A_278 = tpu.memref_squeeze %dma_wait3A_277 : memref<1x1x1x40xi32, #tpu.memory_space<hbm>> -> memref<40xi32, #tpu.memory_space<hbm>>
        tpu.wait_dma2 semaphore(%arg27 : memref<!tpu.dma_semaphore, #tpu.memory_space<semaphore_mem>>) src(%dma_wait3A_278 : memref<40xi32, #tpu.memory_space<hbm>>) dst(%arg10 : memref<40xi32, #tpu.memory_space<vmem>>)
        %dma_start3A_279 = arith.constant 0 : i32
        %dma_start3A_280 = arith.constant 0 : i32
        %dma_start3A_281 = tpu.memref_slice %arg2[%dma_start3A_279, %dma_start3A_280] : memref<10000x128xf32, #tpu.memory_space<hbm>> -> memref<10000x128xf32, #tpu.memory_space<hbm>>
        tpu.enqueue_indirect_dma source(%dma_start3A_281 : memref<10000x128xf32, #tpu.memory_space<hbm>>) target(%arg18 : memref<40x128xf32, #tpu.memory_space<vmem>>) offsets(%arg10 : memref<40xi32, #tpu.memory_space<vmem>>) semaphore(%arg39 : memref<!tpu.dma_semaphore, #tpu.memory_space<semaphore_mem>>)
      } else {
      }
      %dma_wait3A_164 = arith.constant 0 : i32
      %dma_wait3A_165 = tpu.memref_slice %arg3[%mul3A_2, %dma_wait3A_164] : memref<327680x128xf32, #tpu.memory_space<hbm>> -> memref<40x128xf32, #tpu.memory_space<hbm>>
      %dma_wait3A_166 = arith.constant 0 : i32
      %dma_wait3A_167 = tpu.memref_slice %arg3[%mul3A_2, %dma_wait3A_166] : memref<327680x128xf32, #tpu.memory_space<hbm>> -> memref<40x128xf32, #tpu.memory_space<hbm>>
      tpu.wait_dma2 semaphore(%arg33 : memref<!tpu.dma_semaphore, #tpu.memory_space<semaphore_mem>>) src(%dma_wait3A_167 : memref<40x128xf32, #tpu.memory_space<hbm>>) dst(%arg20 : memref<40x128xf32, #tpu.memory_space<vmem>>)
      %dma_wait3A_168 = arith.constant 1 : i32
      %dma_wait3A_169 = arith.constant 0 : i32
      %dma_wait3A_170 = tpu.memref_slice %arg4[%add3A, %add3A_142, %dma_wait3A_168, %dma_wait3A_169] : memref<32x256x2x40xi32, #tpu.memory_space<hbm>> -> memref<1x1x1x40xi32, #tpu.memory_space<hbm>>
      %dma_wait3A_171 = tpu.memref_squeeze %dma_wait3A_170 : memref<1x1x1x40xi32, #tpu.memory_space<hbm>> -> memref<40xi32, #tpu.memory_space<hbm>>
      %dma_wait3A_172 = arith.constant 0 : i32
      %dma_wait3A_173 = tpu.memref_slice %arg4[%add3A, %add3A_142, %dma_wait3A_168, %dma_wait3A_172] : memref<32x256x2x40xi32, #tpu.memory_space<hbm>> -> memref<1x1x1x40xi32, #tpu.memory_space<hbm>>
      %dma_wait3A_174 = tpu.memref_squeeze %dma_wait3A_173 : memref<1x1x1x40xi32, #tpu.memory_space<hbm>> -> memref<40xi32, #tpu.memory_space<hbm>>
      tpu.wait_dma2 semaphore(%arg29 : memref<!tpu.dma_semaphore, #tpu.memory_space<semaphore_mem>>) src(%dma_wait3A_174 : memref<40xi32, #tpu.memory_space<hbm>>) dst(%arg12 : memref<40xi32, #tpu.memory_space<vmem>>)
      %dma_wait3A_175 = arith.constant 0 : i32
      %dma_wait3A_176 = arith.constant 0 : i32
      %dma_wait3A_177 = tpu.memref_slice %arg2[%dma_wait3A_175, %dma_wait3A_176] : memref<10000x128xf32, #tpu.memory_space<hbm>> -> memref<10000x128xf32, #tpu.memory_space<hbm>>
      tpu.wait_indirect_dma semaphore(%arg37 : memref<!tpu.dma_semaphore, #tpu.memory_space<semaphore_mem>>) src(%dma_wait3A_177 : memref<10000x128xf32, #tpu.memory_space<hbm>>) dst(%arg16 : memref<40x128xf32, #tpu.memory_space<vmem>>)
      %parallel_loop3A_178 = arith.constant 0 : i32
      %parallel_loop3A_179 = arith.constant 40 : i32
      %parallel_loop3A_180 = arith.constant 1 : i32
      scf.for %parallel_loop3A_270 = %parallel_loop3A_178 to %parallel_loop3A_179 step %parallel_loop3A_180  : i32 {
        %parallel_loop3A_271 = arith.index_cast %parallel_loop3A_270 : i32 to index
        %parallel_loop3A_272 = arith.constant 0 : index
        %parallel_loop3A_273 = tpu.vector_load %arg16[%parallel_loop3A_271, %parallel_loop3A_272] {strides = array<i32>} : memref<40x128xf32, #tpu.memory_space<vmem>>, vector<1x16xf32>,
        %parallel_loop3A_274 = vector.shape_cast %parallel_loop3A_273 : vector<1x16xf32> to vector<16xf32>
        %parallel_loop3A_275 = arith.index_cast %parallel_loop3A_270 : i32 to index
        %parallel_loop3A_276 = arith.constant 0 : index
        %parallel_loop3A_277 = tpu.vector_load %arg20[%parallel_loop3A_275, %parallel_loop3A_276] {strides = array<i32>} : memref<40x128xf32, #tpu.memory_space<vmem>>, vector<1x16xf32>,
        %parallel_loop3A_278 = vector.shape_cast %parallel_loop3A_277 : vector<1x16xf32> to vector<16xf32>
        %parallel_loop3A_279 = arith.addf %parallel_loop3A_274, %parallel_loop3A_278 : vector<16xf32>
        %parallel_loop3A_280 = arith.constant 0.000000e+00 : f32
        %parallel_loop3A_281 = vector.broadcast %parallel_loop3A_280 : f32 to vector<16xf32>
        %parallel_loop3A_282 = arith.maximumf %parallel_loop3A_279, %parallel_loop3A_281 : vector<16xf32>
        %parallel_loop3A_283 = arith.index_cast %parallel_loop3A_270 : i32 to index
        %parallel_loop3A_284 = arith.constant 0 : index
        %parallel_loop3A_285 = tpu.vector_load %arg16[%parallel_loop3A_283, %parallel_loop3A_284] {strides = array<i32>} : memref<40x128xf32, #tpu.memory_space<vmem>>, vector<1x16xf32>,
        %parallel_loop3A_286 = vector.shape_cast %parallel_loop3A_285 : vector<1x16xf32> to vector<16xf32>
        %parallel_loop3A_287 = vector.shape_cast %parallel_loop3A_282 : vector<16xf32> to vector<1x16xf32>
        tpu.vector_store %arg16[%parallel_loop3A_283, %parallel_loop3A_284], %parallel_loop3A_287 {strides = array<i32>} : memref<40x128xf32, #tpu.memory_space<vmem>>, vector<1x16xf32>,
        %parallel_loop3A_288 = arith.index_cast %parallel_loop3A_270 : i32 to index
        %parallel_loop3A_289 = arith.constant 16 : index
        %parallel_loop3A_290 = tpu.vector_load %arg16[%parallel_loop3A_288, %parallel_loop3A_289] {strides = array<i32>} : memref<40x128xf32, #tpu.memory_space<vmem>>, vector<1x16xf32>,
        %parallel_loop3A_291 = vector.shape_cast %parallel_loop3A_290 : vector<1x16xf32> to vector<16xf32>
        %parallel_loop3A_292 = arith.index_cast %parallel_loop3A_270 : i32 to index
        %parallel_loop3A_293 = arith.constant 16 : index
        %parallel_loop3A_294 = tpu.vector_load %arg20[%parallel_loop3A_292, %parallel_loop3A_293] {strides = array<i32>} : memref<40x128xf32, #tpu.memory_space<vmem>>, vector<1x16xf32>,
        %parallel_loop3A_295 = vector.shape_cast %parallel_loop3A_294 : vector<1x16xf32> to vector<16xf32>
        %parallel_loop3A_296 = arith.addf %parallel_loop3A_291, %parallel_loop3A_295 : vector<16xf32>
        %parallel_loop3A_297 = arith.constant 0.000000e+00 : f32
        %parallel_loop3A_298 = vector.broadcast %parallel_loop3A_297 : f32 to vector<16xf32>
        %parallel_loop3A_299 = arith.maximumf %parallel_loop3A_296, %parallel_loop3A_298 : vector<16xf32>
        %parallel_loop3A_300 = arith.index_cast %parallel_loop3A_270 : i32 to index
        %parallel_loop3A_301 = arith.constant 16 : index
        %parallel_loop3A_302 = tpu.vector_load %arg16[%parallel_loop3A_300, %parallel_loop3A_301] {strides = array<i32>} : memref<40x128xf32, #tpu.memory_space<vmem>>, vector<1x16xf32>,
        %parallel_loop3A_303 = vector.shape_cast %parallel_loop3A_302 : vector<1x16xf32> to vector<16xf32>
        %parallel_loop3A_304 = vector.shape_cast %parallel_loop3A_299 : vector<16xf32> to vector<1x16xf32>
        tpu.vector_store %arg16[%parallel_loop3A_300, %parallel_loop3A_301], %parallel_loop3A_304 {strides = array<i32>} : memref<40x128xf32, #tpu.memory_space<vmem>>, vector<1x16xf32>,
        %parallel_loop3A_305 = arith.index_cast %parallel_loop3A_270 : i32 to index
        %parallel_loop3A_306 = arith.constant 32 : index
        %parallel_loop3A_307 = tpu.vector_load %arg16[%parallel_loop3A_305, %parallel_loop3A_306] {strides = array<i32>} : memref<40x128xf32, #tpu.memory_space<vmem>>, vector<1x16xf32>,
        %parallel_loop3A_308 = vector.shape_cast %parallel_loop3A_307 : vector<1x16xf32> to vector<16xf32>
        %parallel_loop3A_309 = arith.index_cast %parallel_loop3A_270 : i32 to index
        %parallel_loop3A_310 = arith.constant 32 : index
        %parallel_loop3A_311 = tpu.vector_load %arg20[%parallel_loop3A_309, %parallel_loop3A_310] {strides = array<i32>} : memref<40x128xf32, #tpu.memory_space<vmem>>, vector<1x16xf32>,
        %parallel_loop3A_312 = vector.shape_cast %parallel_loop3A_311 : vector<1x16xf32> to vector<16xf32>
        %parallel_loop3A_313 = arith.addf %parallel_loop3A_308, %parallel_loop3A_312 : vector<16xf32>
        %parallel_loop3A_314 = arith.constant 0.000000e+00 : f32
        %parallel_loop3A_315 = vector.broadcast %parallel_loop3A_314 : f32 to vector<16xf32>
        %parallel_loop3A_316 = arith.maximumf %parallel_loop3A_313, %parallel_loop3A_315 : vector<16xf32>
        %parallel_loop3A_317 = arith.index_cast %parallel_loop3A_270 : i32 to index
        %parallel_loop3A_318 = arith.constant 32 : index
        %parallel_loop3A_319 = tpu.vector_load %arg16[%parallel_loop3A_317, %parallel_loop3A_318] {strides = array<i32>} : memref<40x128xf32, #tpu.memory_space<vmem>>, vector<1x16xf32>,
        %parallel_loop3A_320 = vector.shape_cast %parallel_loop3A_319 : vector<1x16xf32> to vector<16xf32>
        %parallel_loop3A_321 = vector.shape_cast %parallel_loop3A_316 : vector<16xf32> to vector<1x16xf32>
        tpu.vector_store %arg16[%parallel_loop3A_317, %parallel_loop3A_318], %parallel_loop3A_321 {strides = array<i32>} : memref<40x128xf32, #tpu.memory_space<vmem>>, vector<1x16xf32>,
        %parallel_loop3A_322 = arith.index_cast %parallel_loop3A_270 : i32 to index
        %parallel_loop3A_323 = arith.constant 48 : index
        %parallel_loop3A_324 = tpu.vector_load %arg16[%parallel_loop3A_322, %parallel_loop3A_323] {strides = array<i32>} : memref<40x128xf32, #tpu.memory_space<vmem>>, vector<1x16xf32>,
        %parallel_loop3A_325 = vector.shape_cast %parallel_loop3A_324 : vector<1x16xf32> to vector<16xf32>
        %parallel_loop3A_326 = arith.index_cast %parallel_loop3A_270 : i32 to index
        %parallel_loop3A_327 = arith.constant 48 : index
        %parallel_loop3A_328 = tpu.vector_load %arg20[%parallel_loop3A_326, %parallel_loop3A_327] {strides = array<i32>} : memref<40x128xf32, #tpu.memory_space<vmem>>, vector<1x16xf32>,
        %parallel_loop3A_329 = vector.shape_cast %parallel_loop3A_328 : vector<1x16xf32> to vector<16xf32>
        %parallel_loop3A_330 = arith.addf %parallel_loop3A_325, %parallel_loop3A_329 : vector<16xf32>
        %parallel_loop3A_331 = arith.constant 0.000000e+00 : f32
        %parallel_loop3A_332 = vector.broadcast %parallel_loop3A_331 : f32 to vector<16xf32>
        %parallel_loop3A_333 = arith.maximumf %parallel_loop3A_330, %parallel_loop3A_332 : vector<16xf32>
        %parallel_loop3A_334 = arith.index_cast %parallel_loop3A_270 : i32 to index
        %parallel_loop3A_335 = arith.constant 48 : index
        %parallel_loop3A_336 = tpu.vector_load %arg16[%parallel_loop3A_334, %parallel_loop3A_335] {strides = array<i32>} : memref<40x128xf32, #tpu.memory_space<vmem>>, vector<1x16xf32>,
        %parallel_loop3A_337 = vector.shape_cast %parallel_loop3A_336 : vector<1x16xf32> to vector<16xf32>
        %parallel_loop3A_338 = vector.shape_cast %parallel_loop3A_333 : vector<16xf32> to vector<1x16xf32>
        tpu.vector_store %arg16[%parallel_loop3A_334, %parallel_loop3A_335], %parallel_loop3A_338 {strides = array<i32>} : memref<40x128xf32, #tpu.memory_space<vmem>>, vector<1x16xf32>,
        %parallel_loop3A_339 = arith.index_cast %parallel_loop3A_270 : i32 to index
        %parallel_loop3A_340 = arith.constant 64 : index
        %parallel_loop3A_341 = tpu.vector_load %arg16[%parallel_loop3A_339, %parallel_loop3A_340] {strides = array<i32>} : memref<40x128xf32, #tpu.memory_space<vmem>>, vector<1x16xf32>,
        %parallel_loop3A_342 = vector.shape_cast %parallel_loop3A_341 : vector<1x16xf32> to vector<16xf32>
        %parallel_loop3A_343 = arith.index_cast %parallel_loop3A_270 : i32 to index
        %parallel_loop3A_344 = arith.constant 64 : index
        %parallel_loop3A_345 = tpu.vector_load %arg20[%parallel_loop3A_343, %parallel_loop3A_344] {strides = array<i32>} : memref<40x128xf32, #tpu.memory_space<vmem>>, vector<1x16xf32>,
        %parallel_loop3A_346 = vector.shape_cast %parallel_loop3A_345 : vector<1x16xf32> to vector<16xf32>
        %parallel_loop3A_347 = arith.addf %parallel_loop3A_342, %parallel_loop3A_346 : vector<16xf32>
        %parallel_loop3A_348 = arith.constant 0.000000e+00 : f32
        %parallel_loop3A_349 = vector.broadcast %parallel_loop3A_348 : f32 to vector<16xf32>
        %parallel_loop3A_350 = arith.maximumf %parallel_loop3A_347, %parallel_loop3A_349 : vector<16xf32>
        %parallel_loop3A_351 = arith.index_cast %parallel_loop3A_270 : i32 to index
        %parallel_loop3A_352 = arith.constant 64 : index
        %parallel_loop3A_353 = tpu.vector_load %arg16[%parallel_loop3A_351, %parallel_loop3A_352] {strides = array<i32>} : memref<40x128xf32, #tpu.memory_space<vmem>>, vector<1x16xf32>,
        %parallel_loop3A_354 = vector.shape_cast %parallel_loop3A_353 : vector<1x16xf32> to vector<16xf32>
        %parallel_loop3A_355 = vector.shape_cast %parallel_loop3A_350 : vector<16xf32> to vector<1x16xf32>
        tpu.vector_store %arg16[%parallel_loop3A_351, %parallel_loop3A_352], %parallel_loop3A_355 {strides = array<i32>} : memref<40x128xf32, #tpu.memory_space<vmem>>, vector<1x16xf32>,
        %parallel_loop3A_356 = arith.index_cast %parallel_loop3A_270 : i32 to index
        %parallel_loop3A_357 = arith.constant 80 : index
        %parallel_loop3A_358 = tpu.vector_load %arg16[%parallel_loop3A_356, %parallel_loop3A_357] {strides = array<i32>} : memref<40x128xf32, #tpu.memory_space<vmem>>, vector<1x16xf32>,
        %parallel_loop3A_359 = vector.shape_cast %parallel_loop3A_358 : vector<1x16xf32> to vector<16xf32>
        %parallel_loop3A_360 = arith.index_cast %parallel_loop3A_270 : i32 to index
        %parallel_loop3A_361 = arith.constant 80 : index
        %parallel_loop3A_362 = tpu.vector_load %arg20[%parallel_loop3A_360, %parallel_loop3A_361] {strides = array<i32>} : memref<40x128xf32, #tpu.memory_space<vmem>>, vector<1x16xf32>,
        %parallel_loop3A_363 = vector.shape_cast %parallel_loop3A_362 : vector<1x16xf32> to vector<16xf32>
        %parallel_loop3A_364 = arith.addf %parallel_loop3A_359, %parallel_loop3A_363 : vector<16xf32>
        %parallel_loop3A_365 = arith.constant 0.000000e+00 : f32
        %parallel_loop3A_366 = vector.broadcast %parallel_loop3A_365 : f32 to vector<16xf32>
        %parallel_loop3A_367 = arith.maximumf %parallel_loop3A_364, %parallel_loop3A_366 : vector<16xf32>
        %parallel_loop3A_368 = arith.index_cast %parallel_loop3A_270 : i32 to index
        %parallel_loop3A_369 = arith.constant 80 : index
        %parallel_loop3A_370 = tpu.vector_load %arg16[%parallel_loop3A_368, %parallel_loop3A_369] {strides = array<i32>} : memref<40x128xf32, #tpu.memory_space<vmem>>, vector<1x16xf32>,
        %parallel_loop3A_371 = vector.shape_cast %parallel_loop3A_370 : vector<1x16xf32> to vector<16xf32>
        %parallel_loop3A_372 = vector.shape_cast %parallel_loop3A_367 : vector<16xf32> to vector<1x16xf32>
        tpu.vector_store %arg16[%parallel_loop3A_368, %parallel_loop3A_369], %parallel_loop3A_372 {strides = array<i32>} : memref<40x128xf32, #tpu.memory_space<vmem>>, vector<1x16xf32>,
        %parallel_loop3A_373 = arith.index_cast %parallel_loop3A_270 : i32 to index
        %parallel_loop3A_374 = arith.constant 96 : index
        %parallel_loop3A_375 = tpu.vector_load %arg16[%parallel_loop3A_373, %parallel_loop3A_374] {strides = array<i32>} : memref<40x128xf32, #tpu.memory_space<vmem>>, vector<1x16xf32>,
        %parallel_loop3A_376 = vector.shape_cast %parallel_loop3A_375 : vector<1x16xf32> to vector<16xf32>
        %parallel_loop3A_377 = arith.index_cast %parallel_loop3A_270 : i32 to index
        %parallel_loop3A_378 = arith.constant 96 : index
        %parallel_loop3A_379 = tpu.vector_load %arg20[%parallel_loop3A_377, %parallel_loop3A_378] {strides = array<i32>} : memref<40x128xf32, #tpu.memory_space<vmem>>, vector<1x16xf32>,
        %parallel_loop3A_380 = vector.shape_cast %parallel_loop3A_379 : vector<1x16xf32> to vector<16xf32>
        %parallel_loop3A_381 = arith.addf %parallel_loop3A_376, %parallel_loop3A_380 : vector<16xf32>
        %parallel_loop3A_382 = arith.constant 0.000000e+00 : f32
        %parallel_loop3A_383 = vector.broadcast %parallel_loop3A_382 : f32 to vector<16xf32>
        %parallel_loop3A_384 = arith.maximumf %parallel_loop3A_381, %parallel_loop3A_383 : vector<16xf32>
        %parallel_loop3A_385 = arith.index_cast %parallel_loop3A_270 : i32 to index
        %parallel_loop3A_386 = arith.constant 96 : index
        %parallel_loop3A_387 = tpu.vector_load %arg16[%parallel_loop3A_385, %parallel_loop3A_386] {strides = array<i32>} : memref<40x128xf32, #tpu.memory_space<vmem>>, vector<1x16xf32>,
        %parallel_loop3A_388 = vector.shape_cast %parallel_loop3A_387 : vector<1x16xf32> to vector<16xf32>
        %parallel_loop3A_389 = vector.shape_cast %parallel_loop3A_384 : vector<16xf32> to vector<1x16xf32>
        tpu.vector_store %arg16[%parallel_loop3A_385, %parallel_loop3A_386], %parallel_loop3A_389 {strides = array<i32>} : memref<40x128xf32, #tpu.memory_space<vmem>>, vector<1x16xf32>,
        %parallel_loop3A_390 = arith.index_cast %parallel_loop3A_270 : i32 to index
        %parallel_loop3A_391 = arith.constant 112 : index
        %parallel_loop3A_392 = tpu.vector_load %arg16[%parallel_loop3A_390, %parallel_loop3A_391] {strides = array<i32>} : memref<40x128xf32, #tpu.memory_space<vmem>>, vector<1x16xf32>,
        %parallel_loop3A_393 = vector.shape_cast %parallel_loop3A_392 : vector<1x16xf32> to vector<16xf32>
        %parallel_loop3A_394 = arith.index_cast %parallel_loop3A_270 : i32 to index
        %parallel_loop3A_395 = arith.constant 112 : index
        %parallel_loop3A_396 = tpu.vector_load %arg20[%parallel_loop3A_394, %parallel_loop3A_395] {strides = array<i32>} : memref<40x128xf32, #tpu.memory_space<vmem>>, vector<1x16xf32>,
        %parallel_loop3A_397 = vector.shape_cast %parallel_loop3A_396 : vector<1x16xf32> to vector<16xf32>
        %parallel_loop3A_398 = arith.addf %parallel_loop3A_393, %parallel_loop3A_397 : vector<16xf32>
        %parallel_loop3A_399 = arith.constant 0.000000e+00 : f32
        %parallel_loop3A_400 = vector.broadcast %parallel_loop3A_399 : f32 to vector<16xf32>
        %parallel_loop3A_401 = arith.maximumf %parallel_loop3A_398, %parallel_loop3A_400 : vector<16xf32>
        %parallel_loop3A_402 = arith.index_cast %parallel_loop3A_270 : i32 to index
        %parallel_loop3A_403 = arith.constant 112 : index
        %parallel_loop3A_404 = tpu.vector_load %arg16[%parallel_loop3A_402, %parallel_loop3A_403] {strides = array<i32>} : memref<40x128xf32, #tpu.memory_space<vmem>>, vector<1x16xf32>,
        %parallel_loop3A_405 = vector.shape_cast %parallel_loop3A_404 : vector<1x16xf32> to vector<16xf32>
        %parallel_loop3A_406 = vector.shape_cast %parallel_loop3A_401 : vector<16xf32> to vector<1x16xf32>
        tpu.vector_store %arg16[%parallel_loop3A_402, %parallel_loop3A_403], %parallel_loop3A_406 {strides = array<i32>} : memref<40x128xf32, #tpu.memory_space<vmem>>, vector<1x16xf32>,
      } {sc.loop_unroll_factor = 1 : i64, sc.parallel_access}
      %dma_start3A_181 = arith.constant 0 : i32
      %dma_start3A_182 = arith.constant 0 : i32
      %dma_start3A_183 = tpu.memref_slice %arg23[%dma_start3A_181, %dma_start3A_182] : memref<10112x128xf32, #tpu.memory_space<vmem_shared>> -> memref<10112x128xf32, #tpu.memory_space<vmem_shared>>
      tpu.enqueue_indirect_dma source(%arg16 : memref<40x128xf32, #tpu.memory_space<vmem>>) target(%dma_start3A_183 : memref<10112x128xf32, #tpu.memory_space<vmem_shared>>) offsets(%arg12 : memref<40xi32, #tpu.memory_space<vmem>>) semaphore(%arg41 : memref<!tpu.dma_semaphore, #tpu.memory_space<semaphore_mem>>) {add = true}
      %add3A_184 = arith.constant 2 : i32
      %add3A_185 = arith.addi %add3A_103, %add3A_184 : i32
      %ge3A_186 = arith.constant 1 : i32
      %ge3A_187 = arith.cmpi sge, %add3A_185, %ge3A_186 : i32
      %convert_element_type3A_188 = arith.extui %ge3A_187 : i1 to i32
      %cond3A_189 = arith.constant 0 : i32
      %cond3A_190 = arith.cmpi ne, %convert_element_type3A_188, %cond3A_189 : i32
      scf.if %cond3A_190 {
        %dma_wait3A_270 = arith.constant 0 : i32
        %dma_wait3A_271 = arith.constant 0 : i32
        %dma_wait3A_272 = tpu.memref_slice %arg23[%dma_wait3A_270, %dma_wait3A_271] : memref<10112x128xf32, #tpu.memory_space<vmem_shared>> -> memref<10112x128xf32, #tpu.memory_space<vmem_shared>>
        tpu.wait_indirect_dma semaphore(%arg41 : memref<!tpu.dma_semaphore, #tpu.memory_space<semaphore_mem>>) src(%arg16 : memref<40x128xf32, #tpu.memory_space<vmem>>) dst(%dma_wait3A_272 : memref<10112x128xf32, #tpu.memory_space<vmem_shared>>)
      } else {
      }
      %add3A_191 = arith.constant 4 : i32
      %add3A_192 = arith.addi %add3A_185, %add3A_191 : i32
      %sub3A_193 = arith.constant 1 : i32
      %sub3A_194 = arith.subi %add3A_192, %sub3A_193 : i32
      %lt3A_195 = arith.constant 256 : i32
      %lt3A_196 = arith.cmpi slt, %sub3A_194, %lt3A_195 : i32
      %convert_element_type3A_197 = arith.extui %lt3A_196 : i1 to i32
      %cond3A_198 = arith.constant 0 : i32
      %cond3A_199 = arith.cmpi ne, %convert_element_type3A_197, %cond3A_198 : i32
      scf.if %cond3A_199 {
        %add3A_270 = arith.constant 4 : i32
        %add3A_271 = arith.addi %add3A_185, %add3A_270 : i32
        %sub3A_272 = arith.constant 1 : i32
        %sub3A_273 = arith.subi %add3A_271, %sub3A_272 : i32
        %dma_start3A_274 = arith.constant 0 : i32
        %dma_start3A_275 = arith.constant 0 : i32
        %dma_start3A_276 = tpu.memref_slice %arg4[%add3A, %sub3A_273, %dma_start3A_274, %dma_start3A_275] : memref<32x256x2x40xi32, #tpu.memory_space<hbm>> -> memref<1x1x1x40xi32, #tpu.memory_space<hbm>>
        %dma_start3A_277 = tpu.memref_squeeze %dma_start3A_276 : memref<1x1x1x40xi32, #tpu.memory_space<hbm>> -> memref<40xi32, #tpu.memory_space<hbm>>
        %dma_start3A_278 = arith.constant 0 : i32
        %dma_start3A_279 = tpu.memref_slice %arg4[%add3A, %sub3A_273, %dma_start3A_274, %dma_start3A_278] : memref<32x256x2x40xi32, #tpu.memory_space<hbm>> -> memref<1x1x1x40xi32, #tpu.memory_space<hbm>>
        %dma_start3A_280 = tpu.memref_squeeze %dma_start3A_279 : memref<1x1x1x40xi32, #tpu.memory_space<hbm>> -> memref<40xi32, #tpu.memory_space<hbm>>
        tpu.enqueue_dma source(%dma_start3A_280 : memref<40xi32, #tpu.memory_space<hbm>>) target(%arg8 : memref<40xi32, #tpu.memory_space<vmem>>) target_semaphore(%arg25 : memref<!tpu.dma_semaphore, #tpu.memory_space<semaphore_mem>>)
        %dma_start3A_281 = arith.constant 1 : i32
        %dma_start3A_282 = arith.constant 0 : i32
        %dma_start3A_283 = tpu.memref_slice %arg4[%add3A, %sub3A_273, %dma_start3A_281, %dma_start3A_282] : memref<32x256x2x40xi32, #tpu.memory_space<hbm>> -> memref<1x1x1x40xi32, #tpu.memory_space<hbm>>
        %dma_start3A_284 = tpu.memref_squeeze %dma_start3A_283 : memref<1x1x1x40xi32, #tpu.memory_space<hbm>> -> memref<40xi32, #tpu.memory_space<hbm>>
        %dma_start3A_285 = arith.constant 0 : i32
        %dma_start3A_286 = tpu.memref_slice %arg4[%add3A, %sub3A_273, %dma_start3A_281, %dma_start3A_285] : memref<32x256x2x40xi32, #tpu.memory_space<hbm>> -> memref<1x1x1x40xi32, #tpu.memory_space<hbm>>
        %dma_start3A_287 = tpu.memref_squeeze %dma_start3A_286 : memref<1x1x1x40xi32, #tpu.memory_space<hbm>> -> memref<40xi32, #tpu.memory_space<hbm>>
        tpu.enqueue_dma source(%dma_start3A_287 : memref<40xi32, #tpu.memory_space<hbm>>) target(%arg12 : memref<40xi32, #tpu.memory_space<vmem>>) target_semaphore(%arg29 : memref<!tpu.dma_semaphore, #tpu.memory_space<semaphore_mem>>)
        %mul3A_288 = arith.constant 40 : i32
        %mul3A_289 = arith.muli %sub3A_273, %mul3A_288 : i32
        %add3A_290 = arith.addi %mul3A_2, %mul3A_289 : i32
        %dma_start3A_291 = arith.constant 0 : i32
        %dma_start3A_292 = tpu.memref_slice %arg3[%add3A_290, %dma_start3A_291] : memref<327680x128xf32, #tpu.memory_space<hbm>> -> memref<40x128xf32, #tpu.memory_space<hbm>>
        %dma_start3A_293 = arith.constant 0 : i32
        %dma_start3A_294 = tpu.memref_slice %arg3[%add3A_290, %dma_start3A_293] : memref<327680x128xf32, #tpu.memory_space<hbm>> -> memref<40x128xf32, #tpu.memory_space<hbm>>
        tpu.enqueue_dma source(%dma_start3A_294 : memref<40x128xf32, #tpu.memory_space<hbm>>) target(%arg20 : memref<40x128xf32, #tpu.memory_space<vmem>>) target_semaphore(%arg33 : memref<!tpu.dma_semaphore, #tpu.memory_space<semaphore_mem>>)
      } else {
      }
      %add3A_200 = arith.constant 2 : i32
      %add3A_201 = arith.addi %add3A_185, %add3A_200 : i32
      %lt3A_202 = arith.constant 256 : i32
      %lt3A_203 = arith.cmpi slt, %add3A_201, %lt3A_202 : i32
      %convert_element_type3A_204 = arith.extui %lt3A_203 : i1 to i32
      %cond3A_205 = arith.constant 0 : i32
      %cond3A_206 = arith.cmpi ne, %convert_element_type3A_204, %cond3A_205 : i32
      scf.if %cond3A_206 {
        %add3A_270 = arith.constant 2 : i32
        %add3A_271 = arith.addi %add3A_185, %add3A_270 : i32
        %dma_wait3A_272 = arith.constant 0 : i32
        %dma_wait3A_273 = arith.constant 0 : i32
        %dma_wait3A_274 = tpu.memref_slice %arg4[%add3A, %add3A_271, %dma_wait3A_272, %dma_wait3A_273] : memref<32x256x2x40xi32, #tpu.memory_space<hbm>> -> memref<1x1x1x40xi32, #tpu.memory_space<hbm>>
        %dma_wait3A_275 = tpu.memref_squeeze %dma_wait3A_274 : memref<1x1x1x40xi32, #tpu.memory_space<hbm>> -> memref<40xi32, #tpu.memory_space<hbm>>
        %dma_wait3A_276 = arith.constant 0 : i32
        %dma_wait3A_277 = tpu.memref_slice %arg4[%add3A, %add3A_271, %dma_wait3A_272, %dma_wait3A_276] : memref<32x256x2x40xi32, #tpu.memory_space<hbm>> -> memref<1x1x1x40xi32, #tpu.memory_space<hbm>>
        %dma_wait3A_278 = tpu.memref_squeeze %dma_wait3A_277 : memref<1x1x1x40xi32, #tpu.memory_space<hbm>> -> memref<40xi32, #tpu.memory_space<hbm>>
        tpu.wait_dma2 semaphore(%arg24 : memref<!tpu.dma_semaphore, #tpu.memory_space<semaphore_mem>>) src(%dma_wait3A_278 : memref<40xi32, #tpu.memory_space<hbm>>) dst(%arg7 : memref<40xi32, #tpu.memory_space<vmem>>)
        %dma_start3A_279 = arith.constant 0 : i32
        %dma_start3A_280 = arith.constant 0 : i32
        %dma_start3A_281 = tpu.memref_slice %arg2[%dma_start3A_279, %dma_start3A_280] : memref<10000x128xf32, #tpu.memory_space<hbm>> -> memref<10000x128xf32, #tpu.memory_space<hbm>>
        tpu.enqueue_indirect_dma source(%dma_start3A_281 : memref<10000x128xf32, #tpu.memory_space<hbm>>) target(%arg15 : memref<40x128xf32, #tpu.memory_space<vmem>>) offsets(%arg7 : memref<40xi32, #tpu.memory_space<vmem>>) semaphore(%arg36 : memref<!tpu.dma_semaphore, #tpu.memory_space<semaphore_mem>>)
      } else {
      }
      %dma_wait3A_207 = arith.constant 0 : i32
      %dma_wait3A_208 = tpu.memref_slice %arg3[%mul3A_2, %dma_wait3A_207] : memref<327680x128xf32, #tpu.memory_space<hbm>> -> memref<40x128xf32, #tpu.memory_space<hbm>>
      %dma_wait3A_209 = arith.constant 0 : i32
      %dma_wait3A_210 = tpu.memref_slice %arg3[%mul3A_2, %dma_wait3A_209] : memref<327680x128xf32, #tpu.memory_space<hbm>> -> memref<40x128xf32, #tpu.memory_space<hbm>>
      tpu.wait_dma2 semaphore(%arg34 : memref<!tpu.dma_semaphore, #tpu.memory_space<semaphore_mem>>) src(%dma_wait3A_210 : memref<40x128xf32, #tpu.memory_space<hbm>>) dst(%arg21 : memref<40x128xf32, #tpu.memory_space<vmem>>)
      %dma_wait3A_211 = arith.constant 1 : i32
      %dma_wait3A_212 = arith.constant 0 : i32
      %dma_wait3A_213 = tpu.memref_slice %arg4[%add3A, %add3A_185, %dma_wait3A_211, %dma_wait3A_212] : memref<32x256x2x40xi32, #tpu.memory_space<hbm>> -> memref<1x1x1x40xi32, #tpu.memory_space<hbm>>
      %dma_wait3A_214 = tpu.memref_squeeze %dma_wait3A_213 : memref<1x1x1x40xi32, #tpu.memory_space<hbm>> -> memref<40xi32, #tpu.memory_space<hbm>>
      %dma_wait3A_215 = arith.constant 0 : i32
      %dma_wait3A_216 = tpu.memref_slice %arg4[%add3A, %add3A_185, %dma_wait3A_211, %dma_wait3A_215] : memref<32x256x2x40xi32, #tpu.memory_space<hbm>> -> memref<1x1x1x40xi32, #tpu.memory_space<hbm>>
      %dma_wait3A_217 = tpu.memref_squeeze %dma_wait3A_216 : memref<1x1x1x40xi32, #tpu.memory_space<hbm>> -> memref<40xi32, #tpu.memory_space<hbm>>
      tpu.wait_dma2 semaphore(%arg30 : memref<!tpu.dma_semaphore, #tpu.memory_space<semaphore_mem>>) src(%dma_wait3A_217 : memref<40xi32, #tpu.memory_space<hbm>>) dst(%arg13 : memref<40xi32, #tpu.memory_space<vmem>>)
      %dma_wait3A_218 = arith.constant 0 : i32
      %dma_wait3A_219 = arith.constant 0 : i32
      %dma_wait3A_220 = tpu.memref_slice %arg2[%dma_wait3A_218, %dma_wait3A_219] : memref<10000x128xf32, #tpu.memory_space<hbm>> -> memref<10000x128xf32, #tpu.memory_space<hbm>>
      tpu.wait_indirect_dma semaphore(%arg38 : memref<!tpu.dma_semaphore, #tpu.memory_space<semaphore_mem>>) src(%dma_wait3A_220 : memref<10000x128xf32, #tpu.memory_space<hbm>>) dst(%arg17 : memref<40x128xf32, #tpu.memory_space<vmem>>)
      %parallel_loop3A_221 = arith.constant 0 : i32
      %parallel_loop3A_222 = arith.constant 40 : i32
      %parallel_loop3A_223 = arith.constant 1 : i32
      scf.for %parallel_loop3A_270 = %parallel_loop3A_221 to %parallel_loop3A_222 step %parallel_loop3A_223  : i32 {
        %parallel_loop3A_271 = arith.index_cast %parallel_loop3A_270 : i32 to index
        %parallel_loop3A_272 = arith.constant 0 : index
        %parallel_loop3A_273 = tpu.vector_load %arg17[%parallel_loop3A_271, %parallel_loop3A_272] {strides = array<i32>} : memref<40x128xf32, #tpu.memory_space<vmem>>, vector<1x16xf32>,
        %parallel_loop3A_274 = vector.shape_cast %parallel_loop3A_273 : vector<1x16xf32> to vector<16xf32>
        %parallel_loop3A_275 = arith.index_cast %parallel_loop3A_270 : i32 to index
        %parallel_loop3A_276 = arith.constant 0 : index
        %parallel_loop3A_277 = tpu.vector_load %arg21[%parallel_loop3A_275, %parallel_loop3A_276] {strides = array<i32>} : memref<40x128xf32, #tpu.memory_space<vmem>>, vector<1x16xf32>,
        %parallel_loop3A_278 = vector.shape_cast %parallel_loop3A_277 : vector<1x16xf32> to vector<16xf32>
        %parallel_loop3A_279 = arith.addf %parallel_loop3A_274, %parallel_loop3A_278 : vector<16xf32>
        %parallel_loop3A_280 = arith.constant 0.000000e+00 : f32
        %parallel_loop3A_281 = vector.broadcast %parallel_loop3A_280 : f32 to vector<16xf32>
        %parallel_loop3A_282 = arith.maximumf %parallel_loop3A_279, %parallel_loop3A_281 : vector<16xf32>
        %parallel_loop3A_283 = arith.index_cast %parallel_loop3A_270 : i32 to index
        %parallel_loop3A_284 = arith.constant 0 : index
        %parallel_loop3A_285 = tpu.vector_load %arg17[%parallel_loop3A_283, %parallel_loop3A_284] {strides = array<i32>} : memref<40x128xf32, #tpu.memory_space<vmem>>, vector<1x16xf32>,
        %parallel_loop3A_286 = vector.shape_cast %parallel_loop3A_285 : vector<1x16xf32> to vector<16xf32>
        %parallel_loop3A_287 = vector.shape_cast %parallel_loop3A_282 : vector<16xf32> to vector<1x16xf32>
        tpu.vector_store %arg17[%parallel_loop3A_283, %parallel_loop3A_284], %parallel_loop3A_287 {strides = array<i32>} : memref<40x128xf32, #tpu.memory_space<vmem>>, vector<1x16xf32>,
        %parallel_loop3A_288 = arith.index_cast %parallel_loop3A_270 : i32 to index
        %parallel_loop3A_289 = arith.constant 16 : index
        %parallel_loop3A_290 = tpu.vector_load %arg17[%parallel_loop3A_288, %parallel_loop3A_289] {strides = array<i32>} : memref<40x128xf32, #tpu.memory_space<vmem>>, vector<1x16xf32>,
        %parallel_loop3A_291 = vector.shape_cast %parallel_loop3A_290 : vector<1x16xf32> to vector<16xf32>
        %parallel_loop3A_292 = arith.index_cast %parallel_loop3A_270 : i32 to index
        %parallel_loop3A_293 = arith.constant 16 : index
        %parallel_loop3A_294 = tpu.vector_load %arg21[%parallel_loop3A_292, %parallel_loop3A_293] {strides = array<i32>} : memref<40x128xf32, #tpu.memory_space<vmem>>, vector<1x16xf32>,
        %parallel_loop3A_295 = vector.shape_cast %parallel_loop3A_294 : vector<1x16xf32> to vector<16xf32>
        %parallel_loop3A_296 = arith.addf %parallel_loop3A_291, %parallel_loop3A_295 : vector<16xf32>
        %parallel_loop3A_297 = arith.constant 0.000000e+00 : f32
        %parallel_loop3A_298 = vector.broadcast %parallel_loop3A_297 : f32 to vector<16xf32>
        %parallel_loop3A_299 = arith.maximumf %parallel_loop3A_296, %parallel_loop3A_298 : vector<16xf32>
        %parallel_loop3A_300 = arith.index_cast %parallel_loop3A_270 : i32 to index
        %parallel_loop3A_301 = arith.constant 16 : index
        %parallel_loop3A_302 = tpu.vector_load %arg17[%parallel_loop3A_300, %parallel_loop3A_301] {strides = array<i32>} : memref<40x128xf32, #tpu.memory_space<vmem>>, vector<1x16xf32>,
        %parallel_loop3A_303 = vector.shape_cast %parallel_loop3A_302 : vector<1x16xf32> to vector<16xf32>
        %parallel_loop3A_304 = vector.shape_cast %parallel_loop3A_299 : vector<16xf32> to vector<1x16xf32>
        tpu.vector_store %arg17[%parallel_loop3A_300, %parallel_loop3A_301], %parallel_loop3A_304 {strides = array<i32>} : memref<40x128xf32, #tpu.memory_space<vmem>>, vector<1x16xf32>,
        %parallel_loop3A_305 = arith.index_cast %parallel_loop3A_270 : i32 to index
        %parallel_loop3A_306 = arith.constant 32 : index
        %parallel_loop3A_307 = tpu.vector_load %arg17[%parallel_loop3A_305, %parallel_loop3A_306] {strides = array<i32>} : memref<40x128xf32, #tpu.memory_space<vmem>>, vector<1x16xf32>,
        %parallel_loop3A_308 = vector.shape_cast %parallel_loop3A_307 : vector<1x16xf32> to vector<16xf32>
        %parallel_loop3A_309 = arith.index_cast %parallel_loop3A_270 : i32 to index
        %parallel_loop3A_310 = arith.constant 32 : index
        %parallel_loop3A_311 = tpu.vector_load %arg21[%parallel_loop3A_309, %parallel_loop3A_310] {strides = array<i32>} : memref<40x128xf32, #tpu.memory_space<vmem>>, vector<1x16xf32>,
        %parallel_loop3A_312 = vector.shape_cast %parallel_loop3A_311 : vector<1x16xf32> to vector<16xf32>
        %parallel_loop3A_313 = arith.addf %parallel_loop3A_308, %parallel_loop3A_312 : vector<16xf32>
        %parallel_loop3A_314 = arith.constant 0.000000e+00 : f32
        %parallel_loop3A_315 = vector.broadcast %parallel_loop3A_314 : f32 to vector<16xf32>
        %parallel_loop3A_316 = arith.maximumf %parallel_loop3A_313, %parallel_loop3A_315 : vector<16xf32>
        %parallel_loop3A_317 = arith.index_cast %parallel_loop3A_270 : i32 to index
        %parallel_loop3A_318 = arith.constant 32 : index
        %parallel_loop3A_319 = tpu.vector_load %arg17[%parallel_loop3A_317, %parallel_loop3A_318] {strides = array<i32>} : memref<40x128xf32, #tpu.memory_space<vmem>>, vector<1x16xf32>,
        %parallel_loop3A_320 = vector.shape_cast %parallel_loop3A_319 : vector<1x16xf32> to vector<16xf32>
        %parallel_loop3A_321 = vector.shape_cast %parallel_loop3A_316 : vector<16xf32> to vector<1x16xf32>
        tpu.vector_store %arg17[%parallel_loop3A_317, %parallel_loop3A_318], %parallel_loop3A_321 {strides = array<i32>} : memref<40x128xf32, #tpu.memory_space<vmem>>, vector<1x16xf32>,
        %parallel_loop3A_322 = arith.index_cast %parallel_loop3A_270 : i32 to index
        %parallel_loop3A_323 = arith.constant 48 : index
        %parallel_loop3A_324 = tpu.vector_load %arg17[%parallel_loop3A_322, %parallel_loop3A_323] {strides = array<i32>} : memref<40x128xf32, #tpu.memory_space<vmem>>, vector<1x16xf32>,
        %parallel_loop3A_325 = vector.shape_cast %parallel_loop3A_324 : vector<1x16xf32> to vector<16xf32>
        %parallel_loop3A_326 = arith.index_cast %parallel_loop3A_270 : i32 to index
        %parallel_loop3A_327 = arith.constant 48 : index
        %parallel_loop3A_328 = tpu.vector_load %arg21[%parallel_loop3A_326, %parallel_loop3A_327] {strides = array<i32>} : memref<40x128xf32, #tpu.memory_space<vmem>>, vector<1x16xf32>,
        %parallel_loop3A_329 = vector.shape_cast %parallel_loop3A_328 : vector<1x16xf32> to vector<16xf32>
        %parallel_loop3A_330 = arith.addf %parallel_loop3A_325, %parallel_loop3A_329 : vector<16xf32>
        %parallel_loop3A_331 = arith.constant 0.000000e+00 : f32
        %parallel_loop3A_332 = vector.broadcast %parallel_loop3A_331 : f32 to vector<16xf32>
        %parallel_loop3A_333 = arith.maximumf %parallel_loop3A_330, %parallel_loop3A_332 : vector<16xf32>
        %parallel_loop3A_334 = arith.index_cast %parallel_loop3A_270 : i32 to index
        %parallel_loop3A_335 = arith.constant 48 : index
        %parallel_loop3A_336 = tpu.vector_load %arg17[%parallel_loop3A_334, %parallel_loop3A_335] {strides = array<i32>} : memref<40x128xf32, #tpu.memory_space<vmem>>, vector<1x16xf32>,
        %parallel_loop3A_337 = vector.shape_cast %parallel_loop3A_336 : vector<1x16xf32> to vector<16xf32>
        %parallel_loop3A_338 = vector.shape_cast %parallel_loop3A_333 : vector<16xf32> to vector<1x16xf32>
        tpu.vector_store %arg17[%parallel_loop3A_334, %parallel_loop3A_335], %parallel_loop3A_338 {strides = array<i32>} : memref<40x128xf32, #tpu.memory_space<vmem>>, vector<1x16xf32>,
        %parallel_loop3A_339 = arith.index_cast %parallel_loop3A_270 : i32 to index
        %parallel_loop3A_340 = arith.constant 64 : index
        %parallel_loop3A_341 = tpu.vector_load %arg17[%parallel_loop3A_339, %parallel_loop3A_340] {strides = array<i32>} : memref<40x128xf32, #tpu.memory_space<vmem>>, vector<1x16xf32>,
        %parallel_loop3A_342 = vector.shape_cast %parallel_loop3A_341 : vector<1x16xf32> to vector<16xf32>
        %parallel_loop3A_343 = arith.index_cast %parallel_loop3A_270 : i32 to index
        %parallel_loop3A_344 = arith.constant 64 : index
        %parallel_loop3A_345 = tpu.vector_load %arg21[%parallel_loop3A_343, %parallel_loop3A_344] {strides = array<i32>} : memref<40x128xf32, #tpu.memory_space<vmem>>, vector<1x16xf32>,
        %parallel_loop3A_346 = vector.shape_cast %parallel_loop3A_345 : vector<1x16xf32> to vector<16xf32>
        %parallel_loop3A_347 = arith.addf %parallel_loop3A_342, %parallel_loop3A_346 : vector<16xf32>
        %parallel_loop3A_348 = arith.constant 0.000000e+00 : f32
        %parallel_loop3A_349 = vector.broadcast %parallel_loop3A_348 : f32 to vector<16xf32>
        %parallel_loop3A_350 = arith.maximumf %parallel_loop3A_347, %parallel_loop3A_349 : vector<16xf32>
        %parallel_loop3A_351 = arith.index_cast %parallel_loop3A_270 : i32 to index
        %parallel_loop3A_352 = arith.constant 64 : index
        %parallel_loop3A_353 = tpu.vector_load %arg17[%parallel_loop3A_351, %parallel_loop3A_352] {strides = array<i32>} : memref<40x128xf32, #tpu.memory_space<vmem>>, vector<1x16xf32>,
        %parallel_loop3A_354 = vector.shape_cast %parallel_loop3A_353 : vector<1x16xf32> to vector<16xf32>
        %parallel_loop3A_355 = vector.shape_cast %parallel_loop3A_350 : vector<16xf32> to vector<1x16xf32>
        tpu.vector_store %arg17[%parallel_loop3A_351, %parallel_loop3A_352], %parallel_loop3A_355 {strides = array<i32>} : memref<40x128xf32, #tpu.memory_space<vmem>>, vector<1x16xf32>,
        %parallel_loop3A_356 = arith.index_cast %parallel_loop3A_270 : i32 to index
        %parallel_loop3A_357 = arith.constant 80 : index
        %parallel_loop3A_358 = tpu.vector_load %arg17[%parallel_loop3A_356, %parallel_loop3A_357] {strides = array<i32>} : memref<40x128xf32, #tpu.memory_space<vmem>>, vector<1x16xf32>,
        %parallel_loop3A_359 = vector.shape_cast %parallel_loop3A_358 : vector<1x16xf32> to vector<16xf32>
        %parallel_loop3A_360 = arith.index_cast %parallel_loop3A_270 : i32 to index
        %parallel_loop3A_361 = arith.constant 80 : index
        %parallel_loop3A_362 = tpu.vector_load %arg21[%parallel_loop3A_360, %parallel_loop3A_361] {strides = array<i32>} : memref<40x128xf32, #tpu.memory_space<vmem>>, vector<1x16xf32>,
        %parallel_loop3A_363 = vector.shape_cast %parallel_loop3A_362 : vector<1x16xf32> to vector<16xf32>
        %parallel_loop3A_364 = arith.addf %parallel_loop3A_359, %parallel_loop3A_363 : vector<16xf32>
        %parallel_loop3A_365 = arith.constant 0.000000e+00 : f32
        %parallel_loop3A_366 = vector.broadcast %parallel_loop3A_365 : f32 to vector<16xf32>
        %parallel_loop3A_367 = arith.maximumf %parallel_loop3A_364, %parallel_loop3A_366 : vector<16xf32>
        %parallel_loop3A_368 = arith.index_cast %parallel_loop3A_270 : i32 to index
        %parallel_loop3A_369 = arith.constant 80 : index
        %parallel_loop3A_370 = tpu.vector_load %arg17[%parallel_loop3A_368, %parallel_loop3A_369] {strides = array<i32>} : memref<40x128xf32, #tpu.memory_space<vmem>>, vector<1x16xf32>,
        %parallel_loop3A_371 = vector.shape_cast %parallel_loop3A_370 : vector<1x16xf32> to vector<16xf32>
        %parallel_loop3A_372 = vector.shape_cast %parallel_loop3A_367 : vector<16xf32> to vector<1x16xf32>
        tpu.vector_store %arg17[%parallel_loop3A_368, %parallel_loop3A_369], %parallel_loop3A_372 {strides = array<i32>} : memref<40x128xf32, #tpu.memory_space<vmem>>, vector<1x16xf32>,
        %parallel_loop3A_373 = arith.index_cast %parallel_loop3A_270 : i32 to index
        %parallel_loop3A_374 = arith.constant 96 : index
        %parallel_loop3A_375 = tpu.vector_load %arg17[%parallel_loop3A_373, %parallel_loop3A_374] {strides = array<i32>} : memref<40x128xf32, #tpu.memory_space<vmem>>, vector<1x16xf32>,
        %parallel_loop3A_376 = vector.shape_cast %parallel_loop3A_375 : vector<1x16xf32> to vector<16xf32>
        %parallel_loop3A_377 = arith.index_cast %parallel_loop3A_270 : i32 to index
        %parallel_loop3A_378 = arith.constant 96 : index
        %parallel_loop3A_379 = tpu.vector_load %arg21[%parallel_loop3A_377, %parallel_loop3A_378] {strides = array<i32>} : memref<40x128xf32, #tpu.memory_space<vmem>>, vector<1x16xf32>,
        %parallel_loop3A_380 = vector.shape_cast %parallel_loop3A_379 : vector<1x16xf32> to vector<16xf32>
        %parallel_loop3A_381 = arith.addf %parallel_loop3A_376, %parallel_loop3A_380 : vector<16xf32>
        %parallel_loop3A_382 = arith.constant 0.000000e+00 : f32
        %parallel_loop3A_383 = vector.broadcast %parallel_loop3A_382 : f32 to vector<16xf32>
        %parallel_loop3A_384 = arith.maximumf %parallel_loop3A_381, %parallel_loop3A_383 : vector<16xf32>
        %parallel_loop3A_385 = arith.index_cast %parallel_loop3A_270 : i32 to index
        %parallel_loop3A_386 = arith.constant 96 : index
        %parallel_loop3A_387 = tpu.vector_load %arg17[%parallel_loop3A_385, %parallel_loop3A_386] {strides = array<i32>} : memref<40x128xf32, #tpu.memory_space<vmem>>, vector<1x16xf32>,
        %parallel_loop3A_388 = vector.shape_cast %parallel_loop3A_387 : vector<1x16xf32> to vector<16xf32>
        %parallel_loop3A_389 = vector.shape_cast %parallel_loop3A_384 : vector<16xf32> to vector<1x16xf32>
        tpu.vector_store %arg17[%parallel_loop3A_385, %parallel_loop3A_386], %parallel_loop3A_389 {strides = array<i32>} : memref<40x128xf32, #tpu.memory_space<vmem>>, vector<1x16xf32>,
        %parallel_loop3A_390 = arith.index_cast %parallel_loop3A_270 : i32 to index
        %parallel_loop3A_391 = arith.constant 112 : index
        %parallel_loop3A_392 = tpu.vector_load %arg17[%parallel_loop3A_390, %parallel_loop3A_391] {strides = array<i32>} : memref<40x128xf32, #tpu.memory_space<vmem>>, vector<1x16xf32>,
        %parallel_loop3A_393 = vector.shape_cast %parallel_loop3A_392 : vector<1x16xf32> to vector<16xf32>
        %parallel_loop3A_394 = arith.index_cast %parallel_loop3A_270 : i32 to index
        %parallel_loop3A_395 = arith.constant 112 : index
        %parallel_loop3A_396 = tpu.vector_load %arg21[%parallel_loop3A_394, %parallel_loop3A_395] {strides = array<i32>} : memref<40x128xf32, #tpu.memory_space<vmem>>, vector<1x16xf32>,
        %parallel_loop3A_397 = vector.shape_cast %parallel_loop3A_396 : vector<1x16xf32> to vector<16xf32>
        %parallel_loop3A_398 = arith.addf %parallel_loop3A_393, %parallel_loop3A_397 : vector<16xf32>
        %parallel_loop3A_399 = arith.constant 0.000000e+00 : f32
        %parallel_loop3A_400 = vector.broadcast %parallel_loop3A_399 : f32 to vector<16xf32>
        %parallel_loop3A_401 = arith.maximumf %parallel_loop3A_398, %parallel_loop3A_400 : vector<16xf32>
        %parallel_loop3A_402 = arith.index_cast %parallel_loop3A_270 : i32 to index
        %parallel_loop3A_403 = arith.constant 112 : index
        %parallel_loop3A_404 = tpu.vector_load %arg17[%parallel_loop3A_402, %parallel_loop3A_403] {strides = array<i32>} : memref<40x128xf32, #tpu.memory_space<vmem>>, vector<1x16xf32>,
        %parallel_loop3A_405 = vector.shape_cast %parallel_loop3A_404 : vector<1x16xf32> to vector<16xf32>
        %parallel_loop3A_406 = vector.shape_cast %parallel_loop3A_401 : vector<16xf32> to vector<1x16xf32>
        tpu.vector_store %arg17[%parallel_loop3A_402, %parallel_loop3A_403], %parallel_loop3A_406 {strides = array<i32>} : memref<40x128xf32, #tpu.memory_space<vmem>>, vector<1x16xf32>,
      } {sc.loop_unroll_factor = 1 : i64, sc.parallel_access}
      %dma_start3A_224 = arith.constant 0 : i32
      %dma_start3A_225 = arith.constant 0 : i32
      %dma_start3A_226 = tpu.memref_slice %arg23[%dma_start3A_224, %dma_start3A_225] : memref<10112x128xf32, #tpu.memory_space<vmem_shared>> -> memref<10112x128xf32, #tpu.memory_space<vmem_shared>>
      tpu.enqueue_indirect_dma source(%arg17 : memref<40x128xf32, #tpu.memory_space<vmem>>) target(%dma_start3A_226 : memref<10112x128xf32, #tpu.memory_space<vmem_shared>>) offsets(%arg13 : memref<40xi32, #tpu.memory_space<vmem>>) semaphore(%arg42 : memref<!tpu.dma_semaphore, #tpu.memory_space<semaphore_mem>>) {add = true}
      %add3A_227 = arith.constant 3 : i32
      %add3A_228 = arith.addi %add3A_103, %add3A_227 : i32
      %ge3A_229 = arith.constant 1 : i32
      %ge3A_230 = arith.cmpi sge, %add3A_228, %ge3A_229 : i32
      %convert_element_type3A_231 = arith.extui %ge3A_230 : i1 to i32
      %cond3A_232 = arith.constant 0 : i32
      %cond3A_233 = arith.cmpi ne, %convert_element_type3A_231, %cond3A_232 : i32
      scf.if %cond3A_233 {
        %dma_wait3A_270 = arith.constant 0 : i32
        %dma_wait3A_271 = arith.constant 0 : i32
        %dma_wait3A_272 = tpu.memref_slice %arg23[%dma_wait3A_270, %dma_wait3A_271] : memref<10112x128xf32, #tpu.memory_space<vmem_shared>> -> memref<10112x128xf32, #tpu.memory_space<vmem_shared>>
        tpu.wait_indirect_dma semaphore(%arg42 : memref<!tpu.dma_semaphore, #tpu.memory_space<semaphore_mem>>) src(%arg17 : memref<40x128xf32, #tpu.memory_space<vmem>>) dst(%dma_wait3A_272 : memref<10112x128xf32, #tpu.memory_space<vmem_shared>>)
      } else {
      }
      %add3A_234 = arith.constant 4 : i32
      %add3A_235 = arith.addi %add3A_228, %add3A_234 : i32
      %sub3A_236 = arith.constant 1 : i32
      %sub3A_237 = arith.subi %add3A_235, %sub3A_236 : i32
      %lt3A_238 = arith.constant 256 : i32
      %lt3A_239 = arith.cmpi slt, %sub3A_237, %lt3A_238 : i32
      %convert_element_type3A_240 = arith.extui %lt3A_239 : i1 to i32
      %cond3A_241 = arith.constant 0 : i32
      %cond3A_242 = arith.cmpi ne, %convert_element_type3A_240, %cond3A_241 : i32
      scf.if %cond3A_242 {
        %add3A_270 = arith.constant 4 : i32
        %add3A_271 = arith.addi %add3A_228, %add3A_270 : i32
        %sub3A_272 = arith.constant 1 : i32
        %sub3A_273 = arith.subi %add3A_271, %sub3A_272 : i32
        %dma_start3A_274 = arith.constant 0 : i32
        %dma_start3A_275 = arith.constant 0 : i32
        %dma_start3A_276 = tpu.memref_slice %arg4[%add3A, %sub3A_273, %dma_start3A_274, %dma_start3A_275] : memref<32x256x2x40xi32, #tpu.memory_space<hbm>> -> memref<1x1x1x40xi32, #tpu.memory_space<hbm>>
        %dma_start3A_277 = tpu.memref_squeeze %dma_start3A_276 : memref<1x1x1x40xi32, #tpu.memory_space<hbm>> -> memref<40xi32, #tpu.memory_space<hbm>>
        %dma_start3A_278 = arith.constant 0 : i32
        %dma_start3A_279 = tpu.memref_slice %arg4[%add3A, %sub3A_273, %dma_start3A_274, %dma_start3A_278] : memref<32x256x2x40xi32, #tpu.memory_space<hbm>> -> memref<1x1x1x40xi32, #tpu.memory_space<hbm>>
        %dma_start3A_280 = tpu.memref_squeeze %dma_start3A_279 : memref<1x1x1x40xi32, #tpu.memory_space<hbm>> -> memref<40xi32, #tpu.memory_space<hbm>>
        tpu.enqueue_dma source(%dma_start3A_280 : memref<40xi32, #tpu.memory_space<hbm>>) target(%arg9 : memref<40xi32, #tpu.memory_space<vmem>>) target_semaphore(%arg26 : memref<!tpu.dma_semaphore, #tpu.memory_space<semaphore_mem>>)
        %dma_start3A_281 = arith.constant 1 : i32
        %dma_start3A_282 = arith.constant 0 : i32
        %dma_start3A_283 = tpu.memref_slice %arg4[%add3A, %sub3A_273, %dma_start3A_281, %dma_start3A_282] : memref<32x256x2x40xi32, #tpu.memory_space<hbm>> -> memref<1x1x1x40xi32, #tpu.memory_space<hbm>>
        %dma_start3A_284 = tpu.memref_squeeze %dma_start3A_283 : memref<1x1x1x40xi32, #tpu.memory_space<hbm>> -> memref<40xi32, #tpu.memory_space<hbm>>
        %dma_start3A_285 = arith.constant 0 : i32
        %dma_start3A_286 = tpu.memref_slice %arg4[%add3A, %sub3A_273, %dma_start3A_281, %dma_start3A_285] : memref<32x256x2x40xi32, #tpu.memory_space<hbm>> -> memref<1x1x1x40xi32, #tpu.memory_space<hbm>>
        %dma_start3A_287 = tpu.memref_squeeze %dma_start3A_286 : memref<1x1x1x40xi32, #tpu.memory_space<hbm>> -> memref<40xi32, #tpu.memory_space<hbm>>
        tpu.enqueue_dma source(%dma_start3A_287 : memref<40xi32, #tpu.memory_space<hbm>>) target(%arg13 : memref<40xi32, #tpu.memory_space<vmem>>) target_semaphore(%arg30 : memref<!tpu.dma_semaphore, #tpu.memory_space<semaphore_mem>>)
        %mul3A_288 = arith.constant 40 : i32
        %mul3A_289 = arith.muli %sub3A_273, %mul3A_288 : i32
        %add3A_290 = arith.addi %mul3A_2, %mul3A_289 : i32
        %dma_start3A_291 = arith.constant 0 : i32
        %dma_start3A_292 = tpu.memref_slice %arg3[%add3A_290, %dma_start3A_291] : memref<327680x128xf32, #tpu.memory_space<hbm>> -> memref<40x128xf32, #tpu.memory_space<hbm>>
        %dma_start3A_293 = arith.constant 0 : i32
        %dma_start3A_294 = tpu.memref_slice %arg3[%add3A_290, %dma_start3A_293] : memref<327680x128xf32, #tpu.memory_space<hbm>> -> memref<40x128xf32, #tpu.memory_space<hbm>>
        tpu.enqueue_dma source(%dma_start3A_294 : memref<40x128xf32, #tpu.memory_space<hbm>>) target(%arg21 : memref<40x128xf32, #tpu.memory_space<vmem>>) target_semaphore(%arg34 : memref<!tpu.dma_semaphore, #tpu.memory_space<semaphore_mem>>)
      } else {
      }
      %add3A_243 = arith.constant 2 : i32
      %add3A_244 = arith.addi %add3A_228, %add3A_243 : i32
      %lt3A_245 = arith.constant 256 : i32
      %lt3A_246 = arith.cmpi slt, %add3A_244, %lt3A_245 : i32
      %convert_element_type3A_247 = arith.extui %lt3A_246 : i1 to i32
      %cond3A_248 = arith.constant 0 : i32
      %cond3A_249 = arith.cmpi ne, %convert_element_type3A_247, %cond3A_248 : i32
      scf.if %cond3A_249 {
        %add3A_270 = arith.constant 2 : i32
        %add3A_271 = arith.addi %add3A_228, %add3A_270 : i32
        %dma_wait3A_272 = arith.constant 0 : i32
        %dma_wait3A_273 = arith.constant 0 : i32
        %dma_wait3A_274 = tpu.memref_slice %arg4[%add3A, %add3A_271, %dma_wait3A_272, %dma_wait3A_273] : memref<32x256x2x40xi32, #tpu.memory_space<hbm>> -> memref<1x1x1x40xi32, #tpu.memory_space<hbm>>
        %dma_wait3A_275 = tpu.memref_squeeze %dma_wait3A_274 : memref<1x1x1x40xi32, #tpu.memory_space<hbm>> -> memref<40xi32, #tpu.memory_space<hbm>>
        %dma_wait3A_276 = arith.constant 0 : i32
        %dma_wait3A_277 = tpu.memref_slice %arg4[%add3A, %add3A_271, %dma_wait3A_272, %dma_wait3A_276] : memref<32x256x2x40xi32, #tpu.memory_space<hbm>> -> memref<1x1x1x40xi32, #tpu.memory_space<hbm>>
        %dma_wait3A_278 = tpu.memref_squeeze %dma_wait3A_277 : memref<1x1x1x40xi32, #tpu.memory_space<hbm>> -> memref<40xi32, #tpu.memory_space<hbm>>
        tpu.wait_dma2 semaphore(%arg25 : memref<!tpu.dma_semaphore, #tpu.memory_space<semaphore_mem>>) src(%dma_wait3A_278 : memref<40xi32, #tpu.memory_space<hbm>>) dst(%arg8 : memref<40xi32, #tpu.memory_space<vmem>>)
        %dma_start3A_279 = arith.constant 0 : i32
        %dma_start3A_280 = arith.constant 0 : i32
        %dma_start3A_281 = tpu.memref_slice %arg2[%dma_start3A_279, %dma_start3A_280] : memref<10000x128xf32, #tpu.memory_space<hbm>> -> memref<10000x128xf32, #tpu.memory_space<hbm>>
        tpu.enqueue_indirect_dma source(%dma_start3A_281 : memref<10000x128xf32, #tpu.memory_space<hbm>>) target(%arg16 : memref<40x128xf32, #tpu.memory_space<vmem>>) offsets(%arg8 : memref<40xi32, #tpu.memory_space<vmem>>) semaphore(%arg37 : memref<!tpu.dma_semaphore, #tpu.memory_space<semaphore_mem>>)
      } else {
      }
      %dma_wait3A_250 = arith.constant 0 : i32
      %dma_wait3A_251 = tpu.memref_slice %arg3[%mul3A_2, %dma_wait3A_250] : memref<327680x128xf32, #tpu.memory_space<hbm>> -> memref<40x128xf32, #tpu.memory_space<hbm>>
      %dma_wait3A_252 = arith.constant 0 : i32
      %dma_wait3A_253 = tpu.memref_slice %arg3[%mul3A_2, %dma_wait3A_252] : memref<327680x128xf32, #tpu.memory_space<hbm>> -> memref<40x128xf32, #tpu.memory_space<hbm>>
      tpu.wait_dma2 semaphore(%arg35 : memref<!tpu.dma_semaphore, #tpu.memory_space<semaphore_mem>>) src(%dma_wait3A_253 : memref<40x128xf32, #tpu.memory_space<hbm>>) dst(%arg22 : memref<40x128xf32, #tpu.memory_space<vmem>>)
      %dma_wait3A_254 = arith.constant 1 : i32
      %dma_wait3A_255 = arith.constant 0 : i32
      %dma_wait3A_256 = tpu.memref_slice %arg4[%add3A, %add3A_228, %dma_wait3A_254, %dma_wait3A_255] : memref<32x256x2x40xi32, #tpu.memory_space<hbm>> -> memref<1x1x1x40xi32, #tpu.memory_space<hbm>>
      %dma_wait3A_257 = tpu.memref_squeeze %dma_wait3A_256 : memref<1x1x1x40xi32, #tpu.memory_space<hbm>> -> memref<40xi32, #tpu.memory_space<hbm>>
      %dma_wait3A_258 = arith.constant 0 : i32
      %dma_wait3A_259 = tpu.memref_slice %arg4[%add3A, %add3A_228, %dma_wait3A_254, %dma_wait3A_258] : memref<32x256x2x40xi32, #tpu.memory_space<hbm>> -> memref<1x1x1x40xi32, #tpu.memory_space<hbm>>
      %dma_wait3A_260 = tpu.memref_squeeze %dma_wait3A_259 : memref<1x1x1x40xi32, #tpu.memory_space<hbm>> -> memref<40xi32, #tpu.memory_space<hbm>>
      tpu.wait_dma2 semaphore(%arg31 : memref<!tpu.dma_semaphore, #tpu.memory_space<semaphore_mem>>) src(%dma_wait3A_260 : memref<40xi32, #tpu.memory_space<hbm>>) dst(%arg14 : memref<40xi32, #tpu.memory_space<vmem>>)
      %dma_wait3A_261 = arith.constant 0 : i32
      %dma_wait3A_262 = arith.constant 0 : i32
      %dma_wait3A_263 = tpu.memref_slice %arg2[%dma_wait3A_261, %dma_wait3A_262] : memref<10000x128xf32, #tpu.memory_space<hbm>> -> memref<10000x128xf32, #tpu.memory_space<hbm>>
      tpu.wait_indirect_dma semaphore(%arg39 : memref<!tpu.dma_semaphore, #tpu.memory_space<semaphore_mem>>) src(%dma_wait3A_263 : memref<10000x128xf32, #tpu.memory_space<hbm>>) dst(%arg18 : memref<40x128xf32, #tpu.memory_space<vmem>>)
      %parallel_loop3A_264 = arith.constant 0 : i32
      %parallel_loop3A_265 = arith.constant 40 : i32
      %parallel_loop3A_266 = arith.constant 1 : i32
      scf.for %parallel_loop3A_270 = %parallel_loop3A_264 to %parallel_loop3A_265 step %parallel_loop3A_266  : i32 {
        %parallel_loop3A_271 = arith.index_cast %parallel_loop3A_270 : i32 to index
        %parallel_loop3A_272 = arith.constant 0 : index
        %parallel_loop3A_273 = tpu.vector_load %arg18[%parallel_loop3A_271, %parallel_loop3A_272] {strides = array<i32>} : memref<40x128xf32, #tpu.memory_space<vmem>>, vector<1x16xf32>,
        %parallel_loop3A_274 = vector.shape_cast %parallel_loop3A_273 : vector<1x16xf32> to vector<16xf32>
        %parallel_loop3A_275 = arith.index_cast %parallel_loop3A_270 : i32 to index
        %parallel_loop3A_276 = arith.constant 0 : index
        %parallel_loop3A_277 = tpu.vector_load %arg22[%parallel_loop3A_275, %parallel_loop3A_276] {strides = array<i32>} : memref<40x128xf32, #tpu.memory_space<vmem>>, vector<1x16xf32>,
        %parallel_loop3A_278 = vector.shape_cast %parallel_loop3A_277 : vector<1x16xf32> to vector<16xf32>
        %parallel_loop3A_279 = arith.addf %parallel_loop3A_274, %parallel_loop3A_278 : vector<16xf32>
        %parallel_loop3A_280 = arith.constant 0.000000e+00 : f32
        %parallel_loop3A_281 = vector.broadcast %parallel_loop3A_280 : f32 to vector<16xf32>
        %parallel_loop3A_282 = arith.maximumf %parallel_loop3A_279, %parallel_loop3A_281 : vector<16xf32>
        %parallel_loop3A_283 = arith.index_cast %parallel_loop3A_270 : i32 to index
        %parallel_loop3A_284 = arith.constant 0 : index
        %parallel_loop3A_285 = tpu.vector_load %arg18[%parallel_loop3A_283, %parallel_loop3A_284] {strides = array<i32>} : memref<40x128xf32, #tpu.memory_space<vmem>>, vector<1x16xf32>,
        %parallel_loop3A_286 = vector.shape_cast %parallel_loop3A_285 : vector<1x16xf32> to vector<16xf32>
        %parallel_loop3A_287 = vector.shape_cast %parallel_loop3A_282 : vector<16xf32> to vector<1x16xf32>
        tpu.vector_store %arg18[%parallel_loop3A_283, %parallel_loop3A_284], %parallel_loop3A_287 {strides = array<i32>} : memref<40x128xf32, #tpu.memory_space<vmem>>, vector<1x16xf32>,
        %parallel_loop3A_288 = arith.index_cast %parallel_loop3A_270 : i32 to index
        %parallel_loop3A_289 = arith.constant 16 : index
        %parallel_loop3A_290 = tpu.vector_load %arg18[%parallel_loop3A_288, %parallel_loop3A_289] {strides = array<i32>} : memref<40x128xf32, #tpu.memory_space<vmem>>, vector<1x16xf32>,
        %parallel_loop3A_291 = vector.shape_cast %parallel_loop3A_290 : vector<1x16xf32> to vector<16xf32>
        %parallel_loop3A_292 = arith.index_cast %parallel_loop3A_270 : i32 to index
        %parallel_loop3A_293 = arith.constant 16 : index
        %parallel_loop3A_294 = tpu.vector_load %arg22[%parallel_loop3A_292, %parallel_loop3A_293] {strides = array<i32>} : memref<40x128xf32, #tpu.memory_space<vmem>>, vector<1x16xf32>,
        %parallel_loop3A_295 = vector.shape_cast %parallel_loop3A_294 : vector<1x16xf32> to vector<16xf32>
        %parallel_loop3A_296 = arith.addf %parallel_loop3A_291, %parallel_loop3A_295 : vector<16xf32>
        %parallel_loop3A_297 = arith.constant 0.000000e+00 : f32
        %parallel_loop3A_298 = vector.broadcast %parallel_loop3A_297 : f32 to vector<16xf32>
        %parallel_loop3A_299 = arith.maximumf %parallel_loop3A_296, %parallel_loop3A_298 : vector<16xf32>
        %parallel_loop3A_300 = arith.index_cast %parallel_loop3A_270 : i32 to index
        %parallel_loop3A_301 = arith.constant 16 : index
        %parallel_loop3A_302 = tpu.vector_load %arg18[%parallel_loop3A_300, %parallel_loop3A_301] {strides = array<i32>} : memref<40x128xf32, #tpu.memory_space<vmem>>, vector<1x16xf32>,
        %parallel_loop3A_303 = vector.shape_cast %parallel_loop3A_302 : vector<1x16xf32> to vector<16xf32>
        %parallel_loop3A_304 = vector.shape_cast %parallel_loop3A_299 : vector<16xf32> to vector<1x16xf32>
        tpu.vector_store %arg18[%parallel_loop3A_300, %parallel_loop3A_301], %parallel_loop3A_304 {strides = array<i32>} : memref<40x128xf32, #tpu.memory_space<vmem>>, vector<1x16xf32>,
        %parallel_loop3A_305 = arith.index_cast %parallel_loop3A_270 : i32 to index
        %parallel_loop3A_306 = arith.constant 32 : index
        %parallel_loop3A_307 = tpu.vector_load %arg18[%parallel_loop3A_305, %parallel_loop3A_306] {strides = array<i32>} : memref<40x128xf32, #tpu.memory_space<vmem>>, vector<1x16xf32>,
        %parallel_loop3A_308 = vector.shape_cast %parallel_loop3A_307 : vector<1x16xf32> to vector<16xf32>
        %parallel_loop3A_309 = arith.index_cast %parallel_loop3A_270 : i32 to index
        %parallel_loop3A_310 = arith.constant 32 : index
        %parallel_loop3A_311 = tpu.vector_load %arg22[%parallel_loop3A_309, %parallel_loop3A_310] {strides = array<i32>} : memref<40x128xf32, #tpu.memory_space<vmem>>, vector<1x16xf32>,
        %parallel_loop3A_312 = vector.shape_cast %parallel_loop3A_311 : vector<1x16xf32> to vector<16xf32>
        %parallel_loop3A_313 = arith.addf %parallel_loop3A_308, %parallel_loop3A_312 : vector<16xf32>
        %parallel_loop3A_314 = arith.constant 0.000000e+00 : f32
        %parallel_loop3A_315 = vector.broadcast %parallel_loop3A_314 : f32 to vector<16xf32>
        %parallel_loop3A_316 = arith.maximumf %parallel_loop3A_313, %parallel_loop3A_315 : vector<16xf32>
        %parallel_loop3A_317 = arith.index_cast %parallel_loop3A_270 : i32 to index
        %parallel_loop3A_318 = arith.constant 32 : index
        %parallel_loop3A_319 = tpu.vector_load %arg18[%parallel_loop3A_317, %parallel_loop3A_318] {strides = array<i32>} : memref<40x128xf32, #tpu.memory_space<vmem>>, vector<1x16xf32>,
        %parallel_loop3A_320 = vector.shape_cast %parallel_loop3A_319 : vector<1x16xf32> to vector<16xf32>
        %parallel_loop3A_321 = vector.shape_cast %parallel_loop3A_316 : vector<16xf32> to vector<1x16xf32>
        tpu.vector_store %arg18[%parallel_loop3A_317, %parallel_loop3A_318], %parallel_loop3A_321 {strides = array<i32>} : memref<40x128xf32, #tpu.memory_space<vmem>>, vector<1x16xf32>,
        %parallel_loop3A_322 = arith.index_cast %parallel_loop3A_270 : i32 to index
        %parallel_loop3A_323 = arith.constant 48 : index
        %parallel_loop3A_324 = tpu.vector_load %arg18[%parallel_loop3A_322, %parallel_loop3A_323] {strides = array<i32>} : memref<40x128xf32, #tpu.memory_space<vmem>>, vector<1x16xf32>,
        %parallel_loop3A_325 = vector.shape_cast %parallel_loop3A_324 : vector<1x16xf32> to vector<16xf32>
        %parallel_loop3A_326 = arith.index_cast %parallel_loop3A_270 : i32 to index
        %parallel_loop3A_327 = arith.constant 48 : index
        %parallel_loop3A_328 = tpu.vector_load %arg22[%parallel_loop3A_326, %parallel_loop3A_327] {strides = array<i32>} : memref<40x128xf32, #tpu.memory_space<vmem>>, vector<1x16xf32>,
        %parallel_loop3A_329 = vector.shape_cast %parallel_loop3A_328 : vector<1x16xf32> to vector<16xf32>
        %parallel_loop3A_330 = arith.addf %parallel_loop3A_325, %parallel_loop3A_329 : vector<16xf32>
        %parallel_loop3A_331 = arith.constant 0.000000e+00 : f32
        %parallel_loop3A_332 = vector.broadcast %parallel_loop3A_331 : f32 to vector<16xf32>
        %parallel_loop3A_333 = arith.maximumf %parallel_loop3A_330, %parallel_loop3A_332 : vector<16xf32>
        %parallel_loop3A_334 = arith.index_cast %parallel_loop3A_270 : i32 to index
        %parallel_loop3A_335 = arith.constant 48 : index
        %parallel_loop3A_336 = tpu.vector_load %arg18[%parallel_loop3A_334, %parallel_loop3A_335] {strides = array<i32>} : memref<40x128xf32, #tpu.memory_space<vmem>>, vector<1x16xf32>,
        %parallel_loop3A_337 = vector.shape_cast %parallel_loop3A_336 : vector<1x16xf32> to vector<16xf32>
        %parallel_loop3A_338 = vector.shape_cast %parallel_loop3A_333 : vector<16xf32> to vector<1x16xf32>
        tpu.vector_store %arg18[%parallel_loop3A_334, %parallel_loop3A_335], %parallel_loop3A_338 {strides = array<i32>} : memref<40x128xf32, #tpu.memory_space<vmem>>, vector<1x16xf32>,
        %parallel_loop3A_339 = arith.index_cast %parallel_loop3A_270 : i32 to index
        %parallel_loop3A_340 = arith.constant 64 : index
        %parallel_loop3A_341 = tpu.vector_load %arg18[%parallel_loop3A_339, %parallel_loop3A_340] {strides = array<i32>} : memref<40x128xf32, #tpu.memory_space<vmem>>, vector<1x16xf32>,
        %parallel_loop3A_342 = vector.shape_cast %parallel_loop3A_341 : vector<1x16xf32> to vector<16xf32>
        %parallel_loop3A_343 = arith.index_cast %parallel_loop3A_270 : i32 to index
        %parallel_loop3A_344 = arith.constant 64 : index
        %parallel_loop3A_345 = tpu.vector_load %arg22[%parallel_loop3A_343, %parallel_loop3A_344] {strides = array<i32>} : memref<40x128xf32, #tpu.memory_space<vmem>>, vector<1x16xf32>,
        %parallel_loop3A_346 = vector.shape_cast %parallel_loop3A_345 : vector<1x16xf32> to vector<16xf32>
        %parallel_loop3A_347 = arith.addf %parallel_loop3A_342, %parallel_loop3A_346 : vector<16xf32>
        %parallel_loop3A_348 = arith.constant 0.000000e+00 : f32
        %parallel_loop3A_349 = vector.broadcast %parallel_loop3A_348 : f32 to vector<16xf32>
        %parallel_loop3A_350 = arith.maximumf %parallel_loop3A_347, %parallel_loop3A_349 : vector<16xf32>
        %parallel_loop3A_351 = arith.index_cast %parallel_loop3A_270 : i32 to index
        %parallel_loop3A_352 = arith.constant 64 : index
        %parallel_loop3A_353 = tpu.vector_load %arg18[%parallel_loop3A_351, %parallel_loop3A_352] {strides = array<i32>} : memref<40x128xf32, #tpu.memory_space<vmem>>, vector<1x16xf32>,
        %parallel_loop3A_354 = vector.shape_cast %parallel_loop3A_353 : vector<1x16xf32> to vector<16xf32>
        %parallel_loop3A_355 = vector.shape_cast %parallel_loop3A_350 : vector<16xf32> to vector<1x16xf32>
        tpu.vector_store %arg18[%parallel_loop3A_351, %parallel_loop3A_352], %parallel_loop3A_355 {strides = array<i32>} : memref<40x128xf32, #tpu.memory_space<vmem>>, vector<1x16xf32>,
        %parallel_loop3A_356 = arith.index_cast %parallel_loop3A_270 : i32 to index
        %parallel_loop3A_357 = arith.constant 80 : index
        %parallel_loop3A_358 = tpu.vector_load %arg18[%parallel_loop3A_356, %parallel_loop3A_357] {strides = array<i32>} : memref<40x128xf32, #tpu.memory_space<vmem>>, vector<1x16xf32>,
        %parallel_loop3A_359 = vector.shape_cast %parallel_loop3A_358 : vector<1x16xf32> to vector<16xf32>
        %parallel_loop3A_360 = arith.index_cast %parallel_loop3A_270 : i32 to index
        %parallel_loop3A_361 = arith.constant 80 : index
        %parallel_loop3A_362 = tpu.vector_load %arg22[%parallel_loop3A_360, %parallel_loop3A_361] {strides = array<i32>} : memref<40x128xf32, #tpu.memory_space<vmem>>, vector<1x16xf32>,
        %parallel_loop3A_363 = vector.shape_cast %parallel_loop3A_362 : vector<1x16xf32> to vector<16xf32>
        %parallel_loop3A_364 = arith.addf %parallel_loop3A_359, %parallel_loop3A_363 : vector<16xf32>
        %parallel_loop3A_365 = arith.constant 0.000000e+00 : f32
        %parallel_loop3A_366 = vector.broadcast %parallel_loop3A_365 : f32 to vector<16xf32>
        %parallel_loop3A_367 = arith.maximumf %parallel_loop3A_364, %parallel_loop3A_366 : vector<16xf32>
        %parallel_loop3A_368 = arith.index_cast %parallel_loop3A_270 : i32 to index
        %parallel_loop3A_369 = arith.constant 80 : index
        %parallel_loop3A_370 = tpu.vector_load %arg18[%parallel_loop3A_368, %parallel_loop3A_369] {strides = array<i32>} : memref<40x128xf32, #tpu.memory_space<vmem>>, vector<1x16xf32>,
        %parallel_loop3A_371 = vector.shape_cast %parallel_loop3A_370 : vector<1x16xf32> to vector<16xf32>
        %parallel_loop3A_372 = vector.shape_cast %parallel_loop3A_367 : vector<16xf32> to vector<1x16xf32>
        tpu.vector_store %arg18[%parallel_loop3A_368, %parallel_loop3A_369], %parallel_loop3A_372 {strides = array<i32>} : memref<40x128xf32, #tpu.memory_space<vmem>>, vector<1x16xf32>,
        %parallel_loop3A_373 = arith.index_cast %parallel_loop3A_270 : i32 to index
        %parallel_loop3A_374 = arith.constant 96 : index
        %parallel_loop3A_375 = tpu.vector_load %arg18[%parallel_loop3A_373, %parallel_loop3A_374] {strides = array<i32>} : memref<40x128xf32, #tpu.memory_space<vmem>>, vector<1x16xf32>,
        %parallel_loop3A_376 = vector.shape_cast %parallel_loop3A_375 : vector<1x16xf32> to vector<16xf32>
        %parallel_loop3A_377 = arith.index_cast %parallel_loop3A_270 : i32 to index
        %parallel_loop3A_378 = arith.constant 96 : index
        %parallel_loop3A_379 = tpu.vector_load %arg22[%parallel_loop3A_377, %parallel_loop3A_378] {strides = array<i32>} : memref<40x128xf32, #tpu.memory_space<vmem>>, vector<1x16xf32>,
        %parallel_loop3A_380 = vector.shape_cast %parallel_loop3A_379 : vector<1x16xf32> to vector<16xf32>
        %parallel_loop3A_381 = arith.addf %parallel_loop3A_376, %parallel_loop3A_380 : vector<16xf32>
        %parallel_loop3A_382 = arith.constant 0.000000e+00 : f32
        %parallel_loop3A_383 = vector.broadcast %parallel_loop3A_382 : f32 to vector<16xf32>
        %parallel_loop3A_384 = arith.maximumf %parallel_loop3A_381, %parallel_loop3A_383 : vector<16xf32>
        %parallel_loop3A_385 = arith.index_cast %parallel_loop3A_270 : i32 to index
        %parallel_loop3A_386 = arith.constant 96 : index
        %parallel_loop3A_387 = tpu.vector_load %arg18[%parallel_loop3A_385, %parallel_loop3A_386] {strides = array<i32>} : memref<40x128xf32, #tpu.memory_space<vmem>>, vector<1x16xf32>,
        %parallel_loop3A_388 = vector.shape_cast %parallel_loop3A_387 : vector<1x16xf32> to vector<16xf32>
        %parallel_loop3A_389 = vector.shape_cast %parallel_loop3A_384 : vector<16xf32> to vector<1x16xf32>
        tpu.vector_store %arg18[%parallel_loop3A_385, %parallel_loop3A_386], %parallel_loop3A_389 {strides = array<i32>} : memref<40x128xf32, #tpu.memory_space<vmem>>, vector<1x16xf32>,
        %parallel_loop3A_390 = arith.index_cast %parallel_loop3A_270 : i32 to index
        %parallel_loop3A_391 = arith.constant 112 : index
        %parallel_loop3A_392 = tpu.vector_load %arg18[%parallel_loop3A_390, %parallel_loop3A_391] {strides = array<i32>} : memref<40x128xf32, #tpu.memory_space<vmem>>, vector<1x16xf32>,
        %parallel_loop3A_393 = vector.shape_cast %parallel_loop3A_392 : vector<1x16xf32> to vector<16xf32>
        %parallel_loop3A_394 = arith.index_cast %parallel_loop3A_270 : i32 to index
        %parallel_loop3A_395 = arith.constant 112 : index
        %parallel_loop3A_396 = tpu.vector_load %arg22[%parallel_loop3A_394, %parallel_loop3A_395] {strides = array<i32>} : memref<40x128xf32, #tpu.memory_space<vmem>>, vector<1x16xf32>,
        %parallel_loop3A_397 = vector.shape_cast %parallel_loop3A_396 : vector<1x16xf32> to vector<16xf32>
        %parallel_loop3A_398 = arith.addf %parallel_loop3A_393, %parallel_loop3A_397 : vector<16xf32>
        %parallel_loop3A_399 = arith.constant 0.000000e+00 : f32
        %parallel_loop3A_400 = vector.broadcast %parallel_loop3A_399 : f32 to vector<16xf32>
        %parallel_loop3A_401 = arith.maximumf %parallel_loop3A_398, %parallel_loop3A_400 : vector<16xf32>
        %parallel_loop3A_402 = arith.index_cast %parallel_loop3A_270 : i32 to index
        %parallel_loop3A_403 = arith.constant 112 : index
        %parallel_loop3A_404 = tpu.vector_load %arg18[%parallel_loop3A_402, %parallel_loop3A_403] {strides = array<i32>} : memref<40x128xf32, #tpu.memory_space<vmem>>, vector<1x16xf32>,
        %parallel_loop3A_405 = vector.shape_cast %parallel_loop3A_404 : vector<1x16xf32> to vector<16xf32>
        %parallel_loop3A_406 = vector.shape_cast %parallel_loop3A_401 : vector<16xf32> to vector<1x16xf32>
        tpu.vector_store %arg18[%parallel_loop3A_402, %parallel_loop3A_403], %parallel_loop3A_406 {strides = array<i32>} : memref<40x128xf32, #tpu.memory_space<vmem>>, vector<1x16xf32>,
      } {sc.loop_unroll_factor = 1 : i64, sc.parallel_access}
      %dma_start3A_267 = arith.constant 0 : i32
      %dma_start3A_268 = arith.constant 0 : i32
      %dma_start3A_269 = tpu.memref_slice %arg23[%dma_start3A_267, %dma_start3A_268] : memref<10112x128xf32, #tpu.memory_space<vmem_shared>> -> memref<10112x128xf32, #tpu.memory_space<vmem_shared>>
      tpu.enqueue_indirect_dma source(%arg18 : memref<40x128xf32, #tpu.memory_space<vmem>>) target(%dma_start3A_269 : memref<10112x128xf32, #tpu.memory_space<vmem_shared>>) offsets(%arg14 : memref<40xi32, #tpu.memory_space<vmem>>) semaphore(%arg43 : memref<!tpu.dma_semaphore, #tpu.memory_space<semaphore_mem>>) {add = true}
    }
    %scan3A_94 = arith.constant 64 : i32
    %dma_wait3A_95 = arith.constant 0 : i32
    %dma_wait3A_96 = arith.constant 0 : i32
    %dma_wait3A_97 = tpu.memref_slice %arg23[%dma_wait3A_95, %dma_wait3A_96] : memref<10112x128xf32, #tpu.memory_space<vmem_shared>> -> memref<10112x128xf32, #tpu.memory_space<vmem_shared>>
    tpu.wait_indirect_dma semaphore(%arg43 : memref<!tpu.dma_semaphore, #tpu.memory_space<semaphore_mem>>) src(%arg18 : memref<40x128xf32, #tpu.memory_space<vmem>>) dst(%dma_wait3A_97 : memref<10112x128xf32, #tpu.memory_space<vmem_shared>>)
    %barrier3A_98 = arith.constant 0 : index
    tpu.barrier barrier_id(%barrier3A_98)
    "tpu.region"() ({
      %run_scoped3A = tpu.sem_alloc : memref<!tpu.dma_semaphore, #tpu.memory_space<semaphore_mem>>
      %dma_start3A_99 = arith.constant 0 : i32
      %dma_start3A_100 = tpu.memref_slice %arg6[%arg0, %mul3A_90, %dma_start3A_99] : memref<2x10112x128xf32, #tpu.memory_space<hbm>> -> memref<1x632x128xf32, #tpu.memory_space<hbm>>
      %dma_start3A_101 = tpu.memref_squeeze %dma_start3A_100 : memref<1x632x128xf32, #tpu.memory_space<hbm>> -> memref<632x128xf32, #tpu.memory_space<hbm>>
      %dma_start3A_102 = arith.constant 0 : i32
      %dma_start3A_103 = tpu.memref_slice %arg23[%mul3A_90, %dma_start3A_102] : memref<10112x128xf32, #tpu.memory_space<vmem_shared>> -> memref<632x128xf32, #tpu.memory_space<vmem_shared>>
      tpu.enqueue_dma source(%dma_start3A_103 : memref<632x128xf32, #tpu.memory_space<vmem_shared>>) target(%dma_start3A_101 : memref<632x128xf32, #tpu.memory_space<hbm>>) target_semaphore(%run_scoped3A : memref<!tpu.dma_semaphore, #tpu.memory_space<semaphore_mem>>)
      %dma_wait3A_104 = arith.constant 0 : i32
      %dma_wait3A_105 = tpu.memref_slice %arg6[%arg0, %mul3A_90, %dma_wait3A_104] : memref<2x10112x128xf32, #tpu.memory_space<hbm>> -> memref<1x632x128xf32, #tpu.memory_space<hbm>>
      %dma_wait3A_106 = tpu.memref_squeeze %dma_wait3A_105 : memref<1x632x128xf32, #tpu.memory_space<hbm>> -> memref<632x128xf32, #tpu.memory_space<hbm>>
      %dma_wait3A_107 = arith.constant 0 : i32
      %dma_wait3A_108 = tpu.memref_slice %arg23[%mul3A_90, %dma_wait3A_107] : memref<10112x128xf32, #tpu.memory_space<vmem_shared>> -> memref<632x128xf32, #tpu.memory_space<vmem_shared>>
      tpu.wait_dma2 semaphore(%run_scoped3A : memref<!tpu.dma_semaphore, #tpu.memory_space<semaphore_mem>>) src(%dma_wait3A_108 : memref<632x128xf32, #tpu.memory_space<vmem_shared>>) dst(%dma_wait3A_106 : memref<632x128xf32, #tpu.memory_space<hbm>>)
      tpu.yield
    }) : () -> ()
    return
  }
}

#map = affine_map<(d0, d1) -> (0, 0)>
#map1 = affine_map<(d0, d1) -> (0, 0, 0, 0)>
#map2 = affine_map<(d0, d1) -> (0, 0, 0)>
module attributes {stable_mosaic.version = 14 : i64} {
  func.func @k(%arg0: i32, %arg1: i32, %arg2: memref<10000x128xf32, #tpu.memory_space<hbm>>, %arg3: memref<327680x128xf32, #tpu.memory_space<hbm>>, %arg4: memref<32x256x2x40xi32, #tpu.memory_space<hbm>>, %arg5: memref<10112x128xf32, #tpu.memory_space<hbm>>, %arg6: memref<2x10112x128xf32, #tpu.memory_space<hbm>>, %arg7: memref<40xi32, #tpu.memory_space<vmem>>, %arg8: memref<40xi32, #tpu.memory_space<vmem>>, %arg9: memref<40xi32, #tpu.memory_space<vmem>>, %arg10: memref<40xi32, #tpu.memory_space<vmem>>, %arg11: memref<40xi32, #tpu.memory_space<vmem>>, %arg12: memref<40xi32, #tpu.memory_space<vmem>>, %arg13: memref<40xi32, #tpu.memory_space<vmem>>, %arg14: memref<40xi32, #tpu.memory_space<vmem>>, %arg15: memref<40x128xf32, #tpu.memory_space<vmem>>, %arg16: memref<40x128xf32, #tpu.memory_space<vmem>>, %arg17: memref<40x128xf32, #tpu.memory_space<vmem>>, %arg18: memref<40x128xf32, #tpu.memory_space<vmem>>, %arg19: memref<40x128xf32, #tpu.memory_space<vmem>>, %arg20: memref<40x128xf32, #tpu.memory_space<vmem>>, %arg21: memref<40x128xf32, #tpu.memory_space<vmem>>, %arg22: memref<40x128xf32, #tpu.memory_space<vmem>>, %arg23: memref<10112x128xf32, #tpu.memory_space<vmem_shared>>, %arg24: memref<!tpu.dma_semaphore, #tpu.memory_space<semaphore_mem>>, %arg25: memref<!tpu.dma_semaphore, #tpu.memory_space<semaphore_mem>>, %arg26: memref<!tpu.dma_semaphore, #tpu.memory_space<semaphore_mem>>, %arg27: memref<!tpu.dma_semaphore, #tpu.memory_space<semaphore_mem>>, %arg28: memref<!tpu.dma_semaphore, #tpu.memory_space<semaphore_mem>>, %arg29: memref<!tpu.dma_semaphore, #tpu.memory_space<semaphore_mem>>, %arg30: memref<!tpu.dma_semaphore, #tpu.memory_space<semaphore_mem>>, %arg31: memref<!tpu.dma_semaphore, #tpu.memory_space<semaphore_mem>>, %arg32: memref<!tpu.dma_semaphore, #tpu.memory_space<semaphore_mem>>, %arg33: memref<!tpu.dma_semaphore, #tpu.memory_space<semaphore_mem>>, %arg34: memref<!tpu.dma_semaphore, #tpu.memory_space<semaphore_mem>>, %arg35: memref<!tpu.dma_semaphore, #tpu.memory_space<semaphore_mem>>, %arg36: memref<!tpu.dma_semaphore, #tpu.memory_space<semaphore_mem>>, %arg37: memref<!tpu.dma_semaphore, #tpu.memory_space<semaphore_mem>>, %arg38: memref<!tpu.dma_semaphore, #tpu.memory_space<semaphore_mem>>, %arg39: memref<!tpu.dma_semaphore, #tpu.memory_space<semaphore_mem>>, %arg40: memref<!tpu.dma_semaphore, #tpu.memory_space<semaphore_mem>>, %arg41: memref<!tpu.dma_semaphore, #tpu.memory_space<semaphore_mem>>, %arg42: memref<!tpu.dma_semaphore, #tpu.memory_space<semaphore_mem>>, %arg43: memref<!tpu.dma_semaphore, #tpu.memory_space<semaphore_mem>>) attributes {dimension_semantics = [#tpu.dimension_semantics<core_parallel>, #tpu.dimension_semantics<subcore_parallel>], iteration_bounds = array<i64: 2, 16>, scalar_prefetch = 0 : i64, scratch_operands = 37 : i64, tpu.core_type = #tpu.core_type<sc_vector_subcore>, window_params = [{transform_indices = #map}, {transform_indices = #map}, {transform_indices = #map1}, {transform_indices = #map}, {transform_indices = #map2}]} {
    %mul3A = arith.constant 16 : i32
    %mul3A_0 = arith.muli %arg0, %mul3A : i32
    %add3A = arith.addi %mul3A_0, %arg1 : i32
    %mul3A_1 = arith.constant 10240 : i32
    %mul3A_2 = arith.muli %add3A, %mul3A_1 : i32
    %dma_start3A = arith.constant 0 : i32
    %dma_start3A_3 = arith.constant 0 : i32
    %dma_start3A_4 = arith.constant 0 : i32
    %dma_start3A_5 = tpu.memref_slice %arg4[%add3A, %dma_start3A, %dma_start3A_3, %dma_start3A_4] : memref<32x256x2x40xi32, #tpu.memory_space<hbm>> -> memref<1x1x1x40xi32, #tpu.memory_space<hbm>>
    %dma_start3A_6 = tpu.memref_squeeze %dma_start3A_5 : memref<1x1x1x40xi32, #tpu.memory_space<hbm>> -> memref<40xi32, #tpu.memory_space<hbm>>
    %dma_start3A_7 = arith.constant 0 : i32
    %dma_start3A_8 = tpu.memref_slice %arg4[%add3A, %dma_start3A, %dma_start3A_3, %dma_start3A_7] : memref<32x256x2x40xi32, #tpu.memory_space<hbm>> -> memref<1x1x1x40xi32, #tpu.memory_space<hbm>>
    %dma_start3A_9 = tpu.memref_squeeze %dma_start3A_8 : memref<1x1x1x40xi32, #tpu.memory_space<hbm>> -> memref<40xi32, #tpu.memory_space<hbm>>
    tpu.enqueue_dma source(%dma_start3A_9 : memref<40xi32, #tpu.memory_space<hbm>>) target(%arg7 : memref<40xi32, #tpu.memory_space<vmem>>) target_semaphore(%arg24 : memref<!tpu.dma_semaphore, #tpu.memory_space<semaphore_mem>>)
    %dma_start3A_10 = arith.constant 0 : i32
    %dma_start3A_11 = arith.constant 1 : i32
    %dma_start3A_12 = arith.constant 0 : i32
    %dma_start3A_13 = tpu.memref_slice %arg4[%add3A, %dma_start3A_10, %dma_start3A_11, %dma_start3A_12] : memref<32x256x2x40xi32, #tpu.memory_space<hbm>> -> memref<1x1x1x40xi32, #tpu.memory_space<hbm>>
    %dma_start3A_14 = tpu.memref_squeeze %dma_start3A_13 : memref<1x1x1x40xi32, #tpu.memory_space<hbm>> -> memref<40xi32, #tpu.memory_space<hbm>>
    %dma_start3A_15 = arith.constant 0 : i32
    %dma_start3A_16 = tpu.memref_slice %arg4[%add3A, %dma_start3A_10, %dma_start3A_11, %dma_start3A_15] : memref<32x256x2x40xi32, #tpu.memory_space<hbm>> -> memref<1x1x1x40xi32, #tpu.memory_space<hbm>>
    %dma_start3A_17 = tpu.memref_squeeze %dma_start3A_16 : memref<1x1x1x40xi32, #tpu.memory_space<hbm>> -> memref<40xi32, #tpu.memory_space<hbm>>
    tpu.enqueue_dma source(%dma_start3A_17 : memref<40xi32, #tpu.memory_space<hbm>>) target(%arg11 : memref<40xi32, #tpu.memory_space<vmem>>) target_semaphore(%arg28 : memref<!tpu.dma_semaphore, #tpu.memory_space<semaphore_mem>>)
    %add3A_18 = arith.constant 0 : i32
    %add3A_19 = arith.addi %mul3A_2, %add3A_18 : i32
    %dma_start3A_20 = arith.constant 0 : i32
    %dma_start3A_21 = tpu.memref_slice %arg3[%add3A_19, %dma_start3A_20] : memref<327680x128xf32, #tpu.memory_space<hbm>> -> memref<40x128xf32, #tpu.memory_space<hbm>>
    %dma_start3A_22 = arith.constant 0 : i32
    %dma_start3A_23 = tpu.memref_slice %arg3[%add3A_19, %dma_start3A_22] : memref<327680x128xf32, #tpu.memory_space<hbm>> -> memref<40x128xf32, #tpu.memory_space<hbm>>
    tpu.enqueue_dma source(%dma_start3A_23 : memref<40x128xf32, #tpu.memory_space<hbm>>) target(%arg19 : memref<40x128xf32, #tpu.memory_space<vmem>>) target_semaphore(%arg32 : memref<!tpu.dma_semaphore, #tpu.memory_space<semaphore_mem>>)
    %dma_start3A_24 = arith.constant 1 : i32
    %dma_start3A_25 = arith.constant 0 : i32
    %dma_start3A_26 = arith.constant 0 : i32
    %dma_start3A_27 = tpu.memref_slice %arg4[%add3A, %dma_start3A_24, %dma_start3A_25, %dma_start3A_26] : memref<32x256x2x40xi32, #tpu.memory_space<hbm>> -> memref<1x1x1x40xi32, #tpu.memory_space<hbm>>
    %dma_start3A_28 = tpu.memref_squeeze %dma_start3A_27 : memref<1x1x1x40xi32, #tpu.memory_space<hbm>> -> memref<40xi32, #tpu.memory_space<hbm>>
    %dma_start3A_29 = arith.constant 0 : i32
    %dma_start3A_30 = tpu.memref_slice %arg4[%add3A, %dma_start3A_24, %dma_start3A_25, %dma_start3A_29] : memref<32x256x2x40xi32, #tpu.memory_space<hbm>> -> memref<1x1x1x40xi32, #tpu.memory_space<hbm>>
    %dma_start3A_31 = tpu.memref_squeeze %dma_start3A_30 : memref<1x1x1x40xi32, #tpu.memory_space<hbm>> -> memref<40xi32, #tpu.memory_space<hbm>>
    tpu.enqueue_dma source(%dma_start3A_31 : memref<40xi32, #tpu.memory_space<hbm>>) target(%arg8 : memref<40xi32, #tpu.memory_space<vmem>>) target_semaphore(%arg25 : memref<!tpu.dma_semaphore, #tpu.memory_space<semaphore_mem>>)
    %dma_start3A_32 = arith.constant 1 : i32
    %dma_start3A_33 = arith.constant 1 : i32
    %dma_start3A_34 = arith.constant 0 : i32
    %dma_start3A_35 = tpu.memref_slice %arg4[%add3A, %dma_start3A_32, %dma_start3A_33, %dma_start3A_34] : memref<32x256x2x40xi32, #tpu.memory_space<hbm>> -> memref<1x1x1x40xi32, #tpu.memory_space<hbm>>
    %dma_start3A_36 = tpu.memref_squeeze %dma_start3A_35 : memref<1x1x1x40xi32, #tpu.memory_space<hbm>> -> memref<40xi32, #tpu.memory_space<hbm>>
    %dma_start3A_37 = arith.constant 0 : i32
    %dma_start3A_38 = tpu.memref_slice %arg4[%add3A, %dma_start3A_32, %dma_start3A_33, %dma_start3A_37] : memref<32x256x2x40xi32, #tpu.memory_space<hbm>> -> memref<1x1x1x40xi32, #tpu.memory_space<hbm>>
    %dma_start3A_39 = tpu.memref_squeeze %dma_start3A_38 : memref<1x1x1x40xi32, #tpu.memory_space<hbm>> -> memref<40xi32, #tpu.memory_space<hbm>>
    tpu.enqueue_dma source(%dma_start3A_39 : memref<40xi32, #tpu.memory_space<hbm>>) target(%arg12 : memref<40xi32, #tpu.memory_space<vmem>>) target_semaphore(%arg29 : memref<!tpu.dma_semaphore, #tpu.memory_space<semaphore_mem>>)
    %add3A_40 = arith.constant 40 : i32
    %add3A_41 = arith.addi %mul3A_2, %add3A_40 : i32
    %dma_start3A_42 = arith.constant 0 : i32
    %dma_start3A_43 = tpu.memref_slice %arg3[%add3A_41, %dma_start3A_42] : memref<327680x128xf32, #tpu.memory_space<hbm>> -> memref<40x128xf32, #tpu.memory_space<hbm>>
    %dma_start3A_44 = arith.constant 0 : i32
    %dma_start3A_45 = tpu.memref_slice %arg3[%add3A_41, %dma_start3A_44] : memref<327680x128xf32, #tpu.memory_space<hbm>> -> memref<40x128xf32, #tpu.memory_space<hbm>>
    tpu.enqueue_dma source(%dma_start3A_45 : memref<40x128xf32, #tpu.memory_space<hbm>>) target(%arg20 : memref<40x128xf32, #tpu.memory_space<vmem>>) target_semaphore(%arg33 : memref<!tpu.dma_semaphore, #tpu.memory_space<semaphore_mem>>)
    %dma_start3A_46 = arith.constant 2 : i32
    %dma_start3A_47 = arith.constant 0 : i32
    %dma_start3A_48 = arith.constant 0 : i32
    %dma_start3A_49 = tpu.memref_slice %arg4[%add3A, %dma_start3A_46, %dma_start3A_47, %dma_start3A_48] : memref<32x256x2x40xi32, #tpu.memory_space<hbm>> -> memref<1x1x1x40xi32, #tpu.memory_space<hbm>>
    %dma_start3A_50 = tpu.memref_squeeze %dma_start3A_49 : memref<1x1x1x40xi32, #tpu.memory_space<hbm>> -> memref<40xi32, #tpu.memory_space<hbm>>
    %dma_start3A_51 = arith.constant 0 : i32
    %dma_start3A_52 = tpu.memref_slice %arg4[%add3A, %dma_start3A_46, %dma_start3A_47, %dma_start3A_51] : memref<32x256x2x40xi32, #tpu.memory_space<hbm>> -> memref<1x1x1x40xi32, #tpu.memory_space<hbm>>
    %dma_start3A_53 = tpu.memref_squeeze %dma_start3A_52 : memref<1x1x1x40xi32, #tpu.memory_space<hbm>> -> memref<40xi32, #tpu.memory_space<hbm>>
    tpu.enqueue_dma source(%dma_start3A_53 : memref<40xi32, #tpu.memory_space<hbm>>) target(%arg9 : memref<40xi32, #tpu.memory_space<vmem>>) target_semaphore(%arg26 : memref<!tpu.dma_semaphore, #tpu.memory_space<semaphore_mem>>)
    %dma_start3A_54 = arith.constant 2 : i32
    %dma_start3A_55 = arith.constant 1 : i32
    %dma_start3A_56 = arith.constant 0 : i32
    %dma_start3A_57 = tpu.memref_slice %arg4[%add3A, %dma_start3A_54, %dma_start3A_55, %dma_start3A_56] : memref<32x256x2x40xi32, #tpu.memory_space<hbm>> -> memref<1x1x1x40xi32, #tpu.memory_space<hbm>>
    %dma_start3A_58 = tpu.memref_squeeze %dma_start3A_57 : memref<1x1x1x40xi32, #tpu.memory_space<hbm>> -> memref<40xi32, #tpu.memory_space<hbm>>
    %dma_start3A_59 = arith.constant 0 : i32
    %dma_start3A_60 = tpu.memref_slice %arg4[%add3A, %dma_start3A_54, %dma_start3A_55, %dma_start3A_59] : memref<32x256x2x40xi32, #tpu.memory_space<hbm>> -> memref<1x1x1x40xi32, #tpu.memory_space<hbm>>
    %dma_start3A_61 = tpu.memref_squeeze %dma_start3A_60 : memref<1x1x1x40xi32, #tpu.memory_space<hbm>> -> memref<40xi32, #tpu.memory_space<hbm>>
    tpu.enqueue_dma source(%dma_start3A_61 : memref<40xi32, #tpu.memory_space<hbm>>) target(%arg13 : memref<40xi32, #tpu.memory_space<vmem>>) target_semaphore(%arg30 : memref<!tpu.dma_semaphore, #tpu.memory_space<semaphore_mem>>)
    %add3A_62 = arith.constant 80 : i32
    %add3A_63 = arith.addi %mul3A_2, %add3A_62 : i32
    %dma_start3A_64 = arith.constant 0 : i32
    %dma_start3A_65 = tpu.memref_slice %arg3[%add3A_63, %dma_start3A_64] : memref<327680x128xf32, #tpu.memory_space<hbm>> -> memref<40x128xf32, #tpu.memory_space<hbm>>
    %dma_start3A_66 = arith.constant 0 : i32
    %dma_start3A_67 = tpu.memref_slice %arg3[%add3A_63, %dma_start3A_66] : memref<327680x128xf32, #tpu.memory_space<hbm>> -> memref<40x128xf32, #tpu.memory_space<hbm>>
    tpu.enqueue_dma source(%dma_start3A_67 : memref<40x128xf32, #tpu.memory_space<hbm>>) target(%arg21 : memref<40x128xf32, #tpu.memory_space<vmem>>) target_semaphore(%arg34 : memref<!tpu.dma_semaphore, #tpu.memory_space<semaphore_mem>>)
    %dma_wait3A = arith.constant 0 : i32
    %dma_wait3A_68 = arith.constant 0 : i32
    %dma_wait3A_69 = arith.constant 0 : i32
    %dma_wait3A_70 = tpu.memref_slice %arg4[%add3A, %dma_wait3A, %dma_wait3A_68, %dma_wait3A_69] : memref<32x256x2x40xi32, #tpu.memory_space<hbm>> -> memref<1x1x1x40xi32, #tpu.memory_space<hbm>>
    %dma_wait3A_71 = tpu.memref_squeeze %dma_wait3A_70 : memref<1x1x1x40xi32, #tpu.memory_space<hbm>> -> memref<40xi32, #tpu.memory_space<hbm>>
    %dma_wait3A_72 = arith.constant 0 : i32
    %dma_wait3A_73 = tpu.memref_slice %arg4[%add3A, %dma_wait3A, %dma_wait3A_68, %dma_wait3A_72] : memref<32x256x2x40xi32, #tpu.memory_space<hbm>> -> memref<1x1x1x40xi32, #tpu.memory_space<hbm>>
    %dma_wait3A_74 = tpu.memref_squeeze %dma_wait3A_73 : memref<1x1x1x40xi32, #tpu.memory_space<hbm>> -> memref<40xi32, #tpu.memory_space<hbm>>
    tpu.wait_dma2 semaphore(%arg24 : memref<!tpu.dma_semaphore, #tpu.memory_space<semaphore_mem>>) src(%dma_wait3A_74 : memref<40xi32, #tpu.memory_space<hbm>>) dst(%arg7 : memref<40xi32, #tpu.memory_space<vmem>>)
    %dma_start3A_75 = arith.constant 0 : i32
    %dma_start3A_76 = arith.constant 0 : i32
    %dma_start3A_77 = tpu.memref_slice %arg2[%dma_start3A_75, %dma_start3A_76] : memref<10000x128xf32, #tpu.memory_space<hbm>> -> memref<10000x128xf32, #tpu.memory_space<hbm>>
    tpu.enqueue_indirect_dma source(%dma_start3A_77 : memref<10000x128xf32, #tpu.memory_space<hbm>>) target(%arg15 : memref<40x128xf32, #tpu.memory_space<vmem>>) offsets(%arg7 : memref<40xi32, #tpu.memory_space<vmem>>) semaphore(%arg36 : memref<!tpu.dma_semaphore, #tpu.memory_space<semaphore_mem>>)
    %dma_wait3A_78 = arith.constant 1 : i32
    %dma_wait3A_79 = arith.constant 0 : i32
    %dma_wait3A_80 = arith.constant 0 : i32
    %dma_wait3A_81 = tpu.memref_slice %arg4[%add3A, %dma_wait3A_78, %dma_wait3A_79, %dma_wait3A_80] : memref<32x256x2x40xi32, #tpu.memory_space<hbm>> -> memref<1x1x1x40xi32, #tpu.memory_space<hbm>>
    %dma_wait3A_82 = tpu.memref_squeeze %dma_wait3A_81 : memref<1x1x1x40xi32, #tpu.memory_space<hbm>> -> memref<40xi32, #tpu.memory_space<hbm>>
    %dma_wait3A_83 = arith.constant 0 : i32
    %dma_wait3A_84 = tpu.memref_slice %arg4[%add3A, %dma_wait3A_78, %dma_wait3A_79, %dma_wait3A_83] : memref<32x256x2x40xi32, #tpu.memory_space<hbm>> -> memref<1x1x1x40xi32, #tpu.memory_space<hbm>>
    %dma_wait3A_85 = tpu.memref_squeeze %dma_wait3A_84 : memref<1x1x1x40xi32, #tpu.memory_space<hbm>> -> memref<40xi32, #tpu.memory_space<hbm>>
    tpu.wait_dma2 semaphore(%arg25 : memref<!tpu.dma_semaphore, #tpu.memory_space<semaphore_mem>>) src(%dma_wait3A_85 : memref<40xi32, #tpu.memory_space<hbm>>) dst(%arg8 : memref<40xi32, #tpu.memory_space<vmem>>)
    %dma_start3A_86 = arith.constant 0 : i32
    %dma_start3A_87 = arith.constant 0 : i32
    %dma_start3A_88 = tpu.memref_slice %arg2[%dma_start3A_86, %dma_start3A_87] : memref<10000x128xf32, #tpu.memory_space<hbm>> -> memref<10000x128xf32, #tpu.memory_space<hbm>>
    tpu.enqueue_indirect_dma source(%dma_start3A_88 : memref<10000x128xf32, #tpu.memory_space<hbm>>) target(%arg16 : memref<40x128xf32, #tpu.memory_space<vmem>>) offsets(%arg8 : memref<40xi32, #tpu.memory_space<vmem>>) semaphore(%arg37 : memref<!tpu.dma_semaphore, #tpu.memory_space<semaphore_mem>>)
    %mul3A_89 = arith.constant 632 : i32
    %mul3A_90 = arith.muli %arg1, %mul3A_89 : i32
    "tpu.region"() ({
      %run_scoped3A = tpu.sem_alloc : memref<!tpu.dma_semaphore, #tpu.memory_space<semaphore_mem>>
      %dma_start3A_99 = arith.constant 0 : i32
      %dma_start3A_100 = tpu.memref_slice %arg23[%mul3A_90, %dma_start3A_99] : memref<10112x128xf32, #tpu.memory_space<vmem_shared>> -> memref<632x128xf32, #tpu.memory_space<vmem_shared>>
      %dma_start3A_101 = arith.constant 0 : i32
      %dma_start3A_102 = tpu.memref_slice %arg5[%mul3A_90, %dma_start3A_101] : memref<10112x128xf32, #tpu.memory_space<hbm>> -> memref<632x128xf32, #tpu.memory_space<hbm>>
      tpu.enqueue_dma source(%dma_start3A_102 : memref<632x128xf32, #tpu.memory_space<hbm>>) target(%dma_start3A_100 : memref<632x128xf32, #tpu.memory_space<vmem_shared>>) target_semaphore(%run_scoped3A : memref<!tpu.dma_semaphore, #tpu.memory_space<semaphore_mem>>)
      %dma_wait3A_103 = arith.constant 0 : i32
      %dma_wait3A_104 = tpu.memref_slice %arg23[%mul3A_90, %dma_wait3A_103] : memref<10112x128xf32, #tpu.memory_space<vmem_shared>> -> memref<632x128xf32, #tpu.memory_space<vmem_shared>>
      %dma_wait3A_105 = arith.constant 0 : i32
      %dma_wait3A_106 = tpu.memref_slice %arg5[%mul3A_90, %dma_wait3A_105] : memref<10112x128xf32, #tpu.memory_space<hbm>> -> memref<632x128xf32, #tpu.memory_space<hbm>>
      tpu.wait_dma2 semaphore(%run_scoped3A : memref<!tpu.dma_semaphore, #tpu.memory_space<semaphore_mem>>) src(%dma_wait3A_106 : memref<632x128xf32, #tpu.memory_space<hbm>>) dst(%dma_wait3A_104 : memref<632x128xf32, #tpu.memory_space<vmem_shared>>)
      tpu.yield
    }) : () -> ()
    %barrier3A = arith.constant 0 : index
    tpu.barrier barrier_id(%barrier3A)
    %scan3A = arith.constant 0 : i32
    %scan3A_91 = arith.constant 64 : i32
    %scan3A_92 = arith.addi %scan3A, %scan3A_91 : i32
    %scan3A_93 = arith.constant 1 : i32
    scf.for %scan3A_99 = %scan3A to %scan3A_92 step %scan3A_93  : i32 {
      %mul3A_100 = arith.constant 4 : i32
      %mul3A_101 = arith.muli %scan3A_99, %mul3A_100 : i32
      %add3A_102 = arith.constant 0 : i32
      %add3A_103 = arith.addi %add3A_102, %mul3A_101 : i32
      %add3A_104 = arith.constant 0 : i32
      %add3A_105 = arith.addi %add3A_103, %add3A_104 : i32
      %ge3A = arith.constant 1 : i32
      %ge3A_106 = arith.cmpi sge, %add3A_105, %ge3A : i32
      %convert_element_type3A = arith.extui %ge3A_106 : i1 to i32
      %cond3A = arith.constant 0 : i32
      %cond3A_107 = arith.cmpi ne, %convert_element_type3A, %cond3A : i32
      scf.if %cond3A_107 {
        %dma_wait3A_270 = arith.constant 0 : i32
        %dma_wait3A_271 = arith.constant 0 : i32
        %dma_wait3A_272 = tpu.memref_slice %arg23[%dma_wait3A_270, %dma_wait3A_271] : memref<10112x128xf32, #tpu.memory_space<vmem_shared>> -> memref<10112x128xf32, #tpu.memory_space<vmem_shared>>
        tpu.wait_indirect_dma semaphore(%arg43 : memref<!tpu.dma_semaphore, #tpu.memory_space<semaphore_mem>>) src(%arg18 : memref<40x128xf32, #tpu.memory_space<vmem>>) dst(%dma_wait3A_272 : memref<10112x128xf32, #tpu.memory_space<vmem_shared>>)
      } else {
      }
      %add3A_108 = arith.constant 4 : i32
      %add3A_109 = arith.addi %add3A_105, %add3A_108 : i32
      %sub3A = arith.constant 1 : i32
      %sub3A_110 = arith.subi %add3A_109, %sub3A : i32
      %lt3A = arith.constant 256 : i32
      %lt3A_111 = arith.cmpi slt, %sub3A_110, %lt3A : i32
      %convert_element_type3A_112 = arith.extui %lt3A_111 : i1 to i32
      %cond3A_113 = arith.constant 0 : i32
      %cond3A_114 = arith.cmpi ne, %convert_element_type3A_112, %cond3A_113 : i32
      scf.if %cond3A_114 {
        %add3A_270 = arith.constant 4 : i32
        %add3A_271 = arith.addi %add3A_105, %add3A_270 : i32
        %sub3A_272 = arith.constant 1 : i32
        %sub3A_273 = arith.subi %add3A_271, %sub3A_272 : i32
        %dma_start3A_274 = arith.constant 0 : i32
        %dma_start3A_275 = arith.constant 0 : i32
        %dma_start3A_276 = tpu.memref_slice %arg4[%add3A, %sub3A_273, %dma_start3A_274, %dma_start3A_275] : memref<32x256x2x40xi32, #tpu.memory_space<hbm>> -> memref<1x1x1x40xi32, #tpu.memory_space<hbm>>
        %dma_start3A_277 = tpu.memref_squeeze %dma_start3A_276 : memref<1x1x1x40xi32, #tpu.memory_space<hbm>> -> memref<40xi32, #tpu.memory_space<hbm>>
        %dma_start3A_278 = arith.constant 0 : i32
        %dma_start3A_279 = tpu.memref_slice %arg4[%add3A, %sub3A_273, %dma_start3A_274, %dma_start3A_278] : memref<32x256x2x40xi32, #tpu.memory_space<hbm>> -> memref<1x1x1x40xi32, #tpu.memory_space<hbm>>
        %dma_start3A_280 = tpu.memref_squeeze %dma_start3A_279 : memref<1x1x1x40xi32, #tpu.memory_space<hbm>> -> memref<40xi32, #tpu.memory_space<hbm>>
        tpu.enqueue_dma source(%dma_start3A_280 : memref<40xi32, #tpu.memory_space<hbm>>) target(%arg10 : memref<40xi32, #tpu.memory_space<vmem>>) target_semaphore(%arg27 : memref<!tpu.dma_semaphore, #tpu.memory_space<semaphore_mem>>)
        %dma_start3A_281 = arith.constant 1 : i32
        %dma_start3A_282 = arith.constant 0 : i32
        %dma_start3A_283 = tpu.memref_slice %arg4[%add3A, %sub3A_273, %dma_start3A_281, %dma_start3A_282] : memref<32x256x2x40xi32, #tpu.memory_space<hbm>> -> memref<1x1x1x40xi32, #tpu.memory_space<hbm>>
        %dma_start3A_284 = tpu.memref_squeeze %dma_start3A_283 : memref<1x1x1x40xi32, #tpu.memory_space<hbm>> -> memref<40xi32, #tpu.memory_space<hbm>>
        %dma_start3A_285 = arith.constant 0 : i32
        %dma_start3A_286 = tpu.memref_slice %arg4[%add3A, %sub3A_273, %dma_start3A_281, %dma_start3A_285] : memref<32x256x2x40xi32, #tpu.memory_space<hbm>> -> memref<1x1x1x40xi32, #tpu.memory_space<hbm>>
        %dma_start3A_287 = tpu.memref_squeeze %dma_start3A_286 : memref<1x1x1x40xi32, #tpu.memory_space<hbm>> -> memref<40xi32, #tpu.memory_space<hbm>>
        tpu.enqueue_dma source(%dma_start3A_287 : memref<40xi32, #tpu.memory_space<hbm>>) target(%arg14 : memref<40xi32, #tpu.memory_space<vmem>>) target_semaphore(%arg31 : memref<!tpu.dma_semaphore, #tpu.memory_space<semaphore_mem>>)
        %mul3A_288 = arith.constant 40 : i32
        %mul3A_289 = arith.muli %sub3A_273, %mul3A_288 : i32
        %add3A_290 = arith.addi %mul3A_2, %mul3A_289 : i32
        %dma_start3A_291 = arith.constant 0 : i32
        %dma_start3A_292 = tpu.memref_slice %arg3[%add3A_290, %dma_start3A_291] : memref<327680x128xf32, #tpu.memory_space<hbm>> -> memref<40x128xf32, #tpu.memory_space<hbm>>
        %dma_start3A_293 = arith.constant 0 : i32
        %dma_start3A_294 = tpu.memref_slice %arg3[%add3A_290, %dma_start3A_293] : memref<327680x128xf32, #tpu.memory_space<hbm>> -> memref<40x128xf32, #tpu.memory_space<hbm>>
        tpu.enqueue_dma source(%dma_start3A_294 : memref<40x128xf32, #tpu.memory_space<hbm>>) target(%arg22 : memref<40x128xf32, #tpu.memory_space<vmem>>) target_semaphore(%arg35 : memref<!tpu.dma_semaphore, #tpu.memory_space<semaphore_mem>>)
      } else {
      }
      %add3A_115 = arith.constant 2 : i32
      %add3A_116 = arith.addi %add3A_105, %add3A_115 : i32
      %lt3A_117 = arith.constant 256 : i32
      %lt3A_118 = arith.cmpi slt, %add3A_116, %lt3A_117 : i32
      %convert_element_type3A_119 = arith.extui %lt3A_118 : i1 to i32
      %cond3A_120 = arith.constant 0 : i32
      %cond3A_121 = arith.cmpi ne, %convert_element_type3A_119, %cond3A_120 : i32
      scf.if %cond3A_121 {
        %add3A_270 = arith.constant 2 : i32
        %add3A_271 = arith.addi %add3A_105, %add3A_270 : i32
        %dma_wait3A_272 = arith.constant 0 : i32
        %dma_wait3A_273 = arith.constant 0 : i32
        %dma_wait3A_274 = tpu.memref_slice %arg4[%add3A, %add3A_271, %dma_wait3A_272, %dma_wait3A_273] : memref<32x256x2x40xi32, #tpu.memory_space<hbm>> -> memref<1x1x1x40xi32, #tpu.memory_space<hbm>>
        %dma_wait3A_275 = tpu.memref_squeeze %dma_wait3A_274 : memref<1x1x1x40xi32, #tpu.memory_space<hbm>> -> memref<40xi32, #tpu.memory_space<hbm>>
        %dma_wait3A_276 = arith.constant 0 : i32
        %dma_wait3A_277 = tpu.memref_slice %arg4[%add3A, %add3A_271, %dma_wait3A_272, %dma_wait3A_276] : memref<32x256x2x40xi32, #tpu.memory_space<hbm>> -> memref<1x1x1x40xi32, #tpu.memory_space<hbm>>
        %dma_wait3A_278 = tpu.memref_squeeze %dma_wait3A_277 : memref<1x1x1x40xi32, #tpu.memory_space<hbm>> -> memref<40xi32, #tpu.memory_space<hbm>>
        tpu.wait_dma2 semaphore(%arg26 : memref<!tpu.dma_semaphore, #tpu.memory_space<semaphore_mem>>) src(%dma_wait3A_278 : memref<40xi32, #tpu.memory_space<hbm>>) dst(%arg9 : memref<40xi32, #tpu.memory_space<vmem>>)
        %dma_start3A_279 = arith.constant 0 : i32
        %dma_start3A_280 = arith.constant 0 : i32
        %dma_start3A_281 = tpu.memref_slice %arg2[%dma_start3A_279, %dma_start3A_280] : memref<10000x128xf32, #tpu.memory_space<hbm>> -> memref<10000x128xf32, #tpu.memory_space<hbm>>
        tpu.enqueue_indirect_dma source(%dma_start3A_281 : memref<10000x128xf32, #tpu.memory_space<hbm>>) target(%arg17 : memref<40x128xf32, #tpu.memory_space<vmem>>) offsets(%arg9 : memref<40xi32, #tpu.memory_space<vmem>>) semaphore(%arg38 : memref<!tpu.dma_semaphore, #tpu.memory_space<semaphore_mem>>)
      } else {
      }
      %dma_wait3A_122 = arith.constant 0 : i32
      %dma_wait3A_123 = tpu.memref_slice %arg3[%mul3A_2, %dma_wait3A_122] : memref<327680x128xf32, #tpu.memory_space<hbm>> -> memref<40x128xf32, #tpu.memory_space<hbm>>
      %dma_wait3A_124 = arith.constant 0 : i32
      %dma_wait3A_125 = tpu.memref_slice %arg3[%mul3A_2, %dma_wait3A_124] : memref<327680x128xf32, #tpu.memory_space<hbm>> -> memref<40x128xf32, #tpu.memory_space<hbm>>
      tpu.wait_dma2 semaphore(%arg32 : memref<!tpu.dma_semaphore, #tpu.memory_space<semaphore_mem>>) src(%dma_wait3A_125 : memref<40x128xf32, #tpu.memory_space<hbm>>) dst(%arg19 : memref<40x128xf32, #tpu.memory_space<vmem>>)
      %dma_wait3A_126 = arith.constant 1 : i32
      %dma_wait3A_127 = arith.constant 0 : i32
      %dma_wait3A_128 = tpu.memref_slice %arg4[%add3A, %add3A_105, %dma_wait3A_126, %dma_wait3A_127] : memref<32x256x2x40xi32, #tpu.memory_space<hbm>> -> memref<1x1x1x40xi32, #tpu.memory_space<hbm>>
      %dma_wait3A_129 = tpu.memref_squeeze %dma_wait3A_128 : memref<1x1x1x40xi32, #tpu.memory_space<hbm>> -> memref<40xi32, #tpu.memory_space<hbm>>
      %dma_wait3A_130 = arith.constant 0 : i32
      %dma_wait3A_131 = tpu.memref_slice %arg4[%add3A, %add3A_105, %dma_wait3A_126, %dma_wait3A_130] : memref<32x256x2x40xi32, #tpu.memory_space<hbm>> -> memref<1x1x1x40xi32, #tpu.memory_space<hbm>>
      %dma_wait3A_132 = tpu.memref_squeeze %dma_wait3A_131 : memref<1x1x1x40xi32, #tpu.memory_space<hbm>> -> memref<40xi32, #tpu.memory_space<hbm>>
      tpu.wait_dma2 semaphore(%arg28 : memref<!tpu.dma_semaphore, #tpu.memory_space<semaphore_mem>>) src(%dma_wait3A_132 : memref<40xi32, #tpu.memory_space<hbm>>) dst(%arg11 : memref<40xi32, #tpu.memory_space<vmem>>)
      %dma_wait3A_133 = arith.constant 0 : i32
      %dma_wait3A_134 = arith.constant 0 : i32
      %dma_wait3A_135 = tpu.memref_slice %arg2[%dma_wait3A_133, %dma_wait3A_134] : memref<10000x128xf32, #tpu.memory_space<hbm>> -> memref<10000x128xf32, #tpu.memory_space<hbm>>
      tpu.wait_indirect_dma semaphore(%arg36 : memref<!tpu.dma_semaphore, #tpu.memory_space<semaphore_mem>>) src(%dma_wait3A_135 : memref<10000x128xf32, #tpu.memory_space<hbm>>) dst(%arg15 : memref<40x128xf32, #tpu.memory_space<vmem>>)
      %parallel_loop3A = arith.constant 0 : i32
      %parallel_loop3A_136 = arith.constant 40 : i32
      %parallel_loop3A_137 = arith.constant 1 : i32
      scf.for %parallel_loop3A_270 = %parallel_loop3A to %parallel_loop3A_136 step %parallel_loop3A_137  : i32 {
        %parallel_loop3A_271 = arith.index_cast %parallel_loop3A_270 : i32 to index
        %parallel_loop3A_272 = arith.constant 0 : index
        %parallel_loop3A_273 = tpu.vector_load %arg15[%parallel_loop3A_271, %parallel_loop3A_272] {strides = array<i32>} : memref<40x128xf32, #tpu.memory_space<vmem>>, vector<1x16xf32>,
        %parallel_loop3A_274 = vector.shape_cast %parallel_loop3A_273 : vector<1x16xf32> to vector<16xf32>
        %parallel_loop3A_275 = arith.index_cast %parallel_loop3A_270 : i32 to index
        %parallel_loop3A_276 = arith.constant 0 : index
        %parallel_loop3A_277 = tpu.vector_load %arg19[%parallel_loop3A_275, %parallel_loop3A_276] {strides = array<i32>} : memref<40x128xf32, #tpu.memory_space<vmem>>, vector<1x16xf32>,
        %parallel_loop3A_278 = vector.shape_cast %parallel_loop3A_277 : vector<1x16xf32> to vector<16xf32>
        %parallel_loop3A_279 = arith.addf %parallel_loop3A_274, %parallel_loop3A_278 : vector<16xf32>
        %parallel_loop3A_280 = arith.constant 0.000000e+00 : f32
        %parallel_loop3A_281 = vector.broadcast %parallel_loop3A_280 : f32 to vector<16xf32>
        %parallel_loop3A_282 = arith.maximumf %parallel_loop3A_279, %parallel_loop3A_281 : vector<16xf32>
        %parallel_loop3A_283 = arith.index_cast %parallel_loop3A_270 : i32 to index
        %parallel_loop3A_284 = arith.constant 0 : index
        %parallel_loop3A_285 = tpu.vector_load %arg15[%parallel_loop3A_283, %parallel_loop3A_284] {strides = array<i32>} : memref<40x128xf32, #tpu.memory_space<vmem>>, vector<1x16xf32>,
        %parallel_loop3A_286 = vector.shape_cast %parallel_loop3A_285 : vector<1x16xf32> to vector<16xf32>
        %parallel_loop3A_287 = vector.shape_cast %parallel_loop3A_282 : vector<16xf32> to vector<1x16xf32>
        tpu.vector_store %arg15[%parallel_loop3A_283, %parallel_loop3A_284], %parallel_loop3A_287 {strides = array<i32>} : memref<40x128xf32, #tpu.memory_space<vmem>>, vector<1x16xf32>,
        %parallel_loop3A_288 = arith.index_cast %parallel_loop3A_270 : i32 to index
        %parallel_loop3A_289 = arith.constant 16 : index
        %parallel_loop3A_290 = tpu.vector_load %arg15[%parallel_loop3A_288, %parallel_loop3A_289] {strides = array<i32>} : memref<40x128xf32, #tpu.memory_space<vmem>>, vector<1x16xf32>,
        %parallel_loop3A_291 = vector.shape_cast %parallel_loop3A_290 : vector<1x16xf32> to vector<16xf32>
        %parallel_loop3A_292 = arith.index_cast %parallel_loop3A_270 : i32 to index
        %parallel_loop3A_293 = arith.constant 16 : index
        %parallel_loop3A_294 = tpu.vector_load %arg19[%parallel_loop3A_292, %parallel_loop3A_293] {strides = array<i32>} : memref<40x128xf32, #tpu.memory_space<vmem>>, vector<1x16xf32>,
        %parallel_loop3A_295 = vector.shape_cast %parallel_loop3A_294 : vector<1x16xf32> to vector<16xf32>
        %parallel_loop3A_296 = arith.addf %parallel_loop3A_291, %parallel_loop3A_295 : vector<16xf32>
        %parallel_loop3A_297 = arith.constant 0.000000e+00 : f32
        %parallel_loop3A_298 = vector.broadcast %parallel_loop3A_297 : f32 to vector<16xf32>
        %parallel_loop3A_299 = arith.maximumf %parallel_loop3A_296, %parallel_loop3A_298 : vector<16xf32>
        %parallel_loop3A_300 = arith.index_cast %parallel_loop3A_270 : i32 to index
        %parallel_loop3A_301 = arith.constant 16 : index
        %parallel_loop3A_302 = tpu.vector_load %arg15[%parallel_loop3A_300, %parallel_loop3A_301] {strides = array<i32>} : memref<40x128xf32, #tpu.memory_space<vmem>>, vector<1x16xf32>,
        %parallel_loop3A_303 = vector.shape_cast %parallel_loop3A_302 : vector<1x16xf32> to vector<16xf32>
        %parallel_loop3A_304 = vector.shape_cast %parallel_loop3A_299 : vector<16xf32> to vector<1x16xf32>
        tpu.vector_store %arg15[%parallel_loop3A_300, %parallel_loop3A_301], %parallel_loop3A_304 {strides = array<i32>} : memref<40x128xf32, #tpu.memory_space<vmem>>, vector<1x16xf32>,
        %parallel_loop3A_305 = arith.index_cast %parallel_loop3A_270 : i32 to index
        %parallel_loop3A_306 = arith.constant 32 : index
        %parallel_loop3A_307 = tpu.vector_load %arg15[%parallel_loop3A_305, %parallel_loop3A_306] {strides = array<i32>} : memref<40x128xf32, #tpu.memory_space<vmem>>, vector<1x16xf32>,
        %parallel_loop3A_308 = vector.shape_cast %parallel_loop3A_307 : vector<1x16xf32> to vector<16xf32>
        %parallel_loop3A_309 = arith.index_cast %parallel_loop3A_270 : i32 to index
        %parallel_loop3A_310 = arith.constant 32 : index
        %parallel_loop3A_311 = tpu.vector_load %arg19[%parallel_loop3A_309, %parallel_loop3A_310] {strides = array<i32>} : memref<40x128xf32, #tpu.memory_space<vmem>>, vector<1x16xf32>,
        %parallel_loop3A_312 = vector.shape_cast %parallel_loop3A_311 : vector<1x16xf32> to vector<16xf32>
        %parallel_loop3A_313 = arith.addf %parallel_loop3A_308, %parallel_loop3A_312 : vector<16xf32>
        %parallel_loop3A_314 = arith.constant 0.000000e+00 : f32
        %parallel_loop3A_315 = vector.broadcast %parallel_loop3A_314 : f32 to vector<16xf32>
        %parallel_loop3A_316 = arith.maximumf %parallel_loop3A_313, %parallel_loop3A_315 : vector<16xf32>
        %parallel_loop3A_317 = arith.index_cast %parallel_loop3A_270 : i32 to index
        %parallel_loop3A_318 = arith.constant 32 : index
        %parallel_loop3A_319 = tpu.vector_load %arg15[%parallel_loop3A_317, %parallel_loop3A_318] {strides = array<i32>} : memref<40x128xf32, #tpu.memory_space<vmem>>, vector<1x16xf32>,
        %parallel_loop3A_320 = vector.shape_cast %parallel_loop3A_319 : vector<1x16xf32> to vector<16xf32>
        %parallel_loop3A_321 = vector.shape_cast %parallel_loop3A_316 : vector<16xf32> to vector<1x16xf32>
        tpu.vector_store %arg15[%parallel_loop3A_317, %parallel_loop3A_318], %parallel_loop3A_321 {strides = array<i32>} : memref<40x128xf32, #tpu.memory_space<vmem>>, vector<1x16xf32>,
        %parallel_loop3A_322 = arith.index_cast %parallel_loop3A_270 : i32 to index
        %parallel_loop3A_323 = arith.constant 48 : index
        %parallel_loop3A_324 = tpu.vector_load %arg15[%parallel_loop3A_322, %parallel_loop3A_323] {strides = array<i32>} : memref<40x128xf32, #tpu.memory_space<vmem>>, vector<1x16xf32>,
        %parallel_loop3A_325 = vector.shape_cast %parallel_loop3A_324 : vector<1x16xf32> to vector<16xf32>
        %parallel_loop3A_326 = arith.index_cast %parallel_loop3A_270 : i32 to index
        %parallel_loop3A_327 = arith.constant 48 : index
        %parallel_loop3A_328 = tpu.vector_load %arg19[%parallel_loop3A_326, %parallel_loop3A_327] {strides = array<i32>} : memref<40x128xf32, #tpu.memory_space<vmem>>, vector<1x16xf32>,
        %parallel_loop3A_329 = vector.shape_cast %parallel_loop3A_328 : vector<1x16xf32> to vector<16xf32>
        %parallel_loop3A_330 = arith.addf %parallel_loop3A_325, %parallel_loop3A_329 : vector<16xf32>
        %parallel_loop3A_331 = arith.constant 0.000000e+00 : f32
        %parallel_loop3A_332 = vector.broadcast %parallel_loop3A_331 : f32 to vector<16xf32>
        %parallel_loop3A_333 = arith.maximumf %parallel_loop3A_330, %parallel_loop3A_332 : vector<16xf32>
        %parallel_loop3A_334 = arith.index_cast %parallel_loop3A_270 : i32 to index
        %parallel_loop3A_335 = arith.constant 48 : index
        %parallel_loop3A_336 = tpu.vector_load %arg15[%parallel_loop3A_334, %parallel_loop3A_335] {strides = array<i32>} : memref<40x128xf32, #tpu.memory_space<vmem>>, vector<1x16xf32>,
        %parallel_loop3A_337 = vector.shape_cast %parallel_loop3A_336 : vector<1x16xf32> to vector<16xf32>
        %parallel_loop3A_338 = vector.shape_cast %parallel_loop3A_333 : vector<16xf32> to vector<1x16xf32>
        tpu.vector_store %arg15[%parallel_loop3A_334, %parallel_loop3A_335], %parallel_loop3A_338 {strides = array<i32>} : memref<40x128xf32, #tpu.memory_space<vmem>>, vector<1x16xf32>,
        %parallel_loop3A_339 = arith.index_cast %parallel_loop3A_270 : i32 to index
        %parallel_loop3A_340 = arith.constant 64 : index
        %parallel_loop3A_341 = tpu.vector_load %arg15[%parallel_loop3A_339, %parallel_loop3A_340] {strides = array<i32>} : memref<40x128xf32, #tpu.memory_space<vmem>>, vector<1x16xf32>,
        %parallel_loop3A_342 = vector.shape_cast %parallel_loop3A_341 : vector<1x16xf32> to vector<16xf32>
        %parallel_loop3A_343 = arith.index_cast %parallel_loop3A_270 : i32 to index
        %parallel_loop3A_344 = arith.constant 64 : index
        %parallel_loop3A_345 = tpu.vector_load %arg19[%parallel_loop3A_343, %parallel_loop3A_344] {strides = array<i32>} : memref<40x128xf32, #tpu.memory_space<vmem>>, vector<1x16xf32>,
        %parallel_loop3A_346 = vector.shape_cast %parallel_loop3A_345 : vector<1x16xf32> to vector<16xf32>
        %parallel_loop3A_347 = arith.addf %parallel_loop3A_342, %parallel_loop3A_346 : vector<16xf32>
        %parallel_loop3A_348 = arith.constant 0.000000e+00 : f32
        %parallel_loop3A_349 = vector.broadcast %parallel_loop3A_348 : f32 to vector<16xf32>
        %parallel_loop3A_350 = arith.maximumf %parallel_loop3A_347, %parallel_loop3A_349 : vector<16xf32>
        %parallel_loop3A_351 = arith.index_cast %parallel_loop3A_270 : i32 to index
        %parallel_loop3A_352 = arith.constant 64 : index
        %parallel_loop3A_353 = tpu.vector_load %arg15[%parallel_loop3A_351, %parallel_loop3A_352] {strides = array<i32>} : memref<40x128xf32, #tpu.memory_space<vmem>>, vector<1x16xf32>,
        %parallel_loop3A_354 = vector.shape_cast %parallel_loop3A_353 : vector<1x16xf32> to vector<16xf32>
        %parallel_loop3A_355 = vector.shape_cast %parallel_loop3A_350 : vector<16xf32> to vector<1x16xf32>
        tpu.vector_store %arg15[%parallel_loop3A_351, %parallel_loop3A_352], %parallel_loop3A_355 {strides = array<i32>} : memref<40x128xf32, #tpu.memory_space<vmem>>, vector<1x16xf32>,
        %parallel_loop3A_356 = arith.index_cast %parallel_loop3A_270 : i32 to index
        %parallel_loop3A_357 = arith.constant 80 : index
        %parallel_loop3A_358 = tpu.vector_load %arg15[%parallel_loop3A_356, %parallel_loop3A_357] {strides = array<i32>} : memref<40x128xf32, #tpu.memory_space<vmem>>, vector<1x16xf32>,
        %parallel_loop3A_359 = vector.shape_cast %parallel_loop3A_358 : vector<1x16xf32> to vector<16xf32>
        %parallel_loop3A_360 = arith.index_cast %parallel_loop3A_270 : i32 to index
        %parallel_loop3A_361 = arith.constant 80 : index
        %parallel_loop3A_362 = tpu.vector_load %arg19[%parallel_loop3A_360, %parallel_loop3A_361] {strides = array<i32>} : memref<40x128xf32, #tpu.memory_space<vmem>>, vector<1x16xf32>,
        %parallel_loop3A_363 = vector.shape_cast %parallel_loop3A_362 : vector<1x16xf32> to vector<16xf32>
        %parallel_loop3A_364 = arith.addf %parallel_loop3A_359, %parallel_loop3A_363 : vector<16xf32>
        %parallel_loop3A_365 = arith.constant 0.000000e+00 : f32
        %parallel_loop3A_366 = vector.broadcast %parallel_loop3A_365 : f32 to vector<16xf32>
        %parallel_loop3A_367 = arith.maximumf %parallel_loop3A_364, %parallel_loop3A_366 : vector<16xf32>
        %parallel_loop3A_368 = arith.index_cast %parallel_loop3A_270 : i32 to index
        %parallel_loop3A_369 = arith.constant 80 : index
        %parallel_loop3A_370 = tpu.vector_load %arg15[%parallel_loop3A_368, %parallel_loop3A_369] {strides = array<i32>} : memref<40x128xf32, #tpu.memory_space<vmem>>, vector<1x16xf32>,
        %parallel_loop3A_371 = vector.shape_cast %parallel_loop3A_370 : vector<1x16xf32> to vector<16xf32>
        %parallel_loop3A_372 = vector.shape_cast %parallel_loop3A_367 : vector<16xf32> to vector<1x16xf32>
        tpu.vector_store %arg15[%parallel_loop3A_368, %parallel_loop3A_369], %parallel_loop3A_372 {strides = array<i32>} : memref<40x128xf32, #tpu.memory_space<vmem>>, vector<1x16xf32>,
        %parallel_loop3A_373 = arith.index_cast %parallel_loop3A_270 : i32 to index
        %parallel_loop3A_374 = arith.constant 96 : index
        %parallel_loop3A_375 = tpu.vector_load %arg15[%parallel_loop3A_373, %parallel_loop3A_374] {strides = array<i32>} : memref<40x128xf32, #tpu.memory_space<vmem>>, vector<1x16xf32>,
        %parallel_loop3A_376 = vector.shape_cast %parallel_loop3A_375 : vector<1x16xf32> to vector<16xf32>
        %parallel_loop3A_377 = arith.index_cast %parallel_loop3A_270 : i32 to index
        %parallel_loop3A_378 = arith.constant 96 : index
        %parallel_loop3A_379 = tpu.vector_load %arg19[%parallel_loop3A_377, %parallel_loop3A_378] {strides = array<i32>} : memref<40x128xf32, #tpu.memory_space<vmem>>, vector<1x16xf32>,
        %parallel_loop3A_380 = vector.shape_cast %parallel_loop3A_379 : vector<1x16xf32> to vector<16xf32>
        %parallel_loop3A_381 = arith.addf %parallel_loop3A_376, %parallel_loop3A_380 : vector<16xf32>
        %parallel_loop3A_382 = arith.constant 0.000000e+00 : f32
        %parallel_loop3A_383 = vector.broadcast %parallel_loop3A_382 : f32 to vector<16xf32>
        %parallel_loop3A_384 = arith.maximumf %parallel_loop3A_381, %parallel_loop3A_383 : vector<16xf32>
        %parallel_loop3A_385 = arith.index_cast %parallel_loop3A_270 : i32 to index
        %parallel_loop3A_386 = arith.constant 96 : index
        %parallel_loop3A_387 = tpu.vector_load %arg15[%parallel_loop3A_385, %parallel_loop3A_386] {strides = array<i32>} : memref<40x128xf32, #tpu.memory_space<vmem>>, vector<1x16xf32>,
        %parallel_loop3A_388 = vector.shape_cast %parallel_loop3A_387 : vector<1x16xf32> to vector<16xf32>
        %parallel_loop3A_389 = vector.shape_cast %parallel_loop3A_384 : vector<16xf32> to vector<1x16xf32>
        tpu.vector_store %arg15[%parallel_loop3A_385, %parallel_loop3A_386], %parallel_loop3A_389 {strides = array<i32>} : memref<40x128xf32, #tpu.memory_space<vmem>>, vector<1x16xf32>,
        %parallel_loop3A_390 = arith.index_cast %parallel_loop3A_270 : i32 to index
        %parallel_loop3A_391 = arith.constant 112 : index
        %parallel_loop3A_392 = tpu.vector_load %arg15[%parallel_loop3A_390, %parallel_loop3A_391] {strides = array<i32>} : memref<40x128xf32, #tpu.memory_space<vmem>>, vector<1x16xf32>,
        %parallel_loop3A_393 = vector.shape_cast %parallel_loop3A_392 : vector<1x16xf32> to vector<16xf32>
        %parallel_loop3A_394 = arith.index_cast %parallel_loop3A_270 : i32 to index
        %parallel_loop3A_395 = arith.constant 112 : index
        %parallel_loop3A_396 = tpu.vector_load %arg19[%parallel_loop3A_394, %parallel_loop3A_395] {strides = array<i32>} : memref<40x128xf32, #tpu.memory_space<vmem>>, vector<1x16xf32>,
        %parallel_loop3A_397 = vector.shape_cast %parallel_loop3A_396 : vector<1x16xf32> to vector<16xf32>
        %parallel_loop3A_398 = arith.addf %parallel_loop3A_393, %parallel_loop3A_397 : vector<16xf32>
        %parallel_loop3A_399 = arith.constant 0.000000e+00 : f32
        %parallel_loop3A_400 = vector.broadcast %parallel_loop3A_399 : f32 to vector<16xf32>
        %parallel_loop3A_401 = arith.maximumf %parallel_loop3A_398, %parallel_loop3A_400 : vector<16xf32>
        %parallel_loop3A_402 = arith.index_cast %parallel_loop3A_270 : i32 to index
        %parallel_loop3A_403 = arith.constant 112 : index
        %parallel_loop3A_404 = tpu.vector_load %arg15[%parallel_loop3A_402, %parallel_loop3A_403] {strides = array<i32>} : memref<40x128xf32, #tpu.memory_space<vmem>>, vector<1x16xf32>,
        %parallel_loop3A_405 = vector.shape_cast %parallel_loop3A_404 : vector<1x16xf32> to vector<16xf32>
        %parallel_loop3A_406 = vector.shape_cast %parallel_loop3A_401 : vector<16xf32> to vector<1x16xf32>
        tpu.vector_store %arg15[%parallel_loop3A_402, %parallel_loop3A_403], %parallel_loop3A_406 {strides = array<i32>} : memref<40x128xf32, #tpu.memory_space<vmem>>, vector<1x16xf32>,
      } {sc.loop_unroll_factor = 1 : i64, sc.parallel_access}
      %dma_start3A_138 = arith.constant 0 : i32
      %dma_start3A_139 = arith.constant 0 : i32
      %dma_start3A_140 = tpu.memref_slice %arg23[%dma_start3A_138, %dma_start3A_139] : memref<10112x128xf32, #tpu.memory_space<vmem_shared>> -> memref<10112x128xf32, #tpu.memory_space<vmem_shared>>
      tpu.enqueue_indirect_dma source(%arg15 : memref<40x128xf32, #tpu.memory_space<vmem>>) target(%dma_start3A_140 : memref<10112x128xf32, #tpu.memory_space<vmem_shared>>) offsets(%arg11 : memref<40xi32, #tpu.memory_space<vmem>>) semaphore(%arg40 : memref<!tpu.dma_semaphore, #tpu.memory_space<semaphore_mem>>) {add = true}
      %add3A_141 = arith.constant 1 : i32
      %add3A_142 = arith.addi %add3A_103, %add3A_141 : i32
      %ge3A_143 = arith.constant 1 : i32
      %ge3A_144 = arith.cmpi sge, %add3A_142, %ge3A_143 : i32
      %convert_element_type3A_145 = arith.extui %ge3A_144 : i1 to i32
      %cond3A_146 = arith.constant 0 : i32
      %cond3A_147 = arith.cmpi ne, %convert_element_type3A_145, %cond3A_146 : i32
      scf.if %cond3A_147 {
        %dma_wait3A_270 = arith.constant 0 : i32
        %dma_wait3A_271 = arith.constant 0 : i32
        %dma_wait3A_272 = tpu.memref_slice %arg23[%dma_wait3A_270, %dma_wait3A_271] : memref<10112x128xf32, #tpu.memory_space<vmem_shared>> -> memref<10112x128xf32, #tpu.memory_space<vmem_shared>>
        tpu.wait_indirect_dma semaphore(%arg40 : memref<!tpu.dma_semaphore, #tpu.memory_space<semaphore_mem>>) src(%arg15 : memref<40x128xf32, #tpu.memory_space<vmem>>) dst(%dma_wait3A_272 : memref<10112x128xf32, #tpu.memory_space<vmem_shared>>)
      } else {
      }
      %add3A_148 = arith.constant 4 : i32
      %add3A_149 = arith.addi %add3A_142, %add3A_148 : i32
      %sub3A_150 = arith.constant 1 : i32
      %sub3A_151 = arith.subi %add3A_149, %sub3A_150 : i32
      %lt3A_152 = arith.constant 256 : i32
      %lt3A_153 = arith.cmpi slt, %sub3A_151, %lt3A_152 : i32
      %convert_element_type3A_154 = arith.extui %lt3A_153 : i1 to i32
      %cond3A_155 = arith.constant 0 : i32
      %cond3A_156 = arith.cmpi ne, %convert_element_type3A_154, %cond3A_155 : i32
      scf.if %cond3A_156 {
        %add3A_270 = arith.constant 4 : i32
        %add3A_271 = arith.addi %add3A_142, %add3A_270 : i32
        %sub3A_272 = arith.constant 1 : i32
        %sub3A_273 = arith.subi %add3A_271, %sub3A_272 : i32
        %dma_start3A_274 = arith.constant 0 : i32
        %dma_start3A_275 = arith.constant 0 : i32
        %dma_start3A_276 = tpu.memref_slice %arg4[%add3A, %sub3A_273, %dma_start3A_274, %dma_start3A_275] : memref<32x256x2x40xi32, #tpu.memory_space<hbm>> -> memref<1x1x1x40xi32, #tpu.memory_space<hbm>>
        %dma_start3A_277 = tpu.memref_squeeze %dma_start3A_276 : memref<1x1x1x40xi32, #tpu.memory_space<hbm>> -> memref<40xi32, #tpu.memory_space<hbm>>
        %dma_start3A_278 = arith.constant 0 : i32
        %dma_start3A_279 = tpu.memref_slice %arg4[%add3A, %sub3A_273, %dma_start3A_274, %dma_start3A_278] : memref<32x256x2x40xi32, #tpu.memory_space<hbm>> -> memref<1x1x1x40xi32, #tpu.memory_space<hbm>>
        %dma_start3A_280 = tpu.memref_squeeze %dma_start3A_279 : memref<1x1x1x40xi32, #tpu.memory_space<hbm>> -> memref<40xi32, #tpu.memory_space<hbm>>
        tpu.enqueue_dma source(%dma_start3A_280 : memref<40xi32, #tpu.memory_space<hbm>>) target(%arg7 : memref<40xi32, #tpu.memory_space<vmem>>) target_semaphore(%arg24 : memref<!tpu.dma_semaphore, #tpu.memory_space<semaphore_mem>>)
        %dma_start3A_281 = arith.constant 1 : i32
        %dma_start3A_282 = arith.constant 0 : i32
        %dma_start3A_283 = tpu.memref_slice %arg4[%add3A, %sub3A_273, %dma_start3A_281, %dma_start3A_282] : memref<32x256x2x40xi32, #tpu.memory_space<hbm>> -> memref<1x1x1x40xi32, #tpu.memory_space<hbm>>
        %dma_start3A_284 = tpu.memref_squeeze %dma_start3A_283 : memref<1x1x1x40xi32, #tpu.memory_space<hbm>> -> memref<40xi32, #tpu.memory_space<hbm>>
        %dma_start3A_285 = arith.constant 0 : i32
        %dma_start3A_286 = tpu.memref_slice %arg4[%add3A, %sub3A_273, %dma_start3A_281, %dma_start3A_285] : memref<32x256x2x40xi32, #tpu.memory_space<hbm>> -> memref<1x1x1x40xi32, #tpu.memory_space<hbm>>
        %dma_start3A_287 = tpu.memref_squeeze %dma_start3A_286 : memref<1x1x1x40xi32, #tpu.memory_space<hbm>> -> memref<40xi32, #tpu.memory_space<hbm>>
        tpu.enqueue_dma source(%dma_start3A_287 : memref<40xi32, #tpu.memory_space<hbm>>) target(%arg11 : memref<40xi32, #tpu.memory_space<vmem>>) target_semaphore(%arg28 : memref<!tpu.dma_semaphore, #tpu.memory_space<semaphore_mem>>)
        %mul3A_288 = arith.constant 40 : i32
        %mul3A_289 = arith.muli %sub3A_273, %mul3A_288 : i32
        %add3A_290 = arith.addi %mul3A_2, %mul3A_289 : i32
        %dma_start3A_291 = arith.constant 0 : i32
        %dma_start3A_292 = tpu.memref_slice %arg3[%add3A_290, %dma_start3A_291] : memref<327680x128xf32, #tpu.memory_space<hbm>> -> memref<40x128xf32, #tpu.memory_space<hbm>>
        %dma_start3A_293 = arith.constant 0 : i32
        %dma_start3A_294 = tpu.memref_slice %arg3[%add3A_290, %dma_start3A_293] : memref<327680x128xf32, #tpu.memory_space<hbm>> -> memref<40x128xf32, #tpu.memory_space<hbm>>
        tpu.enqueue_dma source(%dma_start3A_294 : memref<40x128xf32, #tpu.memory_space<hbm>>) target(%arg19 : memref<40x128xf32, #tpu.memory_space<vmem>>) target_semaphore(%arg32 : memref<!tpu.dma_semaphore, #tpu.memory_space<semaphore_mem>>)
      } else {
      }
      %add3A_157 = arith.constant 2 : i32
      %add3A_158 = arith.addi %add3A_142, %add3A_157 : i32
      %lt3A_159 = arith.constant 256 : i32
      %lt3A_160 = arith.cmpi slt, %add3A_158, %lt3A_159 : i32
      %convert_element_type3A_161 = arith.extui %lt3A_160 : i1 to i32
      %cond3A_162 = arith.constant 0 : i32
      %cond3A_163 = arith.cmpi ne, %convert_element_type3A_161, %cond3A_162 : i32
      scf.if %cond3A_163 {
        %add3A_270 = arith.constant 2 : i32
        %add3A_271 = arith.addi %add3A_142, %add3A_270 : i32
        %dma_wait3A_272 = arith.constant 0 : i32
        %dma_wait3A_273 = arith.constant 0 : i32
        %dma_wait3A_274 = tpu.memref_slice %arg4[%add3A, %add3A_271, %dma_wait3A_272, %dma_wait3A_273] : memref<32x256x2x40xi32, #tpu.memory_space<hbm>> -> memref<1x1x1x40xi32, #tpu.memory_space<hbm>>
        %dma_wait3A_275 = tpu.memref_squeeze %dma_wait3A_274 : memref<1x1x1x40xi32, #tpu.memory_space<hbm>> -> memref<40xi32, #tpu.memory_space<hbm>>
        %dma_wait3A_276 = arith.constant 0 : i32
        %dma_wait3A_277 = tpu.memref_slice %arg4[%add3A, %add3A_271, %dma_wait3A_272, %dma_wait3A_276] : memref<32x256x2x40xi32, #tpu.memory_space<hbm>> -> memref<1x1x1x40xi32, #tpu.memory_space<hbm>>
        %dma_wait3A_278 = tpu.memref_squeeze %dma_wait3A_277 : memref<1x1x1x40xi32, #tpu.memory_space<hbm>> -> memref<40xi32, #tpu.memory_space<hbm>>
        tpu.wait_dma2 semaphore(%arg27 : memref<!tpu.dma_semaphore, #tpu.memory_space<semaphore_mem>>) src(%dma_wait3A_278 : memref<40xi32, #tpu.memory_space<hbm>>) dst(%arg10 : memref<40xi32, #tpu.memory_space<vmem>>)
        %dma_start3A_279 = arith.constant 0 : i32
        %dma_start3A_280 = arith.constant 0 : i32
        %dma_start3A_281 = tpu.memref_slice %arg2[%dma_start3A_279, %dma_start3A_280] : memref<10000x128xf32, #tpu.memory_space<hbm>> -> memref<10000x128xf32, #tpu.memory_space<hbm>>
        tpu.enqueue_indirect_dma source(%dma_start3A_281 : memref<10000x128xf32, #tpu.memory_space<hbm>>) target(%arg18 : memref<40x128xf32, #tpu.memory_space<vmem>>) offsets(%arg10 : memref<40xi32, #tpu.memory_space<vmem>>) semaphore(%arg39 : memref<!tpu.dma_semaphore, #tpu.memory_space<semaphore_mem>>)
      } else {
      }
      %dma_wait3A_164 = arith.constant 0 : i32
      %dma_wait3A_165 = tpu.memref_slice %arg3[%mul3A_2, %dma_wait3A_164] : memref<327680x128xf32, #tpu.memory_space<hbm>> -> memref<40x128xf32, #tpu.memory_space<hbm>>
      %dma_wait3A_166 = arith.constant 0 : i32
      %dma_wait3A_167 = tpu.memref_slice %arg3[%mul3A_2, %dma_wait3A_166] : memref<327680x128xf32, #tpu.memory_space<hbm>> -> memref<40x128xf32, #tpu.memory_space<hbm>>
      tpu.wait_dma2 semaphore(%arg33 : memref<!tpu.dma_semaphore, #tpu.memory_space<semaphore_mem>>) src(%dma_wait3A_167 : memref<40x128xf32, #tpu.memory_space<hbm>>) dst(%arg20 : memref<40x128xf32, #tpu.memory_space<vmem>>)
      %dma_wait3A_168 = arith.constant 1 : i32
      %dma_wait3A_169 = arith.constant 0 : i32
      %dma_wait3A_170 = tpu.memref_slice %arg4[%add3A, %add3A_142, %dma_wait3A_168, %dma_wait3A_169] : memref<32x256x2x40xi32, #tpu.memory_space<hbm>> -> memref<1x1x1x40xi32, #tpu.memory_space<hbm>>
      %dma_wait3A_171 = tpu.memref_squeeze %dma_wait3A_170 : memref<1x1x1x40xi32, #tpu.memory_space<hbm>> -> memref<40xi32, #tpu.memory_space<hbm>>
      %dma_wait3A_172 = arith.constant 0 : i32
      %dma_wait3A_173 = tpu.memref_slice %arg4[%add3A, %add3A_142, %dma_wait3A_168, %dma_wait3A_172] : memref<32x256x2x40xi32, #tpu.memory_space<hbm>> -> memref<1x1x1x40xi32, #tpu.memory_space<hbm>>
      %dma_wait3A_174 = tpu.memref_squeeze %dma_wait3A_173 : memref<1x1x1x40xi32, #tpu.memory_space<hbm>> -> memref<40xi32, #tpu.memory_space<hbm>>
      tpu.wait_dma2 semaphore(%arg29 : memref<!tpu.dma_semaphore, #tpu.memory_space<semaphore_mem>>) src(%dma_wait3A_174 : memref<40xi32, #tpu.memory_space<hbm>>) dst(%arg12 : memref<40xi32, #tpu.memory_space<vmem>>)
      %dma_wait3A_175 = arith.constant 0 : i32
      %dma_wait3A_176 = arith.constant 0 : i32
      %dma_wait3A_177 = tpu.memref_slice %arg2[%dma_wait3A_175, %dma_wait3A_176] : memref<10000x128xf32, #tpu.memory_space<hbm>> -> memref<10000x128xf32, #tpu.memory_space<hbm>>
      tpu.wait_indirect_dma semaphore(%arg37 : memref<!tpu.dma_semaphore, #tpu.memory_space<semaphore_mem>>) src(%dma_wait3A_177 : memref<10000x128xf32, #tpu.memory_space<hbm>>) dst(%arg16 : memref<40x128xf32, #tpu.memory_space<vmem>>)
      %parallel_loop3A_178 = arith.constant 0 : i32
      %parallel_loop3A_179 = arith.constant 40 : i32
      %parallel_loop3A_180 = arith.constant 1 : i32
      scf.for %parallel_loop3A_270 = %parallel_loop3A_178 to %parallel_loop3A_179 step %parallel_loop3A_180  : i32 {
        %parallel_loop3A_271 = arith.index_cast %parallel_loop3A_270 : i32 to index
        %parallel_loop3A_272 = arith.constant 0 : index
        %parallel_loop3A_273 = tpu.vector_load %arg16[%parallel_loop3A_271, %parallel_loop3A_272] {strides = array<i32>} : memref<40x128xf32, #tpu.memory_space<vmem>>, vector<1x16xf32>,
        %parallel_loop3A_274 = vector.shape_cast %parallel_loop3A_273 : vector<1x16xf32> to vector<16xf32>
        %parallel_loop3A_275 = arith.index_cast %parallel_loop3A_270 : i32 to index
        %parallel_loop3A_276 = arith.constant 0 : index
        %parallel_loop3A_277 = tpu.vector_load %arg20[%parallel_loop3A_275, %parallel_loop3A_276] {strides = array<i32>} : memref<40x128xf32, #tpu.memory_space<vmem>>, vector<1x16xf32>,
        %parallel_loop3A_278 = vector.shape_cast %parallel_loop3A_277 : vector<1x16xf32> to vector<16xf32>
        %parallel_loop3A_279 = arith.addf %parallel_loop3A_274, %parallel_loop3A_278 : vector<16xf32>
        %parallel_loop3A_280 = arith.constant 0.000000e+00 : f32
        %parallel_loop3A_281 = vector.broadcast %parallel_loop3A_280 : f32 to vector<16xf32>
        %parallel_loop3A_282 = arith.maximumf %parallel_loop3A_279, %parallel_loop3A_281 : vector<16xf32>
        %parallel_loop3A_283 = arith.index_cast %parallel_loop3A_270 : i32 to index
        %parallel_loop3A_284 = arith.constant 0 : index
        %parallel_loop3A_285 = tpu.vector_load %arg16[%parallel_loop3A_283, %parallel_loop3A_284] {strides = array<i32>} : memref<40x128xf32, #tpu.memory_space<vmem>>, vector<1x16xf32>,
        %parallel_loop3A_286 = vector.shape_cast %parallel_loop3A_285 : vector<1x16xf32> to vector<16xf32>
        %parallel_loop3A_287 = vector.shape_cast %parallel_loop3A_282 : vector<16xf32> to vector<1x16xf32>
        tpu.vector_store %arg16[%parallel_loop3A_283, %parallel_loop3A_284], %parallel_loop3A_287 {strides = array<i32>} : memref<40x128xf32, #tpu.memory_space<vmem>>, vector<1x16xf32>,
        %parallel_loop3A_288 = arith.index_cast %parallel_loop3A_270 : i32 to index
        %parallel_loop3A_289 = arith.constant 16 : index
        %parallel_loop3A_290 = tpu.vector_load %arg16[%parallel_loop3A_288, %parallel_loop3A_289] {strides = array<i32>} : memref<40x128xf32, #tpu.memory_space<vmem>>, vector<1x16xf32>,
        %parallel_loop3A_291 = vector.shape_cast %parallel_loop3A_290 : vector<1x16xf32> to vector<16xf32>
        %parallel_loop3A_292 = arith.index_cast %parallel_loop3A_270 : i32 to index
        %parallel_loop3A_293 = arith.constant 16 : index
        %parallel_loop3A_294 = tpu.vector_load %arg20[%parallel_loop3A_292, %parallel_loop3A_293] {strides = array<i32>} : memref<40x128xf32, #tpu.memory_space<vmem>>, vector<1x16xf32>,
        %parallel_loop3A_295 = vector.shape_cast %parallel_loop3A_294 : vector<1x16xf32> to vector<16xf32>
        %parallel_loop3A_296 = arith.addf %parallel_loop3A_291, %parallel_loop3A_295 : vector<16xf32>
        %parallel_loop3A_297 = arith.constant 0.000000e+00 : f32
        %parallel_loop3A_298 = vector.broadcast %parallel_loop3A_297 : f32 to vector<16xf32>
        %parallel_loop3A_299 = arith.maximumf %parallel_loop3A_296, %parallel_loop3A_298 : vector<16xf32>
        %parallel_loop3A_300 = arith.index_cast %parallel_loop3A_270 : i32 to index
        %parallel_loop3A_301 = arith.constant 16 : index
        %parallel_loop3A_302 = tpu.vector_load %arg16[%parallel_loop3A_300, %parallel_loop3A_301] {strides = array<i32>} : memref<40x128xf32, #tpu.memory_space<vmem>>, vector<1x16xf32>,
        %parallel_loop3A_303 = vector.shape_cast %parallel_loop3A_302 : vector<1x16xf32> to vector<16xf32>
        %parallel_loop3A_304 = vector.shape_cast %parallel_loop3A_299 : vector<16xf32> to vector<1x16xf32>
        tpu.vector_store %arg16[%parallel_loop3A_300, %parallel_loop3A_301], %parallel_loop3A_304 {strides = array<i32>} : memref<40x128xf32, #tpu.memory_space<vmem>>, vector<1x16xf32>,
        %parallel_loop3A_305 = arith.index_cast %parallel_loop3A_270 : i32 to index
        %parallel_loop3A_306 = arith.constant 32 : index
        %parallel_loop3A_307 = tpu.vector_load %arg16[%parallel_loop3A_305, %parallel_loop3A_306] {strides = array<i32>} : memref<40x128xf32, #tpu.memory_space<vmem>>, vector<1x16xf32>,
        %parallel_loop3A_308 = vector.shape_cast %parallel_loop3A_307 : vector<1x16xf32> to vector<16xf32>
        %parallel_loop3A_309 = arith.index_cast %parallel_loop3A_270 : i32 to index
        %parallel_loop3A_310 = arith.constant 32 : index
        %parallel_loop3A_311 = tpu.vector_load %arg20[%parallel_loop3A_309, %parallel_loop3A_310] {strides = array<i32>} : memref<40x128xf32, #tpu.memory_space<vmem>>, vector<1x16xf32>,
        %parallel_loop3A_312 = vector.shape_cast %parallel_loop3A_311 : vector<1x16xf32> to vector<16xf32>
        %parallel_loop3A_313 = arith.addf %parallel_loop3A_308, %parallel_loop3A_312 : vector<16xf32>
        %parallel_loop3A_314 = arith.constant 0.000000e+00 : f32
        %parallel_loop3A_315 = vector.broadcast %parallel_loop3A_314 : f32 to vector<16xf32>
        %parallel_loop3A_316 = arith.maximumf %parallel_loop3A_313, %parallel_loop3A_315 : vector<16xf32>
        %parallel_loop3A_317 = arith.index_cast %parallel_loop3A_270 : i32 to index
        %parallel_loop3A_318 = arith.constant 32 : index
        %parallel_loop3A_319 = tpu.vector_load %arg16[%parallel_loop3A_317, %parallel_loop3A_318] {strides = array<i32>} : memref<40x128xf32, #tpu.memory_space<vmem>>, vector<1x16xf32>,
        %parallel_loop3A_320 = vector.shape_cast %parallel_loop3A_319 : vector<1x16xf32> to vector<16xf32>
        %parallel_loop3A_321 = vector.shape_cast %parallel_loop3A_316 : vector<16xf32> to vector<1x16xf32>
        tpu.vector_store %arg16[%parallel_loop3A_317, %parallel_loop3A_318], %parallel_loop3A_321 {strides = array<i32>} : memref<40x128xf32, #tpu.memory_space<vmem>>, vector<1x16xf32>,
        %parallel_loop3A_322 = arith.index_cast %parallel_loop3A_270 : i32 to index
        %parallel_loop3A_323 = arith.constant 48 : index
        %parallel_loop3A_324 = tpu.vector_load %arg16[%parallel_loop3A_322, %parallel_loop3A_323] {strides = array<i32>} : memref<40x128xf32, #tpu.memory_space<vmem>>, vector<1x16xf32>,
        %parallel_loop3A_325 = vector.shape_cast %parallel_loop3A_324 : vector<1x16xf32> to vector<16xf32>
        %parallel_loop3A_326 = arith.index_cast %parallel_loop3A_270 : i32 to index
        %parallel_loop3A_327 = arith.constant 48 : index
        %parallel_loop3A_328 = tpu.vector_load %arg20[%parallel_loop3A_326, %parallel_loop3A_327] {strides = array<i32>} : memref<40x128xf32, #tpu.memory_space<vmem>>, vector<1x16xf32>,
        %parallel_loop3A_329 = vector.shape_cast %parallel_loop3A_328 : vector<1x16xf32> to vector<16xf32>
        %parallel_loop3A_330 = arith.addf %parallel_loop3A_325, %parallel_loop3A_329 : vector<16xf32>
        %parallel_loop3A_331 = arith.constant 0.000000e+00 : f32
        %parallel_loop3A_332 = vector.broadcast %parallel_loop3A_331 : f32 to vector<16xf32>
        %parallel_loop3A_333 = arith.maximumf %parallel_loop3A_330, %parallel_loop3A_332 : vector<16xf32>
        %parallel_loop3A_334 = arith.index_cast %parallel_loop3A_270 : i32 to index
        %parallel_loop3A_335 = arith.constant 48 : index
        %parallel_loop3A_336 = tpu.vector_load %arg16[%parallel_loop3A_334, %parallel_loop3A_335] {strides = array<i32>} : memref<40x128xf32, #tpu.memory_space<vmem>>, vector<1x16xf32>,
        %parallel_loop3A_337 = vector.shape_cast %parallel_loop3A_336 : vector<1x16xf32> to vector<16xf32>
        %parallel_loop3A_338 = vector.shape_cast %parallel_loop3A_333 : vector<16xf32> to vector<1x16xf32>
        tpu.vector_store %arg16[%parallel_loop3A_334, %parallel_loop3A_335], %parallel_loop3A_338 {strides = array<i32>} : memref<40x128xf32, #tpu.memory_space<vmem>>, vector<1x16xf32>,
        %parallel_loop3A_339 = arith.index_cast %parallel_loop3A_270 : i32 to index
        %parallel_loop3A_340 = arith.constant 64 : index
        %parallel_loop3A_341 = tpu.vector_load %arg16[%parallel_loop3A_339, %parallel_loop3A_340] {strides = array<i32>} : memref<40x128xf32, #tpu.memory_space<vmem>>, vector<1x16xf32>,
        %parallel_loop3A_342 = vector.shape_cast %parallel_loop3A_341 : vector<1x16xf32> to vector<16xf32>
        %parallel_loop3A_343 = arith.index_cast %parallel_loop3A_270 : i32 to index
        %parallel_loop3A_344 = arith.constant 64 : index
        %parallel_loop3A_345 = tpu.vector_load %arg20[%parallel_loop3A_343, %parallel_loop3A_344] {strides = array<i32>} : memref<40x128xf32, #tpu.memory_space<vmem>>, vector<1x16xf32>,
        %parallel_loop3A_346 = vector.shape_cast %parallel_loop3A_345 : vector<1x16xf32> to vector<16xf32>
        %parallel_loop3A_347 = arith.addf %parallel_loop3A_342, %parallel_loop3A_346 : vector<16xf32>
        %parallel_loop3A_348 = arith.constant 0.000000e+00 : f32
        %parallel_loop3A_349 = vector.broadcast %parallel_loop3A_348 : f32 to vector<16xf32>
        %parallel_loop3A_350 = arith.maximumf %parallel_loop3A_347, %parallel_loop3A_349 : vector<16xf32>
        %parallel_loop3A_351 = arith.index_cast %parallel_loop3A_270 : i32 to index
        %parallel_loop3A_352 = arith.constant 64 : index
        %parallel_loop3A_353 = tpu.vector_load %arg16[%parallel_loop3A_351, %parallel_loop3A_352] {strides = array<i32>} : memref<40x128xf32, #tpu.memory_space<vmem>>, vector<1x16xf32>,
        %parallel_loop3A_354 = vector.shape_cast %parallel_loop3A_353 : vector<1x16xf32> to vector<16xf32>
        %parallel_loop3A_355 = vector.shape_cast %parallel_loop3A_350 : vector<16xf32> to vector<1x16xf32>
        tpu.vector_store %arg16[%parallel_loop3A_351, %parallel_loop3A_352], %parallel_loop3A_355 {strides = array<i32>} : memref<40x128xf32, #tpu.memory_space<vmem>>, vector<1x16xf32>,
        %parallel_loop3A_356 = arith.index_cast %parallel_loop3A_270 : i32 to index
        %parallel_loop3A_357 = arith.constant 80 : index
        %parallel_loop3A_358 = tpu.vector_load %arg16[%parallel_loop3A_356, %parallel_loop3A_357] {strides = array<i32>} : memref<40x128xf32, #tpu.memory_space<vmem>>, vector<1x16xf32>,
        %parallel_loop3A_359 = vector.shape_cast %parallel_loop3A_358 : vector<1x16xf32> to vector<16xf32>
        %parallel_loop3A_360 = arith.index_cast %parallel_loop3A_270 : i32 to index
        %parallel_loop3A_361 = arith.constant 80 : index
        %parallel_loop3A_362 = tpu.vector_load %arg20[%parallel_loop3A_360, %parallel_loop3A_361] {strides = array<i32>} : memref<40x128xf32, #tpu.memory_space<vmem>>, vector<1x16xf32>,
        %parallel_loop3A_363 = vector.shape_cast %parallel_loop3A_362 : vector<1x16xf32> to vector<16xf32>
        %parallel_loop3A_364 = arith.addf %parallel_loop3A_359, %parallel_loop3A_363 : vector<16xf32>
        %parallel_loop3A_365 = arith.constant 0.000000e+00 : f32
        %parallel_loop3A_366 = vector.broadcast %parallel_loop3A_365 : f32 to vector<16xf32>
        %parallel_loop3A_367 = arith.maximumf %parallel_loop3A_364, %parallel_loop3A_366 : vector<16xf32>
        %parallel_loop3A_368 = arith.index_cast %parallel_loop3A_270 : i32 to index
        %parallel_loop3A_369 = arith.constant 80 : index
        %parallel_loop3A_370 = tpu.vector_load %arg16[%parallel_loop3A_368, %parallel_loop3A_369] {strides = array<i32>} : memref<40x128xf32, #tpu.memory_space<vmem>>, vector<1x16xf32>,
        %parallel_loop3A_371 = vector.shape_cast %parallel_loop3A_370 : vector<1x16xf32> to vector<16xf32>
        %parallel_loop3A_372 = vector.shape_cast %parallel_loop3A_367 : vector<16xf32> to vector<1x16xf32>
        tpu.vector_store %arg16[%parallel_loop3A_368, %parallel_loop3A_369], %parallel_loop3A_372 {strides = array<i32>} : memref<40x128xf32, #tpu.memory_space<vmem>>, vector<1x16xf32>,
        %parallel_loop3A_373 = arith.index_cast %parallel_loop3A_270 : i32 to index
        %parallel_loop3A_374 = arith.constant 96 : index
        %parallel_loop3A_375 = tpu.vector_load %arg16[%parallel_loop3A_373, %parallel_loop3A_374] {strides = array<i32>} : memref<40x128xf32, #tpu.memory_space<vmem>>, vector<1x16xf32>,
        %parallel_loop3A_376 = vector.shape_cast %parallel_loop3A_375 : vector<1x16xf32> to vector<16xf32>
        %parallel_loop3A_377 = arith.index_cast %parallel_loop3A_270 : i32 to index
        %parallel_loop3A_378 = arith.constant 96 : index
        %parallel_loop3A_379 = tpu.vector_load %arg20[%parallel_loop3A_377, %parallel_loop3A_378] {strides = array<i32>} : memref<40x128xf32, #tpu.memory_space<vmem>>, vector<1x16xf32>,
        %parallel_loop3A_380 = vector.shape_cast %parallel_loop3A_379 : vector<1x16xf32> to vector<16xf32>
        %parallel_loop3A_381 = arith.addf %parallel_loop3A_376, %parallel_loop3A_380 : vector<16xf32>
        %parallel_loop3A_382 = arith.constant 0.000000e+00 : f32
        %parallel_loop3A_383 = vector.broadcast %parallel_loop3A_382 : f32 to vector<16xf32>
        %parallel_loop3A_384 = arith.maximumf %parallel_loop3A_381, %parallel_loop3A_383 : vector<16xf32>
        %parallel_loop3A_385 = arith.index_cast %parallel_loop3A_270 : i32 to index
        %parallel_loop3A_386 = arith.constant 96 : index
        %parallel_loop3A_387 = tpu.vector_load %arg16[%parallel_loop3A_385, %parallel_loop3A_386] {strides = array<i32>} : memref<40x128xf32, #tpu.memory_space<vmem>>, vector<1x16xf32>,
        %parallel_loop3A_388 = vector.shape_cast %parallel_loop3A_387 : vector<1x16xf32> to vector<16xf32>
        %parallel_loop3A_389 = vector.shape_cast %parallel_loop3A_384 : vector<16xf32> to vector<1x16xf32>
        tpu.vector_store %arg16[%parallel_loop3A_385, %parallel_loop3A_386], %parallel_loop3A_389 {strides = array<i32>} : memref<40x128xf32, #tpu.memory_space<vmem>>, vector<1x16xf32>,
        %parallel_loop3A_390 = arith.index_cast %parallel_loop3A_270 : i32 to index
        %parallel_loop3A_391 = arith.constant 112 : index
        %parallel_loop3A_392 = tpu.vector_load %arg16[%parallel_loop3A_390, %parallel_loop3A_391] {strides = array<i32>} : memref<40x128xf32, #tpu.memory_space<vmem>>, vector<1x16xf32>,
        %parallel_loop3A_393 = vector.shape_cast %parallel_loop3A_392 : vector<1x16xf32> to vector<16xf32>
        %parallel_loop3A_394 = arith.index_cast %parallel_loop3A_270 : i32 to index
        %parallel_loop3A_395 = arith.constant 112 : index
        %parallel_loop3A_396 = tpu.vector_load %arg20[%parallel_loop3A_394, %parallel_loop3A_395] {strides = array<i32>} : memref<40x128xf32, #tpu.memory_space<vmem>>, vector<1x16xf32>,
        %parallel_loop3A_397 = vector.shape_cast %parallel_loop3A_396 : vector<1x16xf32> to vector<16xf32>
        %parallel_loop3A_398 = arith.addf %parallel_loop3A_393, %parallel_loop3A_397 : vector<16xf32>
        %parallel_loop3A_399 = arith.constant 0.000000e+00 : f32
        %parallel_loop3A_400 = vector.broadcast %parallel_loop3A_399 : f32 to vector<16xf32>
        %parallel_loop3A_401 = arith.maximumf %parallel_loop3A_398, %parallel_loop3A_400 : vector<16xf32>
        %parallel_loop3A_402 = arith.index_cast %parallel_loop3A_270 : i32 to index
        %parallel_loop3A_403 = arith.constant 112 : index
        %parallel_loop3A_404 = tpu.vector_load %arg16[%parallel_loop3A_402, %parallel_loop3A_403] {strides = array<i32>} : memref<40x128xf32, #tpu.memory_space<vmem>>, vector<1x16xf32>,
        %parallel_loop3A_405 = vector.shape_cast %parallel_loop3A_404 : vector<1x16xf32> to vector<16xf32>
        %parallel_loop3A_406 = vector.shape_cast %parallel_loop3A_401 : vector<16xf32> to vector<1x16xf32>
        tpu.vector_store %arg16[%parallel_loop3A_402, %parallel_loop3A_403], %parallel_loop3A_406 {strides = array<i32>} : memref<40x128xf32, #tpu.memory_space<vmem>>, vector<1x16xf32>,
      } {sc.loop_unroll_factor = 1 : i64, sc.parallel_access}
      %dma_start3A_181 = arith.constant 0 : i32
      %dma_start3A_182 = arith.constant 0 : i32
      %dma_start3A_183 = tpu.memref_slice %arg23[%dma_start3A_181, %dma_start3A_182] : memref<10112x128xf32, #tpu.memory_space<vmem_shared>> -> memref<10112x128xf32, #tpu.memory_space<vmem_shared>>
      tpu.enqueue_indirect_dma source(%arg16 : memref<40x128xf32, #tpu.memory_space<vmem>>) target(%dma_start3A_183 : memref<10112x128xf32, #tpu.memory_space<vmem_shared>>) offsets(%arg12 : memref<40xi32, #tpu.memory_space<vmem>>) semaphore(%arg41 : memref<!tpu.dma_semaphore, #tpu.memory_space<semaphore_mem>>) {add = true}
      %add3A_184 = arith.constant 2 : i32
      %add3A_185 = arith.addi %add3A_103, %add3A_184 : i32
      %ge3A_186 = arith.constant 1 : i32
      %ge3A_187 = arith.cmpi sge, %add3A_185, %ge3A_186 : i32
      %convert_element_type3A_188 = arith.extui %ge3A_187 : i1 to i32
      %cond3A_189 = arith.constant 0 : i32
      %cond3A_190 = arith.cmpi ne, %convert_element_type3A_188, %cond3A_189 : i32
      scf.if %cond3A_190 {
        %dma_wait3A_270 = arith.constant 0 : i32
        %dma_wait3A_271 = arith.constant 0 : i32
        %dma_wait3A_272 = tpu.memref_slice %arg23[%dma_wait3A_270, %dma_wait3A_271] : memref<10112x128xf32, #tpu.memory_space<vmem_shared>> -> memref<10112x128xf32, #tpu.memory_space<vmem_shared>>
        tpu.wait_indirect_dma semaphore(%arg41 : memref<!tpu.dma_semaphore, #tpu.memory_space<semaphore_mem>>) src(%arg16 : memref<40x128xf32, #tpu.memory_space<vmem>>) dst(%dma_wait3A_272 : memref<10112x128xf32, #tpu.memory_space<vmem_shared>>)
      } else {
      }
      %add3A_191 = arith.constant 4 : i32
      %add3A_192 = arith.addi %add3A_185, %add3A_191 : i32
      %sub3A_193 = arith.constant 1 : i32
      %sub3A_194 = arith.subi %add3A_192, %sub3A_193 : i32
      %lt3A_195 = arith.constant 256 : i32
      %lt3A_196 = arith.cmpi slt, %sub3A_194, %lt3A_195 : i32
      %convert_element_type3A_197 = arith.extui %lt3A_196 : i1 to i32
      %cond3A_198 = arith.constant 0 : i32
      %cond3A_199 = arith.cmpi ne, %convert_element_type3A_197, %cond3A_198 : i32
      scf.if %cond3A_199 {
        %add3A_270 = arith.constant 4 : i32
        %add3A_271 = arith.addi %add3A_185, %add3A_270 : i32
        %sub3A_272 = arith.constant 1 : i32
        %sub3A_273 = arith.subi %add3A_271, %sub3A_272 : i32
        %dma_start3A_274 = arith.constant 0 : i32
        %dma_start3A_275 = arith.constant 0 : i32
        %dma_start3A_276 = tpu.memref_slice %arg4[%add3A, %sub3A_273, %dma_start3A_274, %dma_start3A_275] : memref<32x256x2x40xi32, #tpu.memory_space<hbm>> -> memref<1x1x1x40xi32, #tpu.memory_space<hbm>>
        %dma_start3A_277 = tpu.memref_squeeze %dma_start3A_276 : memref<1x1x1x40xi32, #tpu.memory_space<hbm>> -> memref<40xi32, #tpu.memory_space<hbm>>
        %dma_start3A_278 = arith.constant 0 : i32
        %dma_start3A_279 = tpu.memref_slice %arg4[%add3A, %sub3A_273, %dma_start3A_274, %dma_start3A_278] : memref<32x256x2x40xi32, #tpu.memory_space<hbm>> -> memref<1x1x1x40xi32, #tpu.memory_space<hbm>>
        %dma_start3A_280 = tpu.memref_squeeze %dma_start3A_279 : memref<1x1x1x40xi32, #tpu.memory_space<hbm>> -> memref<40xi32, #tpu.memory_space<hbm>>
        tpu.enqueue_dma source(%dma_start3A_280 : memref<40xi32, #tpu.memory_space<hbm>>) target(%arg8 : memref<40xi32, #tpu.memory_space<vmem>>) target_semaphore(%arg25 : memref<!tpu.dma_semaphore, #tpu.memory_space<semaphore_mem>>)
        %dma_start3A_281 = arith.constant 1 : i32
        %dma_start3A_282 = arith.constant 0 : i32
        %dma_start3A_283 = tpu.memref_slice %arg4[%add3A, %sub3A_273, %dma_start3A_281, %dma_start3A_282] : memref<32x256x2x40xi32, #tpu.memory_space<hbm>> -> memref<1x1x1x40xi32, #tpu.memory_space<hbm>>
        %dma_start3A_284 = tpu.memref_squeeze %dma_start3A_283 : memref<1x1x1x40xi32, #tpu.memory_space<hbm>> -> memref<40xi32, #tpu.memory_space<hbm>>
        %dma_start3A_285 = arith.constant 0 : i32
        %dma_start3A_286 = tpu.memref_slice %arg4[%add3A, %sub3A_273, %dma_start3A_281, %dma_start3A_285] : memref<32x256x2x40xi32, #tpu.memory_space<hbm>> -> memref<1x1x1x40xi32, #tpu.memory_space<hbm>>
        %dma_start3A_287 = tpu.memref_squeeze %dma_start3A_286 : memref<1x1x1x40xi32, #tpu.memory_space<hbm>> -> memref<40xi32, #tpu.memory_space<hbm>>
        tpu.enqueue_dma source(%dma_start3A_287 : memref<40xi32, #tpu.memory_space<hbm>>) target(%arg12 : memref<40xi32, #tpu.memory_space<vmem>>) target_semaphore(%arg29 : memref<!tpu.dma_semaphore, #tpu.memory_space<semaphore_mem>>)
        %mul3A_288 = arith.constant 40 : i32
        %mul3A_289 = arith.muli %sub3A_273, %mul3A_288 : i32
        %add3A_290 = arith.addi %mul3A_2, %mul3A_289 : i32
        %dma_start3A_291 = arith.constant 0 : i32
        %dma_start3A_292 = tpu.memref_slice %arg3[%add3A_290, %dma_start3A_291] : memref<327680x128xf32, #tpu.memory_space<hbm>> -> memref<40x128xf32, #tpu.memory_space<hbm>>
        %dma_start3A_293 = arith.constant 0 : i32
        %dma_start3A_294 = tpu.memref_slice %arg3[%add3A_290, %dma_start3A_293] : memref<327680x128xf32, #tpu.memory_space<hbm>> -> memref<40x128xf32, #tpu.memory_space<hbm>>
        tpu.enqueue_dma source(%dma_start3A_294 : memref<40x128xf32, #tpu.memory_space<hbm>>) target(%arg20 : memref<40x128xf32, #tpu.memory_space<vmem>>) target_semaphore(%arg33 : memref<!tpu.dma_semaphore, #tpu.memory_space<semaphore_mem>>)
      } else {
      }
      %add3A_200 = arith.constant 2 : i32
      %add3A_201 = arith.addi %add3A_185, %add3A_200 : i32
      %lt3A_202 = arith.constant 256 : i32
      %lt3A_203 = arith.cmpi slt, %add3A_201, %lt3A_202 : i32
      %convert_element_type3A_204 = arith.extui %lt3A_203 : i1 to i32
      %cond3A_205 = arith.constant 0 : i32
      %cond3A_206 = arith.cmpi ne, %convert_element_type3A_204, %cond3A_205 : i32
      scf.if %cond3A_206 {
        %add3A_270 = arith.constant 2 : i32
        %add3A_271 = arith.addi %add3A_185, %add3A_270 : i32
        %dma_wait3A_272 = arith.constant 0 : i32
        %dma_wait3A_273 = arith.constant 0 : i32
        %dma_wait3A_274 = tpu.memref_slice %arg4[%add3A, %add3A_271, %dma_wait3A_272, %dma_wait3A_273] : memref<32x256x2x40xi32, #tpu.memory_space<hbm>> -> memref<1x1x1x40xi32, #tpu.memory_space<hbm>>
        %dma_wait3A_275 = tpu.memref_squeeze %dma_wait3A_274 : memref<1x1x1x40xi32, #tpu.memory_space<hbm>> -> memref<40xi32, #tpu.memory_space<hbm>>
        %dma_wait3A_276 = arith.constant 0 : i32
        %dma_wait3A_277 = tpu.memref_slice %arg4[%add3A, %add3A_271, %dma_wait3A_272, %dma_wait3A_276] : memref<32x256x2x40xi32, #tpu.memory_space<hbm>> -> memref<1x1x1x40xi32, #tpu.memory_space<hbm>>
        %dma_wait3A_278 = tpu.memref_squeeze %dma_wait3A_277 : memref<1x1x1x40xi32, #tpu.memory_space<hbm>> -> memref<40xi32, #tpu.memory_space<hbm>>
        tpu.wait_dma2 semaphore(%arg24 : memref<!tpu.dma_semaphore, #tpu.memory_space<semaphore_mem>>) src(%dma_wait3A_278 : memref<40xi32, #tpu.memory_space<hbm>>) dst(%arg7 : memref<40xi32, #tpu.memory_space<vmem>>)
        %dma_start3A_279 = arith.constant 0 : i32
        %dma_start3A_280 = arith.constant 0 : i32
        %dma_start3A_281 = tpu.memref_slice %arg2[%dma_start3A_279, %dma_start3A_280] : memref<10000x128xf32, #tpu.memory_space<hbm>> -> memref<10000x128xf32, #tpu.memory_space<hbm>>
        tpu.enqueue_indirect_dma source(%dma_start3A_281 : memref<10000x128xf32, #tpu.memory_space<hbm>>) target(%arg15 : memref<40x128xf32, #tpu.memory_space<vmem>>) offsets(%arg7 : memref<40xi32, #tpu.memory_space<vmem>>) semaphore(%arg36 : memref<!tpu.dma_semaphore, #tpu.memory_space<semaphore_mem>>)
      } else {
      }
      %dma_wait3A_207 = arith.constant 0 : i32
      %dma_wait3A_208 = tpu.memref_slice %arg3[%mul3A_2, %dma_wait3A_207] : memref<327680x128xf32, #tpu.memory_space<hbm>> -> memref<40x128xf32, #tpu.memory_space<hbm>>
      %dma_wait3A_209 = arith.constant 0 : i32
      %dma_wait3A_210 = tpu.memref_slice %arg3[%mul3A_2, %dma_wait3A_209] : memref<327680x128xf32, #tpu.memory_space<hbm>> -> memref<40x128xf32, #tpu.memory_space<hbm>>
      tpu.wait_dma2 semaphore(%arg34 : memref<!tpu.dma_semaphore, #tpu.memory_space<semaphore_mem>>) src(%dma_wait3A_210 : memref<40x128xf32, #tpu.memory_space<hbm>>) dst(%arg21 : memref<40x128xf32, #tpu.memory_space<vmem>>)
      %dma_wait3A_211 = arith.constant 1 : i32
      %dma_wait3A_212 = arith.constant 0 : i32
      %dma_wait3A_213 = tpu.memref_slice %arg4[%add3A, %add3A_185, %dma_wait3A_211, %dma_wait3A_212] : memref<32x256x2x40xi32, #tpu.memory_space<hbm>> -> memref<1x1x1x40xi32, #tpu.memory_space<hbm>>
      %dma_wait3A_214 = tpu.memref_squeeze %dma_wait3A_213 : memref<1x1x1x40xi32, #tpu.memory_space<hbm>> -> memref<40xi32, #tpu.memory_space<hbm>>
      %dma_wait3A_215 = arith.constant 0 : i32
      %dma_wait3A_216 = tpu.memref_slice %arg4[%add3A, %add3A_185, %dma_wait3A_211, %dma_wait3A_215] : memref<32x256x2x40xi32, #tpu.memory_space<hbm>> -> memref<1x1x1x40xi32, #tpu.memory_space<hbm>>
      %dma_wait3A_217 = tpu.memref_squeeze %dma_wait3A_216 : memref<1x1x1x40xi32, #tpu.memory_space<hbm>> -> memref<40xi32, #tpu.memory_space<hbm>>
      tpu.wait_dma2 semaphore(%arg30 : memref<!tpu.dma_semaphore, #tpu.memory_space<semaphore_mem>>) src(%dma_wait3A_217 : memref<40xi32, #tpu.memory_space<hbm>>) dst(%arg13 : memref<40xi32, #tpu.memory_space<vmem>>)
      %dma_wait3A_218 = arith.constant 0 : i32
      %dma_wait3A_219 = arith.constant 0 : i32
      %dma_wait3A_220 = tpu.memref_slice %arg2[%dma_wait3A_218, %dma_wait3A_219] : memref<10000x128xf32, #tpu.memory_space<hbm>> -> memref<10000x128xf32, #tpu.memory_space<hbm>>
      tpu.wait_indirect_dma semaphore(%arg38 : memref<!tpu.dma_semaphore, #tpu.memory_space<semaphore_mem>>) src(%dma_wait3A_220 : memref<10000x128xf32, #tpu.memory_space<hbm>>) dst(%arg17 : memref<40x128xf32, #tpu.memory_space<vmem>>)
      %parallel_loop3A_221 = arith.constant 0 : i32
      %parallel_loop3A_222 = arith.constant 40 : i32
      %parallel_loop3A_223 = arith.constant 1 : i32
      scf.for %parallel_loop3A_270 = %parallel_loop3A_221 to %parallel_loop3A_222 step %parallel_loop3A_223  : i32 {
        %parallel_loop3A_271 = arith.index_cast %parallel_loop3A_270 : i32 to index
        %parallel_loop3A_272 = arith.constant 0 : index
        %parallel_loop3A_273 = tpu.vector_load %arg17[%parallel_loop3A_271, %parallel_loop3A_272] {strides = array<i32>} : memref<40x128xf32, #tpu.memory_space<vmem>>, vector<1x16xf32>,
        %parallel_loop3A_274 = vector.shape_cast %parallel_loop3A_273 : vector<1x16xf32> to vector<16xf32>
        %parallel_loop3A_275 = arith.index_cast %parallel_loop3A_270 : i32 to index
        %parallel_loop3A_276 = arith.constant 0 : index
        %parallel_loop3A_277 = tpu.vector_load %arg21[%parallel_loop3A_275, %parallel_loop3A_276] {strides = array<i32>} : memref<40x128xf32, #tpu.memory_space<vmem>>, vector<1x16xf32>,
        %parallel_loop3A_278 = vector.shape_cast %parallel_loop3A_277 : vector<1x16xf32> to vector<16xf32>
        %parallel_loop3A_279 = arith.addf %parallel_loop3A_274, %parallel_loop3A_278 : vector<16xf32>
        %parallel_loop3A_280 = arith.constant 0.000000e+00 : f32
        %parallel_loop3A_281 = vector.broadcast %parallel_loop3A_280 : f32 to vector<16xf32>
        %parallel_loop3A_282 = arith.maximumf %parallel_loop3A_279, %parallel_loop3A_281 : vector<16xf32>
        %parallel_loop3A_283 = arith.index_cast %parallel_loop3A_270 : i32 to index
        %parallel_loop3A_284 = arith.constant 0 : index
        %parallel_loop3A_285 = tpu.vector_load %arg17[%parallel_loop3A_283, %parallel_loop3A_284] {strides = array<i32>} : memref<40x128xf32, #tpu.memory_space<vmem>>, vector<1x16xf32>,
        %parallel_loop3A_286 = vector.shape_cast %parallel_loop3A_285 : vector<1x16xf32> to vector<16xf32>
        %parallel_loop3A_287 = vector.shape_cast %parallel_loop3A_282 : vector<16xf32> to vector<1x16xf32>
        tpu.vector_store %arg17[%parallel_loop3A_283, %parallel_loop3A_284], %parallel_loop3A_287 {strides = array<i32>} : memref<40x128xf32, #tpu.memory_space<vmem>>, vector<1x16xf32>,
        %parallel_loop3A_288 = arith.index_cast %parallel_loop3A_270 : i32 to index
        %parallel_loop3A_289 = arith.constant 16 : index
        %parallel_loop3A_290 = tpu.vector_load %arg17[%parallel_loop3A_288, %parallel_loop3A_289] {strides = array<i32>} : memref<40x128xf32, #tpu.memory_space<vmem>>, vector<1x16xf32>,
        %parallel_loop3A_291 = vector.shape_cast %parallel_loop3A_290 : vector<1x16xf32> to vector<16xf32>
        %parallel_loop3A_292 = arith.index_cast %parallel_loop3A_270 : i32 to index
        %parallel_loop3A_293 = arith.constant 16 : index
        %parallel_loop3A_294 = tpu.vector_load %arg21[%parallel_loop3A_292, %parallel_loop3A_293] {strides = array<i32>} : memref<40x128xf32, #tpu.memory_space<vmem>>, vector<1x16xf32>,
        %parallel_loop3A_295 = vector.shape_cast %parallel_loop3A_294 : vector<1x16xf32> to vector<16xf32>
        %parallel_loop3A_296 = arith.addf %parallel_loop3A_291, %parallel_loop3A_295 : vector<16xf32>
        %parallel_loop3A_297 = arith.constant 0.000000e+00 : f32
        %parallel_loop3A_298 = vector.broadcast %parallel_loop3A_297 : f32 to vector<16xf32>
        %parallel_loop3A_299 = arith.maximumf %parallel_loop3A_296, %parallel_loop3A_298 : vector<16xf32>
        %parallel_loop3A_300 = arith.index_cast %parallel_loop3A_270 : i32 to index
        %parallel_loop3A_301 = arith.constant 16 : index
        %parallel_loop3A_302 = tpu.vector_load %arg17[%parallel_loop3A_300, %parallel_loop3A_301] {strides = array<i32>} : memref<40x128xf32, #tpu.memory_space<vmem>>, vector<1x16xf32>,
        %parallel_loop3A_303 = vector.shape_cast %parallel_loop3A_302 : vector<1x16xf32> to vector<16xf32>
        %parallel_loop3A_304 = vector.shape_cast %parallel_loop3A_299 : vector<16xf32> to vector<1x16xf32>
        tpu.vector_store %arg17[%parallel_loop3A_300, %parallel_loop3A_301], %parallel_loop3A_304 {strides = array<i32>} : memref<40x128xf32, #tpu.memory_space<vmem>>, vector<1x16xf32>,
        %parallel_loop3A_305 = arith.index_cast %parallel_loop3A_270 : i32 to index
        %parallel_loop3A_306 = arith.constant 32 : index
        %parallel_loop3A_307 = tpu.vector_load %arg17[%parallel_loop3A_305, %parallel_loop3A_306] {strides = array<i32>} : memref<40x128xf32, #tpu.memory_space<vmem>>, vector<1x16xf32>,
        %parallel_loop3A_308 = vector.shape_cast %parallel_loop3A_307 : vector<1x16xf32> to vector<16xf32>
        %parallel_loop3A_309 = arith.index_cast %parallel_loop3A_270 : i32 to index
        %parallel_loop3A_310 = arith.constant 32 : index
        %parallel_loop3A_311 = tpu.vector_load %arg21[%parallel_loop3A_309, %parallel_loop3A_310] {strides = array<i32>} : memref<40x128xf32, #tpu.memory_space<vmem>>, vector<1x16xf32>,
        %parallel_loop3A_312 = vector.shape_cast %parallel_loop3A_311 : vector<1x16xf32> to vector<16xf32>
        %parallel_loop3A_313 = arith.addf %parallel_loop3A_308, %parallel_loop3A_312 : vector<16xf32>
        %parallel_loop3A_314 = arith.constant 0.000000e+00 : f32
        %parallel_loop3A_315 = vector.broadcast %parallel_loop3A_314 : f32 to vector<16xf32>
        %parallel_loop3A_316 = arith.maximumf %parallel_loop3A_313, %parallel_loop3A_315 : vector<16xf32>
        %parallel_loop3A_317 = arith.index_cast %parallel_loop3A_270 : i32 to index
        %parallel_loop3A_318 = arith.constant 32 : index
        %parallel_loop3A_319 = tpu.vector_load %arg17[%parallel_loop3A_317, %parallel_loop3A_318] {strides = array<i32>} : memref<40x128xf32, #tpu.memory_space<vmem>>, vector<1x16xf32>,
        %parallel_loop3A_320 = vector.shape_cast %parallel_loop3A_319 : vector<1x16xf32> to vector<16xf32>
        %parallel_loop3A_321 = vector.shape_cast %parallel_loop3A_316 : vector<16xf32> to vector<1x16xf32>
        tpu.vector_store %arg17[%parallel_loop3A_317, %parallel_loop3A_318], %parallel_loop3A_321 {strides = array<i32>} : memref<40x128xf32, #tpu.memory_space<vmem>>, vector<1x16xf32>,
        %parallel_loop3A_322 = arith.index_cast %parallel_loop3A_270 : i32 to index
        %parallel_loop3A_323 = arith.constant 48 : index
        %parallel_loop3A_324 = tpu.vector_load %arg17[%parallel_loop3A_322, %parallel_loop3A_323] {strides = array<i32>} : memref<40x128xf32, #tpu.memory_space<vmem>>, vector<1x16xf32>,
        %parallel_loop3A_325 = vector.shape_cast %parallel_loop3A_324 : vector<1x16xf32> to vector<16xf32>
        %parallel_loop3A_326 = arith.index_cast %parallel_loop3A_270 : i32 to index
        %parallel_loop3A_327 = arith.constant 48 : index
        %parallel_loop3A_328 = tpu.vector_load %arg21[%parallel_loop3A_326, %parallel_loop3A_327] {strides = array<i32>} : memref<40x128xf32, #tpu.memory_space<vmem>>, vector<1x16xf32>,
        %parallel_loop3A_329 = vector.shape_cast %parallel_loop3A_328 : vector<1x16xf32> to vector<16xf32>
        %parallel_loop3A_330 = arith.addf %parallel_loop3A_325, %parallel_loop3A_329 : vector<16xf32>
        %parallel_loop3A_331 = arith.constant 0.000000e+00 : f32
        %parallel_loop3A_332 = vector.broadcast %parallel_loop3A_331 : f32 to vector<16xf32>
        %parallel_loop3A_333 = arith.maximumf %parallel_loop3A_330, %parallel_loop3A_332 : vector<16xf32>
        %parallel_loop3A_334 = arith.index_cast %parallel_loop3A_270 : i32 to index
        %parallel_loop3A_335 = arith.constant 48 : index
        %parallel_loop3A_336 = tpu.vector_load %arg17[%parallel_loop3A_334, %parallel_loop3A_335] {strides = array<i32>} : memref<40x128xf32, #tpu.memory_space<vmem>>, vector<1x16xf32>,
        %parallel_loop3A_337 = vector.shape_cast %parallel_loop3A_336 : vector<1x16xf32> to vector<16xf32>
        %parallel_loop3A_338 = vector.shape_cast %parallel_loop3A_333 : vector<16xf32> to vector<1x16xf32>
        tpu.vector_store %arg17[%parallel_loop3A_334, %parallel_loop3A_335], %parallel_loop3A_338 {strides = array<i32>} : memref<40x128xf32, #tpu.memory_space<vmem>>, vector<1x16xf32>,
        %parallel_loop3A_339 = arith.index_cast %parallel_loop3A_270 : i32 to index
        %parallel_loop3A_340 = arith.constant 64 : index
        %parallel_loop3A_341 = tpu.vector_load %arg17[%parallel_loop3A_339, %parallel_loop3A_340] {strides = array<i32>} : memref<40x128xf32, #tpu.memory_space<vmem>>, vector<1x16xf32>,
        %parallel_loop3A_342 = vector.shape_cast %parallel_loop3A_341 : vector<1x16xf32> to vector<16xf32>
        %parallel_loop3A_343 = arith.index_cast %parallel_loop3A_270 : i32 to index
        %parallel_loop3A_344 = arith.constant 64 : index
        %parallel_loop3A_345 = tpu.vector_load %arg21[%parallel_loop3A_343, %parallel_loop3A_344] {strides = array<i32>} : memref<40x128xf32, #tpu.memory_space<vmem>>, vector<1x16xf32>,
        %parallel_loop3A_346 = vector.shape_cast %parallel_loop3A_345 : vector<1x16xf32> to vector<16xf32>
        %parallel_loop3A_347 = arith.addf %parallel_loop3A_342, %parallel_loop3A_346 : vector<16xf32>
        %parallel_loop3A_348 = arith.constant 0.000000e+00 : f32
        %parallel_loop3A_349 = vector.broadcast %parallel_loop3A_348 : f32 to vector<16xf32>
        %parallel_loop3A_350 = arith.maximumf %parallel_loop3A_347, %parallel_loop3A_349 : vector<16xf32>
        %parallel_loop3A_351 = arith.index_cast %parallel_loop3A_270 : i32 to index
        %parallel_loop3A_352 = arith.constant 64 : index
        %parallel_loop3A_353 = tpu.vector_load %arg17[%parallel_loop3A_351, %parallel_loop3A_352] {strides = array<i32>} : memref<40x128xf32, #tpu.memory_space<vmem>>, vector<1x16xf32>,
        %parallel_loop3A_354 = vector.shape_cast %parallel_loop3A_353 : vector<1x16xf32> to vector<16xf32>
        %parallel_loop3A_355 = vector.shape_cast %parallel_loop3A_350 : vector<16xf32> to vector<1x16xf32>
        tpu.vector_store %arg17[%parallel_loop3A_351, %parallel_loop3A_352], %parallel_loop3A_355 {strides = array<i32>} : memref<40x128xf32, #tpu.memory_space<vmem>>, vector<1x16xf32>,
        %parallel_loop3A_356 = arith.index_cast %parallel_loop3A_270 : i32 to index
        %parallel_loop3A_357 = arith.constant 80 : index
        %parallel_loop3A_358 = tpu.vector_load %arg17[%parallel_loop3A_356, %parallel_loop3A_357] {strides = array<i32>} : memref<40x128xf32, #tpu.memory_space<vmem>>, vector<1x16xf32>,
        %parallel_loop3A_359 = vector.shape_cast %parallel_loop3A_358 : vector<1x16xf32> to vector<16xf32>
        %parallel_loop3A_360 = arith.index_cast %parallel_loop3A_270 : i32 to index
        %parallel_loop3A_361 = arith.constant 80 : index
        %parallel_loop3A_362 = tpu.vector_load %arg21[%parallel_loop3A_360, %parallel_loop3A_361] {strides = array<i32>} : memref<40x128xf32, #tpu.memory_space<vmem>>, vector<1x16xf32>,
        %parallel_loop3A_363 = vector.shape_cast %parallel_loop3A_362 : vector<1x16xf32> to vector<16xf32>
        %parallel_loop3A_364 = arith.addf %parallel_loop3A_359, %parallel_loop3A_363 : vector<16xf32>
        %parallel_loop3A_365 = arith.constant 0.000000e+00 : f32
        %parallel_loop3A_366 = vector.broadcast %parallel_loop3A_365 : f32 to vector<16xf32>
        %parallel_loop3A_367 = arith.maximumf %parallel_loop3A_364, %parallel_loop3A_366 : vector<16xf32>
        %parallel_loop3A_368 = arith.index_cast %parallel_loop3A_270 : i32 to index
        %parallel_loop3A_369 = arith.constant 80 : index
        %parallel_loop3A_370 = tpu.vector_load %arg17[%parallel_loop3A_368, %parallel_loop3A_369] {strides = array<i32>} : memref<40x128xf32, #tpu.memory_space<vmem>>, vector<1x16xf32>,
        %parallel_loop3A_371 = vector.shape_cast %parallel_loop3A_370 : vector<1x16xf32> to vector<16xf32>
        %parallel_loop3A_372 = vector.shape_cast %parallel_loop3A_367 : vector<16xf32> to vector<1x16xf32>
        tpu.vector_store %arg17[%parallel_loop3A_368, %parallel_loop3A_369], %parallel_loop3A_372 {strides = array<i32>} : memref<40x128xf32, #tpu.memory_space<vmem>>, vector<1x16xf32>,
        %parallel_loop3A_373 = arith.index_cast %parallel_loop3A_270 : i32 to index
        %parallel_loop3A_374 = arith.constant 96 : index
        %parallel_loop3A_375 = tpu.vector_load %arg17[%parallel_loop3A_373, %parallel_loop3A_374] {strides = array<i32>} : memref<40x128xf32, #tpu.memory_space<vmem>>, vector<1x16xf32>,
        %parallel_loop3A_376 = vector.shape_cast %parallel_loop3A_375 : vector<1x16xf32> to vector<16xf32>
        %parallel_loop3A_377 = arith.index_cast %parallel_loop3A_270 : i32 to index
        %parallel_loop3A_378 = arith.constant 96 : index
        %parallel_loop3A_379 = tpu.vector_load %arg21[%parallel_loop3A_377, %parallel_loop3A_378] {strides = array<i32>} : memref<40x128xf32, #tpu.memory_space<vmem>>, vector<1x16xf32>,
        %parallel_loop3A_380 = vector.shape_cast %parallel_loop3A_379 : vector<1x16xf32> to vector<16xf32>
        %parallel_loop3A_381 = arith.addf %parallel_loop3A_376, %parallel_loop3A_380 : vector<16xf32>
        %parallel_loop3A_382 = arith.constant 0.000000e+00 : f32
        %parallel_loop3A_383 = vector.broadcast %parallel_loop3A_382 : f32 to vector<16xf32>
        %parallel_loop3A_384 = arith.maximumf %parallel_loop3A_381, %parallel_loop3A_383 : vector<16xf32>
        %parallel_loop3A_385 = arith.index_cast %parallel_loop3A_270 : i32 to index
        %parallel_loop3A_386 = arith.constant 96 : index
        %parallel_loop3A_387 = tpu.vector_load %arg17[%parallel_loop3A_385, %parallel_loop3A_386] {strides = array<i32>} : memref<40x128xf32, #tpu.memory_space<vmem>>, vector<1x16xf32>,
        %parallel_loop3A_388 = vector.shape_cast %parallel_loop3A_387 : vector<1x16xf32> to vector<16xf32>
        %parallel_loop3A_389 = vector.shape_cast %parallel_loop3A_384 : vector<16xf32> to vector<1x16xf32>
        tpu.vector_store %arg17[%parallel_loop3A_385, %parallel_loop3A_386], %parallel_loop3A_389 {strides = array<i32>} : memref<40x128xf32, #tpu.memory_space<vmem>>, vector<1x16xf32>,
        %parallel_loop3A_390 = arith.index_cast %parallel_loop3A_270 : i32 to index
        %parallel_loop3A_391 = arith.constant 112 : index
        %parallel_loop3A_392 = tpu.vector_load %arg17[%parallel_loop3A_390, %parallel_loop3A_391] {strides = array<i32>} : memref<40x128xf32, #tpu.memory_space<vmem>>, vector<1x16xf32>,
        %parallel_loop3A_393 = vector.shape_cast %parallel_loop3A_392 : vector<1x16xf32> to vector<16xf32>
        %parallel_loop3A_394 = arith.index_cast %parallel_loop3A_270 : i32 to index
        %parallel_loop3A_395 = arith.constant 112 : index
        %parallel_loop3A_396 = tpu.vector_load %arg21[%parallel_loop3A_394, %parallel_loop3A_395] {strides = array<i32>} : memref<40x128xf32, #tpu.memory_space<vmem>>, vector<1x16xf32>,
        %parallel_loop3A_397 = vector.shape_cast %parallel_loop3A_396 : vector<1x16xf32> to vector<16xf32>
        %parallel_loop3A_398 = arith.addf %parallel_loop3A_393, %parallel_loop3A_397 : vector<16xf32>
        %parallel_loop3A_399 = arith.constant 0.000000e+00 : f32
        %parallel_loop3A_400 = vector.broadcast %parallel_loop3A_399 : f32 to vector<16xf32>
        %parallel_loop3A_401 = arith.maximumf %parallel_loop3A_398, %parallel_loop3A_400 : vector<16xf32>
        %parallel_loop3A_402 = arith.index_cast %parallel_loop3A_270 : i32 to index
        %parallel_loop3A_403 = arith.constant 112 : index
        %parallel_loop3A_404 = tpu.vector_load %arg17[%parallel_loop3A_402, %parallel_loop3A_403] {strides = array<i32>} : memref<40x128xf32, #tpu.memory_space<vmem>>, vector<1x16xf32>,
        %parallel_loop3A_405 = vector.shape_cast %parallel_loop3A_404 : vector<1x16xf32> to vector<16xf32>
        %parallel_loop3A_406 = vector.shape_cast %parallel_loop3A_401 : vector<16xf32> to vector<1x16xf32>
        tpu.vector_store %arg17[%parallel_loop3A_402, %parallel_loop3A_403], %parallel_loop3A_406 {strides = array<i32>} : memref<40x128xf32, #tpu.memory_space<vmem>>, vector<1x16xf32>,
      } {sc.loop_unroll_factor = 1 : i64, sc.parallel_access}
      %dma_start3A_224 = arith.constant 0 : i32
      %dma_start3A_225 = arith.constant 0 : i32
      %dma_start3A_226 = tpu.memref_slice %arg23[%dma_start3A_224, %dma_start3A_225] : memref<10112x128xf32, #tpu.memory_space<vmem_shared>> -> memref<10112x128xf32, #tpu.memory_space<vmem_shared>>
      tpu.enqueue_indirect_dma source(%arg17 : memref<40x128xf32, #tpu.memory_space<vmem>>) target(%dma_start3A_226 : memref<10112x128xf32, #tpu.memory_space<vmem_shared>>) offsets(%arg13 : memref<40xi32, #tpu.memory_space<vmem>>) semaphore(%arg42 : memref<!tpu.dma_semaphore, #tpu.memory_space<semaphore_mem>>) {add = true}
      %add3A_227 = arith.constant 3 : i32
      %add3A_228 = arith.addi %add3A_103, %add3A_227 : i32
      %ge3A_229 = arith.constant 1 : i32
      %ge3A_230 = arith.cmpi sge, %add3A_228, %ge3A_229 : i32
      %convert_element_type3A_231 = arith.extui %ge3A_230 : i1 to i32
      %cond3A_232 = arith.constant 0 : i32
      %cond3A_233 = arith.cmpi ne, %convert_element_type3A_231, %cond3A_232 : i32
      scf.if %cond3A_233 {
        %dma_wait3A_270 = arith.constant 0 : i32
        %dma_wait3A_271 = arith.constant 0 : i32
        %dma_wait3A_272 = tpu.memref_slice %arg23[%dma_wait3A_270, %dma_wait3A_271] : memref<10112x128xf32, #tpu.memory_space<vmem_shared>> -> memref<10112x128xf32, #tpu.memory_space<vmem_shared>>
        tpu.wait_indirect_dma semaphore(%arg42 : memref<!tpu.dma_semaphore, #tpu.memory_space<semaphore_mem>>) src(%arg17 : memref<40x128xf32, #tpu.memory_space<vmem>>) dst(%dma_wait3A_272 : memref<10112x128xf32, #tpu.memory_space<vmem_shared>>)
      } else {
      }
      %add3A_234 = arith.constant 4 : i32
      %add3A_235 = arith.addi %add3A_228, %add3A_234 : i32
      %sub3A_236 = arith.constant 1 : i32
      %sub3A_237 = arith.subi %add3A_235, %sub3A_236 : i32
      %lt3A_238 = arith.constant 256 : i32
      %lt3A_239 = arith.cmpi slt, %sub3A_237, %lt3A_238 : i32
      %convert_element_type3A_240 = arith.extui %lt3A_239 : i1 to i32
      %cond3A_241 = arith.constant 0 : i32
      %cond3A_242 = arith.cmpi ne, %convert_element_type3A_240, %cond3A_241 : i32
      scf.if %cond3A_242 {
        %add3A_270 = arith.constant 4 : i32
        %add3A_271 = arith.addi %add3A_228, %add3A_270 : i32
        %sub3A_272 = arith.constant 1 : i32
        %sub3A_273 = arith.subi %add3A_271, %sub3A_272 : i32
        %dma_start3A_274 = arith.constant 0 : i32
        %dma_start3A_275 = arith.constant 0 : i32
        %dma_start3A_276 = tpu.memref_slice %arg4[%add3A, %sub3A_273, %dma_start3A_274, %dma_start3A_275] : memref<32x256x2x40xi32, #tpu.memory_space<hbm>> -> memref<1x1x1x40xi32, #tpu.memory_space<hbm>>
        %dma_start3A_277 = tpu.memref_squeeze %dma_start3A_276 : memref<1x1x1x40xi32, #tpu.memory_space<hbm>> -> memref<40xi32, #tpu.memory_space<hbm>>
        %dma_start3A_278 = arith.constant 0 : i32
        %dma_start3A_279 = tpu.memref_slice %arg4[%add3A, %sub3A_273, %dma_start3A_274, %dma_start3A_278] : memref<32x256x2x40xi32, #tpu.memory_space<hbm>> -> memref<1x1x1x40xi32, #tpu.memory_space<hbm>>
        %dma_start3A_280 = tpu.memref_squeeze %dma_start3A_279 : memref<1x1x1x40xi32, #tpu.memory_space<hbm>> -> memref<40xi32, #tpu.memory_space<hbm>>
        tpu.enqueue_dma source(%dma_start3A_280 : memref<40xi32, #tpu.memory_space<hbm>>) target(%arg9 : memref<40xi32, #tpu.memory_space<vmem>>) target_semaphore(%arg26 : memref<!tpu.dma_semaphore, #tpu.memory_space<semaphore_mem>>)
        %dma_start3A_281 = arith.constant 1 : i32
        %dma_start3A_282 = arith.constant 0 : i32
        %dma_start3A_283 = tpu.memref_slice %arg4[%add3A, %sub3A_273, %dma_start3A_281, %dma_start3A_282] : memref<32x256x2x40xi32, #tpu.memory_space<hbm>> -> memref<1x1x1x40xi32, #tpu.memory_space<hbm>>
        %dma_start3A_284 = tpu.memref_squeeze %dma_start3A_283 : memref<1x1x1x40xi32, #tpu.memory_space<hbm>> -> memref<40xi32, #tpu.memory_space<hbm>>
        %dma_start3A_285 = arith.constant 0 : i32
        %dma_start3A_286 = tpu.memref_slice %arg4[%add3A, %sub3A_273, %dma_start3A_281, %dma_start3A_285] : memref<32x256x2x40xi32, #tpu.memory_space<hbm>> -> memref<1x1x1x40xi32, #tpu.memory_space<hbm>>
        %dma_start3A_287 = tpu.memref_squeeze %dma_start3A_286 : memref<1x1x1x40xi32, #tpu.memory_space<hbm>> -> memref<40xi32, #tpu.memory_space<hbm>>
        tpu.enqueue_dma source(%dma_start3A_287 : memref<40xi32, #tpu.memory_space<hbm>>) target(%arg13 : memref<40xi32, #tpu.memory_space<vmem>>) target_semaphore(%arg30 : memref<!tpu.dma_semaphore, #tpu.memory_space<semaphore_mem>>)
        %mul3A_288 = arith.constant 40 : i32
        %mul3A_289 = arith.muli %sub3A_273, %mul3A_288 : i32
        %add3A_290 = arith.addi %mul3A_2, %mul3A_289 : i32
        %dma_start3A_291 = arith.constant 0 : i32
        %dma_start3A_292 = tpu.memref_slice %arg3[%add3A_290, %dma_start3A_291] : memref<327680x128xf32, #tpu.memory_space<hbm>> -> memref<40x128xf32, #tpu.memory_space<hbm>>
        %dma_start3A_293 = arith.constant 0 : i32
        %dma_start3A_294 = tpu.memref_slice %arg3[%add3A_290, %dma_start3A_293] : memref<327680x128xf32, #tpu.memory_space<hbm>> -> memref<40x128xf32, #tpu.memory_space<hbm>>
        tpu.enqueue_dma source(%dma_start3A_294 : memref<40x128xf32, #tpu.memory_space<hbm>>) target(%arg21 : memref<40x128xf32, #tpu.memory_space<vmem>>) target_semaphore(%arg34 : memref<!tpu.dma_semaphore, #tpu.memory_space<semaphore_mem>>)
      } else {
      }
      %add3A_243 = arith.constant 2 : i32
      %add3A_244 = arith.addi %add3A_228, %add3A_243 : i32
      %lt3A_245 = arith.constant 256 : i32
      %lt3A_246 = arith.cmpi slt, %add3A_244, %lt3A_245 : i32
      %convert_element_type3A_247 = arith.extui %lt3A_246 : i1 to i32
      %cond3A_248 = arith.constant 0 : i32
      %cond3A_249 = arith.cmpi ne, %convert_element_type3A_247, %cond3A_248 : i32
      scf.if %cond3A_249 {
        %add3A_270 = arith.constant 2 : i32
        %add3A_271 = arith.addi %add3A_228, %add3A_270 : i32
        %dma_wait3A_272 = arith.constant 0 : i32
        %dma_wait3A_273 = arith.constant 0 : i32
        %dma_wait3A_274 = tpu.memref_slice %arg4[%add3A, %add3A_271, %dma_wait3A_272, %dma_wait3A_273] : memref<32x256x2x40xi32, #tpu.memory_space<hbm>> -> memref<1x1x1x40xi32, #tpu.memory_space<hbm>>
        %dma_wait3A_275 = tpu.memref_squeeze %dma_wait3A_274 : memref<1x1x1x40xi32, #tpu.memory_space<hbm>> -> memref<40xi32, #tpu.memory_space<hbm>>
        %dma_wait3A_276 = arith.constant 0 : i32
        %dma_wait3A_277 = tpu.memref_slice %arg4[%add3A, %add3A_271, %dma_wait3A_272, %dma_wait3A_276] : memref<32x256x2x40xi32, #tpu.memory_space<hbm>> -> memref<1x1x1x40xi32, #tpu.memory_space<hbm>>
        %dma_wait3A_278 = tpu.memref_squeeze %dma_wait3A_277 : memref<1x1x1x40xi32, #tpu.memory_space<hbm>> -> memref<40xi32, #tpu.memory_space<hbm>>
        tpu.wait_dma2 semaphore(%arg25 : memref<!tpu.dma_semaphore, #tpu.memory_space<semaphore_mem>>) src(%dma_wait3A_278 : memref<40xi32, #tpu.memory_space<hbm>>) dst(%arg8 : memref<40xi32, #tpu.memory_space<vmem>>)
        %dma_start3A_279 = arith.constant 0 : i32
        %dma_start3A_280 = arith.constant 0 : i32
        %dma_start3A_281 = tpu.memref_slice %arg2[%dma_start3A_279, %dma_start3A_280] : memref<10000x128xf32, #tpu.memory_space<hbm>> -> memref<10000x128xf32, #tpu.memory_space<hbm>>
        tpu.enqueue_indirect_dma source(%dma_start3A_281 : memref<10000x128xf32, #tpu.memory_space<hbm>>) target(%arg16 : memref<40x128xf32, #tpu.memory_space<vmem>>) offsets(%arg8 : memref<40xi32, #tpu.memory_space<vmem>>) semaphore(%arg37 : memref<!tpu.dma_semaphore, #tpu.memory_space<semaphore_mem>>)
      } else {
      }
      %dma_wait3A_250 = arith.constant 0 : i32
      %dma_wait3A_251 = tpu.memref_slice %arg3[%mul3A_2, %dma_wait3A_250] : memref<327680x128xf32, #tpu.memory_space<hbm>> -> memref<40x128xf32, #tpu.memory_space<hbm>>
      %dma_wait3A_252 = arith.constant 0 : i32
      %dma_wait3A_253 = tpu.memref_slice %arg3[%mul3A_2, %dma_wait3A_252] : memref<327680x128xf32, #tpu.memory_space<hbm>> -> memref<40x128xf32, #tpu.memory_space<hbm>>
      tpu.wait_dma2 semaphore(%arg35 : memref<!tpu.dma_semaphore, #tpu.memory_space<semaphore_mem>>) src(%dma_wait3A_253 : memref<40x128xf32, #tpu.memory_space<hbm>>) dst(%arg22 : memref<40x128xf32, #tpu.memory_space<vmem>>)
      %dma_wait3A_254 = arith.constant 1 : i32
      %dma_wait3A_255 = arith.constant 0 : i32
      %dma_wait3A_256 = tpu.memref_slice %arg4[%add3A, %add3A_228, %dma_wait3A_254, %dma_wait3A_255] : memref<32x256x2x40xi32, #tpu.memory_space<hbm>> -> memref<1x1x1x40xi32, #tpu.memory_space<hbm>>
      %dma_wait3A_257 = tpu.memref_squeeze %dma_wait3A_256 : memref<1x1x1x40xi32, #tpu.memory_space<hbm>> -> memref<40xi32, #tpu.memory_space<hbm>>
      %dma_wait3A_258 = arith.constant 0 : i32
      %dma_wait3A_259 = tpu.memref_slice %arg4[%add3A, %add3A_228, %dma_wait3A_254, %dma_wait3A_258] : memref<32x256x2x40xi32, #tpu.memory_space<hbm>> -> memref<1x1x1x40xi32, #tpu.memory_space<hbm>>
      %dma_wait3A_260 = tpu.memref_squeeze %dma_wait3A_259 : memref<1x1x1x40xi32, #tpu.memory_space<hbm>> -> memref<40xi32, #tpu.memory_space<hbm>>
      tpu.wait_dma2 semaphore(%arg31 : memref<!tpu.dma_semaphore, #tpu.memory_space<semaphore_mem>>) src(%dma_wait3A_260 : memref<40xi32, #tpu.memory_space<hbm>>) dst(%arg14 : memref<40xi32, #tpu.memory_space<vmem>>)
      %dma_wait3A_261 = arith.constant 0 : i32
      %dma_wait3A_262 = arith.constant 0 : i32
      %dma_wait3A_263 = tpu.memref_slice %arg2[%dma_wait3A_261, %dma_wait3A_262] : memref<10000x128xf32, #tpu.memory_space<hbm>> -> memref<10000x128xf32, #tpu.memory_space<hbm>>
      tpu.wait_indirect_dma semaphore(%arg39 : memref<!tpu.dma_semaphore, #tpu.memory_space<semaphore_mem>>) src(%dma_wait3A_263 : memref<10000x128xf32, #tpu.memory_space<hbm>>) dst(%arg18 : memref<40x128xf32, #tpu.memory_space<vmem>>)
      %parallel_loop3A_264 = arith.constant 0 : i32
      %parallel_loop3A_265 = arith.constant 40 : i32
      %parallel_loop3A_266 = arith.constant 1 : i32
      scf.for %parallel_loop3A_270 = %parallel_loop3A_264 to %parallel_loop3A_265 step %parallel_loop3A_266  : i32 {
        %parallel_loop3A_271 = arith.index_cast %parallel_loop3A_270 : i32 to index
        %parallel_loop3A_272 = arith.constant 0 : index
        %parallel_loop3A_273 = tpu.vector_load %arg18[%parallel_loop3A_271, %parallel_loop3A_272] {strides = array<i32>} : memref<40x128xf32, #tpu.memory_space<vmem>>, vector<1x16xf32>,
        %parallel_loop3A_274 = vector.shape_cast %parallel_loop3A_273 : vector<1x16xf32> to vector<16xf32>
        %parallel_loop3A_275 = arith.index_cast %parallel_loop3A_270 : i32 to index
        %parallel_loop3A_276 = arith.constant 0 : index
        %parallel_loop3A_277 = tpu.vector_load %arg22[%parallel_loop3A_275, %parallel_loop3A_276] {strides = array<i32>} : memref<40x128xf32, #tpu.memory_space<vmem>>, vector<1x16xf32>,
        %parallel_loop3A_278 = vector.shape_cast %parallel_loop3A_277 : vector<1x16xf32> to vector<16xf32>
        %parallel_loop3A_279 = arith.addf %parallel_loop3A_274, %parallel_loop3A_278 : vector<16xf32>
        %parallel_loop3A_280 = arith.constant 0.000000e+00 : f32
        %parallel_loop3A_281 = vector.broadcast %parallel_loop3A_280 : f32 to vector<16xf32>
        %parallel_loop3A_282 = arith.maximumf %parallel_loop3A_279, %parallel_loop3A_281 : vector<16xf32>
        %parallel_loop3A_283 = arith.index_cast %parallel_loop3A_270 : i32 to index
        %parallel_loop3A_284 = arith.constant 0 : index
        %parallel_loop3A_285 = tpu.vector_load %arg18[%parallel_loop3A_283, %parallel_loop3A_284] {strides = array<i32>} : memref<40x128xf32, #tpu.memory_space<vmem>>, vector<1x16xf32>,
        %parallel_loop3A_286 = vector.shape_cast %parallel_loop3A_285 : vector<1x16xf32> to vector<16xf32>
        %parallel_loop3A_287 = vector.shape_cast %parallel_loop3A_282 : vector<16xf32> to vector<1x16xf32>
        tpu.vector_store %arg18[%parallel_loop3A_283, %parallel_loop3A_284], %parallel_loop3A_287 {strides = array<i32>} : memref<40x128xf32, #tpu.memory_space<vmem>>, vector<1x16xf32>,
        %parallel_loop3A_288 = arith.index_cast %parallel_loop3A_270 : i32 to index
        %parallel_loop3A_289 = arith.constant 16 : index
        %parallel_loop3A_290 = tpu.vector_load %arg18[%parallel_loop3A_288, %parallel_loop3A_289] {strides = array<i32>} : memref<40x128xf32, #tpu.memory_space<vmem>>, vector<1x16xf32>,
        %parallel_loop3A_291 = vector.shape_cast %parallel_loop3A_290 : vector<1x16xf32> to vector<16xf32>
        %parallel_loop3A_292 = arith.index_cast %parallel_loop3A_270 : i32 to index
        %parallel_loop3A_293 = arith.constant 16 : index
        %parallel_loop3A_294 = tpu.vector_load %arg22[%parallel_loop3A_292, %parallel_loop3A_293] {strides = array<i32>} : memref<40x128xf32, #tpu.memory_space<vmem>>, vector<1x16xf32>,
        %parallel_loop3A_295 = vector.shape_cast %parallel_loop3A_294 : vector<1x16xf32> to vector<16xf32>
        %parallel_loop3A_296 = arith.addf %parallel_loop3A_291, %parallel_loop3A_295 : vector<16xf32>
        %parallel_loop3A_297 = arith.constant 0.000000e+00 : f32
        %parallel_loop3A_298 = vector.broadcast %parallel_loop3A_297 : f32 to vector<16xf32>
        %parallel_loop3A_299 = arith.maximumf %parallel_loop3A_296, %parallel_loop3A_298 : vector<16xf32>
        %parallel_loop3A_300 = arith.index_cast %parallel_loop3A_270 : i32 to index
        %parallel_loop3A_301 = arith.constant 16 : index
        %parallel_loop3A_302 = tpu.vector_load %arg18[%parallel_loop3A_300, %parallel_loop3A_301] {strides = array<i32>} : memref<40x128xf32, #tpu.memory_space<vmem>>, vector<1x16xf32>,
        %parallel_loop3A_303 = vector.shape_cast %parallel_loop3A_302 : vector<1x16xf32> to vector<16xf32>
        %parallel_loop3A_304 = vector.shape_cast %parallel_loop3A_299 : vector<16xf32> to vector<1x16xf32>
        tpu.vector_store %arg18[%parallel_loop3A_300, %parallel_loop3A_301], %parallel_loop3A_304 {strides = array<i32>} : memref<40x128xf32, #tpu.memory_space<vmem>>, vector<1x16xf32>,
        %parallel_loop3A_305 = arith.index_cast %parallel_loop3A_270 : i32 to index
        %parallel_loop3A_306 = arith.constant 32 : index
        %parallel_loop3A_307 = tpu.vector_load %arg18[%parallel_loop3A_305, %parallel_loop3A_306] {strides = array<i32>} : memref<40x128xf32, #tpu.memory_space<vmem>>, vector<1x16xf32>,
        %parallel_loop3A_308 = vector.shape_cast %parallel_loop3A_307 : vector<1x16xf32> to vector<16xf32>
        %parallel_loop3A_309 = arith.index_cast %parallel_loop3A_270 : i32 to index
        %parallel_loop3A_310 = arith.constant 32 : index
        %parallel_loop3A_311 = tpu.vector_load %arg22[%parallel_loop3A_309, %parallel_loop3A_310] {strides = array<i32>} : memref<40x128xf32, #tpu.memory_space<vmem>>, vector<1x16xf32>,
        %parallel_loop3A_312 = vector.shape_cast %parallel_loop3A_311 : vector<1x16xf32> to vector<16xf32>
        %parallel_loop3A_313 = arith.addf %parallel_loop3A_308, %parallel_loop3A_312 : vector<16xf32>
        %parallel_loop3A_314 = arith.constant 0.000000e+00 : f32
        %parallel_loop3A_315 = vector.broadcast %parallel_loop3A_314 : f32 to vector<16xf32>
        %parallel_loop3A_316 = arith.maximumf %parallel_loop3A_313, %parallel_loop3A_315 : vector<16xf32>
        %parallel_loop3A_317 = arith.index_cast %parallel_loop3A_270 : i32 to index
        %parallel_loop3A_318 = arith.constant 32 : index
        %parallel_loop3A_319 = tpu.vector_load %arg18[%parallel_loop3A_317, %parallel_loop3A_318] {strides = array<i32>} : memref<40x128xf32, #tpu.memory_space<vmem>>, vector<1x16xf32>,
        %parallel_loop3A_320 = vector.shape_cast %parallel_loop3A_319 : vector<1x16xf32> to vector<16xf32>
        %parallel_loop3A_321 = vector.shape_cast %parallel_loop3A_316 : vector<16xf32> to vector<1x16xf32>
        tpu.vector_store %arg18[%parallel_loop3A_317, %parallel_loop3A_318], %parallel_loop3A_321 {strides = array<i32>} : memref<40x128xf32, #tpu.memory_space<vmem>>, vector<1x16xf32>,
        %parallel_loop3A_322 = arith.index_cast %parallel_loop3A_270 : i32 to index
        %parallel_loop3A_323 = arith.constant 48 : index
        %parallel_loop3A_324 = tpu.vector_load %arg18[%parallel_loop3A_322, %parallel_loop3A_323] {strides = array<i32>} : memref<40x128xf32, #tpu.memory_space<vmem>>, vector<1x16xf32>,
        %parallel_loop3A_325 = vector.shape_cast %parallel_loop3A_324 : vector<1x16xf32> to vector<16xf32>
        %parallel_loop3A_326 = arith.index_cast %parallel_loop3A_270 : i32 to index
        %parallel_loop3A_327 = arith.constant 48 : index
        %parallel_loop3A_328 = tpu.vector_load %arg22[%parallel_loop3A_326, %parallel_loop3A_327] {strides = array<i32>} : memref<40x128xf32, #tpu.memory_space<vmem>>, vector<1x16xf32>,
        %parallel_loop3A_329 = vector.shape_cast %parallel_loop3A_328 : vector<1x16xf32> to vector<16xf32>
        %parallel_loop3A_330 = arith.addf %parallel_loop3A_325, %parallel_loop3A_329 : vector<16xf32>
        %parallel_loop3A_331 = arith.constant 0.000000e+00 : f32
        %parallel_loop3A_332 = vector.broadcast %parallel_loop3A_331 : f32 to vector<16xf32>
        %parallel_loop3A_333 = arith.maximumf %parallel_loop3A_330, %parallel_loop3A_332 : vector<16xf32>
        %parallel_loop3A_334 = arith.index_cast %parallel_loop3A_270 : i32 to index
        %parallel_loop3A_335 = arith.constant 48 : index
        %parallel_loop3A_336 = tpu.vector_load %arg18[%parallel_loop3A_334, %parallel_loop3A_335] {strides = array<i32>} : memref<40x128xf32, #tpu.memory_space<vmem>>, vector<1x16xf32>,
        %parallel_loop3A_337 = vector.shape_cast %parallel_loop3A_336 : vector<1x16xf32> to vector<16xf32>
        %parallel_loop3A_338 = vector.shape_cast %parallel_loop3A_333 : vector<16xf32> to vector<1x16xf32>
        tpu.vector_store %arg18[%parallel_loop3A_334, %parallel_loop3A_335], %parallel_loop3A_338 {strides = array<i32>} : memref<40x128xf32, #tpu.memory_space<vmem>>, vector<1x16xf32>,
        %parallel_loop3A_339 = arith.index_cast %parallel_loop3A_270 : i32 to index
        %parallel_loop3A_340 = arith.constant 64 : index
        %parallel_loop3A_341 = tpu.vector_load %arg18[%parallel_loop3A_339, %parallel_loop3A_340] {strides = array<i32>} : memref<40x128xf32, #tpu.memory_space<vmem>>, vector<1x16xf32>,
        %parallel_loop3A_342 = vector.shape_cast %parallel_loop3A_341 : vector<1x16xf32> to vector<16xf32>
        %parallel_loop3A_343 = arith.index_cast %parallel_loop3A_270 : i32 to index
        %parallel_loop3A_344 = arith.constant 64 : index
        %parallel_loop3A_345 = tpu.vector_load %arg22[%parallel_loop3A_343, %parallel_loop3A_344] {strides = array<i32>} : memref<40x128xf32, #tpu.memory_space<vmem>>, vector<1x16xf32>,
        %parallel_loop3A_346 = vector.shape_cast %parallel_loop3A_345 : vector<1x16xf32> to vector<16xf32>
        %parallel_loop3A_347 = arith.addf %parallel_loop3A_342, %parallel_loop3A_346 : vector<16xf32>
        %parallel_loop3A_348 = arith.constant 0.000000e+00 : f32
        %parallel_loop3A_349 = vector.broadcast %parallel_loop3A_348 : f32 to vector<16xf32>
        %parallel_loop3A_350 = arith.maximumf %parallel_loop3A_347, %parallel_loop3A_349 : vector<16xf32>
        %parallel_loop3A_351 = arith.index_cast %parallel_loop3A_270 : i32 to index
        %parallel_loop3A_352 = arith.constant 64 : index
        %parallel_loop3A_353 = tpu.vector_load %arg18[%parallel_loop3A_351, %parallel_loop3A_352] {strides = array<i32>} : memref<40x128xf32, #tpu.memory_space<vmem>>, vector<1x16xf32>,
        %parallel_loop3A_354 = vector.shape_cast %parallel_loop3A_353 : vector<1x16xf32> to vector<16xf32>
        %parallel_loop3A_355 = vector.shape_cast %parallel_loop3A_350 : vector<16xf32> to vector<1x16xf32>
        tpu.vector_store %arg18[%parallel_loop3A_351, %parallel_loop3A_352], %parallel_loop3A_355 {strides = array<i32>} : memref<40x128xf32, #tpu.memory_space<vmem>>, vector<1x16xf32>,
        %parallel_loop3A_356 = arith.index_cast %parallel_loop3A_270 : i32 to index
        %parallel_loop3A_357 = arith.constant 80 : index
        %parallel_loop3A_358 = tpu.vector_load %arg18[%parallel_loop3A_356, %parallel_loop3A_357] {strides = array<i32>} : memref<40x128xf32, #tpu.memory_space<vmem>>, vector<1x16xf32>,
        %parallel_loop3A_359 = vector.shape_cast %parallel_loop3A_358 : vector<1x16xf32> to vector<16xf32>
        %parallel_loop3A_360 = arith.index_cast %parallel_loop3A_270 : i32 to index
        %parallel_loop3A_361 = arith.constant 80 : index
        %parallel_loop3A_362 = tpu.vector_load %arg22[%parallel_loop3A_360, %parallel_loop3A_361] {strides = array<i32>} : memref<40x128xf32, #tpu.memory_space<vmem>>, vector<1x16xf32>,
        %parallel_loop3A_363 = vector.shape_cast %parallel_loop3A_362 : vector<1x16xf32> to vector<16xf32>
        %parallel_loop3A_364 = arith.addf %parallel_loop3A_359, %parallel_loop3A_363 : vector<16xf32>
        %parallel_loop3A_365 = arith.constant 0.000000e+00 : f32
        %parallel_loop3A_366 = vector.broadcast %parallel_loop3A_365 : f32 to vector<16xf32>
        %parallel_loop3A_367 = arith.maximumf %parallel_loop3A_364, %parallel_loop3A_366 : vector<16xf32>
        %parallel_loop3A_368 = arith.index_cast %parallel_loop3A_270 : i32 to index
        %parallel_loop3A_369 = arith.constant 80 : index
        %parallel_loop3A_370 = tpu.vector_load %arg18[%parallel_loop3A_368, %parallel_loop3A_369] {strides = array<i32>} : memref<40x128xf32, #tpu.memory_space<vmem>>, vector<1x16xf32>,
        %parallel_loop3A_371 = vector.shape_cast %parallel_loop3A_370 : vector<1x16xf32> to vector<16xf32>
        %parallel_loop3A_372 = vector.shape_cast %parallel_loop3A_367 : vector<16xf32> to vector<1x16xf32>
        tpu.vector_store %arg18[%parallel_loop3A_368, %parallel_loop3A_369], %parallel_loop3A_372 {strides = array<i32>} : memref<40x128xf32, #tpu.memory_space<vmem>>, vector<1x16xf32>,
        %parallel_loop3A_373 = arith.index_cast %parallel_loop3A_270 : i32 to index
        %parallel_loop3A_374 = arith.constant 96 : index
        %parallel_loop3A_375 = tpu.vector_load %arg18[%parallel_loop3A_373, %parallel_loop3A_374] {strides = array<i32>} : memref<40x128xf32, #tpu.memory_space<vmem>>, vector<1x16xf32>,
        %parallel_loop3A_376 = vector.shape_cast %parallel_loop3A_375 : vector<1x16xf32> to vector<16xf32>
        %parallel_loop3A_377 = arith.index_cast %parallel_loop3A_270 : i32 to index
        %parallel_loop3A_378 = arith.constant 96 : index
        %parallel_loop3A_379 = tpu.vector_load %arg22[%parallel_loop3A_377, %parallel_loop3A_378] {strides = array<i32>} : memref<40x128xf32, #tpu.memory_space<vmem>>, vector<1x16xf32>,
        %parallel_loop3A_380 = vector.shape_cast %parallel_loop3A_379 : vector<1x16xf32> to vector<16xf32>
        %parallel_loop3A_381 = arith.addf %parallel_loop3A_376, %parallel_loop3A_380 : vector<16xf32>
        %parallel_loop3A_382 = arith.constant 0.000000e+00 : f32
        %parallel_loop3A_383 = vector.broadcast %parallel_loop3A_382 : f32 to vector<16xf32>
        %parallel_loop3A_384 = arith.maximumf %parallel_loop3A_381, %parallel_loop3A_383 : vector<16xf32>
        %parallel_loop3A_385 = arith.index_cast %parallel_loop3A_270 : i32 to index
        %parallel_loop3A_386 = arith.constant 96 : index
        %parallel_loop3A_387 = tpu.vector_load %arg18[%parallel_loop3A_385, %parallel_loop3A_386] {strides = array<i32>} : memref<40x128xf32, #tpu.memory_space<vmem>>, vector<1x16xf32>,
        %parallel_loop3A_388 = vector.shape_cast %parallel_loop3A_387 : vector<1x16xf32> to vector<16xf32>
        %parallel_loop3A_389 = vector.shape_cast %parallel_loop3A_384 : vector<16xf32> to vector<1x16xf32>
        tpu.vector_store %arg18[%parallel_loop3A_385, %parallel_loop3A_386], %parallel_loop3A_389 {strides = array<i32>} : memref<40x128xf32, #tpu.memory_space<vmem>>, vector<1x16xf32>,
        %parallel_loop3A_390 = arith.index_cast %parallel_loop3A_270 : i32 to index
        %parallel_loop3A_391 = arith.constant 112 : index
        %parallel_loop3A_392 = tpu.vector_load %arg18[%parallel_loop3A_390, %parallel_loop3A_391] {strides = array<i32>} : memref<40x128xf32, #tpu.memory_space<vmem>>, vector<1x16xf32>,
        %parallel_loop3A_393 = vector.shape_cast %parallel_loop3A_392 : vector<1x16xf32> to vector<16xf32>
        %parallel_loop3A_394 = arith.index_cast %parallel_loop3A_270 : i32 to index
        %parallel_loop3A_395 = arith.constant 112 : index
        %parallel_loop3A_396 = tpu.vector_load %arg22[%parallel_loop3A_394, %parallel_loop3A_395] {strides = array<i32>} : memref<40x128xf32, #tpu.memory_space<vmem>>, vector<1x16xf32>,
        %parallel_loop3A_397 = vector.shape_cast %parallel_loop3A_396 : vector<1x16xf32> to vector<16xf32>
        %parallel_loop3A_398 = arith.addf %parallel_loop3A_393, %parallel_loop3A_397 : vector<16xf32>
        %parallel_loop3A_399 = arith.constant 0.000000e+00 : f32
        %parallel_loop3A_400 = vector.broadcast %parallel_loop3A_399 : f32 to vector<16xf32>
        %parallel_loop3A_401 = arith.maximumf %parallel_loop3A_398, %parallel_loop3A_400 : vector<16xf32>
        %parallel_loop3A_402 = arith.index_cast %parallel_loop3A_270 : i32 to index
        %parallel_loop3A_403 = arith.constant 112 : index
        %parallel_loop3A_404 = tpu.vector_load %arg18[%parallel_loop3A_402, %parallel_loop3A_403] {strides = array<i32>} : memref<40x128xf32, #tpu.memory_space<vmem>>, vector<1x16xf32>,
        %parallel_loop3A_405 = vector.shape_cast %parallel_loop3A_404 : vector<1x16xf32> to vector<16xf32>
        %parallel_loop3A_406 = vector.shape_cast %parallel_loop3A_401 : vector<16xf32> to vector<1x16xf32>
        tpu.vector_store %arg18[%parallel_loop3A_402, %parallel_loop3A_403], %parallel_loop3A_406 {strides = array<i32>} : memref<40x128xf32, #tpu.memory_space<vmem>>, vector<1x16xf32>,
      } {sc.loop_unroll_factor = 1 : i64, sc.parallel_access}
      %dma_start3A_267 = arith.constant 0 : i32
      %dma_start3A_268 = arith.constant 0 : i32
      %dma_start3A_269 = tpu.memref_slice %arg23[%dma_start3A_267, %dma_start3A_268] : memref<10112x128xf32, #tpu.memory_space<vmem_shared>> -> memref<10112x128xf32, #tpu.memory_space<vmem_shared>>
      tpu.enqueue_indirect_dma source(%arg18 : memref<40x128xf32, #tpu.memory_space<vmem>>) target(%dma_start3A_269 : memref<10112x128xf32, #tpu.memory_space<vmem_shared>>) offsets(%arg14 : memref<40xi32, #tpu.memory_space<vmem>>) semaphore(%arg43 : memref<!tpu.dma_semaphore, #tpu.memory_space<semaphore_mem>>) {add = true}
    }
    %scan3A_94 = arith.constant 64 : i32
    %dma_wait3A_95 = arith.constant 0 : i32
    %dma_wait3A_96 = arith.constant 0 : i32
    %dma_wait3A_97 = tpu.memref_slice %arg23[%dma_wait3A_95, %dma_wait3A_96] : memref<10112x128xf32, #tpu.memory_space<vmem_shared>> -> memref<10112x128xf32, #tpu.memory_space<vmem_shared>>
    tpu.wait_indirect_dma semaphore(%arg43 : memref<!tpu.dma_semaphore, #tpu.memory_space<semaphore_mem>>) src(%arg18 : memref<40x128xf32, #tpu.memory_space<vmem>>) dst(%dma_wait3A_97 : memref<10112x128xf32, #tpu.memory_space<vmem_shared>>)
    %barrier3A_98 = arith.constant 0 : index
    tpu.barrier barrier_id(%barrier3A_98)
    "tpu.region"() ({
      %run_scoped3A = tpu.sem_alloc : memref<!tpu.dma_semaphore, #tpu.memory_space<semaphore_mem>>
      %dma_start3A_99 = arith.constant 0 : i32
      %dma_start3A_100 = tpu.memref_slice %arg6[%arg0, %mul3A_90, %dma_start3A_99] : memref<2x10112x128xf32, #tpu.memory_space<hbm>> -> memref<1x632x128xf32, #tpu.memory_space<hbm>>
      %dma_start3A_101 = tpu.memref_squeeze %dma_start3A_100 : memref<1x632x128xf32, #tpu.memory_space<hbm>> -> memref<632x128xf32, #tpu.memory_space<hbm>>
      %dma_start3A_102 = arith.constant 0 : i32
      %dma_start3A_103 = tpu.memref_slice %arg23[%mul3A_90, %dma_start3A_102] : memref<10112x128xf32, #tpu.memory_space<vmem_shared>> -> memref<632x128xf32, #tpu.memory_space<vmem_shared>>
      tpu.enqueue_dma source(%dma_start3A_103 : memref<632x128xf32, #tpu.memory_space<vmem_shared>>) target(%dma_start3A_101 : memref<632x128xf32, #tpu.memory_space<hbm>>) target_semaphore(%run_scoped3A : memref<!tpu.dma_semaphore, #tpu.memory_space<semaphore_mem>>)
      %dma_wait3A_104 = arith.constant 0 : i32
      %dma_wait3A_105 = tpu.memref_slice %arg6[%arg0, %mul3A_90, %dma_wait3A_104] : memref<2x10112x128xf32, #tpu.memory_space<hbm>> -> memref<1x632x128xf32, #tpu.memory_space<hbm>>
      %dma_wait3A_106 = tpu.memref_squeeze %dma_wait3A_105 : memref<1x632x128xf32, #tpu.memory_space<hbm>> -> memref<632x128xf32, #tpu.memory_space<hbm>>
      %dma_wait3A_107 = arith.constant 0 : i32
      %dma_wait3A_108 = tpu.memref_slice %arg23[%mul3A_90, %dma_wait3A_107] : memref<10112x128xf32, #tpu.memory_space<vmem_shared>> -> memref<632x128xf32, #tpu.memory_space<vmem_shared>>
      tpu.wait_dma2 semaphore(%run_scoped3A : memref<!tpu.dma_semaphore, #tpu.memory_space<semaphore_mem>>) src(%dma_wait3A_108 : memref<632x128xf32, #tpu.memory_space<vmem_shared>>) dst(%dma_wait3A_106 : memref<632x128xf32, #tpu.memory_space<hbm>>)
      tpu.yield
    }) : () -> ()
    return
  }
}

module attributes {stable_mosaic.version = 14 : i64} {
  func.func @_edge_linear_body(%arg0: i32, %arg1: memref<8192x16xf32, #tpu.memory_space<vmem>>, %arg2: memref<16x128xf32, #tpu.memory_space<vmem>>, %arg3: memref<1x128xf32, #tpu.memory_space<vmem>>, %arg4: memref<8192x128xf32, #tpu.memory_space<vmem>>) attributes {dimension_semantics = [#tpu.dimension_semantics<arbitrary>], iteration_bounds = array<i64: 40>, scalar_prefetch = 0 : i64, scratch_operands = 0 : i64, tpu.core_type = #tpu.core_type<tc>, window_params = [{transform_indices = @transform_0, window_bounds = array<i64: 8192, 16>}, {pipeline_mode = #tpu.pipeline_mode<synchronous>, transform_indices = @transform_1, window_bounds = array<i64: 16, 128>}, {pipeline_mode = #tpu.pipeline_mode<synchronous>, transform_indices = @transform_2, window_bounds = array<i64: 1, 128>}, {transform_indices = @transform_3, window_bounds = array<i64: 8192, 128>}]} {
    %get3A = arith.constant 0 : index
    %get3A_0 = arith.constant 0 : index
    %get3A_1 = vector.load %arg1[%get3A, %get3A_0] : memref<8192x16xf32, #tpu.memory_space<vmem>>, vector<8192x16xf32>
    %get3A_2 = arith.constant 0 : index
    %get3A_3 = arith.constant 0 : index
    %get3A_4 = vector.load %arg2[%get3A_2, %get3A_3] : memref<16x128xf32, #tpu.memory_space<vmem>>, vector<16x128xf32>
    %dot_general3A = arith.constant dense<0.000000e+00> : vector<8192x128xf32>
    %dot_general3A_5 = tpu.matmul %get3A_1, %get3A_4, %dot_general3A {dimension_numbers = #tpu.dot_dimension_numbers<[1], [0], [0], [1], [0, 0, 1, 1], [], []>, transpose_lhs_hint = false} : vector<8192x16xf32>, vector<16x128xf32>, vector<8192x128xf32> -> vector<8192x128xf32>
    %get3A_6 = arith.constant 0 : index
    %get3A_7 = arith.constant 0 : index
    %get3A_8 = vector.load %arg3[%get3A_6, %get3A_7] : memref<1x128xf32, #tpu.memory_space<vmem>>, vector<1x128xf32>
    %add3A = vector.broadcast %get3A_8 : vector<1x128xf32> to vector<8192x128xf32>
    %add3A_9 = arith.addf %dot_general3A_5, %add3A : vector<8192x128xf32>
    %swap3A = arith.constant 0 : index
    %swap3A_10 = arith.constant 0 : index
    %swap3A_11 = vector.load %arg4[%swap3A, %swap3A_10] : memref<8192x128xf32, #tpu.memory_space<vmem>>, vector<8192x128xf32>
    tpu.vector_store %arg4[%swap3A, %swap3A_10], %add3A_9 {strides = array<i32>} : memref<8192x128xf32, #tpu.memory_space<vmem>>, vector<8192x128xf32>,
    return
  }
  func.func @transform_0(%arg0: i32) -> (i32, i32) {
    %c0_i32 = arith.constant 0 : i32
    %c0_i32_0 = arith.constant 0 : i32
    return %arg0, %c0_i32 : i32, i32
  }
  func.func @transform_1(%arg0: i32) -> (i32, i32) {
    %c0_i32 = arith.constant 0 : i32
    %c0_i32_0 = arith.constant 0 : i32
    %c0_i32_1 = arith.constant 0 : i32
    return %c0_i32, %c0_i32_0 : i32, i32
  }
  func.func @transform_2(%arg0: i32) -> (i32, i32) {
    %c0_i32 = arith.constant 0 : i32
    %c0_i32_0 = arith.constant 0 : i32
    %c0_i32_1 = arith.constant 0 : i32
    return %c0_i32, %c0_i32_0 : i32, i32
  }
  func.func @transform_3(%arg0: i32) -> (i32, i32) {
    %c0_i32 = arith.constant 0 : i32
    %c0_i32_0 = arith.constant 0 : i32
    return %arg0, %c0_i32 : i32, i32
  }
}

module attributes {stable_mosaic.version = 14 : i64} {
  func.func @_node_mlp_body(%arg0: i32, %arg1: memref<2000x128xf32, #tpu.memory_space<vmem>>, %arg2: memref<2000x128xf32, #tpu.memory_space<vmem>>, %arg3: memref<2000x128xf32, #tpu.memory_space<vmem>>, %arg4: memref<128x128xf32, #tpu.memory_space<vmem>>, %arg5: memref<1x128xf32, #tpu.memory_space<vmem>>, %arg6: memref<128x128xf32, #tpu.memory_space<vmem>>, %arg7: memref<1x128xf32, #tpu.memory_space<vmem>>, %arg8: memref<1x1xf32, #tpu.memory_space<vmem>>, %arg9: memref<2000x128xf32, #tpu.memory_space<vmem>>) attributes {dimension_semantics = [#tpu.dimension_semantics<arbitrary>], iteration_bounds = array<i64: 5>, scalar_prefetch = 0 : i64, scratch_operands = 0 : i64, tpu.core_type = #tpu.core_type<tc>, window_params = [{transform_indices = @transform_0, window_bounds = array<i64: 2000, 128>}, {transform_indices = @transform_1, window_bounds = array<i64: 2000, 128>}, {transform_indices = @transform_2, window_bounds = array<i64: 2000, 128>}, {pipeline_mode = #tpu.pipeline_mode<synchronous>, transform_indices = @transform_3, window_bounds = array<i64: 128, 128>}, {pipeline_mode = #tpu.pipeline_mode<synchronous>, transform_indices = @transform_4, window_bounds = array<i64: 1, 128>}, {pipeline_mode = #tpu.pipeline_mode<synchronous>, transform_indices = @transform_5, window_bounds = array<i64: 128, 128>}, {pipeline_mode = #tpu.pipeline_mode<synchronous>, transform_indices = @transform_6, window_bounds = array<i64: 1, 128>}, {pipeline_mode = #tpu.pipeline_mode<synchronous>, transform_indices = @transform_7, window_bounds = array<i64: 1, 1>}, {transform_indices = @transform_8, window_bounds = array<i64: 2000, 128>}]} {
    %get3A = arith.constant 0 : index
    %get3A_0 = arith.constant 0 : index
    %get3A_1 = vector.load %arg1[%get3A, %get3A_0] : memref<2000x128xf32, #tpu.memory_space<vmem>>, vector<2000x128xf32>
    %get3A_2 = arith.constant 0 : index
    %get3A_3 = arith.constant 0 : index
    %get3A_4 = vector.load %arg2[%get3A_2, %get3A_3] : memref<2000x128xf32, #tpu.memory_space<vmem>>, vector<2000x128xf32>
    %add3A = arith.addf %get3A_1, %get3A_4 : vector<2000x128xf32>
    %get3A_5 = arith.constant 0 : index
    %get3A_6 = arith.constant 0 : index
    %get3A_7 = vector.load %arg3[%get3A_5, %get3A_6] : memref<2000x128xf32, #tpu.memory_space<vmem>>, vector<2000x128xf32>
    %add3A_8 = arith.addf %add3A, %get3A_7 : vector<2000x128xf32>
    %get3A_9 = arith.constant 0 : index
    %get3A_10 = arith.constant 0 : index
    %get3A_11 = vector.load %arg4[%get3A_9, %get3A_10] : memref<128x128xf32, #tpu.memory_space<vmem>>, vector<128x128xf32>
    %dot_general3A = arith.constant dense<0.000000e+00> : vector<2000x128xf32>
    %dot_general3A_12 = tpu.matmul %add3A_8, %get3A_11, %dot_general3A {dimension_numbers = #tpu.dot_dimension_numbers<[1], [0], [0], [1], [0, 0, 1, 1], [], []>, transpose_lhs_hint = false} : vector<2000x128xf32>, vector<128x128xf32>, vector<2000x128xf32> -> vector<2000x128xf32>
    %get3A_13 = arith.constant 0 : index
    %get3A_14 = arith.constant 0 : index
    %get3A_15 = vector.load %arg5[%get3A_13, %get3A_14] : memref<1x128xf32, #tpu.memory_space<vmem>>, vector<1x128xf32>
    %add3A_16 = vector.broadcast %get3A_15 : vector<1x128xf32> to vector<2000x128xf32>
    %add3A_17 = arith.addf %dot_general3A_12, %add3A_16 : vector<2000x128xf32>
    %max3A = arith.constant 0.000000e+00 : f32
    %max3A_18 = vector.broadcast %max3A : f32 to vector<2000x128xf32>
    %max3A_19 = arith.maximumf %add3A_17, %max3A_18 : vector<2000x128xf32>
    %get3A_20 = arith.constant 0 : index
    %get3A_21 = arith.constant 0 : index
    %get3A_22 = vector.load %arg6[%get3A_20, %get3A_21] : memref<128x128xf32, #tpu.memory_space<vmem>>, vector<128x128xf32>
    %dot_general3A_23 = arith.constant dense<0.000000e+00> : vector<2000x128xf32>
    %dot_general3A_24 = tpu.matmul %max3A_19, %get3A_22, %dot_general3A_23 {dimension_numbers = #tpu.dot_dimension_numbers<[1], [0], [0], [1], [0, 0, 1, 1], [], []>, transpose_lhs_hint = false} : vector<2000x128xf32>, vector<128x128xf32>, vector<2000x128xf32> -> vector<2000x128xf32>
    %get3A_25 = arith.constant 0 : index
    %get3A_26 = arith.constant 0 : index
    %get3A_27 = vector.load %arg7[%get3A_25, %get3A_26] : memref<1x128xf32, #tpu.memory_space<vmem>>, vector<1x128xf32>
    %add3A_28 = vector.broadcast %get3A_27 : vector<1x128xf32> to vector<2000x128xf32>
    %add3A_29 = arith.addf %dot_general3A_24, %add3A_28 : vector<2000x128xf32>
    %get3A_30 = arith.constant 0 : index
    %get3A_31 = arith.constant 0 : index
    %get3A_32 = vector.load %arg8[%get3A_30, %get3A_31] : memref<1x1xf32, #tpu.memory_space<vmem>>, vector<1x1xf32>
    %get3A_33 = vector.extract %get3A_32[0, 0] : f32 from vector<1x1xf32>
    %mul3A = vector.broadcast %get3A_33 : f32 to vector<2000x128xf32>
    %mul3A_34 = arith.mulf %mul3A, %get3A_1 : vector<2000x128xf32>
    %sub3A = arith.constant 1.000000e+00 : f32
    %sub3A_35 = arith.subf %sub3A, %get3A_33 : f32
    %mul3A_36 = vector.broadcast %sub3A_35 : f32 to vector<2000x128xf32>
    %mul3A_37 = arith.mulf %mul3A_36, %add3A_29 : vector<2000x128xf32>
    %add3A_38 = arith.addf %mul3A_34, %mul3A_37 : vector<2000x128xf32>
    %swap3A = arith.constant 0 : index
    %swap3A_39 = arith.constant 0 : index
    %swap3A_40 = vector.load %arg9[%swap3A, %swap3A_39] : memref<2000x128xf32, #tpu.memory_space<vmem>>, vector<2000x128xf32>
    tpu.vector_store %arg9[%swap3A, %swap3A_39], %add3A_38 {strides = array<i32>} : memref<2000x128xf32, #tpu.memory_space<vmem>>, vector<2000x128xf32>,
    return
  }
  func.func @transform_0(%arg0: i32) -> (i32, i32) {
    %c0_i32 = arith.constant 0 : i32
    %c0_i32_0 = arith.constant 0 : i32
    return %arg0, %c0_i32 : i32, i32
  }
  func.func @transform_1(%arg0: i32) -> (i32, i32) {
    %c0_i32 = arith.constant 0 : i32
    %c0_i32_0 = arith.constant 0 : i32
    return %arg0, %c0_i32 : i32, i32
  }
  func.func @transform_2(%arg0: i32) -> (i32, i32) {
    %c0_i32 = arith.constant 0 : i32
    %c0_i32_0 = arith.constant 0 : i32
    return %arg0, %c0_i32 : i32, i32
  }
  func.func @transform_3(%arg0: i32) -> (i32, i32) {
    %c0_i32 = arith.constant 0 : i32
    %c0_i32_0 = arith.constant 0 : i32
    %c0_i32_1 = arith.constant 0 : i32
    return %c0_i32, %c0_i32_0 : i32, i32
  }
  func.func @transform_4(%arg0: i32) -> (i32, i32) {
    %c0_i32 = arith.constant 0 : i32
    %c0_i32_0 = arith.constant 0 : i32
    %c0_i32_1 = arith.constant 0 : i32
    return %c0_i32, %c0_i32_0 : i32, i32
  }
  func.func @transform_5(%arg0: i32) -> (i32, i32) {
    %c0_i32 = arith.constant 0 : i32
    %c0_i32_0 = arith.constant 0 : i32
    %c0_i32_1 = arith.constant 0 : i32
    return %c0_i32, %c0_i32_0 : i32, i32
  }
  func.func @transform_6(%arg0: i32) -> (i32, i32) {
    %c0_i32 = arith.constant 0 : i32
    %c0_i32_0 = arith.constant 0 : i32
    %c0_i32_1 = arith.constant 0 : i32
    return %c0_i32, %c0_i32_0 : i32, i32
  }
  func.func @transform_7(%arg0: i32) -> (i32, i32) {
    %c0_i32 = arith.constant 0 : i32
    %c0_i32_0 = arith.constant 0 : i32
    %c0_i32_1 = arith.constant 0 : i32
    return %c0_i32, %c0_i32_0 : i32, i32
  }
  func.func @transform_8(%arg0: i32) -> (i32, i32) {
    %c0_i32 = arith.constant 0 : i32
    %c0_i32_0 = arith.constant 0 : i32
    return %arg0, %c0_i32 : i32, i32
  }
}

</mosaic_0001>

<sc_bundles>
// kernel: kernel.11.cloned.1.call-start
scs
__scs_entry_jumppad:
0x0: {  	(pc) =	sbr.rel $0x88, $3  }
0x1: {  	(tag) =	ssettag $0x0;
	lr =	simm.s32 $0x1  }
0x2: {  	[smem:$0x3F89] =	sst lr;
	_ =	strace $0xD0000000  }
0x3: {  	_ = 	snop  }
0x4: {  	_ = 	snop  }
0x5: {  	_ = 	snop  }
0x6: {  	_ = 	snop  }
0x7: {  	_ = 	snop  }
__scs_overlays_trampoline_lowered:
0x8: {  	[smem:$0x3F98] =	sst s0  }
0x9: {  	[smem:$0x3F99] =	sst s1  }
0xa: {  	[smem:$0x3F9A] =	sst s2  }
0xb: {  	[smem:$0x3F9B] =	sst s3  }
0xc: {  	[smem:$0x3F9C] =	sst s4  }
0xd: {  	[smem:$0x3F9D] =	sst s5  }
0xe: {  	[smem:$0x3F9E] =	sst s6  }
0xf: {  	[smem:$0x3F9F] =	sst s7  }
0x10: {  	[smem:$0x3FA0] =	sst s8  }
0x11: {  	[smem:$0x3FA1] =	sst s9;
	s0 =	simm.s32 @!p0 $0x0  }
0x12: {  	s1 =	sld [smem:$0x3F87];
	s0 =	simm.s32 @p0 $0x1  }
0x13: {  	[smem:$0x3FA2] =	sst s0;
	s0 =	simm.s32 @!p1 $0x0  }
0x14: {  	s2 =	sld [smem:$0x3F86];
	s0 =	simm.s32 @p1 $0x1  }
0x15: {  	[smem:$0x3FA3] =	sst s0;
	s0 =	simm.s32 @!p2 $0x0  }
0x16: {  	s3 =	sld [smem:$0x3FDB];
	s0 =	simm.s32 @p2 $0x1  }
0x17: {  	s4 =	simm.s32 $0x1BF5;
	[smem:$0x3FA5] =	sst s0  }
0x18: {  	s0 =	sld [smem:$0x3F88];
	_ =	swait.ge [sflag:s4], $0x0  }
0x19: {  	s7 =	sld [smem:$0x3F89]  }
0x1a: {  	s8 =	sadd.s32 $0xFFFFE003, lr  }
0x1b: {  	s9 =	sadd.s32 $0xFFFFFEF7, lr;
	s5 =	simm.s32 $0xFFFFFFFF;
	p2 =	slt.u32 s8, $0xFFFFF086  }
0x1c: {  	p1 =	slt.u32 s9, $0xF7A;
	s5 =	simm.s32 @!p2 $0x0  }
0x1d: {  	s5 =	simm.s32 @p1 $0x1;
	p0 =	seq.s32 s7, s2  }
0x1e: {  	s7 =	smul.u32 @!p0 $0xF7A, s2;
	p2 =	seq.s32 @!p0 s5, $0x0  }
0x1f: {  	s9 =	smul.u32 $0xF7A, s1;
	s8 =	simm.s32 @!p0 $0x1BF5;
	p2 =	por !p2, p0  }
0x20: {  	[sflag:s8] =	ssyncset.s32 @!p0 $0xFFFFF086;
	s6 =	sadd.s32 @!p0 s3, s7;
	s7 =	simm.s32 @!p0 $0x108  }
0x21: {  	s3 =	sadd.s32 s3, s9;
	s6 =	sadd.s32 @!p0 $0x88, s6;
	s7 =	simm.s32 @p2 $0x1082  }
0x22: {  	[simem:s7], [sflag:s8] =	dma.local @!p0 [hbm:s6], $0xF7A  }
0x23: {  	s9 =	sor.u32 $0xD0000000, s2;
	s6 =	simm.s32 $0x108;
	_ =	swait.ge @!p0 [sflag:s8], $0x0  }
0x24: {  	s3 =	sadd.s32 $0x88, s3;
	s6 =	simm.s32 @!p1 $0x1082;
	[sflag:s4] =	ssyncset.s32 $0xFFFFF086  }
0x25: {  	[simem:s6], [sflag:s4] =	dma.local [hbm:s3], $0xF7A  }
0x26: {  	[smem:$0x3F89] =	sst s1;
	(tag) =	ssettag s2;
	_ =	strace s9  }
0x27: {  	s1 =	sld [smem:$0x3F99]  }
0x28: {  	s2 =	sld [smem:$0x3F9A]  }
0x29: {  	s4 =	sld [smem:$0x3F9C]  }
0x2a: {  	p0 =	seq.s32 s5, $0x0;
	s5 =	sld [smem:$0x3F9D]  }
0x2b: {  	s6 =	sld [smem:$0x3F9E]  }
0x2c: {  	s7 =	sld [smem:$0x3F9F]  }
0x2d: {  	s3 =	simm.s32 $0x108;
	s8 =	sld [smem:$0x3FA0]  }
0x2e: {  	s3 =	simm.s32 @!p0 $0x1082;
	s9 =	sld [smem:$0x3FA1]  }
0x2f: {  	lr =	sadd.s32 s0, s3;
	s0 =	sld [smem:$0x3F98]  }
0x30: {  	s3 =	sld [smem:$0x3F9B]  }
0x31: {  	[smem:$0x3FA4] =	sst s10  }
0x32: {  	s10 =	sld [smem:$0x3FA2];
	_ =	sdelay $0x3  }
0x33: {  	p0 =	seq.s32 s10, $0x1;
	s10 =	sld [smem:$0x3FA4];
	_ =	sdelay $0x3  }
0x34: {  	[smem:$0x3FA4] =	sst s10  }
0x35: {  	s10 =	sld [smem:$0x3FA3];
	_ =	sdelay $0x3  }
0x36: {  	p1 =	seq.s32 s10, $0x1;
	s10 =	sld [smem:$0x3FA4];
	_ =	sdelay $0x3  }
0x37: {  	[smem:$0x3FA4] =	sst s10  }
0x38: {  	s10 =	sld [smem:$0x3FA5]  }
0x39: {  	_ = 	snop;
	(pc) =	sbr.ind lr, $3  }
0x3a: {  	_ = 	snop  }
0x3b: {  	_ = 	snop  }
0x3c: {  	p2 =	seq.s32 s10, $0x1;
	s10 =	sld [smem:$0x3FA4]  }
0x3d: {  	_ =	shalt  }
0x3e: {  	_ =	shalt  }
0x3f: {  	_ =	shalt  }
0x40: {  	_ =	shalt  }
0x41: {  	_ =	shalt  }
0x42: {  	_ =	shalt  }
0x43: {  	_ =	shalt  }
0x44: {  	_ =	shalt  }
0x45: {  	_ =	shalt  }
0x46: {  	_ =	shalt  }
0x47: {  	_ =	shalt  }
0x48: {  	_ =	shalt  }
0x49: {  	_ =	shalt  }
0x4a: {  	_ =	shalt  }
0x4b: {  	_ =	shalt  }
0x4c: {  	_ =	shalt  }
0x4d: {  	_ =	shalt  }
0x4e: {  	_ =	shalt  }
0x4f: {  	_ =	shalt  }
0x50: {  	_ =	shalt  }
0x51: {  	_ =	shalt  }
0x52: {  	_ =	shalt  }
0x53: {  	_ =	shalt  }
0x54: {  	_ =	shalt  }
0x55: {  	_ =	shalt  }
0x56: {  	_ =	shalt  }
0x57: {  	_ =	shalt  }
0x58: {  	_ =	shalt  }
0x59: {  	_ =	shalt  }
0x5a: {  	_ =	shalt  }
0x5b: {  	_ =	shalt  }
0x5c: {  	_ =	shalt  }
0x5d: {  	_ =	shalt  }
0x5e: {  	_ =	shalt  }
0x5f: {  	_ =	shalt  }
0x60: {  	_ =	shalt  }
0x61: {  	_ =	shalt  }
0x62: {  	_ =	shalt  }
0x63: {  	_ =	shalt  }
0x64: {  	_ =	shalt  }
0x65: {  	_ =	shalt  }
0x66: {  	_ =	shalt  }
0x67: {  	_ =	shalt  }
0x68: {  	_ =	shalt  }
0x69: {  	_ =	shalt  }
0x6a: {  	_ =	shalt  }
0x6b: {  	_ =	shalt  }
0x6c: {  	_ =	shalt  }
0x6d: {  	_ =	shalt  }
0x6e: {  	_ =	shalt  }
0x6f: {  	_ =	shalt  }
0x70: {  	_ =	shalt  }
0x71: {  	_ =	shalt  }
0x72: {  	_ =	shalt  }
0x73: {  	_ =	shalt  }
0x74: {  	_ =	shalt  }
0x75: {  	_ =	shalt  }
0x76: {  	_ =	shalt  }
0x77: {  	_ =	shalt  }
0x78: {  	_ =	shalt  }
0x79: {  	_ =	shalt  }
0x7a: {  	_ =	shalt  }
0x7b: {  	_ =	shalt  }
0x7c: {  	_ =	shalt  }
0x7d: {  	_ =	shalt  }
0x7e: {  	_ =	shalt  }
0x7f: {  	_ =	shalt  }
0x80: {  	_ =	shalt  }
0x81: {  	_ =	shalt  }
0x82: {  	_ =	shalt  }
0x83: {  	_ =	shalt  }
0x84: {  	_ =	shalt  }
0x85: {  	_ =	shalt  }
0x86: {  	_ =	shalt  }
0x87: {  	_ =	shalt  }
.Lfunc_end0:
.L_simem_size_0:
called_computation_lowered:
.L_overlay_start_0:
0x88: {  	s2 =	sld [smem:$0x3FD9]  }
0x89: {  	s3 =	sld [smem:$0x3FFE];
	_ =	sdelay $0x1  }
0x8a: {  	s1 =	srdreg.scid  }
0x8b: {  	s0 =	sand.u32 $0x1, s1  }
0x8c: {  	s17 =	sshll.u32 s0, $0xA;
	s2 =	sadd.s32 s3, s2  }
0x8d: {  	s2 =	sadd.s32 s2, s17  }
0x8e: {  	[smem:$0x3FB0] =	sst s2  }
0x8f: {  	_ = 	snop  }
0x90: {  	s2 =	sld [smem:$0x3FC9]  }
0x91: {  	s18 =	sld [smem:$0x3FD0];
	(tm) =	ssettm $0x1  }
0x92: {  	s4 =	sld [smem:$0x3FFB];
	_ =	sdelay $0x3  }
0x93: {  	_ =	strace s4  }
0x94: {  	s4 =	sld [smem:$0x3FFC];
	_ =	sdelay $0x3  }
0x95: {  	_ =	strace s4  }
0x96: {  	s4 =	sld [smem:$0x3FFD];
	_ =	sdelay $0x3  }
0x97: {  	_ =	strace s4  }
0x98: {  	_ =	strace $0x8FFFFFFF  }
0x99: {  	s19 =	sld [smem:$0x3FDB];
	_ =	sdelay $0x1  }
0x9a: {  	s5 =	simm.s32 $_scs_section_size  }
0x9b: {  	s6 =	simm.s32 $_size__tile_overlayer_lowered;
	s7 =	simm.s32 $_tile_overlayer_lowered  }
0x9c: {  	s22 =	simm.s32 $0x1BFF;
	s21 =	sshll.u32 s7, $0x1;
	s4 =	sadd.s32 s5, s19  }
0x9d: {  	s8 =	simm.s32 $0x0;
	s20 =	sshll.u32 s6, $0x1;
	s6 =	sadd.s32 s21, s4  }
0x9e: {  	[timem:s8], [sflag:s22] =	dma.local [hbm:s6], s20  }
0x9f: {  	_ =	swait.ge [sflag:s22], s20  }
0xa0: {  	s5 =	ssub.s32 $0x0, s20;
	[sflag:s22] =	ssyncset.done $0x0  }
0xa1: {  	[sflag:s22] =	ssyncadd.s32 s5;
	_ =	sdelay $0x1  }
0xa2: {  	s23 =	simm.s32 $0x1B8B  }
0xa3: {  	_ =	swait.ge [sflag:s23], $0x1  }
0xa4: {  	[sflag:s23] =	ssyncset.done $0x0  }
0xa5: {  	s25 =	simm.s32 $0x1B8E;
	s24 =	sld [smem:$0x3FFE];
	[sflag:s23] =	ssyncadd.s32 $0xFFFFFFFF  }
0xa6: {  	s26 =	simm.s32 $execute0_lowered;
	[smem:$0x3FD2] =	sst s25  }
0xa7: {  	s6 =	sshll.u32 s26, $0x1;
	_ =	strace $0x80000046;
	[dreg:$0x1] =	wrdreg $0xFFFFFFFF  }
0xa8: {  	s28 =	simm.s32 $_size_execute0_lowered;
	s4 =	sadd.s32 s4, s6;
	[dreg:$0x0] =	wrdreg $0x0  }
0xa9: {  	s6 =	sshll.u32 s28, $0x1;
	[dreg:$0x2] =	wrdreg s4  }
0xaa: {  	[dreg:$0x3] =	wrdreg s6  }
0xab: {  	[dreg:$0x4] =	wrdreg $0xC0  }
0xac: {  	_ =	task [dreg:s8], $0x5FFFF  }
0xad: {  	[dreg:$0x1] =	wrdreg $0xFFFFFFFF  }
0xae: {  	[dreg:$0x0] =	wrdreg $0x60  }
0xaf: {  	[dreg:$0x2] =	wrdreg s2  }
0xb0: {  	[dreg:$0x3] =	wrdreg s24  }
0xb1: {  	[dreg:$0x4] =	wrdreg s18  }
0xb2: {  	[dreg:$0x5] =	wrdreg $0xA4000  }
0xb3: {  	[dreg:$0x6] =	wrdreg $0x9  }
0xb4: {  	_ =	task.clear_ibuf [dreg:s8], $0x7FFFF;
	_ =	strace $0x90000046  }
0xb5: {  	s29 =	simm.s32 $0x9;
	_ =	strace $0x80000048  }
0xb6: {  	_ =	swait.ge [sflag:s29], $0x1  }
0xb7: {  	[sflag:s29] =	ssyncadd.s32 $0xFFFFFFFF  }
0xb8: {  	_ =	strace $0x90000048  }
0xb9: {  	_ =	sfence  }
0xba: {  	s30 =	sld [smem:$0x0];
	_ =	sdelay $0x2  }
0xbb: {  	s31 =	sshll.u32 s1, $0xD;
	s1 =	sshrl.u32 s1, $0x2  }
0xbc: {  	s3 =	sand.u32 $0x4000, s31;
	s1 =	sadd.s32 s1, s30  }
0xbd: {  	s0 =	sor.u32 s3, s0;
	s1 =	sshll.u32 s1, $0x11  }
0xbe: {  	s0 =	sor.u32 s1, s0  }
0xbf: {  	s0 =	sadd.s32 $0x8F2B, s0  }
0xc0: {  	[sflag:s0] =	ssyncadd.remote.s32 $0x1  }
0xc1: {  	_ =	sfence.sel $0xFFFF  }
0xc2: {  	[dreg:$0x0] =	wrdreg $0xFFFFFFFF;
	(pc) =	sbr.abs _section_cstart, $3  }
0xc3: {  	[dreg:$0x1] =	wrdreg $0xFFFFFFFF  }
0xc4: {  	_ =	task.clear_ibuf [dreg:s8], $0x2FFFF;
	_ =	strace $0x9FFFFFFF  }
0xc5: {  	(tm) =	ssettm $0x7FFFFFFF  }
tec
execute0_lowered:
.L_overlay_start_1:
0x0: {  	(tag) =	ssettag $0x1  }
0x1: {  	s1 =	rddreg [dreg:$0x0]  }
0x2: {  	s0 =	rddreg [dreg:$0x1]  }
0x3: {  	s3 =	rddreg [dreg:$0x2]  }
0x4: {  	s2 =	rddreg [dreg:$0x3];
	s4 =	simm.s32 $0x0;
	s15 =	stileid.u32  }
0x5: {  	s14 =	srdreg.scid;
	s31 =	simm.s32 $0x12;
	s29 =	simm.s32 $0x8  }
0x6: {  	s30 =	simm.s32 $0x10;
	[smem:$0x7FF] =	sst s4;
	s5 =	sadd.s32 $0xA27800, s0  }
0x7: {  	s10 =	smul.u32 $0x13C00, s15;
	s4 =	sand.u32 $0x1, s14;
	s6 =	sadd.s32 $0x4E7800, s0  }
0x8: {  	s23 =	smul.u32 $0x4F000, s15;
	_ =	strace $0x80000047;
	s7 =	ssub.s32 $0x2, s4  }
0x9: {  	s8 =	sshll.u32 s4, $0x4;
	s20 =	smul.u32 $0x13C000, s4;
	s9 =	sshrl.u32 s10, $0x3  }
0xa: {  	s11 =	sshrl.u32 s7, $0x1;
	s12 =	sor.u32 s15, s8;
	s8 =	sadd.s32 $0x4E7810, s0  }
0xb: {  	s4 =	sshrl.u32 s23, $0x2;
	s15 =	simm.s32 $0xF;
	s23 =	simm.s32 $0x13  }
0xc: {  	s13 =	sadd.s32 s9, s0;
	s11 =	ssub.s32 s7, s11;
	s7 =	smul.u32 $0x2800, s12  }
0xd: {  	s14 =	sshll.u32 s12, $0xD;
	s16 =	smul.u32 $0x28000, s12;
	s4 =	sadd.s32 s4, s2  }
0xe: {  	s17 =	sadd.s32 s6, s14;
	s14 =	sadd.s32 s14, s8;
	[dreg:$0xe] =	wrdreg s4  }
0xf: {  	s9 =	sshll.u32 s12, $0x10;
	s0 =	sadd.s32 s10, s20;
	[dreg:$0x6] =	wrdreg s14  }
0x10: {  	s20 =	simm.s32 $0x11;
	s26 =	sadd.s32 $0x5800, s13;
	[dreg:$0x5] =	wrdreg s17  }
0x11: {  	s10 =	simm.s32 $0x6;
	s28 =	smax.u32 s11, $0x1;
	[dreg:$0xf] =	wrdreg s26  }
0x12: {  	s0 =	sshrl.u32 s0, $0x3;
	s19 =	sadd.s32 $0x20, s17;
	[dreg:$0x11] =	wrdreg s28  }
0x13: {  	s11 =	simm.s32 $0xB;
	s21 =	sadd.s32 $0x30, s17;
	[dreg:$0x8] =	wrdreg s19  }
0x14: {  	s4 =	simm.s32 $0x7;
	s24 =	sadd.s32 $0x40, s17;
	[dreg:$0x9] =	wrdreg s21  }
0x15: {  	s13 =	simm.s32 $0x0;
	s12 =	sadd.s32 $0x50, s17;
	[dreg:$0xb] =	wrdreg s24  }
0x16: {  	s18 =	sadd.s32 s5, s16;
	s0 =	sadd.s32 s3, s0;
	[dreg:$0xc] =	wrdreg s12  }
0x17: {  	s26 =	simm.s32 $0xC;
	s22 =	sadd.s32 $0x280, s18;
	[dreg:$0x7] =	wrdreg s18  }
0x18: {  	s25 =	sadd.s32 $0x500, s18;
	[dreg:$0x10] =	wrdreg s0;
	s24 =	simm.s32 $0x28  }
0x19: {  	s18 =	simm.s32 $0x5;
	s19 =	simm.s32 $0xD;
	s21 =	simm.s32 $0x4  }
0x1a: {  	s12 =	simm.s32 $0xA;
	s0 =	simm.s32 $0xE;
	[dreg:$0xa] =	wrdreg s22  }
0x1b: {  	[dreg:$0xd] =	wrdreg s25;
	s22 =	simm.s32 $0x15;
	s25 =	simm.s32 $0x180  }
.LBB2_1:
0x1c: {  	s3 =	simm.s32 $0x0;
	s16 =	rddreg [dreg:$0x5]  }
0x1d: {  	[tilespmem:s3], [sflag:$0x1] =	stream.linear.gather [hbm4b:s16+s3], $0x80, $0x38;
	[tilespmem:$0x1E000] =	vst v63  }
0x1e: {  	s17 =	rddreg [dreg:$0x6];
	s14 =	simm.s32 $0x200  }
0x1f: {  	[tilespmem:s14], [sflag:$0x5] =	stream.linear.gather [hbm4b:s17+s3], $0x80, $0x38;
	[tilespmem:$0x1E000] =	vst v63  }
0x20: {  	s16 =	rddreg [dreg:$0x7];
	s17 =	simm.s32 $0x5400  }
0x21: {  	[tilespmem:s17], [sflag:$0x9] =	stream.linear.gather [hbm4b:s16+s3], $0x1400, $0x38;
	[tilespmem:$0x1E000] =	vst v63  }
0x22: {  	s14 =	simm.s32 $0x80;
	s16 =	rddreg [dreg:$0x8]  }
0x23: {  	[tilespmem:s14], [sflag:$0x2] =	stream.linear.gather [hbm4b:s16+s3], $0x80, $0x38;
	[tilespmem:$0x1E000] =	vst v63  }
0x24: {  	s17 =	rddreg [dreg:$0x9];
	s16 =	simm.s32 $0x280  }
0x25: {  	[tilespmem:s16], [sflag:$0x6] =	stream.linear.gather [hbm4b:s17+s3], $0x80, $0x38;
	[tilespmem:$0x1E000] =	vst v63  }
0x26: {  	s16 =	rddreg [dreg:$0xa];
	s17 =	simm.s32 $0x6800  }
0x27: {  	[tilespmem:s17], [sflag:$0xA] =	stream.linear.gather [hbm4b:s16+s3], $0x1400, $0x38;
	[tilespmem:$0x1E000] =	vst v63  }
0x28: {  	s16 =	rddreg [dreg:$0xb];
	s17 =	simm.s32 $0x100  }
0x29: {  	[tilespmem:s17], [sflag:$0x3] =	stream.linear.gather [hbm4b:s16+s3], $0x80, $0x38;
	[tilespmem:$0x1E000] =	vst v63  }
0x2a: {  	s16 =	rddreg [dreg:$0xc];
	s17 =	simm.s32 $0x300  }
0x2b: {  	[tilespmem:s17], [sflag:$0x7] =	stream.linear.gather [hbm4b:s16+s3], $0x80, $0x38;
	[tilespmem:$0x1E000] =	vst v63  }
0x2c: {  	s16 =	rddreg [dreg:$0xd];
	s17 =	simm.s32 $0x7C00  }
0x2d: {  	[tilespmem:s17], [sflag:$0xB] =	stream.linear.gather [hbm4b:s16+s3], $0x1400, $0x38;
	[tilespmem:$0x1E000] =	vst v63  }
0x2e: {  	[dreg:$0x12] =	wrdreg s13;
	s16 =	simm.s32 $0x1  }
0x2f: {  	_ =	swait.ge [sflag:s16], $0x80  }
0x30: {  	s13 =	stileid.u32;
	[sflag:s16] =	ssyncset.done $0x0  }
0x31: {  	s17 =	simm.s32 $0x400;
	[sflag:s16] =	ssyncadd.s32 $0xFFFFFF80;
	s16 =	simm.s32 $0x2  }
0x32: {  	[tilespmem:s17], [sflag:$0xD] =	stream.indirect.gather [hbm4b:s1+s24], $0x80, s3, s24, $0xb8;
	[tilespmem:$0x1E000] =	vst v63  }
0x33: {  	s3 =	sshll.u32 s13, $0x6;
	_ =	swait.ge [sflag:s16], $0x80  }
0x34: {  	s13 =	sor.u32 $0x1C15, s3;
	[sflag:s16] =	ssyncset.done $0x0  }
0x35: {  	s17 =	simm.s32 $0x1800;
	[dreg:$0x13] =	wrdreg s13;
	[sflag:s16] =	ssyncadd.s32 $0xFFFFFF80  }
0x36: {  	[tilespmem:s17], [sflag:$0xE] =	stream.indirect.gather [hbm4b:s1+s24], $0x80, s14, s24, $0xb8;
	[tilespmem:$0x1E000] =	vst v63  }
0x37: {  	s14 =	rddreg [dreg:$0xe]  }
0x38: {  	s17 =	rddreg [dreg:$0xf];
	s16 =	sshrl.u32 s14, $0x3  }
0x39: {  	[dreg:$0x14] =	wrdreg s16  }
0x3a: {  	[spmem:s16], [sflag:s13] =	dma.local [hbm:s17], $0x2780  }
0x3b: {  	_ =	swait.ge [sflag:s22], $0x2780  }
0x3c: {  	[sflag:s22] =	ssyncset.done $0x0  }
0x3d: {  	[sflag:s22] =	ssyncadd.s32 $0xFFFFD880  }
0x3e: {  	s28 =	simm.s32 $0x0;
	s17 =	simm.s32 $0x380;
	[bflag:$0x0] =	sbarrier.arrive $0xFFFF  }
.LBB2_2:
0x3f: {  	s3 =	sshll.u32 s28, $0x2  }
0x40: {  	p0 =	seq.s32 s28, $0x0;
	s13 =	sor.u32 $0x3, s3  }
0x41: {  	s14 =	simm.s32 @!p0 $0x14;
	s16 =	sshll.u32 s13, $0x8  }
0x42: {  	_ =	swait.ge @!p0 [sflag:s14], $0x1400;
	s13 =	smul.u32 $0x28, s13;
	s16 =	sadd.s32 s9, s16  }
0x43: {  	s22 =	simm.s32 $0x0;
	[sflag:s14] =	ssyncset.done @!p0 $0x0;
	s16 =	sshrl.u32 s16, $0x3  }
0x44: {  	[sflag:s14] =	ssyncadd.s32 @!p0 $0xFFFFEC00;
	s13 =	sadd.s32 s7, s13;
	s14 =	sadd.s32 s6, s16  }
0x45: {  	[tilespmem:s25], [sflag:$0x4] =	stream.linear.gather [hbm4b:s14+s22], $0x80, $0x38;
	[tilespmem:$0x1E000] =	vst v63  }
0x46: {  	s16 =	sadd.s32 s16, s8;
	s13 =	sshll.u32 s13, $0x4  }
0x47: {  	[tilespmem:s17], [sflag:$0x8] =	stream.linear.gather [hbm4b:s16+s22], $0x80, $0x38;
	[tilespmem:$0x1E000] =	vst v63  }
0x48: {  	s13 =	sadd.s32 s5, s13;
	s14 =	simm.s32 $0x3;
	s17 =	simm.s32 $0x9000  }
0x49: {  	[tilespmem:s17], [sflag:$0xC] =	stream.linear.gather [hbm4b:s13+s22], $0x1400, $0x38;
	[tilespmem:$0x1E000] =	vst v63  }
0x4a: {  	_ =	swait.ge [sflag:s14], $0x80  }
0x4b: {  	s16 =	simm.s32 $0x100;
	[sflag:s14] =	ssyncset.done $0x0  }
0x4c: {  	s17 =	simm.s32 $0x2C00;
	s22 =	simm.s32 $0x9;
	[sflag:s14] =	ssyncadd.s32 $0xFFFFFF80  }
0x4d: {  	[tilespmem:s17], [sflag:$0xF] =	stream.indirect.gather [hbm4b:s1+s24], $0x80, s16, s24, $0xb8;
	[tilespmem:$0x1E000] =	vst v63  }
0x4e: {  	_ =	swait.ge [sflag:s22], $0x1400  }
0x4f: {  	[sflag:s22] =	ssyncset.done $0x0  }
0x50: {  	[sflag:s22] =	ssyncadd.s32 $0xFFFFEC00  }
0x51: {  	_ =	swait.ge [sflag:s18], $0x80  }
0x52: {  	[sflag:s18] =	ssyncset.done $0x0  }
0x53: {  	[sflag:s18] =	ssyncadd.s32 $0xFFFFFF80  }
0x54: {  	_ =	swait.ge [sflag:s19], $0x1400  }
0x55: {  	[sflag:s19] =	ssyncset.done $0x0  }
0x56: {  	s13 =	simm.s32 $0x0;
	[sflag:s19] =	ssyncadd.s32 $0xFFFFEC00  }
0x57: {  	v0 =	vld [tilespmem:s13+$0x470]  }
0x58: {  	v1 =	vld [tilespmem:s13+$0x5470]  }
0x59: {  	v2 =	vld [tilespmem:s13+$0x400]  }
0x5a: {  	v3 =	vld [tilespmem:s13+$0x5400]  }
0x5b: {  	v4 =	vld [tilespmem:s13+$0x410]  }
0x5c: {  	v5 =	vld [tilespmem:s13+$0x5410]  }
0x5d: {  	v6 =	vld [tilespmem:s13+$0x420]  }
0x5e: {  	v7 =	vld [tilespmem:s13+$0x430];
	v0 =	vadd.f32 v1, v0  }
0x5f: {  	v1 =	vld [tilespmem:s13+$0x5420];
	v2 =	vadd.f32 v3, v2  }
0x60: {  	v3 =	vld [tilespmem:s13+$0x5430];
	v0 =	vmax.f32 v0, $0.0e+00  }
0x61: {  	v8 =	vld [tilespmem:s13+$0x440];
	[tilespmem:s13+$0x470] =	vst v0;
	v0 =	vmax.f32 v2, $0.0e+00;
	v2 =	vadd.f32 v5, v4  }
0x62: {  	v4 =	vld [tilespmem:s13+$0x5440]  }
0x63: {  	[tilespmem:s13+$0x400] =	vst v0;
	v0 =	vld [tilespmem:s13+$0x450];
	v2 =	vmax.f32 v2, $0.0e+00  }
0x64: {  	v1 =	vadd.f32 v1, v6;
	[tilespmem:s13+$0x410] =	vst v2;
	v2 =	vld [tilespmem:s13+$0x5450]  }
0x65: {  	v7 =	vadd.f32 v3, v7;
	v3 =	vld [tilespmem:s13+$0x5460]  }
0x66: {  	s14 =	simm.s32 $0x80;
	v5 =	vmax.f32 v1, $0.0e+00;
	v1 =	vld [tilespmem:s13+$0x460]  }
0x67: {  	s16 =	simm.s32 $0x400;
	v6 =	vld [tilespmem:s14+$0x470];
	[tilespmem:s13+$0x420] =	vst v5;
	v5 =	vmax.f32 v7, $0.0e+00;
	v4 =	vadd.f32 v4, v8  }
.LBB2_3:
0x68: {  	p0 =	sne.s32 s16, $0x4E00;
	v7 =	vld [tilespmem:s14+$0x5470];
	[tilespmem:s13+$0x430] =	vst v5  }
0x69: {  	v5 =	vld [tilespmem:s14+$0x400];
	v4 =	vmax.f32 v4, $0.0e+00;
	v0 =	vadd.f32 v2, v0  }
0x6a: {  	v2 =	vld [tilespmem:s14+$0x5400];
	[tilespmem:s13+$0x440] =	vst v4  }
0x6b: {  	v4 =	vld [tilespmem:s14+$0x410];
	v0 =	vmax.f32 v0, $0.0e+00;
	v1 =	vadd.f32 v3, v1  }
0x6c: {  	v3 =	vld [tilespmem:s14+$0x5410];
	[tilespmem:s13+$0x450] =	vst v0  }
0x6d: {  	v0 =	vld [tilespmem:s14+$0x420];
	v6 =	vadd.f32 v7, v6;
	v1 =	vmax.f32 v1, $0.0e+00  }
0x6e: {  	v7 =	vld [tilespmem:s14+$0x5420];
	[tilespmem:s13+$0x460] =	vst v1;
	s13 =	smov.u32 s14  }
0x6f: {  	v1 =	vadd.f32 v2, v5;
	v5 =	vld [tilespmem:s13+$0x430];
	v2 =	vmax.f32 v6, $0.0e+00  }
0x70: {  	v6 =	vld [tilespmem:s13+$0x5430];
	[tilespmem:s13+$0x470] =	vst v2  }
0x71: {  	v1 =	vmax.f32 v1, $0.0e+00;
	v2 =	vadd.f32 v3, v4;
	v4 =	vld [tilespmem:s13+$0x440]  }
0x72: {  	[tilespmem:s13+$0x400] =	vst v1;
	v8 =	vld [tilespmem:s13+$0x5440]  }
.Ltmp0:
0x73: {  	v1 =	vmax.f32 v2, $0.0e+00;
	v3 =	vadd.f32 v7, v0;
	v0 =	vld [tilespmem:s13+$0x450];
	(pc) =	sbr.rel @p0 .LBB2_3-.Ltmp0, $4  }
0x74: {  	[tilespmem:s13+$0x410] =	vst v1;
	v2 =	vld [tilespmem:s13+$0x5450]  }
0x75: {  	v3 =	vmax.f32 v3, $0.0e+00;
	v5 =	vadd.f32 v6, v5;
	v1 =	vld [tilespmem:s13+$0x460]  }
0x76: {  	s14 =	sshra.s32 s16, $0x2;
	[tilespmem:s13+$0x420] =	vst v3;
	v3 =	vld [tilespmem:s13+$0x5460]  }
0x77: {  	s16 =	sadd.s32 $0x200, s16;
	v6 =	vld [tilespmem:s14+$0x470];
	v5 =	vmax.f32 v5, $0.0e+00;
	v4 =	vadd.f32 v8, v4  }
0x78: {  	v7 =	vld [tilespmem:s14+$0x5470]  }
0x79: {  	v8 =	vld [tilespmem:s14+$0x400]  }
0x7a: {  	v9 =	vld [tilespmem:s14+$0x5400]  }
0x7b: {  	v10 =	vld [tilespmem:s14+$0x410]  }
0x7c: {  	v11 =	vld [tilespmem:s14+$0x5410]  }
0x7d: {  	v12 =	vld [tilespmem:s14+$0x420]  }
0x7e: {  	v13 =	vld [tilespmem:s14+$0x430]  }
0x7f: {  	v60 =	vld [tilespmem:s14+$0x5430]  }
0x80: {  	v61 =	vld [tilespmem:s14+$0x450];
	v6 =	vadd.f32 v7, v6  }
0x81: {  	v62 =	vld [tilespmem:s14+$0x5450];
	v8 =	vadd.f32 v9, v8  }
0x82: {  	v7 =	vld [tilespmem:s14+$0x5420];
	v6 =	vmax.f32 v6, $0.0e+00  }
0x83: {  	[tilespmem:s14+$0x470] =	vst v6;
	v6 =	vmax.f32 v8, $0.0e+00;
	v8 =	vld [tilespmem:s14+$0x440]  }
0x84: {  	v0 =	vadd.f32 v2, v0;
	[tilespmem:s14+$0x400] =	vst v6;
	v6 =	vld [tilespmem:s14+$0x5440]  }
0x85: {  	v63 =	vld [tilespmem:s14+$0x460];
	[tilespmem:s13+$0x430] =	vst v5;
	v1 =	vadd.f32 v3, v1;
	v3 =	vmax.f32 v4, $0.0e+00  }
0x86: {  	v2 =	vld [tilespmem:s14+$0x5460];
	v0 =	vmax.f32 v0, $0.0e+00;
	[tilespmem:s13+$0x440] =	vst v3;
	v10 =	vadd.f32 v11, v10  }
0x87: {  	[tilespmem:s13+$0x450] =	vst v0;
	v3 =	vadd.f32 v60, v13;
	v0 =	vmax.f32 v1, $0.0e+00  }
0x88: {  	[tilespmem:s13+$0x460] =	vst v0;
	v10 =	vmax.f32 v10, $0.0e+00;
	v7 =	vadd.f32 v7, v12  }
0x89: {  	v0 =	vmax.f32 v3, $0.0e+00;
	[tilespmem:s14+$0x410] =	vst v10;
	v1 =	vadd.f32 v6, v8  }
0x8a: {  	v3 =	vadd.f32 v62, v61;
	[tilespmem:s14+$0x430] =	vst v0;
	v7 =	vmax.f32 v7, $0.0e+00  }
0x8b: {  	[tilespmem:s14+$0x420] =	vst v7;
	v0 =	vmax.f32 v1, $0.0e+00;
	v1 =	vadd.f32 v2, v63  }
0x8c: {  	p0 =	seq.s32 s28, $0x3F;
	[tilespmem:s14+$0x440] =	vst v0;
	v0 =	vmax.f32 v3, $0.0e+00  }
0x8d: {  	s13 =	sadd.s32 @!p0 $0x4, s3;
	[tilespmem:s14+$0x450] =	vst v0;
	v0 =	vmax.f32 v1, $0.0e+00  }
0x8e: {  	s16 =	simm.s32 $0x200;
	s17 =	simm.s32 $0x400;
	[tilespmem:s14+$0x460] =	vst v0;
	s14 =	sshll.u32 @!p0 s13, $0x8  }
0x8f: {  	[spmem:s2] =	stream.indirect.scatter.add.f32 [tilespmem:s17], [sflag:$0x11], $0x80, s16, s24, $0xb8;
	[tilespmem:$0x1E000] =	vst v63  }
0x90: {  	s13 =	smul.u32 @!p0 $0x28, s13;
	s14 =	sadd.s32 @!p0 s9, s14;
	_ =	swait.ge [sflag:s20], $0x1400  }
0x91: {  	s22 =	simm.s32 @!p0 $0x0;
	s14 =	sshrl.u32 @!p0 s14, $0x3;
	[sflag:s20] =	ssyncset.done $0x0  }
0x92: {  	s13 =	sadd.s32 @!p0 s7, s13;
	s16 =	sadd.s32 @!p0 s6, s14;
	[sflag:s20] =	ssyncadd.s32 $0xFFFFEC00  }
0x93: {  	[tilespmem:s22], [sflag:$0x1] =	stream.linear.gather @!p0 [hbm4b:s16+s22], $0x80, $0x38;
	[tilespmem:$0x1E000] =	vst v63  }
0x94: {  	s14 =	sadd.s32 @!p0 s14, s8;
	s13 =	sshll.u32 @!p0 s13, $0x4;
	s16 =	simm.s32 @!p0 $0x200  }
0x95: {  	[tilespmem:s16], [sflag:$0x5] =	stream.linear.gather @!p0 [hbm4b:s14+s22], $0x80, $0x38;
	[tilespmem:$0x1E000] =	vst v63  }
0x96: {  	s13 =	sadd.s32 @!p0 s5, s13;
	s14 =	simm.s32 @!p0 $0x5400  }
0x97: {  	[tilespmem:s14], [sflag:$0x9] =	stream.linear.gather @!p0 [hbm4b:s13+s22], $0x1400, $0x38;
	[tilespmem:$0x1E000] =	vst v63  }
0x98: {  	_ =	swait.ge [sflag:s21], $0x80  }
0x99: {  	[sflag:s21] =	ssyncset.done $0x0  }
0x9a: {  	s22 =	simm.s32 $0x4000;
	[sflag:s21] =	ssyncadd.s32 $0xFFFFFF80  }
0x9b: {  	[tilespmem:s22], [sflag:$0x10] =	stream.indirect.gather [hbm4b:s1+s24], $0x80, s25, s24, $0xb8;
	[tilespmem:$0x1E000] =	vst v63  }
0x9c: {  	_ =	swait.ge [sflag:s12], $0x1400  }
0x9d: {  	[sflag:s12] =	ssyncset.done $0x0  }
0x9e: {  	[sflag:s12] =	ssyncadd.s32 $0xFFFFEC00  }
0x9f: {  	_ =	swait.ge [sflag:s10], $0x80  }
0xa0: {  	[sflag:s10] =	ssyncset.done $0x0  }
0xa1: {  	[sflag:s10] =	ssyncadd.s32 $0xFFFFFF80  }
0xa2: {  	_ =	swait.ge [sflag:s0], $0x1400  }
0xa3: {  	[sflag:s0] =	ssyncset.done $0x0  }
0xa4: {  	s13 =	simm.s32 $0x0;
	[sflag:s0] =	ssyncadd.s32 $0xFFFFEC00  }
0xa5: {  	v0 =	vld [tilespmem:s13+$0x1870]  }
0xa6: {  	v1 =	vld [tilespmem:s13+$0x6870]  }
0xa7: {  	v2 =	vld [tilespmem:s13+$0x1800]  }
0xa8: {  	v3 =	vld [tilespmem:s13+$0x6800]  }
0xa9: {  	v4 =	vld [tilespmem:s13+$0x1810]  }
0xaa: {  	v5 =	vld [tilespmem:s13+$0x6810]  }
0xab: {  	v6 =	vld [tilespmem:s13+$0x1820]  }
0xac: {  	v7 =	vld [tilespmem:s13+$0x1830];
	v0 =	vadd.f32 v1, v0  }
0xad: {  	v1 =	vld [tilespmem:s13+$0x6820];
	v2 =	vadd.f32 v3, v2  }
0xae: {  	v3 =	vld [tilespmem:s13+$0x6830];
	v0 =	vmax.f32 v0, $0.0e+00  }
0xaf: {  	v8 =	vld [tilespmem:s13+$0x1840];
	[tilespmem:s13+$0x1870] =	vst v0;
	v0 =	vmax.f32 v2, $0.0e+00;
	v2 =	vadd.f32 v5, v4  }
0xb0: {  	v4 =	vld [tilespmem:s13+$0x6840]  }
0xb1: {  	[tilespmem:s13+$0x1800] =	vst v0;
	v0 =	vld [tilespmem:s13+$0x1850];
	v2 =	vmax.f32 v2, $0.0e+00  }
0xb2: {  	v1 =	vadd.f32 v1, v6;
	[tilespmem:s13+$0x1810] =	vst v2;
	v2 =	vld [tilespmem:s13+$0x6850]  }
0xb3: {  	v7 =	vadd.f32 v3, v7;
	v3 =	vld [tilespmem:s13+$0x6860]  }
0xb4: {  	s14 =	simm.s32 $0x80;
	v5 =	vmax.f32 v1, $0.0e+00;
	v1 =	vld [tilespmem:s13+$0x1860]  }
0xb5: {  	s16 =	simm.s32 $0x400;
	v6 =	vld [tilespmem:s14+$0x1870];
	[tilespmem:s13+$0x1820] =	vst v5;
	v5 =	vmax.f32 v7, $0.0e+00;
	v4 =	vadd.f32 v4, v8  }
.LBB2_5:
0xb6: {  	p1 =	sne.s32 s16, $0x4E00;
	v7 =	vld [tilespmem:s14+$0x6870];
	[tilespmem:s13+$0x1830] =	vst v5  }
0xb7: {  	v5 =	vld [tilespmem:s14+$0x1800];
	v4 =	vmax.f32 v4, $0.0e+00;
	v0 =	vadd.f32 v2, v0  }
0xb8: {  	v2 =	vld [tilespmem:s14+$0x6800];
	[tilespmem:s13+$0x1840] =	vst v4  }
0xb9: {  	v4 =	vld [tilespmem:s14+$0x1810];
	v0 =	vmax.f32 v0, $0.0e+00;
	v1 =	vadd.f32 v3, v1  }
0xba: {  	v3 =	vld [tilespmem:s14+$0x6810];
	[tilespmem:s13+$0x1850] =	vst v0  }
0xbb: {  	v0 =	vld [tilespmem:s14+$0x1820];
	v6 =	vadd.f32 v7, v6;
	v1 =	vmax.f32 v1, $0.0e+00  }
0xbc: {  	v7 =	vld [tilespmem:s14+$0x6820];
	[tilespmem:s13+$0x1860] =	vst v1;
	s13 =	smov.u32 s14  }
0xbd: {  	v1 =	vadd.f32 v2, v5;
	v5 =	vld [tilespmem:s13+$0x1830];
	v2 =	vmax.f32 v6, $0.0e+00  }
0xbe: {  	v6 =	vld [tilespmem:s13+$0x6830];
	[tilespmem:s13+$0x1870] =	vst v2  }
0xbf: {  	v1 =	vmax.f32 v1, $0.0e+00;
	v2 =	vadd.f32 v3, v4;
	v4 =	vld [tilespmem:s13+$0x1840]  }
0xc0: {  	[tilespmem:s13+$0x1800] =	vst v1;
	v8 =	vld [tilespmem:s13+$0x6840]  }
.Ltmp1:
0xc1: {  	v1 =	vmax.f32 v2, $0.0e+00;
	v3 =	vadd.f32 v7, v0;
	v0 =	vld [tilespmem:s13+$0x1850];
	(pc) =	sbr.rel @p1 .LBB2_5-.Ltmp1, $4  }
0xc2: {  	[tilespmem:s13+$0x1810] =	vst v1;
	v2 =	vld [tilespmem:s13+$0x6850]  }
0xc3: {  	v3 =	vmax.f32 v3, $0.0e+00;
	v5 =	vadd.f32 v6, v5;
	v1 =	vld [tilespmem:s13+$0x1860]  }
0xc4: {  	s14 =	sshra.s32 s16, $0x2;
	[tilespmem:s13+$0x1820] =	vst v3;
	v3 =	vld [tilespmem:s13+$0x6860]  }
0xc5: {  	s16 =	sadd.s32 $0x200, s16;
	v6 =	vld [tilespmem:s14+$0x1870];
	v5 =	vmax.f32 v5, $0.0e+00;
	v4 =	vadd.f32 v8, v4  }
0xc6: {  	v7 =	vld [tilespmem:s14+$0x6870]  }
0xc7: {  	v8 =	vld [tilespmem:s14+$0x1800]  }
0xc8: {  	v9 =	vld [tilespmem:s14+$0x6800]  }
0xc9: {  	v10 =	vld [tilespmem:s14+$0x1810]  }
0xca: {  	v11 =	vld [tilespmem:s14+$0x6810]  }
0xcb: {  	v12 =	vld [tilespmem:s14+$0x1820]  }
0xcc: {  	v13 =	vld [tilespmem:s14+$0x1830]  }
0xcd: {  	v60 =	vld [tilespmem:s14+$0x6830]  }
0xce: {  	v61 =	vld [tilespmem:s14+$0x1850];
	v6 =	vadd.f32 v7, v6  }
0xcf: {  	v62 =	vld [tilespmem:s14+$0x6850];
	v8 =	vadd.f32 v9, v8  }
0xd0: {  	v7 =	vld [tilespmem:s14+$0x6820];
	v6 =	vmax.f32 v6, $0.0e+00  }
0xd1: {  	[tilespmem:s14+$0x1870] =	vst v6;
	v6 =	vmax.f32 v8, $0.0e+00;
	v8 =	vld [tilespmem:s14+$0x1840]  }
0xd2: {  	v0 =	vadd.f32 v2, v0;
	[tilespmem:s14+$0x1800] =	vst v6;
	v6 =	vld [tilespmem:s14+$0x6840]  }
0xd3: {  	v63 =	vld [tilespmem:s14+$0x1860];
	[tilespmem:s13+$0x1830] =	vst v5;
	v1 =	vadd.f32 v3, v1;
	v3 =	vmax.f32 v4, $0.0e+00  }
0xd4: {  	v2 =	vld [tilespmem:s14+$0x6860];
	v0 =	vmax.f32 v0, $0.0e+00;
	[tilespmem:s13+$0x1840] =	vst v3;
	v10 =	vadd.f32 v11, v10  }
0xd5: {  	[tilespmem:s13+$0x1850] =	vst v0;
	v3 =	vadd.f32 v60, v13;
	v0 =	vmax.f32 v1, $0.0e+00  }
0xd6: {  	[tilespmem:s13+$0x1860] =	vst v0;
	v10 =	vmax.f32 v10, $0.0e+00;
	v7 =	vadd.f32 v7, v12  }
0xd7: {  	v0 =	vmax.f32 v3, $0.0e+00;
	[tilespmem:s14+$0x1810] =	vst v10;
	v1 =	vadd.f32 v6, v8  }
0xd8: {  	v3 =	vadd.f32 v62, v61;
	[tilespmem:s14+$0x1830] =	vst v0;
	v7 =	vmax.f32 v7, $0.0e+00  }
0xd9: {  	[tilespmem:s14+$0x1820] =	vst v7;
	v0 =	vmax.f32 v1, $0.0e+00;
	v1 =	vadd.f32 v2, v63  }
0xda: {  	[tilespmem:s14+$0x1840] =	vst v0;
	v0 =	vmax.f32 v3, $0.0e+00  }
0xdb: {  	s22 =	simm.s32 $0x280;
	s13 =	sadd.s32 @!p0 $0x5, s3;
	[tilespmem:s14+$0x1850] =	vst v0;
	v0 =	vmax.f32 v1, $0.0e+00  }
0xdc: {  	s25 =	simm.s32 $0x1800;
	[tilespmem:s14+$0x1860] =	vst v0;
	s14 =	sshll.u32 @!p0 s13, $0x8;
	s13 =	smul.u32 @!p0 $0x28, s13  }
0xdd: {  	[spmem:s2] =	stream.indirect.scatter.add.f32 [tilespmem:s25], [sflag:$0x12], $0x80, s22, s24, $0xb8;
	[tilespmem:$0x1E000] =	vst v63  }
0xde: {  	s14 =	sadd.s32 @!p0 s9, s14;
	s22 =	simm.s32 @!p0 $0x0;
	_ =	swait.ge [sflag:s31], $0x1400  }
0xdf: {  	s25 =	simm.s32 @!p0 $0x80;
	s14 =	sshrl.u32 @!p0 s14, $0x3;
	[sflag:s31] =	ssyncset.done $0x0  }
0xe0: {  	s13 =	sadd.s32 @!p0 s7, s13;
	s16 =	sadd.s32 @!p0 s6, s14;
	[sflag:s31] =	ssyncadd.s32 $0xFFFFEC00  }
0xe1: {  	[tilespmem:s25], [sflag:$0x2] =	stream.linear.gather @!p0 [hbm4b:s16+s22], $0x80, $0x38;
	[tilespmem:$0x1E000] =	vst v63  }
0xe2: {  	s14 =	sadd.s32 @!p0 s14, s8;
	s13 =	sshll.u32 @!p0 s13, $0x4;
	s16 =	simm.s32 @!p0 $0x280  }
0xe3: {  	[tilespmem:s16], [sflag:$0x6] =	stream.linear.gather @!p0 [hbm4b:s14+s22], $0x80, $0x38;
	[tilespmem:$0x1E000] =	vst v63  }
0xe4: {  	s13 =	sadd.s32 @!p0 s5, s13;
	s14 =	simm.s32 @!p0 $0x6800  }
0xe5: {  	[tilespmem:s14], [sflag:$0xA] =	stream.linear.gather @!p0 [hbm4b:s13+s22], $0x1400, $0x38;
	[tilespmem:$0x1E000] =	vst v63  }
0xe6: {  	s13 =	simm.s32 @!p0 $0x1  }
0xe7: {  	_ =	swait.ge @!p0 [sflag:s13], $0x80  }
0xe8: {  	[sflag:s13] =	ssyncset.done @!p0 $0x0  }
0xe9: {  	s14 =	simm.s32 @!p0 $0x400;
	[sflag:s13] =	ssyncadd.s32 @!p0 $0xFFFFFF80;
	s13 =	simm.s32 @!p0 $0x28  }
0xea: {  	[tilespmem:s14], [sflag:$0xD] =	stream.indirect.gather @!p0 [hbm4b:s1+s13], $0x80, s22, s13, $0xb8;
	[tilespmem:$0x1E000] =	vst v63  }
0xeb: {  	_ =	swait.ge [sflag:s11], $0x1400  }
0xec: {  	[sflag:s11] =	ssyncset.done $0x0  }
0xed: {  	[sflag:s11] =	ssyncadd.s32 $0xFFFFEC00  }
0xee: {  	_ =	swait.ge [sflag:s4], $0x80  }
0xef: {  	[sflag:s4] =	ssyncset.done $0x0  }
0xf0: {  	[sflag:s4] =	ssyncadd.s32 $0xFFFFFF80  }
0xf1: {  	_ =	swait.ge [sflag:s15], $0x1400  }
0xf2: {  	[sflag:s15] =	ssyncset.done $0x0  }
0xf3: {  	s13 =	simm.s32 $0x0;
	[sflag:s15] =	ssyncadd.s32 $0xFFFFEC00  }
0xf4: {  	v0 =	vld [tilespmem:s13+$0x2C70]  }
0xf5: {  	v1 =	vld [tilespmem:s13+$0x7C70]  }
0xf6: {  	v2 =	vld [tilespmem:s13+$0x2C00]  }
0xf7: {  	v3 =	vld [tilespmem:s13+$0x7C00]  }
0xf8: {  	v4 =	vld [tilespmem:s13+$0x2C10]  }
0xf9: {  	v5 =	vld [tilespmem:s13+$0x7C10]  }
0xfa: {  	v6 =	vld [tilespmem:s13+$0x2C20]  }
0xfb: {  	v7 =	vld [tilespmem:s13+$0x2C30];
	v0 =	vadd.f32 v1, v0  }
0xfc: {  	v1 =	vld [tilespmem:s13+$0x7C20];
	v2 =	vadd.f32 v3, v2  }
0xfd: {  	v3 =	vld [tilespmem:s13+$0x7C30];
	v0 =	vmax.f32 v0, $0.0e+00  }
0xfe: {  	v8 =	vld [tilespmem:s13+$0x2C40];
	[tilespmem:s13+$0x2C70] =	vst v0;
	v0 =	vmax.f32 v2, $0.0e+00;
	v2 =	vadd.f32 v5, v4  }
0xff: {  	v4 =	vld [tilespmem:s13+$0x7C40]  }
0x100: {  	[tilespmem:s13+$0x2C00] =	vst v0;
	v0 =	vld [tilespmem:s13+$0x2C50];
	v2 =	vmax.f32 v2, $0.0e+00  }
0x101: {  	v1 =	vadd.f32 v1, v6;
	[tilespmem:s13+$0x2C10] =	vst v2;
	v2 =	vld [tilespmem:s13+$0x7C50]  }
0x102: {  	v7 =	vadd.f32 v3, v7;
	v3 =	vld [tilespmem:s13+$0x7C60]  }
0x103: {  	s14 =	simm.s32 $0x80;
	v5 =	vmax.f32 v1, $0.0e+00;
	v1 =	vld [tilespmem:s13+$0x2C60]  }
0x104: {  	s16 =	simm.s32 $0x400;
	v6 =	vld [tilespmem:s14+$0x2C70];
	[tilespmem:s13+$0x2C20] =	vst v5;
	v5 =	vmax.f32 v7, $0.0e+00;
	v4 =	vadd.f32 v4, v8  }
.LBB2_7:
0x105: {  	p1 =	sne.s32 s16, $0x4E00;
	v7 =	vld [tilespmem:s14+$0x7C70];
	[tilespmem:s13+$0x2C30] =	vst v5  }
0x106: {  	v5 =	vld [tilespmem:s14+$0x2C00];
	v4 =	vmax.f32 v4, $0.0e+00;
	v0 =	vadd.f32 v2, v0  }
0x107: {  	v2 =	vld [tilespmem:s14+$0x7C00];
	[tilespmem:s13+$0x2C40] =	vst v4  }
0x108: {  	v4 =	vld [tilespmem:s14+$0x2C10];
	v0 =	vmax.f32 v0, $0.0e+00;
	v1 =	vadd.f32 v3, v1  }
0x109: {  	v3 =	vld [tilespmem:s14+$0x7C10];
	[tilespmem:s13+$0x2C50] =	vst v0  }
0x10a: {  	v0 =	vld [tilespmem:s14+$0x2C20];
	v6 =	vadd.f32 v7, v6;
	v1 =	vmax.f32 v1, $0.0e+00  }
0x10b: {  	v7 =	vld [tilespmem:s14+$0x7C20];
	[tilespmem:s13+$0x2C60] =	vst v1;
	s13 =	smov.u32 s14  }
0x10c: {  	v1 =	vadd.f32 v2, v5;
	v5 =	vld [tilespmem:s13+$0x2C30];
	v2 =	vmax.f32 v6, $0.0e+00  }
0x10d: {  	v6 =	vld [tilespmem:s13+$0x7C30];
	[tilespmem:s13+$0x2C70] =	vst v2  }
0x10e: {  	v1 =	vmax.f32 v1, $0.0e+00;
	v2 =	vadd.f32 v3, v4;
	v4 =	vld [tilespmem:s13+$0x2C40]  }
0x10f: {  	[tilespmem:s13+$0x2C00] =	vst v1;
	v8 =	vld [tilespmem:s13+$0x7C40]  }
.Ltmp2:
0x110: {  	v1 =	vmax.f32 v2, $0.0e+00;
	v3 =	vadd.f32 v7, v0;
	v0 =	vld [tilespmem:s13+$0x2C50];
	(pc) =	sbr.rel @p1 .LBB2_7-.Ltmp2, $4  }
0x111: {  	[tilespmem:s13+$0x2C10] =	vst v1;
	v2 =	vld [tilespmem:s13+$0x7C50]  }
0x112: {  	v3 =	vmax.f32 v3, $0.0e+00;
	v5 =	vadd.f32 v6, v5;
	v1 =	vld [tilespmem:s13+$0x2C60]  }
0x113: {  	s14 =	sshra.s32 s16, $0x2;
	[tilespmem:s13+$0x2C20] =	vst v3;
	v3 =	vld [tilespmem:s13+$0x7C60]  }
0x114: {  	s16 =	sadd.s32 $0x200, s16;
	v6 =	vld [tilespmem:s14+$0x2C70];
	v5 =	vmax.f32 v5, $0.0e+00;
	v4 =	vadd.f32 v8, v4  }
0x115: {  	v7 =	vld [tilespmem:s14+$0x7C70]  }
0x116: {  	v8 =	vld [tilespmem:s14+$0x2C00]  }
0x117: {  	v9 =	vld [tilespmem:s14+$0x7C00]  }
0x118: {  	v10 =	vld [tilespmem:s14+$0x2C10]  }
0x119: {  	v11 =	vld [tilespmem:s14+$0x7C10]  }
0x11a: {  	v12 =	vld [tilespmem:s14+$0x2C20]  }
0x11b: {  	v13 =	vld [tilespmem:s14+$0x2C30]  }
0x11c: {  	v60 =	vld [tilespmem:s14+$0x7C30]  }
0x11d: {  	v61 =	vld [tilespmem:s14+$0x2C50];
	v6 =	vadd.f32 v7, v6  }
0x11e: {  	v62 =	vld [tilespmem:s14+$0x7C50];
	v8 =	vadd.f32 v9, v8  }
0x11f: {  	v7 =	vld [tilespmem:s14+$0x7C20];
	v6 =	vmax.f32 v6, $0.0e+00  }
0x120: {  	[tilespmem:s14+$0x2C70] =	vst v6;
	v6 =	vmax.f32 v8, $0.0e+00;
	v8 =	vld [tilespmem:s14+$0x2C40]  }
0x121: {  	v0 =	vadd.f32 v2, v0;
	[tilespmem:s14+$0x2C00] =	vst v6;
	v6 =	vld [tilespmem:s14+$0x7C40]  }
0x122: {  	v63 =	vld [tilespmem:s14+$0x2C60];
	[tilespmem:s13+$0x2C30] =	vst v5;
	v1 =	vadd.f32 v3, v1;
	v3 =	vmax.f32 v4, $0.0e+00  }
0x123: {  	v2 =	vld [tilespmem:s14+$0x7C60];
	v0 =	vmax.f32 v0, $0.0e+00;
	[tilespmem:s13+$0x2C40] =	vst v3;
	v10 =	vadd.f32 v11, v10  }
0x124: {  	[tilespmem:s13+$0x2C50] =	vst v0;
	v3 =	vadd.f32 v60, v13;
	v0 =	vmax.f32 v1, $0.0e+00  }
0x125: {  	[tilespmem:s13+$0x2C60] =	vst v0;
	v10 =	vmax.f32 v10, $0.0e+00;
	v7 =	vadd.f32 v7, v12  }
0x126: {  	v0 =	vmax.f32 v3, $0.0e+00;
	[tilespmem:s14+$0x2C10] =	vst v10;
	v1 =	vadd.f32 v6, v8  }
0x127: {  	v3 =	vadd.f32 v62, v61;
	[tilespmem:s14+$0x2C30] =	vst v0;
	v7 =	vmax.f32 v7, $0.0e+00  }
0x128: {  	[tilespmem:s14+$0x2C20] =	vst v7;
	v0 =	vmax.f32 v1, $0.0e+00;
	v1 =	vadd.f32 v2, v63  }
0x129: {  	[tilespmem:s14+$0x2C40] =	vst v0;
	v0 =	vmax.f32 v3, $0.0e+00  }
0x12a: {  	s22 =	simm.s32 $0x300;
	s3 =	sadd.s32 @!p0 $0x6, s3;
	[tilespmem:s14+$0x2C50] =	vst v0;
	v0 =	vmax.f32 v1, $0.0e+00  }
0x12b: {  	s25 =	simm.s32 $0x2C00;
	s13 =	sshll.u32 @!p0 s3, $0x8;
	s3 =	smul.u32 @!p0 $0x28, s3;
	[tilespmem:s14+$0x2C60] =	vst v0  }
0x12c: {  	[spmem:s2] =	stream.indirect.scatter.add.f32 [tilespmem:s25], [sflag:$0x13], $0x80, s22, s24, $0xb8;
	[tilespmem:$0x1E000] =	vst v63  }
0x12d: {  	s16 =	simm.s32 @!p0 $0x0;
	s13 =	sadd.s32 @!p0 s9, s13;
	_ =	swait.ge [sflag:s23], $0x1400  }
0x12e: {  	s13 =	sshrl.u32 @!p0 s13, $0x3;
	s3 =	sadd.s32 @!p0 s7, s3;
	[sflag:s23] =	ssyncset.done $0x0  }
0x12f: {  	s14 =	sadd.s32 @!p0 s6, s13;
	s22 =	simm.s32 @!p0 $0x100;
	[sflag:s23] =	ssyncadd.s32 $0xFFFFEC00  }
0x130: {  	[tilespmem:s22], [sflag:$0x3] =	stream.linear.gather @!p0 [hbm4b:s14+s16], $0x80, $0x38;
	[tilespmem:$0x1E000] =	vst v63  }
0x131: {  	s3 =	sshll.u32 @!p0 s3, $0x4;
	s13 =	sadd.s32 @!p0 s13, s8;
	s14 =	simm.s32 @!p0 $0x300  }
0x132: {  	[tilespmem:s14], [sflag:$0x7] =	stream.linear.gather @!p0 [hbm4b:s13+s16], $0x80, $0x38;
	[tilespmem:$0x1E000] =	vst v63  }
0x133: {  	s3 =	sadd.s32 @!p0 s5, s3;
	s13 =	simm.s32 @!p0 $0x7C00  }
0x134: {  	[tilespmem:s13], [sflag:$0xB] =	stream.linear.gather @!p0 [hbm4b:s3+s16], $0x1400, $0x38;
	[tilespmem:$0x1E000] =	vst v63  }
0x135: {  	s3 =	simm.s32 @!p0 $0x2  }
0x136: {  	_ =	swait.ge @!p0 [sflag:s3], $0x80  }
0x137: {  	s14 =	simm.s32 @!p0 $0x1800;
	[sflag:s3] =	ssyncset.done @!p0 $0x0  }
0x138: {  	s13 =	simm.s32 @!p0 $0x80;
	[sflag:s3] =	ssyncadd.s32 @!p0 $0xFFFFFF80;
	s3 =	simm.s32 @!p0 $0x28  }
0x139: {  	[tilespmem:s14], [sflag:$0xE] =	stream.indirect.gather @!p0 [hbm4b:s1+s3], $0x80, s13, s3, $0xb8;
	[tilespmem:$0x1E000] =	vst v63  }
0x13a: {  	_ =	swait.ge [sflag:s26], $0x1400  }
0x13b: {  	[sflag:s26] =	ssyncset.done $0x0  }
0x13c: {  	[sflag:s26] =	ssyncadd.s32 $0xFFFFEC00  }
0x13d: {  	_ =	swait.ge [sflag:s29], $0x80  }
0x13e: {  	[sflag:s29] =	ssyncset.done $0x0  }
0x13f: {  	[sflag:s29] =	ssyncadd.s32 $0xFFFFFF80  }
0x140: {  	_ =	swait.ge [sflag:s30], $0x1400  }
0x141: {  	[sflag:s30] =	ssyncset.done $0x0  }
0x142: {  	s3 =	simm.s32 $0x0;
	[sflag:s30] =	ssyncadd.s32 $0xFFFFEC00  }
0x143: {  	v0 =	vld [tilespmem:s3+$0x4070]  }
0x144: {  	v1 =	vld [tilespmem:s3+$0x9070]  }
0x145: {  	v2 =	vld [tilespmem:s3+$0x4000]  }
0x146: {  	v3 =	vld [tilespmem:s3+$0x9000]  }
0x147: {  	v4 =	vld [tilespmem:s3+$0x4010]  }
0x148: {  	v5 =	vld [tilespmem:s3+$0x9010]  }
0x149: {  	v6 =	vld [tilespmem:s3+$0x4020]  }
0x14a: {  	v7 =	vld [tilespmem:s3+$0x4030];
	v0 =	vadd.f32 v1, v0  }
0x14b: {  	v1 =	vld [tilespmem:s3+$0x9020];
	v2 =	vadd.f32 v3, v2  }
0x14c: {  	v3 =	vld [tilespmem:s3+$0x9030];
	v0 =	vmax.f32 v0, $0.0e+00  }
0x14d: {  	v8 =	vld [tilespmem:s3+$0x4040];
	[tilespmem:s3+$0x4070] =	vst v0;
	v0 =	vmax.f32 v2, $0.0e+00;
	v2 =	vadd.f32 v5, v4  }
0x14e: {  	v4 =	vld [tilespmem:s3+$0x9040]  }
0x14f: {  	[tilespmem:s3+$0x4000] =	vst v0;
	v0 =	vld [tilespmem:s3+$0x4050];
	v2 =	vmax.f32 v2, $0.0e+00  }
0x150: {  	v1 =	vadd.f32 v1, v6;
	[tilespmem:s3+$0x4010] =	vst v2;
	v2 =	vld [tilespmem:s3+$0x9050]  }
0x151: {  	v7 =	vadd.f32 v3, v7;
	v3 =	vld [tilespmem:s3+$0x9060]  }
0x152: {  	s13 =	simm.s32 $0x80;
	v5 =	vmax.f32 v1, $0.0e+00;
	v1 =	vld [tilespmem:s3+$0x4060]  }
0x153: {  	s16 =	simm.s32 $0x380;
	s14 =	simm.s32 $0x400;
	v6 =	vld [tilespmem:s13+$0x4070];
	[tilespmem:s3+$0x4020] =	vst v5;
	v5 =	vmax.f32 v7, $0.0e+00;
	v4 =	vadd.f32 v4, v8  }
.LBB2_9:
0x154: {  	p0 =	sne.s32 s14, $0x4E00;
	v7 =	vld [tilespmem:s13+$0x9070];
	[tilespmem:s3+$0x4030] =	vst v5  }
0x155: {  	v5 =	vld [tilespmem:s13+$0x4000];
	v4 =	vmax.f32 v4, $0.0e+00;
	v0 =	vadd.f32 v2, v0  }
0x156: {  	v2 =	vld [tilespmem:s13+$0x9000];
	[tilespmem:s3+$0x4040] =	vst v4  }
0x157: {  	v4 =	vld [tilespmem:s13+$0x4010];
	v0 =	vmax.f32 v0, $0.0e+00;
	v1 =	vadd.f32 v3, v1  }
0x158: {  	v3 =	vld [tilespmem:s13+$0x9010];
	[tilespmem:s3+$0x4050] =	vst v0  }
0x159: {  	v0 =	vld [tilespmem:s13+$0x4020];
	v6 =	vadd.f32 v7, v6;
	v1 =	vmax.f32 v1, $0.0e+00  }
0x15a: {  	v7 =	vld [tilespmem:s13+$0x9020];
	[tilespmem:s3+$0x4060] =	vst v1;
	s3 =	smov.u32 s13  }
0x15b: {  	v1 =	vadd.f32 v2, v5;
	v5 =	vld [tilespmem:s3+$0x4030];
	v2 =	vmax.f32 v6, $0.0e+00  }
0x15c: {  	v6 =	vld [tilespmem:s3+$0x9030];
	[tilespmem:s3+$0x4070] =	vst v2  }
0x15d: {  	v1 =	vmax.f32 v1, $0.0e+00;
	v2 =	vadd.f32 v3, v4;
	v4 =	vld [tilespmem:s3+$0x4040]  }
0x15e: {  	[tilespmem:s3+$0x4000] =	vst v1;
	v8 =	vld [tilespmem:s3+$0x9040]  }
.Ltmp3:
0x15f: {  	v1 =	vmax.f32 v2, $0.0e+00;
	v3 =	vadd.f32 v7, v0;
	v0 =	vld [tilespmem:s3+$0x4050];
	(pc) =	sbr.rel @p0 .LBB2_9-.Ltmp3, $4  }
0x160: {  	[tilespmem:s3+$0x4010] =	vst v1;
	v2 =	vld [tilespmem:s3+$0x9050]  }
0x161: {  	v3 =	vmax.f32 v3, $0.0e+00;
	v5 =	vadd.f32 v6, v5;
	v1 =	vld [tilespmem:s3+$0x4060]  }
0x162: {  	s13 =	sshra.s32 s14, $0x2;
	[tilespmem:s3+$0x4020] =	vst v3;
	v3 =	vld [tilespmem:s3+$0x9060]  }
0x163: {  	s14 =	sadd.s32 $0x200, s14;
	v6 =	vld [tilespmem:s13+$0x4070];
	v5 =	vmax.f32 v5, $0.0e+00;
	v4 =	vadd.f32 v8, v4  }
0x164: {  	v7 =	vld [tilespmem:s13+$0x9070]  }
0x165: {  	v8 =	vld [tilespmem:s13+$0x4000]  }
0x166: {  	v9 =	vld [tilespmem:s13+$0x9000]  }
0x167: {  	v10 =	vld [tilespmem:s13+$0x4010]  }
0x168: {  	v11 =	vld [tilespmem:s13+$0x9010]  }
0x169: {  	v12 =	vld [tilespmem:s13+$0x4020]  }
0x16a: {  	v45 =	vld [tilespmem:s13+$0x9020]  }
0x16b: {  	v13 =	vld [tilespmem:s13+$0x4030]  }
0x16c: {  	v46 =	vld [tilespmem:s13+$0x9030]  }
0x16d: {  	v48 =	vld [tilespmem:s13+$0x4040]  }
0x16e: {  	v49 =	vld [tilespmem:s13+$0x9040];
	v0 =	vadd.f32 v2, v0  }
0x16f: {  	v50 =	vld [tilespmem:s13+$0x4050];
	[tilespmem:s3+$0x4030] =	vst v5;
	v54 =	vmax.f32 v4, $0.0e+00;
	v1 =	vadd.f32 v3, v1  }
0x170: {  	v51 =	vld [tilespmem:s13+$0x9050];
	[tilespmem:s3+$0x4040] =	vst v54;
	v0 =	vmax.f32 v0, $0.0e+00;
	v6 =	vadd.f32 v7, v6  }
0x171: {  	v52 =	vld [tilespmem:s13+$0x4060];
	[tilespmem:s3+$0x4050] =	vst v0;
	v8 =	vadd.f32 v9, v8;
	v56 =	vmax.f32 v1, $0.0e+00  }
0x172: {  	v53 =	vld [tilespmem:s13+$0x9060];
	v10 =	vadd.f32 v11, v10;
	[tilespmem:s3+$0x4060] =	vst v56;
	v6 =	vmax.f32 v6, $0.0e+00  }
0x173: {  	v7 =	vadd.f32 v45, v12;
	v47 =	vmax.f32 v8, $0.0e+00;
	[tilespmem:s13+$0x4070] =	vst v6  }
0x174: {  	v55 =	vadd.f32 v46, v13;
	v10 =	vmax.f32 v10, $0.0e+00;
	[tilespmem:s13+$0x4000] =	vst v47  }
0x175: {  	v57 =	vadd.f32 v49, v48;
	v7 =	vmax.f32 v7, $0.0e+00;
	[tilespmem:s13+$0x4010] =	vst v10  }
0x176: {  	s28 =	sadd.s32 $0x1, s28;
	v59 =	vadd.f32 v51, v50;
	v58 =	vmax.f32 v55, $0.0e+00;
	[tilespmem:s13+$0x4020] =	vst v7  }
0x177: {  	p0 =	sne.s32 s28, $0x40;
	v61 =	vadd.f32 v53, v52;
	v60 =	vmax.f32 v57, $0.0e+00;
	[tilespmem:s13+$0x4030] =	vst v58  }
.Ltmp4:
0x178: {  	v62 =	vmax.f32 v59, $0.0e+00;
	[tilespmem:s13+$0x4040] =	vst v60;
	(pc) =	sbr.rel @p0 .LBB2_2-.Ltmp4, $4  }
0x179: {  	v63 =	vmax.f32 v61, $0.0e+00;
	[tilespmem:s13+$0x4050] =	vst v62  }
0x17a: {  	s25 =	simm.s32 $0x4000;
	[tilespmem:s13+$0x4060] =	vst v63  }
0x17b: {  	[spmem:s2] =	stream.indirect.scatter.add.f32 [tilespmem:s25], [sflag:$0x14], $0x80, s16, s24, $0xb8;
	[tilespmem:$0x1E000] =	vst v63  }
0x17c: {  	s17 =	simm.s32 $0x380;
	s25 =	simm.s32 $0x180  }
0x17d: {  	s3 =	simm.s32 $0x14  }
0x17e: {  	_ =	swait.ge [sflag:s3], $0x1400  }
0x17f: {  	[sflag:s3] =	ssyncset.done $0x0  }
0x180: {  	[sflag:s3] =	ssyncadd.s32 $0xFFFFEC00  }
0x181: {  	[bflag:$0x0] =	sbarrier.arrive $0xFFFF  }
0x182: {  	s16 =	rddreg [dreg:$0x10]  }
0x183: {  	s13 =	rddreg [dreg:$0x13]  }
0x184: {  	s22 =	simm.s32 $0x15;
	s14 =	rddreg [dreg:$0x14]  }
0x185: {  	[hbm:s16], [sflag:s13] =	dma.local [spmem:s14], $0x2780  }
0x186: {  	_ =	swait.ge [sflag:s22], $0x2780  }
0x187: {  	s17 =	rddreg [dreg:$0x12]  }
0x188: {  	s28 =	rddreg [dreg:$0x11];
	s13 =	sadd.s32 $0x1, s17  }
0x189: {  	p0 =	sne.s32 s13, s28  }
.Ltmp5:
0x18a: {  	_ = 	snop;
	(pc) =	sbr.rel @p0 .LBB2_1-.Ltmp5, $3  }
0x18b: {  	_ =	sdelay $0x1  }
0x18c: {  	[sflag:s22] =	ssyncset.done $0x0  }
0x18d: {  	[sflag:s22] =	ssyncadd.s32 $0xFFFFD880  }
0x18e: {  	_ =	sfence.sel $0x180000  }
0x18f: {  	[bflag:$0x0] =	sbarrier.arrive $0xFFFF  }
0x190: {  	_ =	strace $0x90000047  }
0x191: {  	s0 =	stileid.u32;
	[bflag:$0x2] =	sbarrier.arrive $0xFFFF  }
0x192: {  	p0 =	sne.s32 s0, $0x0;
	s0 =	rddreg [dreg:$0x4]  }
0x193: {  	s0 =	sadd.s32 @!p0 $0x100000, s0  }
0x194: {  	[sflag:s0] =	ssyncadd.tile.s32 @!p0 $0x1;
	_ =	shalt  }
.Lfunc_end2:
_tile_overlayer_lowered:
.L_overlay_start_2:
0x195: {  	(tag) =	ssettag $0x2  }
0x196: {  	s0 =	rddreg [dreg:$0x0];
	s2 =	stileid.u32  }
0x197: {  	s1 =	rddreg [dreg:$0x1];
	p0 =	sne.s32 s2, $0x0  }
0x198: {  	s3 =	rddreg [dreg:$0x2];
	[bflag:$0x3] =	sbarrier.arrive $0xFFFF;
	s2 =	simm.s32 @!p0 $0x1C15  }
0x199: {  	[timem:s3], [sflag:s2] =	dma.local @!p0 [hbm:s0], s1  }
0x19a: {  	s0 =	simm.s32 @!p0 $0x15  }
0x19b: {  	_ =	swait.ge @!p0 [sflag:s0], s1  }
0x19c: {  	s1 =	ssub.s32 @!p0 $0x0, s1;
	[sflag:s0] =	ssyncset.done @!p0 $0x0  }
0x19d: {  	[sflag:s0] =	ssyncadd.s32 @!p0 s1  }
0x19e: {  	[bflag:$0x3] =	sbarrier.arrive $0xFFFF  }
0x19f: {  	_ =	shalt  }

// kernel: kernel.14.cloned.1.call-start
scs
__scs_entry_jumppad:
0x0: {  	(pc) =	sbr.rel $0x88, $3  }
0x1: {  	(tag) =	ssettag $0x0;
	lr =	simm.s32 $0x1  }
0x2: {  	[smem:$0x3F89] =	sst lr;
	_ =	strace $0xD0000000  }
0x3: {  	_ = 	snop  }
0x4: {  	_ = 	snop  }
0x5: {  	_ = 	snop  }
0x6: {  	_ = 	snop  }
0x7: {  	_ = 	snop  }
__scs_overlays_trampoline_lowered:
0x8: {  	[smem:$0x3F98] =	sst s0  }
0x9: {  	[smem:$0x3F99] =	sst s1  }
0xa: {  	[smem:$0x3F9A] =	sst s2  }
0xb: {  	[smem:$0x3F9B] =	sst s3  }
0xc: {  	[smem:$0x3F9C] =	sst s4  }
0xd: {  	[smem:$0x3F9D] =	sst s5  }
0xe: {  	[smem:$0x3F9E] =	sst s6  }
0xf: {  	[smem:$0x3F9F] =	sst s7  }
0x10: {  	[smem:$0x3FA0] =	sst s8  }
0x11: {  	[smem:$0x3FA1] =	sst s9;
	s0 =	simm.s32 @!p0 $0x0  }
0x12: {  	s1 =	sld [smem:$0x3F87];
	s0 =	simm.s32 @p0 $0x1  }
0x13: {  	[smem:$0x3FA2] =	sst s0;
	s0 =	simm.s32 @!p1 $0x0  }
0x14: {  	s2 =	sld [smem:$0x3F86];
	s0 =	simm.s32 @p1 $0x1  }
0x15: {  	[smem:$0x3FA3] =	sst s0;
	s0 =	simm.s32 @!p2 $0x0  }
0x16: {  	s3 =	sld [smem:$0x3FDB];
	s0 =	simm.s32 @p2 $0x1  }
0x17: {  	s4 =	simm.s32 $0x1BF5;
	[smem:$0x3FA5] =	sst s0  }
0x18: {  	s0 =	sld [smem:$0x3F88];
	_ =	swait.ge [sflag:s4], $0x0  }
0x19: {  	s7 =	sld [smem:$0x3F89]  }
0x1a: {  	s8 =	sadd.s32 $0xFFFFE003, lr  }
0x1b: {  	s9 =	sadd.s32 $0xFFFFFEF7, lr;
	s5 =	simm.s32 $0xFFFFFFFF;
	p2 =	slt.u32 s8, $0xFFFFF086  }
0x1c: {  	p1 =	slt.u32 s9, $0xF7A;
	s5 =	simm.s32 @!p2 $0x0  }
0x1d: {  	s5 =	simm.s32 @p1 $0x1;
	p0 =	seq.s32 s7, s2  }
0x1e: {  	s7 =	smul.u32 @!p0 $0xF7A, s2;
	p2 =	seq.s32 @!p0 s5, $0x0  }
0x1f: {  	s9 =	smul.u32 $0xF7A, s1;
	s8 =	simm.s32 @!p0 $0x1BF5;
	p2 =	por !p2, p0  }
0x20: {  	[sflag:s8] =	ssyncset.s32 @!p0 $0xFFFFF086;
	s6 =	sadd.s32 @!p0 s3, s7;
	s7 =	simm.s32 @!p0 $0x108  }
0x21: {  	s3 =	sadd.s32 s3, s9;
	s6 =	sadd.s32 @!p0 $0x88, s6;
	s7 =	simm.s32 @p2 $0x1082  }
0x22: {  	[simem:s7], [sflag:s8] =	dma.local @!p0 [hbm:s6], $0xF7A  }
0x23: {  	s9 =	sor.u32 $0xD0000000, s2;
	s6 =	simm.s32 $0x108;
	_ =	swait.ge @!p0 [sflag:s8], $0x0  }
0x24: {  	s3 =	sadd.s32 $0x88, s3;
	s6 =	simm.s32 @!p1 $0x1082;
	[sflag:s4] =	ssyncset.s32 $0xFFFFF086  }
0x25: {  	[simem:s6], [sflag:s4] =	dma.local [hbm:s3], $0xF7A  }
0x26: {  	[smem:$0x3F89] =	sst s1;
	(tag) =	ssettag s2;
	_ =	strace s9  }
0x27: {  	s1 =	sld [smem:$0x3F99]  }
0x28: {  	s2 =	sld [smem:$0x3F9A]  }
0x29: {  	s4 =	sld [smem:$0x3F9C]  }
0x2a: {  	p0 =	seq.s32 s5, $0x0;
	s5 =	sld [smem:$0x3F9D]  }
0x2b: {  	s6 =	sld [smem:$0x3F9E]  }
0x2c: {  	s7 =	sld [smem:$0x3F9F]  }
0x2d: {  	s3 =	simm.s32 $0x108;
	s8 =	sld [smem:$0x3FA0]  }
0x2e: {  	s3 =	simm.s32 @!p0 $0x1082;
	s9 =	sld [smem:$0x3FA1]  }
0x2f: {  	lr =	sadd.s32 s0, s3;
	s0 =	sld [smem:$0x3F98]  }
0x30: {  	s3 =	sld [smem:$0x3F9B]  }
0x31: {  	[smem:$0x3FA4] =	sst s10  }
0x32: {  	s10 =	sld [smem:$0x3FA2];
	_ =	sdelay $0x3  }
0x33: {  	p0 =	seq.s32 s10, $0x1;
	s10 =	sld [smem:$0x3FA4];
	_ =	sdelay $0x3  }
0x34: {  	[smem:$0x3FA4] =	sst s10  }
0x35: {  	s10 =	sld [smem:$0x3FA3];
	_ =	sdelay $0x3  }
0x36: {  	p1 =	seq.s32 s10, $0x1;
	s10 =	sld [smem:$0x3FA4];
	_ =	sdelay $0x3  }
0x37: {  	[smem:$0x3FA4] =	sst s10  }
0x38: {  	s10 =	sld [smem:$0x3FA5]  }
0x39: {  	_ = 	snop;
	(pc) =	sbr.ind lr, $3  }
0x3a: {  	_ = 	snop  }
0x3b: {  	_ = 	snop  }
0x3c: {  	p2 =	seq.s32 s10, $0x1;
	s10 =	sld [smem:$0x3FA4]  }
0x3d: {  	_ =	shalt  }
0x3e: {  	_ =	shalt  }
0x3f: {  	_ =	shalt  }
0x40: {  	_ =	shalt  }
0x41: {  	_ =	shalt  }
0x42: {  	_ =	shalt  }
0x43: {  	_ =	shalt  }
0x44: {  	_ =	shalt  }
0x45: {  	_ =	shalt  }
0x46: {  	_ =	shalt  }
0x47: {  	_ =	shalt  }
0x48: {  	_ =	shalt  }
0x49: {  	_ =	shalt  }
0x4a: {  	_ =	shalt  }
0x4b: {  	_ =	shalt  }
0x4c: {  	_ =	shalt  }
0x4d: {  	_ =	shalt  }
0x4e: {  	_ =	shalt  }
0x4f: {  	_ =	shalt  }
0x50: {  	_ =	shalt  }
0x51: {  	_ =	shalt  }
0x52: {  	_ =	shalt  }
0x53: {  	_ =	shalt  }
0x54: {  	_ =	shalt  }
0x55: {  	_ =	shalt  }
0x56: {  	_ =	shalt  }
0x57: {  	_ =	shalt  }
0x58: {  	_ =	shalt  }
0x59: {  	_ =	shalt  }
0x5a: {  	_ =	shalt  }
0x5b: {  	_ =	shalt  }
0x5c: {  	_ =	shalt  }
0x5d: {  	_ =	shalt  }
0x5e: {  	_ =	shalt  }
0x5f: {  	_ =	shalt  }
0x60: {  	_ =	shalt  }
0x61: {  	_ =	shalt  }
0x62: {  	_ =	shalt  }
0x63: {  	_ =	shalt  }
0x64: {  	_ =	shalt  }
0x65: {  	_ =	shalt  }
0x66: {  	_ =	shalt  }
0x67: {  	_ =	shalt  }
0x68: {  	_ =	shalt  }
0x69: {  	_ =	shalt  }
0x6a: {  	_ =	shalt  }
0x6b: {  	_ =	shalt  }
0x6c: {  	_ =	shalt  }
0x6d: {  	_ =	shalt  }
0x6e: {  	_ =	shalt  }
0x6f: {  	_ =	shalt  }
0x70: {  	_ =	shalt  }
0x71: {  	_ =	shalt  }
0x72: {  	_ =	shalt  }
0x73: {  	_ =	shalt  }
0x74: {  	_ =	shalt  }
0x75: {  	_ =	shalt  }
0x76: {  	_ =	shalt  }
0x77: {  	_ =	shalt  }
0x78: {  	_ =	shalt  }
0x79: {  	_ =	shalt  }
0x7a: {  	_ =	shalt  }
0x7b: {  	_ =	shalt  }
0x7c: {  	_ =	shalt  }
0x7d: {  	_ =	shalt  }
0x7e: {  	_ =	shalt  }
0x7f: {  	_ =	shalt  }
0x80: {  	_ =	shalt  }
0x81: {  	_ =	shalt  }
0x82: {  	_ =	shalt  }
0x83: {  	_ =	shalt  }
0x84: {  	_ =	shalt  }
0x85: {  	_ =	shalt  }
0x86: {  	_ =	shalt  }
0x87: {  	_ =	shalt  }
.Lfunc_end0:
.L_simem_size_0:
called_computation.1_lowered:
.L_overlay_start_0:
0x88: {  	s2 =	sld [smem:$0x3FD9]  }
0x89: {  	s3 =	sld [smem:$0x3FFE];
	_ =	sdelay $0x1  }
0x8a: {  	s1 =	srdreg.scid  }
0x8b: {  	s0 =	sand.u32 $0x1, s1  }
0x8c: {  	s17 =	sshll.u32 s0, $0xA;
	s2 =	sadd.s32 s3, s2  }
0x8d: {  	s2 =	sadd.s32 s2, s17  }
0x8e: {  	[smem:$0x3FB0] =	sst s2  }
0x8f: {  	_ = 	snop  }
0x90: {  	s2 =	sld [smem:$0x3FD0];
	(tm) =	ssettm $0x1  }
0x91: {  	s18 =	sld [smem:$0x3FFB];
	_ =	sdelay $0x3  }
0x92: {  	_ =	strace s18  }
0x93: {  	s3 =	sld [smem:$0x3FFC];
	_ =	sdelay $0x3  }
0x94: {  	_ =	strace s3  }
0x95: {  	s3 =	sld [smem:$0x3FFD];
	_ =	sdelay $0x3  }
0x96: {  	_ =	strace s3  }
0x97: {  	_ =	strace $0x8FFFFFFF  }
0x98: {  	s19 =	sld [smem:$0x3FDB];
	_ =	sdelay $0x1  }
0x99: {  	s4 =	simm.s32 $_scs_section_size  }
0x9a: {  	s5 =	simm.s32 $_size__tile_overlayer_lowered;
	s6 =	simm.s32 $_tile_overlayer_lowered  }
0x9b: {  	s22 =	simm.s32 $0x1BFF;
	s21 =	sshll.u32 s6, $0x1;
	s3 =	sadd.s32 s4, s19  }
0x9c: {  	s7 =	simm.s32 $0x0;
	s20 =	sshll.u32 s5, $0x1;
	s5 =	sadd.s32 s21, s3  }
0x9d: {  	[timem:s7], [sflag:s22] =	dma.local [hbm:s5], s20  }
0x9e: {  	_ =	swait.ge [sflag:s22], s20  }
0x9f: {  	s4 =	ssub.s32 $0x0, s20;
	[sflag:s22] =	ssyncset.done $0x0  }
0xa0: {  	[sflag:s22] =	ssyncadd.s32 s4;
	_ =	sdelay $0x1  }
0xa1: {  	s23 =	simm.s32 $0x1B8B  }
0xa2: {  	_ =	swait.ge [sflag:s23], $0x1  }
0xa3: {  	[sflag:s23] =	ssyncset.done $0x0  }
0xa4: {  	s25 =	simm.s32 $0x1B8E;
	s24 =	sld [smem:$0x3FFE];
	[sflag:s23] =	ssyncadd.s32 $0xFFFFFFFF  }
0xa5: {  	s26 =	simm.s32 $execute0_lowered;
	[smem:$0x3FD2] =	sst s25  }
0xa6: {  	s5 =	sshll.u32 s26, $0x1;
	_ =	strace $0x80000049;
	[dreg:$0x1] =	wrdreg $0xFFFFFFFF  }
0xa7: {  	s28 =	simm.s32 $_size_execute0_lowered;
	s3 =	sadd.s32 s3, s5;
	[dreg:$0x0] =	wrdreg $0x0  }
0xa8: {  	s5 =	sshll.u32 s28, $0x1;
	[dreg:$0x2] =	wrdreg s3  }
0xa9: {  	[dreg:$0x3] =	wrdreg s5  }
0xaa: {  	[dreg:$0x4] =	wrdreg $0xC0  }
0xab: {  	_ =	task [dreg:s7], $0x5FFFF  }
0xac: {  	[dreg:$0x1] =	wrdreg $0xFFFFFFFF  }
0xad: {  	[dreg:$0x0] =	wrdreg $0x60  }
0xae: {  	[dreg:$0x2] =	wrdreg s24  }
0xaf: {  	[dreg:$0x3] =	wrdreg s2  }
0xb0: {  	[dreg:$0x4] =	wrdreg $0xA4000  }
0xb1: {  	[dreg:$0x5] =	wrdreg $0x9  }
0xb2: {  	_ =	task.clear_ibuf [dreg:s7], $0x6FFFF;
	_ =	strace $0x90000049  }
0xb3: {  	s29 =	simm.s32 $0x9;
	_ =	strace $0x8000004B  }
0xb4: {  	_ =	swait.ge [sflag:s29], $0x1  }
0xb5: {  	[sflag:s29] =	ssyncadd.s32 $0xFFFFFFFF  }
0xb6: {  	_ =	strace $0x9000004B  }
0xb7: {  	_ =	sfence  }
0xb8: {  	s30 =	sld [smem:$0x0];
	_ =	sdelay $0x2  }
0xb9: {  	s31 =	sshll.u32 s1, $0xD;
	s1 =	sshrl.u32 s1, $0x2  }
0xba: {  	s3 =	sand.u32 $0x4000, s31;
	s1 =	sadd.s32 s1, s30  }
0xbb: {  	s0 =	sor.u32 s3, s0;
	s1 =	sshll.u32 s1, $0x11  }
0xbc: {  	s0 =	sor.u32 s1, s0  }
0xbd: {  	s0 =	sadd.s32 $0x8F2B, s0  }
0xbe: {  	[sflag:s0] =	ssyncadd.remote.s32 $0x1  }
0xbf: {  	_ =	sfence.sel $0xFFFF  }
0xc0: {  	[dreg:$0x0] =	wrdreg $0xFFFFFFFF;
	(pc) =	sbr.abs _section_cstart, $3  }
0xc1: {  	[dreg:$0x1] =	wrdreg $0xFFFFFFFF  }
0xc2: {  	_ =	task.clear_ibuf [dreg:s7], $0x2FFFF;
	_ =	strace $0x9FFFFFFF  }
0xc3: {  	(tm) =	ssettm $0x7FFFFFFF  }
tec
execute0_lowered:
.L_overlay_start_1:
0x0: {  	(tag) =	ssettag $0x1  }
0x1: {  	s0 =	rddreg [dreg:$0x0]  }
0x2: {  	s2 =	rddreg [dreg:$0x1]  }
0x3: {  	s1 =	rddreg [dreg:$0x2]  }
0x4: {  	s3 =	simm.s32 $0x0;
	s15 =	stileid.u32;
	s14 =	srdreg.scid  }
0x5: {  	s31 =	simm.s32 $0x12;
	s29 =	simm.s32 $0x8;
	s30 =	simm.s32 $0x10  }
0x6: {  	[smem:$0x7FF] =	sst s3;
	s4 =	sadd.s32 $0x2D000, s0;
	s5 =	sadd.s32 $0xF27800, s0  }
0x7: {  	s10 =	smul.u32 $0x13C00, s15;
	s3 =	sand.u32 $0x1, s14;
	s6 =	sadd.s32 $0x4E7800, s0  }
0x8: {  	s23 =	smul.u32 $0x4F000, s15;
	_ =	strace $0x8000004A;
	s7 =	ssub.s32 $0x2, s3  }
0x9: {  	s8 =	sshll.u32 s3, $0x4;
	s20 =	smul.u32 $0x13C000, s3;
	s9 =	sshrl.u32 s10, $0x3  }
0xa: {  	s11 =	sshrl.u32 s7, $0x1;
	s12 =	sor.u32 s15, s8;
	s8 =	sadd.s32 $0x4E7810, s0  }
0xb: {  	s3 =	sshrl.u32 s23, $0x2;
	s15 =	simm.s32 $0xF;
	s23 =	simm.s32 $0x13  }
0xc: {  	s13 =	sadd.s32 s9, s0;
	s11 =	ssub.s32 s7, s11;
	s7 =	smul.u32 $0x2800, s12  }
0xd: {  	s14 =	sshll.u32 s12, $0xD;
	s16 =	smul.u32 $0x28000, s12;
	s3 =	sadd.s32 s3, s1  }
0xe: {  	s17 =	sadd.s32 s6, s14;
	s14 =	sadd.s32 s14, s8;
	[dreg:$0xd] =	wrdreg s3  }
0xf: {  	s9 =	sshll.u32 s12, $0x10;
	s0 =	sadd.s32 s10, s20;
	[dreg:$0x5] =	wrdreg s14  }
0x10: {  	s20 =	simm.s32 $0x11;
	s26 =	sadd.s32 $0x5800, s13;
	[dreg:$0x4] =	wrdreg s17  }
0x11: {  	s10 =	simm.s32 $0x6;
	s28 =	smax.u32 s11, $0x1;
	[dreg:$0xe] =	wrdreg s26  }
0x12: {  	s0 =	sshrl.u32 s0, $0x3;
	s19 =	sadd.s32 $0x20, s17;
	[dreg:$0x10] =	wrdreg s28  }
0x13: {  	s11 =	simm.s32 $0xB;
	s21 =	sadd.s32 $0x30, s17;
	[dreg:$0x7] =	wrdreg s19  }
0x14: {  	s3 =	simm.s32 $0x7;
	s24 =	sadd.s32 $0x40, s17;
	[dreg:$0x8] =	wrdreg s21  }
0x15: {  	s13 =	simm.s32 $0x0;
	s12 =	sadd.s32 $0x50, s17;
	[dreg:$0xa] =	wrdreg s24  }
0x16: {  	s18 =	sadd.s32 s5, s16;
	s0 =	sadd.s32 s2, s0;
	[dreg:$0xb] =	wrdreg s12  }
0x17: {  	s26 =	simm.s32 $0xC;
	s22 =	sadd.s32 $0x280, s18;
	[dreg:$0x6] =	wrdreg s18  }
0x18: {  	s25 =	sadd.s32 $0x500, s18;
	[dreg:$0xf] =	wrdreg s0;
	s24 =	simm.s32 $0x28  }
0x19: {  	s18 =	simm.s32 $0x5;
	s19 =	simm.s32 $0xD;
	s21 =	simm.s32 $0x4  }
0x1a: {  	s12 =	simm.s32 $0xA;
	s0 =	simm.s32 $0xE;
	[dreg:$0x9] =	wrdreg s22  }
0x1b: {  	[dreg:$0xc] =	wrdreg s25;
	s22 =	simm.s32 $0x15;
	s25 =	simm.s32 $0x180  }
.LBB2_1:
0x1c: {  	s2 =	simm.s32 $0x0;
	s16 =	rddreg [dreg:$0x4]  }
0x1d: {  	[tilespmem:s2], [sflag:$0x1] =	stream.linear.gather [hbm4b:s16+s2], $0x80, $0x38;
	[tilespmem:$0x1E000] =	vst v63  }
0x1e: {  	s17 =	rddreg [dreg:$0x5];
	s14 =	simm.s32 $0x200  }
0x1f: {  	[tilespmem:s14], [sflag:$0x5] =	stream.linear.gather [hbm4b:s17+s2], $0x80, $0x38;
	[tilespmem:$0x1E000] =	vst v63  }
0x20: {  	s16 =	rddreg [dreg:$0x6];
	s17 =	simm.s32 $0x5400  }
0x21: {  	[tilespmem:s17], [sflag:$0x9] =	stream.linear.gather [hbm4b:s16+s2], $0x1400, $0x38;
	[tilespmem:$0x1E000] =	vst v63  }
0x22: {  	s14 =	simm.s32 $0x80;
	s16 =	rddreg [dreg:$0x7]  }
0x23: {  	[tilespmem:s14], [sflag:$0x2] =	stream.linear.gather [hbm4b:s16+s2], $0x80, $0x38;
	[tilespmem:$0x1E000] =	vst v63  }
0x24: {  	s17 =	rddreg [dreg:$0x8];
	s16 =	simm.s32 $0x280  }
0x25: {  	[tilespmem:s16], [sflag:$0x6] =	stream.linear.gather [hbm4b:s17+s2], $0x80, $0x38;
	[tilespmem:$0x1E000] =	vst v63  }
0x26: {  	s16 =	rddreg [dreg:$0x9];
	s17 =	simm.s32 $0x6800  }
0x27: {  	[tilespmem:s17], [sflag:$0xA] =	stream.linear.gather [hbm4b:s16+s2], $0x1400, $0x38;
	[tilespmem:$0x1E000] =	vst v63  }
0x28: {  	s16 =	rddreg [dreg:$0xa];
	s17 =	simm.s32 $0x100  }
0x29: {  	[tilespmem:s17], [sflag:$0x3] =	stream.linear.gather [hbm4b:s16+s2], $0x80, $0x38;
	[tilespmem:$0x1E000] =	vst v63  }
0x2a: {  	s16 =	rddreg [dreg:$0xb];
	s17 =	simm.s32 $0x300  }
0x2b: {  	[tilespmem:s17], [sflag:$0x7] =	stream.linear.gather [hbm4b:s16+s2], $0x80, $0x38;
	[tilespmem:$0x1E000] =	vst v63  }
0x2c: {  	s16 =	rddreg [dreg:$0xc];
	s17 =	simm.s32 $0x7C00  }
0x2d: {  	[tilespmem:s17], [sflag:$0xB] =	stream.linear.gather [hbm4b:s16+s2], $0x1400, $0x38;
	[tilespmem:$0x1E000] =	vst v63  }
0x2e: {  	[dreg:$0x11] =	wrdreg s13;
	s16 =	simm.s32 $0x1  }
0x2f: {  	_ =	swait.ge [sflag:s16], $0x80  }
0x30: {  	s13 =	stileid.u32;
	[sflag:s16] =	ssyncset.done $0x0  }
0x31: {  	s17 =	simm.s32 $0x400;
	[sflag:s16] =	ssyncadd.s32 $0xFFFFFF80;
	s16 =	simm.s32 $0x2  }
0x32: {  	[tilespmem:s17], [sflag:$0xD] =	stream.indirect.gather [hbm4b:s4+s24], $0x80, s2, s24, $0xb8;
	[tilespmem:$0x1E000] =	vst v63  }
0x33: {  	s2 =	sshll.u32 s13, $0x6;
	_ =	swait.ge [sflag:s16], $0x80  }
0x34: {  	s13 =	sor.u32 $0x1C15, s2;
	[sflag:s16] =	ssyncset.done $0x0  }
0x35: {  	s17 =	simm.s32 $0x1800;
	[dreg:$0x12] =	wrdreg s13;
	[sflag:s16] =	ssyncadd.s32 $0xFFFFFF80  }
0x36: {  	[tilespmem:s17], [sflag:$0xE] =	stream.indirect.gather [hbm4b:s4+s24], $0x80, s14, s24, $0xb8;
	[tilespmem:$0x1E000] =	vst v63  }
0x37: {  	s14 =	rddreg [dreg:$0xd]  }
0x38: {  	s17 =	rddreg [dreg:$0xe];
	s16 =	sshrl.u32 s14, $0x3  }
0x39: {  	[dreg:$0x13] =	wrdreg s16  }
0x3a: {  	[spmem:s16], [sflag:s13] =	dma.local [hbm:s17], $0x2780  }
0x3b: {  	_ =	swait.ge [sflag:s22], $0x2780  }
0x3c: {  	[sflag:s22] =	ssyncset.done $0x0  }
0x3d: {  	[sflag:s22] =	ssyncadd.s32 $0xFFFFD880  }
0x3e: {  	s28 =	simm.s32 $0x0;
	s17 =	simm.s32 $0x380;
	[bflag:$0x0] =	sbarrier.arrive $0xFFFF  }
.LBB2_2:
0x3f: {  	s2 =	sshll.u32 s28, $0x2  }
0x40: {  	p0 =	seq.s32 s28, $0x0;
	s13 =	sor.u32 $0x3, s2  }
0x41: {  	s14 =	simm.s32 @!p0 $0x14;
	s16 =	sshll.u32 s13, $0x8  }
0x42: {  	_ =	swait.ge @!p0 [sflag:s14], $0x1400;
	s13 =	smul.u32 $0x28, s13;
	s16 =	sadd.s32 s9, s16  }
0x43: {  	s22 =	simm.s32 $0x0;
	[sflag:s14] =	ssyncset.done @!p0 $0x0;
	s16 =	sshrl.u32 s16, $0x3  }
0x44: {  	[sflag:s14] =	ssyncadd.s32 @!p0 $0xFFFFEC00;
	s13 =	sadd.s32 s7, s13;
	s14 =	sadd.s32 s6, s16  }
0x45: {  	[tilespmem:s25], [sflag:$0x4] =	stream.linear.gather [hbm4b:s14+s22], $0x80, $0x38;
	[tilespmem:$0x1E000] =	vst v63  }
0x46: {  	s16 =	sadd.s32 s16, s8;
	s13 =	sshll.u32 s13, $0x4  }
0x47: {  	[tilespmem:s17], [sflag:$0x8] =	stream.linear.gather [hbm4b:s16+s22], $0x80, $0x38;
	[tilespmem:$0x1E000] =	vst v63  }
0x48: {  	s13 =	sadd.s32 s5, s13;
	s14 =	simm.s32 $0x3;
	s17 =	simm.s32 $0x9000  }
0x49: {  	[tilespmem:s17], [sflag:$0xC] =	stream.linear.gather [hbm4b:s13+s22], $0x1400, $0x38;
	[tilespmem:$0x1E000] =	vst v63  }
0x4a: {  	_ =	swait.ge [sflag:s14], $0x80  }
0x4b: {  	s16 =	simm.s32 $0x100;
	[sflag:s14] =	ssyncset.done $0x0  }
0x4c: {  	s17 =	simm.s32 $0x2C00;
	s22 =	simm.s32 $0x9;
	[sflag:s14] =	ssyncadd.s32 $0xFFFFFF80  }
0x4d: {  	[tilespmem:s17], [sflag:$0xF] =	stream.indirect.gather [hbm4b:s4+s24], $0x80, s16, s24, $0xb8;
	[tilespmem:$0x1E000] =	vst v63  }
0x4e: {  	_ =	swait.ge [sflag:s22], $0x1400  }
0x4f: {  	[sflag:s22] =	ssyncset.done $0x0  }
0x50: {  	[sflag:s22] =	ssyncadd.s32 $0xFFFFEC00  }
0x51: {  	_ =	swait.ge [sflag:s18], $0x80  }
0x52: {  	[sflag:s18] =	ssyncset.done $0x0  }
0x53: {  	[sflag:s18] =	ssyncadd.s32 $0xFFFFFF80  }
0x54: {  	_ =	swait.ge [sflag:s19], $0x1400  }
0x55: {  	[sflag:s19] =	ssyncset.done $0x0  }
0x56: {  	s13 =	simm.s32 $0x0;
	[sflag:s19] =	ssyncadd.s32 $0xFFFFEC00  }
0x57: {  	v0 =	vld [tilespmem:s13+$0x470]  }
0x58: {  	v1 =	vld [tilespmem:s13+$0x5470]  }
0x59: {  	v2 =	vld [tilespmem:s13+$0x400]  }
0x5a: {  	v3 =	vld [tilespmem:s13+$0x5400]  }
0x5b: {  	v4 =	vld [tilespmem:s13+$0x410]  }
0x5c: {  	v5 =	vld [tilespmem:s13+$0x5410]  }
0x5d: {  	v6 =	vld [tilespmem:s13+$0x420]  }
0x5e: {  	v7 =	vld [tilespmem:s13+$0x430];
	v0 =	vadd.f32 v1, v0  }
0x5f: {  	v1 =	vld [tilespmem:s13+$0x5420];
	v2 =	vadd.f32 v3, v2  }
0x60: {  	v3 =	vld [tilespmem:s13+$0x5430];
	v0 =	vmax.f32 v0, $0.0e+00  }
0x61: {  	v8 =	vld [tilespmem:s13+$0x440];
	[tilespmem:s13+$0x470] =	vst v0;
	v0 =	vmax.f32 v2, $0.0e+00;
	v2 =	vadd.f32 v5, v4  }
0x62: {  	v4 =	vld [tilespmem:s13+$0x5440]  }
0x63: {  	[tilespmem:s13+$0x400] =	vst v0;
	v0 =	vld [tilespmem:s13+$0x450];
	v2 =	vmax.f32 v2, $0.0e+00  }
0x64: {  	v1 =	vadd.f32 v1, v6;
	[tilespmem:s13+$0x410] =	vst v2;
	v2 =	vld [tilespmem:s13+$0x5450]  }
0x65: {  	v7 =	vadd.f32 v3, v7;
	v3 =	vld [tilespmem:s13+$0x5460]  }
0x66: {  	s14 =	simm.s32 $0x80;
	v5 =	vmax.f32 v1, $0.0e+00;
	v1 =	vld [tilespmem:s13+$0x460]  }
0x67: {  	s16 =	simm.s32 $0x400;
	v6 =	vld [tilespmem:s14+$0x470];
	[tilespmem:s13+$0x420] =	vst v5;
	v5 =	vmax.f32 v7, $0.0e+00;
	v4 =	vadd.f32 v4, v8  }
.LBB2_3:
0x68: {  	p0 =	sne.s32 s16, $0x4E00;
	v7 =	vld [tilespmem:s14+$0x5470];
	[tilespmem:s13+$0x430] =	vst v5  }
0x69: {  	v5 =	vld [tilespmem:s14+$0x400];
	v4 =	vmax.f32 v4, $0.0e+00;
	v0 =	vadd.f32 v2, v0  }
0x6a: {  	v2 =	vld [tilespmem:s14+$0x5400];
	[tilespmem:s13+$0x440] =	vst v4  }
0x6b: {  	v4 =	vld [tilespmem:s14+$0x410];
	v0 =	vmax.f32 v0, $0.0e+00;
	v1 =	vadd.f32 v3, v1  }
0x6c: {  	v3 =	vld [tilespmem:s14+$0x5410];
	[tilespmem:s13+$0x450] =	vst v0  }
0x6d: {  	v0 =	vld [tilespmem:s14+$0x420];
	v6 =	vadd.f32 v7, v6;
	v1 =	vmax.f32 v1, $0.0e+00  }
0x6e: {  	v7 =	vld [tilespmem:s14+$0x5420];
	[tilespmem:s13+$0x460] =	vst v1;
	s13 =	smov.u32 s14  }
0x6f: {  	v1 =	vadd.f32 v2, v5;
	v5 =	vld [tilespmem:s13+$0x430];
	v2 =	vmax.f32 v6, $0.0e+00  }
0x70: {  	v6 =	vld [tilespmem:s13+$0x5430];
	[tilespmem:s13+$0x470] =	vst v2  }
0x71: {  	v1 =	vmax.f32 v1, $0.0e+00;
	v2 =	vadd.f32 v3, v4;
	v4 =	vld [tilespmem:s13+$0x440]  }
0x72: {  	[tilespmem:s13+$0x400] =	vst v1;
	v8 =	vld [tilespmem:s13+$0x5440]  }
.Ltmp0:
0x73: {  	v1 =	vmax.f32 v2, $0.0e+00;
	v3 =	vadd.f32 v7, v0;
	v0 =	vld [tilespmem:s13+$0x450];
	(pc) =	sbr.rel @p0 .LBB2_3-.Ltmp0, $4  }
0x74: {  	[tilespmem:s13+$0x410] =	vst v1;
	v2 =	vld [tilespmem:s13+$0x5450]  }
0x75: {  	v3 =	vmax.f32 v3, $0.0e+00;
	v5 =	vadd.f32 v6, v5;
	v1 =	vld [tilespmem:s13+$0x460]  }
0x76: {  	s14 =	sshra.s32 s16, $0x2;
	[tilespmem:s13+$0x420] =	vst v3;
	v3 =	vld [tilespmem:s13+$0x5460]  }
0x77: {  	s16 =	sadd.s32 $0x200, s16;
	v6 =	vld [tilespmem:s14+$0x470];
	v5 =	vmax.f32 v5, $0.0e+00;
	v4 =	vadd.f32 v8, v4  }
0x78: {  	v7 =	vld [tilespmem:s14+$0x5470]  }
0x79: {  	v8 =	vld [tilespmem:s14+$0x400]  }
0x7a: {  	v9 =	vld [tilespmem:s14+$0x5400]  }
0x7b: {  	v10 =	vld [tilespmem:s14+$0x410]  }
0x7c: {  	v11 =	vld [tilespmem:s14+$0x5410]  }
0x7d: {  	v12 =	vld [tilespmem:s14+$0x420]  }
0x7e: {  	v13 =	vld [tilespmem:s14+$0x430]  }
0x7f: {  	v60 =	vld [tilespmem:s14+$0x5430]  }
0x80: {  	v61 =	vld [tilespmem:s14+$0x450];
	v6 =	vadd.f32 v7, v6  }
0x81: {  	v62 =	vld [tilespmem:s14+$0x5450];
	v8 =	vadd.f32 v9, v8  }
0x82: {  	v7 =	vld [tilespmem:s14+$0x5420];
	v6 =	vmax.f32 v6, $0.0e+00  }
0x83: {  	[tilespmem:s14+$0x470] =	vst v6;
	v6 =	vmax.f32 v8, $0.0e+00;
	v8 =	vld [tilespmem:s14+$0x440]  }
0x84: {  	v0 =	vadd.f32 v2, v0;
	[tilespmem:s14+$0x400] =	vst v6;
	v6 =	vld [tilespmem:s14+$0x5440]  }
0x85: {  	v63 =	vld [tilespmem:s14+$0x460];
	[tilespmem:s13+$0x430] =	vst v5;
	v1 =	vadd.f32 v3, v1;
	v3 =	vmax.f32 v4, $0.0e+00  }
0x86: {  	v2 =	vld [tilespmem:s14+$0x5460];
	v0 =	vmax.f32 v0, $0.0e+00;
	[tilespmem:s13+$0x440] =	vst v3;
	v10 =	vadd.f32 v11, v10  }
0x87: {  	[tilespmem:s13+$0x450] =	vst v0;
	v3 =	vadd.f32 v60, v13;
	v0 =	vmax.f32 v1, $0.0e+00  }
0x88: {  	[tilespmem:s13+$0x460] =	vst v0;
	v10 =	vmax.f32 v10, $0.0e+00;
	v7 =	vadd.f32 v7, v12  }
0x89: {  	v0 =	vmax.f32 v3, $0.0e+00;
	[tilespmem:s14+$0x410] =	vst v10;
	v1 =	vadd.f32 v6, v8  }
0x8a: {  	v3 =	vadd.f32 v62, v61;
	[tilespmem:s14+$0x430] =	vst v0;
	v7 =	vmax.f32 v7, $0.0e+00  }
0x8b: {  	[tilespmem:s14+$0x420] =	vst v7;
	v0 =	vmax.f32 v1, $0.0e+00;
	v1 =	vadd.f32 v2, v63  }
0x8c: {  	p0 =	seq.s32 s28, $0x3F;
	[tilespmem:s14+$0x440] =	vst v0;
	v0 =	vmax.f32 v3, $0.0e+00  }
0x8d: {  	s13 =	sadd.s32 @!p0 $0x4, s2;
	[tilespmem:s14+$0x450] =	vst v0;
	v0 =	vmax.f32 v1, $0.0e+00  }
0x8e: {  	s16 =	simm.s32 $0x200;
	s17 =	simm.s32 $0x400;
	[tilespmem:s14+$0x460] =	vst v0;
	s14 =	sshll.u32 @!p0 s13, $0x8  }
0x8f: {  	[spmem:s1] =	stream.indirect.scatter.add.f32 [tilespmem:s17], [sflag:$0x11], $0x80, s16, s24, $0xb8;
	[tilespmem:$0x1E000] =	vst v63  }
0x90: {  	s13 =	smul.u32 @!p0 $0x28, s13;
	s14 =	sadd.s32 @!p0 s9, s14;
	_ =	swait.ge [sflag:s20], $0x1400  }
0x91: {  	s22 =	simm.s32 @!p0 $0x0;
	s14 =	sshrl.u32 @!p0 s14, $0x3;
	[sflag:s20] =	ssyncset.done $0x0  }
0x92: {  	s13 =	sadd.s32 @!p0 s7, s13;
	s16 =	sadd.s32 @!p0 s6, s14;
	[sflag:s20] =	ssyncadd.s32 $0xFFFFEC00  }
0x93: {  	[tilespmem:s22], [sflag:$0x1] =	stream.linear.gather @!p0 [hbm4b:s16+s22], $0x80, $0x38;
	[tilespmem:$0x1E000] =	vst v63  }
0x94: {  	s14 =	sadd.s32 @!p0 s14, s8;
	s13 =	sshll.u32 @!p0 s13, $0x4;
	s16 =	simm.s32 @!p0 $0x200  }
0x95: {  	[tilespmem:s16], [sflag:$0x5] =	stream.linear.gather @!p0 [hbm4b:s14+s22], $0x80, $0x38;
	[tilespmem:$0x1E000] =	vst v63  }
0x96: {  	s13 =	sadd.s32 @!p0 s5, s13;
	s14 =	simm.s32 @!p0 $0x5400  }
0x97: {  	[tilespmem:s14], [sflag:$0x9] =	stream.linear.gather @!p0 [hbm4b:s13+s22], $0x1400, $0x38;
	[tilespmem:$0x1E000] =	vst v63  }
0x98: {  	_ =	swait.ge [sflag:s21], $0x80  }
0x99: {  	[sflag:s21] =	ssyncset.done $0x0  }
0x9a: {  	s22 =	simm.s32 $0x4000;
	[sflag:s21] =	ssyncadd.s32 $0xFFFFFF80  }
0x9b: {  	[tilespmem:s22], [sflag:$0x10] =	stream.indirect.gather [hbm4b:s4+s24], $0x80, s25, s24, $0xb8;
	[tilespmem:$0x1E000] =	vst v63  }
0x9c: {  	_ =	swait.ge [sflag:s12], $0x1400  }
0x9d: {  	[sflag:s12] =	ssyncset.done $0x0  }
0x9e: {  	[sflag:s12] =	ssyncadd.s32 $0xFFFFEC00  }
0x9f: {  	_ =	swait.ge [sflag:s10], $0x80  }
0xa0: {  	[sflag:s10] =	ssyncset.done $0x0  }
0xa1: {  	[sflag:s10] =	ssyncadd.s32 $0xFFFFFF80  }
0xa2: {  	_ =	swait.ge [sflag:s0], $0x1400  }
0xa3: {  	[sflag:s0] =	ssyncset.done $0x0  }
0xa4: {  	s13 =	simm.s32 $0x0;
	[sflag:s0] =	ssyncadd.s32 $0xFFFFEC00  }
0xa5: {  	v0 =	vld [tilespmem:s13+$0x1870]  }
0xa6: {  	v1 =	vld [tilespmem:s13+$0x6870]  }
0xa7: {  	v2 =	vld [tilespmem:s13+$0x1800]  }
0xa8: {  	v3 =	vld [tilespmem:s13+$0x6800]  }
0xa9: {  	v4 =	vld [tilespmem:s13+$0x1810]  }
0xaa: {  	v5 =	vld [tilespmem:s13+$0x6810]  }
0xab: {  	v6 =	vld [tilespmem:s13+$0x1820]  }
0xac: {  	v7 =	vld [tilespmem:s13+$0x1830];
	v0 =	vadd.f32 v1, v0  }
0xad: {  	v1 =	vld [tilespmem:s13+$0x6820];
	v2 =	vadd.f32 v3, v2  }
0xae: {  	v3 =	vld [tilespmem:s13+$0x6830];
	v0 =	vmax.f32 v0, $0.0e+00  }
0xaf: {  	v8 =	vld [tilespmem:s13+$0x1840];
	[tilespmem:s13+$0x1870] =	vst v0;
	v0 =	vmax.f32 v2, $0.0e+00;
	v2 =	vadd.f32 v5, v4  }
0xb0: {  	v4 =	vld [tilespmem:s13+$0x6840]  }
0xb1: {  	[tilespmem:s13+$0x1800] =	vst v0;
	v0 =	vld [tilespmem:s13+$0x1850];
	v2 =	vmax.f32 v2, $0.0e+00  }
0xb2: {  	v1 =	vadd.f32 v1, v6;
	[tilespmem:s13+$0x1810] =	vst v2;
	v2 =	vld [tilespmem:s13+$0x6850]  }
0xb3: {  	v7 =	vadd.f32 v3, v7;
	v3 =	vld [tilespmem:s13+$0x6860]  }
0xb4: {  	s14 =	simm.s32 $0x80;
	v5 =	vmax.f32 v1, $0.0e+00;
	v1 =	vld [tilespmem:s13+$0x1860]  }
0xb5: {  	s16 =	simm.s32 $0x400;
	v6 =	vld [tilespmem:s14+$0x1870];
	[tilespmem:s13+$0x1820] =	vst v5;
	v5 =	vmax.f32 v7, $0.0e+00;
	v4 =	vadd.f32 v4, v8  }
.LBB2_5:
0xb6: {  	p1 =	sne.s32 s16, $0x4E00;
	v7 =	vld [tilespmem:s14+$0x6870];
	[tilespmem:s13+$0x1830] =	vst v5  }
0xb7: {  	v5 =	vld [tilespmem:s14+$0x1800];
	v4 =	vmax.f32 v4, $0.0e+00;
	v0 =	vadd.f32 v2, v0  }
0xb8: {  	v2 =	vld [tilespmem:s14+$0x6800];
	[tilespmem:s13+$0x1840] =	vst v4  }
0xb9: {  	v4 =	vld [tilespmem:s14+$0x1810];
	v0 =	vmax.f32 v0, $0.0e+00;
	v1 =	vadd.f32 v3, v1  }
0xba: {  	v3 =	vld [tilespmem:s14+$0x6810];
	[tilespmem:s13+$0x1850] =	vst v0  }
0xbb: {  	v0 =	vld [tilespmem:s14+$0x1820];
	v6 =	vadd.f32 v7, v6;
	v1 =	vmax.f32 v1, $0.0e+00  }
0xbc: {  	v7 =	vld [tilespmem:s14+$0x6820];
	[tilespmem:s13+$0x1860] =	vst v1;
	s13 =	smov.u32 s14  }
0xbd: {  	v1 =	vadd.f32 v2, v5;
	v5 =	vld [tilespmem:s13+$0x1830];
	v2 =	vmax.f32 v6, $0.0e+00  }
0xbe: {  	v6 =	vld [tilespmem:s13+$0x6830];
	[tilespmem:s13+$0x1870] =	vst v2  }
0xbf: {  	v1 =	vmax.f32 v1, $0.0e+00;
	v2 =	vadd.f32 v3, v4;
	v4 =	vld [tilespmem:s13+$0x1840]  }
0xc0: {  	[tilespmem:s13+$0x1800] =	vst v1;
	v8 =	vld [tilespmem:s13+$0x6840]  }
.Ltmp1:
0xc1: {  	v1 =	vmax.f32 v2, $0.0e+00;
	v3 =	vadd.f32 v7, v0;
	v0 =	vld [tilespmem:s13+$0x1850];
	(pc) =	sbr.rel @p1 .LBB2_5-.Ltmp1, $4  }
0xc2: {  	[tilespmem:s13+$0x1810] =	vst v1;
	v2 =	vld [tilespmem:s13+$0x6850]  }
0xc3: {  	v3 =	vmax.f32 v3, $0.0e+00;
	v5 =	vadd.f32 v6, v5;
	v1 =	vld [tilespmem:s13+$0x1860]  }
0xc4: {  	s14 =	sshra.s32 s16, $0x2;
	[tilespmem:s13+$0x1820] =	vst v3;
	v3 =	vld [tilespmem:s13+$0x6860]  }
0xc5: {  	s16 =	sadd.s32 $0x200, s16;
	v6 =	vld [tilespmem:s14+$0x1870];
	v5 =	vmax.f32 v5, $0.0e+00;
	v4 =	vadd.f32 v8, v4  }
0xc6: {  	v7 =	vld [tilespmem:s14+$0x6870]  }
0xc7: {  	v8 =	vld [tilespmem:s14+$0x1800]  }
0xc8: {  	v9 =	vld [tilespmem:s14+$0x6800]  }
0xc9: {  	v10 =	vld [tilespmem:s14+$0x1810]  }
0xca: {  	v11 =	vld [tilespmem:s14+$0x6810]  }
0xcb: {  	v12 =	vld [tilespmem:s14+$0x1820]  }
0xcc: {  	v13 =	vld [tilespmem:s14+$0x1830]  }
0xcd: {  	v60 =	vld [tilespmem:s14+$0x6830]  }
0xce: {  	v61 =	vld [tilespmem:s14+$0x1850];
	v6 =	vadd.f32 v7, v6  }
0xcf: {  	v62 =	vld [tilespmem:s14+$0x6850];
	v8 =	vadd.f32 v9, v8  }
0xd0: {  	v7 =	vld [tilespmem:s14+$0x6820];
	v6 =	vmax.f32 v6, $0.0e+00  }
0xd1: {  	[tilespmem:s14+$0x1870] =	vst v6;
	v6 =	vmax.f32 v8, $0.0e+00;
	v8 =	vld [tilespmem:s14+$0x1840]  }
0xd2: {  	v0 =	vadd.f32 v2, v0;
	[tilespmem:s14+$0x1800] =	vst v6;
	v6 =	vld [tilespmem:s14+$0x6840]  }
0xd3: {  	v63 =	vld [tilespmem:s14+$0x1860];
	[tilespmem:s13+$0x1830] =	vst v5;
	v1 =	vadd.f32 v3, v1;
	v3 =	vmax.f32 v4, $0.0e+00  }
0xd4: {  	v2 =	vld [tilespmem:s14+$0x6860];
	v0 =	vmax.f32 v0, $0.0e+00;
	[tilespmem:s13+$0x1840] =	vst v3;
	v10 =	vadd.f32 v11, v10  }
0xd5: {  	[tilespmem:s13+$0x1850] =	vst v0;
	v3 =	vadd.f32 v60, v13;
	v0 =	vmax.f32 v1, $0.0e+00  }
0xd6: {  	[tilespmem:s13+$0x1860] =	vst v0;
	v10 =	vmax.f32 v10, $0.0e+00;
	v7 =	vadd.f32 v7, v12  }
0xd7: {  	v0 =	vmax.f32 v3, $0.0e+00;
	[tilespmem:s14+$0x1810] =	vst v10;
	v1 =	vadd.f32 v6, v8  }
0xd8: {  	v3 =	vadd.f32 v62, v61;
	[tilespmem:s14+$0x1830] =	vst v0;
	v7 =	vmax.f32 v7, $0.0e+00  }
0xd9: {  	[tilespmem:s14+$0x1820] =	vst v7;
	v0 =	vmax.f32 v1, $0.0e+00;
	v1 =	vadd.f32 v2, v63  }
0xda: {  	[tilespmem:s14+$0x1840] =	vst v0;
	v0 =	vmax.f32 v3, $0.0e+00  }
0xdb: {  	s22 =	simm.s32 $0x280;
	s13 =	sadd.s32 @!p0 $0x5, s2;
	[tilespmem:s14+$0x1850] =	vst v0;
	v0 =	vmax.f32 v1, $0.0e+00  }
0xdc: {  	s25 =	simm.s32 $0x1800;
	[tilespmem:s14+$0x1860] =	vst v0;
	s14 =	sshll.u32 @!p0 s13, $0x8;
	s13 =	smul.u32 @!p0 $0x28, s13  }
0xdd: {  	[spmem:s1] =	stream.indirect.scatter.add.f32 [tilespmem:s25], [sflag:$0x12], $0x80, s22, s24, $0xb8;
	[tilespmem:$0x1E000] =	vst v63  }
0xde: {  	s14 =	sadd.s32 @!p0 s9, s14;
	s22 =	simm.s32 @!p0 $0x0;
	_ =	swait.ge [sflag:s31], $0x1400  }
0xdf: {  	s25 =	simm.s32 @!p0 $0x80;
	s14 =	sshrl.u32 @!p0 s14, $0x3;
	[sflag:s31] =	ssyncset.done $0x0  }
0xe0: {  	s13 =	sadd.s32 @!p0 s7, s13;
	s16 =	sadd.s32 @!p0 s6, s14;
	[sflag:s31] =	ssyncadd.s32 $0xFFFFEC00  }
0xe1: {  	[tilespmem:s25], [sflag:$0x2] =	stream.linear.gather @!p0 [hbm4b:s16+s22], $0x80, $0x38;
	[tilespmem:$0x1E000] =	vst v63  }
0xe2: {  	s14 =	sadd.s32 @!p0 s14, s8;
	s13 =	sshll.u32 @!p0 s13, $0x4;
	s16 =	simm.s32 @!p0 $0x280  }
0xe3: {  	[tilespmem:s16], [sflag:$0x6] =	stream.linear.gather @!p0 [hbm4b:s14+s22], $0x80, $0x38;
	[tilespmem:$0x1E000] =	vst v63  }
0xe4: {  	s13 =	sadd.s32 @!p0 s5, s13;
	s14 =	simm.s32 @!p0 $0x6800  }
0xe5: {  	[tilespmem:s14], [sflag:$0xA] =	stream.linear.gather @!p0 [hbm4b:s13+s22], $0x1400, $0x38;
	[tilespmem:$0x1E000] =	vst v63  }
0xe6: {  	s13 =	simm.s32 @!p0 $0x1  }
0xe7: {  	_ =	swait.ge @!p0 [sflag:s13], $0x80  }
0xe8: {  	[sflag:s13] =	ssyncset.done @!p0 $0x0  }
0xe9: {  	s14 =	simm.s32 @!p0 $0x400;
	[sflag:s13] =	ssyncadd.s32 @!p0 $0xFFFFFF80;
	s13 =	simm.s32 @!p0 $0x28  }
0xea: {  	[tilespmem:s14], [sflag:$0xD] =	stream.indirect.gather @!p0 [hbm4b:s4+s13], $0x80, s22, s13, $0xb8;
	[tilespmem:$0x1E000] =	vst v63  }
0xeb: {  	_ =	swait.ge [sflag:s11], $0x1400  }
0xec: {  	[sflag:s11] =	ssyncset.done $0x0  }
0xed: {  	[sflag:s11] =	ssyncadd.s32 $0xFFFFEC00  }
0xee: {  	_ =	swait.ge [sflag:s3], $0x80  }
0xef: {  	[sflag:s3] =	ssyncset.done $0x0  }
0xf0: {  	[sflag:s3] =	ssyncadd.s32 $0xFFFFFF80  }
0xf1: {  	_ =	swait.ge [sflag:s15], $0x1400  }
0xf2: {  	[sflag:s15] =	ssyncset.done $0x0  }
0xf3: {  	s13 =	simm.s32 $0x0;
	[sflag:s15] =	ssyncadd.s32 $0xFFFFEC00  }
0xf4: {  	v0 =	vld [tilespmem:s13+$0x2C70]  }
0xf5: {  	v1 =	vld [tilespmem:s13+$0x7C70]  }
0xf6: {  	v2 =	vld [tilespmem:s13+$0x2C00]  }
0xf7: {  	v3 =	vld [tilespmem:s13+$0x7C00]  }
0xf8: {  	v4 =	vld [tilespmem:s13+$0x2C10]  }
0xf9: {  	v5 =	vld [tilespmem:s13+$0x7C10]  }
0xfa: {  	v6 =	vld [tilespmem:s13+$0x2C20]  }
0xfb: {  	v7 =	vld [tilespmem:s13+$0x2C30];
	v0 =	vadd.f32 v1, v0  }
0xfc: {  	v1 =	vld [tilespmem:s13+$0x7C20];
	v2 =	vadd.f32 v3, v2  }
0xfd: {  	v3 =	vld [tilespmem:s13+$0x7C30];
	v0 =	vmax.f32 v0, $0.0e+00  }
0xfe: {  	v8 =	vld [tilespmem:s13+$0x2C40];
	[tilespmem:s13+$0x2C70] =	vst v0;
	v0 =	vmax.f32 v2, $0.0e+00;
	v2 =	vadd.f32 v5, v4  }
0xff: {  	v4 =	vld [tilespmem:s13+$0x7C40]  }
0x100: {  	[tilespmem:s13+$0x2C00] =	vst v0;
	v0 =	vld [tilespmem:s13+$0x2C50];
	v2 =	vmax.f32 v2, $0.0e+00  }
0x101: {  	v1 =	vadd.f32 v1, v6;
	[tilespmem:s13+$0x2C10] =	vst v2;
	v2 =	vld [tilespmem:s13+$0x7C50]  }
0x102: {  	v7 =	vadd.f32 v3, v7;
	v3 =	vld [tilespmem:s13+$0x7C60]  }
0x103: {  	s14 =	simm.s32 $0x80;
	v5 =	vmax.f32 v1, $0.0e+00;
	v1 =	vld [tilespmem:s13+$0x2C60]  }
0x104: {  	s16 =	simm.s32 $0x400;
	v6 =	vld [tilespmem:s14+$0x2C70];
	[tilespmem:s13+$0x2C20] =	vst v5;
	v5 =	vmax.f32 v7, $0.0e+00;
	v4 =	vadd.f32 v4, v8  }
.LBB2_7:
0x105: {  	p1 =	sne.s32 s16, $0x4E00;
	v7 =	vld [tilespmem:s14+$0x7C70];
	[tilespmem:s13+$0x2C30] =	vst v5  }
0x106: {  	v5 =	vld [tilespmem:s14+$0x2C00];
	v4 =	vmax.f32 v4, $0.0e+00;
	v0 =	vadd.f32 v2, v0  }
0x107: {  	v2 =	vld [tilespmem:s14+$0x7C00];
	[tilespmem:s13+$0x2C40] =	vst v4  }
0x108: {  	v4 =	vld [tilespmem:s14+$0x2C10];
	v0 =	vmax.f32 v0, $0.0e+00;
	v1 =	vadd.f32 v3, v1  }
0x109: {  	v3 =	vld [tilespmem:s14+$0x7C10];
	[tilespmem:s13+$0x2C50] =	vst v0  }
0x10a: {  	v0 =	vld [tilespmem:s14+$0x2C20];
	v6 =	vadd.f32 v7, v6;
	v1 =	vmax.f32 v1, $0.0e+00  }
0x10b: {  	v7 =	vld [tilespmem:s14+$0x7C20];
	[tilespmem:s13+$0x2C60] =	vst v1;
	s13 =	smov.u32 s14  }
0x10c: {  	v1 =	vadd.f32 v2, v5;
	v5 =	vld [tilespmem:s13+$0x2C30];
	v2 =	vmax.f32 v6, $0.0e+00  }
0x10d: {  	v6 =	vld [tilespmem:s13+$0x7C30];
	[tilespmem:s13+$0x2C70] =	vst v2  }
0x10e: {  	v1 =	vmax.f32 v1, $0.0e+00;
	v2 =	vadd.f32 v3, v4;
	v4 =	vld [tilespmem:s13+$0x2C40]  }
0x10f: {  	[tilespmem:s13+$0x2C00] =	vst v1;
	v8 =	vld [tilespmem:s13+$0x7C40]  }
.Ltmp2:
0x110: {  	v1 =	vmax.f32 v2, $0.0e+00;
	v3 =	vadd.f32 v7, v0;
	v0 =	vld [tilespmem:s13+$0x2C50];
	(pc) =	sbr.rel @p1 .LBB2_7-.Ltmp2, $4  }
0x111: {  	[tilespmem:s13+$0x2C10] =	vst v1;
	v2 =	vld [tilespmem:s13+$0x7C50]  }
0x112: {  	v3 =	vmax.f32 v3, $0.0e+00;
	v5 =	vadd.f32 v6, v5;
	v1 =	vld [tilespmem:s13+$0x2C60]  }
0x113: {  	s14 =	sshra.s32 s16, $0x2;
	[tilespmem:s13+$0x2C20] =	vst v3;
	v3 =	vld [tilespmem:s13+$0x7C60]  }
0x114: {  	s16 =	sadd.s32 $0x200, s16;
	v6 =	vld [tilespmem:s14+$0x2C70];
	v5 =	vmax.f32 v5, $0.0e+00;
	v4 =	vadd.f32 v8, v4  }
0x115: {  	v7 =	vld [tilespmem:s14+$0x7C70]  }
0x116: {  	v8 =	vld [tilespmem:s14+$0x2C00]  }
0x117: {  	v9 =	vld [tilespmem:s14+$0x7C00]  }
0x118: {  	v10 =	vld [tilespmem:s14+$0x2C10]  }
0x119: {  	v11 =	vld [tilespmem:s14+$0x7C10]  }
0x11a: {  	v12 =	vld [tilespmem:s14+$0x2C20]  }
0x11b: {  	v13 =	vld [tilespmem:s14+$0x2C30]  }
0x11c: {  	v60 =	vld [tilespmem:s14+$0x7C30]  }
0x11d: {  	v61 =	vld [tilespmem:s14+$0x2C50];
	v6 =	vadd.f32 v7, v6  }
0x11e: {  	v62 =	vld [tilespmem:s14+$0x7C50];
	v8 =	vadd.f32 v9, v8  }
0x11f: {  	v7 =	vld [tilespmem:s14+$0x7C20];
	v6 =	vmax.f32 v6, $0.0e+00  }
0x120: {  	[tilespmem:s14+$0x2C70] =	vst v6;
	v6 =	vmax.f32 v8, $0.0e+00;
	v8 =	vld [tilespmem:s14+$0x2C40]  }
0x121: {  	v0 =	vadd.f32 v2, v0;
	[tilespmem:s14+$0x2C00] =	vst v6;
	v6 =	vld [tilespmem:s14+$0x7C40]  }
0x122: {  	v63 =	vld [tilespmem:s14+$0x2C60];
	[tilespmem:s13+$0x2C30] =	vst v5;
	v1 =	vadd.f32 v3, v1;
	v3 =	vmax.f32 v4, $0.0e+00  }
0x123: {  	v2 =	vld [tilespmem:s14+$0x7C60];
	v0 =	vmax.f32 v0, $0.0e+00;
	[tilespmem:s13+$0x2C40] =	vst v3;
	v10 =	vadd.f32 v11, v10  }
0x124: {  	[tilespmem:s13+$0x2C50] =	vst v0;
	v3 =	vadd.f32 v60, v13;
	v0 =	vmax.f32 v1, $0.0e+00  }
0x125: {  	[tilespmem:s13+$0x2C60] =	vst v0;
	v10 =	vmax.f32 v10, $0.0e+00;
	v7 =	vadd.f32 v7, v12  }
0x126: {  	v0 =	vmax.f32 v3, $0.0e+00;
	[tilespmem:s14+$0x2C10] =	vst v10;
	v1 =	vadd.f32 v6, v8  }
0x127: {  	v3 =	vadd.f32 v62, v61;
	[tilespmem:s14+$0x2C30] =	vst v0;
	v7 =	vmax.f32 v7, $0.0e+00  }
0x128: {  	[tilespmem:s14+$0x2C20] =	vst v7;
	v0 =	vmax.f32 v1, $0.0e+00;
	v1 =	vadd.f32 v2, v63  }
0x129: {  	[tilespmem:s14+$0x2C40] =	vst v0;
	v0 =	vmax.f32 v3, $0.0e+00  }
0x12a: {  	s22 =	simm.s32 $0x300;
	s2 =	sadd.s32 @!p0 $0x6, s2;
	[tilespmem:s14+$0x2C50] =	vst v0;
	v0 =	vmax.f32 v1, $0.0e+00  }
0x12b: {  	s25 =	simm.s32 $0x2C00;
	s13 =	sshll.u32 @!p0 s2, $0x8;
	s2 =	smul.u32 @!p0 $0x28, s2;
	[tilespmem:s14+$0x2C60] =	vst v0  }
0x12c: {  	[spmem:s1] =	stream.indirect.scatter.add.f32 [tilespmem:s25], [sflag:$0x13], $0x80, s22, s24, $0xb8;
	[tilespmem:$0x1E000] =	vst v63  }
0x12d: {  	s16 =	simm.s32 @!p0 $0x0;
	s13 =	sadd.s32 @!p0 s9, s13;
	_ =	swait.ge [sflag:s23], $0x1400  }
0x12e: {  	s13 =	sshrl.u32 @!p0 s13, $0x3;
	s2 =	sadd.s32 @!p0 s7, s2;
	[sflag:s23] =	ssyncset.done $0x0  }
0x12f: {  	s14 =	sadd.s32 @!p0 s6, s13;
	s22 =	simm.s32 @!p0 $0x100;
	[sflag:s23] =	ssyncadd.s32 $0xFFFFEC00  }
0x130: {  	[tilespmem:s22], [sflag:$0x3] =	stream.linear.gather @!p0 [hbm4b:s14+s16], $0x80, $0x38;
	[tilespmem:$0x1E000] =	vst v63  }
0x131: {  	s2 =	sshll.u32 @!p0 s2, $0x4;
	s13 =	sadd.s32 @!p0 s13, s8;
	s14 =	simm.s32 @!p0 $0x300  }
0x132: {  	[tilespmem:s14], [sflag:$0x7] =	stream.linear.gather @!p0 [hbm4b:s13+s16], $0x80, $0x38;
	[tilespmem:$0x1E000] =	vst v63  }
0x133: {  	s2 =	sadd.s32 @!p0 s5, s2;
	s13 =	simm.s32 @!p0 $0x7C00  }
0x134: {  	[tilespmem:s13], [sflag:$0xB] =	stream.linear.gather @!p0 [hbm4b:s2+s16], $0x1400, $0x38;
	[tilespmem:$0x1E000] =	vst v63  }
0x135: {  	s2 =	simm.s32 @!p0 $0x2  }
0x136: {  	_ =	swait.ge @!p0 [sflag:s2], $0x80  }
0x137: {  	s14 =	simm.s32 @!p0 $0x1800;
	[sflag:s2] =	ssyncset.done @!p0 $0x0  }
0x138: {  	s13 =	simm.s32 @!p0 $0x80;
	[sflag:s2] =	ssyncadd.s32 @!p0 $0xFFFFFF80;
	s2 =	simm.s32 @!p0 $0x28  }
0x139: {  	[tilespmem:s14], [sflag:$0xE] =	stream.indirect.gather @!p0 [hbm4b:s4+s2], $0x80, s13, s2, $0xb8;
	[tilespmem:$0x1E000] =	vst v63  }
0x13a: {  	_ =	swait.ge [sflag:s26], $0x1400  }
0x13b: {  	[sflag:s26] =	ssyncset.done $0x0  }
0x13c: {  	[sflag:s26] =	ssyncadd.s32 $0xFFFFEC00  }
0x13d: {  	_ =	swait.ge [sflag:s29], $0x80  }
0x13e: {  	[sflag:s29] =	ssyncset.done $0x0  }
0x13f: {  	[sflag:s29] =	ssyncadd.s32 $0xFFFFFF80  }
0x140: {  	_ =	swait.ge [sflag:s30], $0x1400  }
0x141: {  	[sflag:s30] =	ssyncset.done $0x0  }
0x142: {  	s2 =	simm.s32 $0x0;
	[sflag:s30] =	ssyncadd.s32 $0xFFFFEC00  }
0x143: {  	v0 =	vld [tilespmem:s2+$0x4070]  }
0x144: {  	v1 =	vld [tilespmem:s2+$0x9070]  }
0x145: {  	v2 =	vld [tilespmem:s2+$0x4000]  }
0x146: {  	v3 =	vld [tilespmem:s2+$0x9000]  }
0x147: {  	v4 =	vld [tilespmem:s2+$0x4010]  }
0x148: {  	v5 =	vld [tilespmem:s2+$0x9010]  }
0x149: {  	v6 =	vld [tilespmem:s2+$0x4020]  }
0x14a: {  	v7 =	vld [tilespmem:s2+$0x4030];
	v0 =	vadd.f32 v1, v0  }
0x14b: {  	v1 =	vld [tilespmem:s2+$0x9020];
	v2 =	vadd.f32 v3, v2  }
0x14c: {  	v3 =	vld [tilespmem:s2+$0x9030];
	v0 =	vmax.f32 v0, $0.0e+00  }
0x14d: {  	v8 =	vld [tilespmem:s2+$0x4040];
	[tilespmem:s2+$0x4070] =	vst v0;
	v0 =	vmax.f32 v2, $0.0e+00;
	v2 =	vadd.f32 v5, v4  }
0x14e: {  	v4 =	vld [tilespmem:s2+$0x9040]  }
0x14f: {  	[tilespmem:s2+$0x4000] =	vst v0;
	v0 =	vld [tilespmem:s2+$0x4050];
	v2 =	vmax.f32 v2, $0.0e+00  }
0x150: {  	v1 =	vadd.f32 v1, v6;
	[tilespmem:s2+$0x4010] =	vst v2;
	v2 =	vld [tilespmem:s2+$0x9050]  }
0x151: {  	v7 =	vadd.f32 v3, v7;
	v3 =	vld [tilespmem:s2+$0x9060]  }
0x152: {  	s13 =	simm.s32 $0x80;
	v5 =	vmax.f32 v1, $0.0e+00;
	v1 =	vld [tilespmem:s2+$0x4060]  }
0x153: {  	s16 =	simm.s32 $0x380;
	s14 =	simm.s32 $0x400;
	v6 =	vld [tilespmem:s13+$0x4070];
	[tilespmem:s2+$0x4020] =	vst v5;
	v5 =	vmax.f32 v7, $0.0e+00;
	v4 =	vadd.f32 v4, v8  }
.LBB2_9:
0x154: {  	p0 =	sne.s32 s14, $0x4E00;
	v7 =	vld [tilespmem:s13+$0x9070];
	[tilespmem:s2+$0x4030] =	vst v5  }
0x155: {  	v5 =	vld [tilespmem:s13+$0x4000];
	v4 =	vmax.f32 v4, $0.0e+00;
	v0 =	vadd.f32 v2, v0  }
0x156: {  	v2 =	vld [tilespmem:s13+$0x9000];
	[tilespmem:s2+$0x4040] =	vst v4  }
0x157: {  	v4 =	vld [tilespmem:s13+$0x4010];
	v0 =	vmax.f32 v0, $0.0e+00;
	v1 =	vadd.f32 v3, v1  }
0x158: {  	v3 =	vld [tilespmem:s13+$0x9010];
	[tilespmem:s2+$0x4050] =	vst v0  }
0x159: {  	v0 =	vld [tilespmem:s13+$0x4020];
	v6 =	vadd.f32 v7, v6;
	v1 =	vmax.f32 v1, $0.0e+00  }
0x15a: {  	v7 =	vld [tilespmem:s13+$0x9020];
	[tilespmem:s2+$0x4060] =	vst v1;
	s2 =	smov.u32 s13  }
0x15b: {  	v1 =	vadd.f32 v2, v5;
	v5 =	vld [tilespmem:s2+$0x4030];
	v2 =	vmax.f32 v6, $0.0e+00  }
0x15c: {  	v6 =	vld [tilespmem:s2+$0x9030];
	[tilespmem:s2+$0x4070] =	vst v2  }
0x15d: {  	v1 =	vmax.f32 v1, $0.0e+00;
	v2 =	vadd.f32 v3, v4;
	v4 =	vld [tilespmem:s2+$0x4040]  }
0x15e: {  	[tilespmem:s2+$0x4000] =	vst v1;
	v8 =	vld [tilespmem:s2+$0x9040]  }
.Ltmp3:
0x15f: {  	v1 =	vmax.f32 v2, $0.0e+00;
	v3 =	vadd.f32 v7, v0;
	v0 =	vld [tilespmem:s2+$0x4050];
	(pc) =	sbr.rel @p0 .LBB2_9-.Ltmp3, $4  }
0x160: {  	[tilespmem:s2+$0x4010] =	vst v1;
	v2 =	vld [tilespmem:s2+$0x9050]  }
0x161: {  	v3 =	vmax.f32 v3, $0.0e+00;
	v5 =	vadd.f32 v6, v5;
	v1 =	vld [tilespmem:s2+$0x4060]  }
0x162: {  	s13 =	sshra.s32 s14, $0x2;
	[tilespmem:s2+$0x4020] =	vst v3;
	v3 =	vld [tilespmem:s2+$0x9060]  }
0x163: {  	s14 =	sadd.s32 $0x200, s14;
	v6 =	vld [tilespmem:s13+$0x4070];
	v5 =	vmax.f32 v5, $0.0e+00;
	v4 =	vadd.f32 v8, v4  }
0x164: {  	v7 =	vld [tilespmem:s13+$0x9070]  }
0x165: {  	v8 =	vld [tilespmem:s13+$0x4000]  }
0x166: {  	v9 =	vld [tilespmem:s13+$0x9000]  }
0x167: {  	v10 =	vld [tilespmem:s13+$0x4010]  }
0x168: {  	v11 =	vld [tilespmem:s13+$0x9010]  }
0x169: {  	v12 =	vld [tilespmem:s13+$0x4020]  }
0x16a: {  	v45 =	vld [tilespmem:s13+$0x9020]  }
0x16b: {  	v13 =	vld [tilespmem:s13+$0x4030]  }
0x16c: {  	v46 =	vld [tilespmem:s13+$0x9030]  }
0x16d: {  	v48 =	vld [tilespmem:s13+$0x4040]  }
0x16e: {  	v49 =	vld [tilespmem:s13+$0x9040];
	v0 =	vadd.f32 v2, v0  }
0x16f: {  	v50 =	vld [tilespmem:s13+$0x4050];
	[tilespmem:s2+$0x4030] =	vst v5;
	v54 =	vmax.f32 v4, $0.0e+00;
	v1 =	vadd.f32 v3, v1  }
0x170: {  	v51 =	vld [tilespmem:s13+$0x9050];
	[tilespmem:s2+$0x4040] =	vst v54;
	v0 =	vmax.f32 v0, $0.0e+00;
	v6 =	vadd.f32 v7, v6  }
0x171: {  	v52 =	vld [tilespmem:s13+$0x4060];
	[tilespmem:s2+$0x4050] =	vst v0;
	v8 =	vadd.f32 v9, v8;
	v56 =	vmax.f32 v1, $0.0e+00  }
0x172: {  	v53 =	vld [tilespmem:s13+$0x9060];
	v10 =	vadd.f32 v11, v10;
	[tilespmem:s2+$0x4060] =	vst v56;
	v6 =	vmax.f32 v6, $0.0e+00  }
0x173: {  	v7 =	vadd.f32 v45, v12;
	v47 =	vmax.f32 v8, $0.0e+00;
	[tilespmem:s13+$0x4070] =	vst v6  }
0x174: {  	v55 =	vadd.f32 v46, v13;
	v10 =	vmax.f32 v10, $0.0e+00;
	[tilespmem:s13+$0x4000] =	vst v47  }
0x175: {  	v57 =	vadd.f32 v49, v48;
	v7 =	vmax.f32 v7, $0.0e+00;
	[tilespmem:s13+$0x4010] =	vst v10  }
0x176: {  	s28 =	sadd.s32 $0x1, s28;
	v59 =	vadd.f32 v51, v50;
	v58 =	vmax.f32 v55, $0.0e+00;
	[tilespmem:s13+$0x4020] =	vst v7  }
0x177: {  	p0 =	sne.s32 s28, $0x40;
	v61 =	vadd.f32 v53, v52;
	v60 =	vmax.f32 v57, $0.0e+00;
	[tilespmem:s13+$0x4030] =	vst v58  }
.Ltmp4:
0x178: {  	v62 =	vmax.f32 v59, $0.0e+00;
	[tilespmem:s13+$0x4040] =	vst v60;
	(pc) =	sbr.rel @p0 .LBB2_2-.Ltmp4, $4  }
0x179: {  	v63 =	vmax.f32 v61, $0.0e+00;
	[tilespmem:s13+$0x4050] =	vst v62  }
0x17a: {  	s25 =	simm.s32 $0x4000;
	[tilespmem:s13+$0x4060] =	vst v63  }
0x17b: {  	[spmem:s1] =	stream.indirect.scatter.add.f32 [tilespmem:s25], [sflag:$0x14], $0x80, s16, s24, $0xb8;
	[tilespmem:$0x1E000] =	vst v63  }
0x17c: {  	s17 =	simm.s32 $0x380;
	s25 =	simm.s32 $0x180  }
0x17d: {  	s2 =	simm.s32 $0x14  }
0x17e: {  	_ =	swait.ge [sflag:s2], $0x1400  }
0x17f: {  	[sflag:s2] =	ssyncset.done $0x0  }
0x180: {  	[sflag:s2] =	ssyncadd.s32 $0xFFFFEC00  }
0x181: {  	[bflag:$0x0] =	sbarrier.arrive $0xFFFF  }
0x182: {  	s16 =	rddreg [dreg:$0xf]  }
0x183: {  	s13 =	rddreg [dreg:$0x12]  }
0x184: {  	s22 =	simm.s32 $0x15;
	s14 =	rddreg [dreg:$0x13]  }
0x185: {  	[hbm:s16], [sflag:s13] =	dma.local [spmem:s14], $0x2780  }
0x186: {  	_ =	swait.ge [sflag:s22], $0x2780  }
0x187: {  	s17 =	rddreg [dreg:$0x11]  }
0x188: {  	s28 =	rddreg [dreg:$0x10];
	s13 =	sadd.s32 $0x1, s17  }
0x189: {  	p0 =	sne.s32 s13, s28  }
.Ltmp5:
0x18a: {  	_ = 	snop;
	(pc) =	sbr.rel @p0 .LBB2_1-.Ltmp5, $3  }
0x18b: {  	_ =	sdelay $0x1  }
0x18c: {  	[sflag:s22] =	ssyncset.done $0x0  }
0x18d: {  	[sflag:s22] =	ssyncadd.s32 $0xFFFFD880  }
0x18e: {  	_ =	sfence.sel $0x180000  }
0x18f: {  	[bflag:$0x0] =	sbarrier.arrive $0xFFFF  }
0x190: {  	_ =	strace $0x9000004A  }
0x191: {  	s0 =	stileid.u32;
	[bflag:$0x2] =	sbarrier.arrive $0xFFFF  }
0x192: {  	p0 =	sne.s32 s0, $0x0;
	s0 =	rddreg [dreg:$0x3]  }
0x193: {  	s0 =	sadd.s32 @!p0 $0x100000, s0  }
0x194: {  	[sflag:s0] =	ssyncadd.tile.s32 @!p0 $0x1;
	_ =	shalt  }
.Lfunc_end2:
_tile_overlayer_lowered:
.L_overlay_start_2:
0x195: {  	(tag) =	ssettag $0x2  }
0x196: {  	s0 =	rddreg [dreg:$0x0];
	s2 =	stileid.u32  }
0x197: {  	s1 =	rddreg [dreg:$0x1];
	p0 =	sne.s32 s2, $0x0  }
0x198: {  	s3 =	rddreg [dreg:$0x2];
	[bflag:$0x3] =	sbarrier.arrive $0xFFFF;
	s2 =	simm.s32 @!p0 $0x1C15  }
0x199: {  	[timem:s3], [sflag:s2] =	dma.local @!p0 [hbm:s0], s1  }
0x19a: {  	s0 =	simm.s32 @!p0 $0x15  }
0x19b: {  	_ =	swait.ge @!p0 [sflag:s0], s1  }
0x19c: {  	s1 =	ssub.s32 @!p0 $0x0, s1;
	[sflag:s0] =	ssyncset.done @!p0 $0x0  }
0x19d: {  	[sflag:s0] =	ssyncadd.s32 @!p0 s1  }
0x19e: {  	[bflag:$0x3] =	sbarrier.arrive $0xFFFF  }
0x19f: {  	_ =	shalt  }

// kernel: kernel.17.cloned.1.call-start
scs
__scs_entry_jumppad:
0x0: {  	(pc) =	sbr.rel $0x88, $3  }
0x1: {  	(tag) =	ssettag $0x0;
	lr =	simm.s32 $0x1  }
0x2: {  	[smem:$0x3F89] =	sst lr;
	_ =	strace $0xD0000000  }
0x3: {  	_ = 	snop  }
0x4: {  	_ = 	snop  }
0x5: {  	_ = 	snop  }
0x6: {  	_ = 	snop  }
0x7: {  	_ = 	snop  }
__scs_overlays_trampoline_lowered:
0x8: {  	[smem:$0x3F98] =	sst s0  }
0x9: {  	[smem:$0x3F99] =	sst s1  }
0xa: {  	[smem:$0x3F9A] =	sst s2  }
0xb: {  	[smem:$0x3F9B] =	sst s3  }
0xc: {  	[smem:$0x3F9C] =	sst s4  }
0xd: {  	[smem:$0x3F9D] =	sst s5  }
0xe: {  	[smem:$0x3F9E] =	sst s6  }
0xf: {  	[smem:$0x3F9F] =	sst s7  }
0x10: {  	[smem:$0x3FA0] =	sst s8  }
0x11: {  	[smem:$0x3FA1] =	sst s9;
	s0 =	simm.s32 @!p0 $0x0  }
0x12: {  	s1 =	sld [smem:$0x3F87];
	s0 =	simm.s32 @p0 $0x1  }
0x13: {  	[smem:$0x3FA2] =	sst s0;
	s0 =	simm.s32 @!p1 $0x0  }
0x14: {  	s2 =	sld [smem:$0x3F86];
	s0 =	simm.s32 @p1 $0x1  }
0x15: {  	[smem:$0x3FA3] =	sst s0;
	s0 =	simm.s32 @!p2 $0x0  }
0x16: {  	s3 =	sld [smem:$0x3FDB];
	s0 =	simm.s32 @p2 $0x1  }
0x17: {  	s4 =	simm.s32 $0x1BF5;
	[smem:$0x3FA5] =	sst s0  }
0x18: {  	s0 =	sld [smem:$0x3F88];
	_ =	swait.ge [sflag:s4], $0x0  }
0x19: {  	s7 =	sld [smem:$0x3F89]  }
0x1a: {  	s8 =	sadd.s32 $0xFFFFE003, lr  }
0x1b: {  	s9 =	sadd.s32 $0xFFFFFEF7, lr;
	s5 =	simm.s32 $0xFFFFFFFF;
	p2 =	slt.u32 s8, $0xFFFFF086  }
0x1c: {  	p1 =	slt.u32 s9, $0xF7A;
	s5 =	simm.s32 @!p2 $0x0  }
0x1d: {  	s5 =	simm.s32 @p1 $0x1;
	p0 =	seq.s32 s7, s2  }
0x1e: {  	s7 =	smul.u32 @!p0 $0xF7A, s2;
	p2 =	seq.s32 @!p0 s5, $0x0  }
0x1f: {  	s9 =	smul.u32 $0xF7A, s1;
	s8 =	simm.s32 @!p0 $0x1BF5;
	p2 =	por !p2, p0  }
0x20: {  	[sflag:s8] =	ssyncset.s32 @!p0 $0xFFFFF086;
	s6 =	sadd.s32 @!p0 s3, s7;
	s7 =	simm.s32 @!p0 $0x108  }
0x21: {  	s3 =	sadd.s32 s3, s9;
	s6 =	sadd.s32 @!p0 $0x88, s6;
	s7 =	simm.s32 @p2 $0x1082  }
0x22: {  	[simem:s7], [sflag:s8] =	dma.local @!p0 [hbm:s6], $0xF7A  }
0x23: {  	s9 =	sor.u32 $0xD0000000, s2;
	s6 =	simm.s32 $0x108;
	_ =	swait.ge @!p0 [sflag:s8], $0x0  }
0x24: {  	s3 =	sadd.s32 $0x88, s3;
	s6 =	simm.s32 @!p1 $0x1082;
	[sflag:s4] =	ssyncset.s32 $0xFFFFF086  }
0x25: {  	[simem:s6], [sflag:s4] =	dma.local [hbm:s3], $0xF7A  }
0x26: {  	[smem:$0x3F89] =	sst s1;
	(tag) =	ssettag s2;
	_ =	strace s9  }
0x27: {  	s1 =	sld [smem:$0x3F99]  }
0x28: {  	s2 =	sld [smem:$0x3F9A]  }
0x29: {  	s4 =	sld [smem:$0x3F9C]  }
0x2a: {  	p0 =	seq.s32 s5, $0x0;
	s5 =	sld [smem:$0x3F9D]  }
0x2b: {  	s6 =	sld [smem:$0x3F9E]  }
0x2c: {  	s7 =	sld [smem:$0x3F9F]  }
0x2d: {  	s3 =	simm.s32 $0x108;
	s8 =	sld [smem:$0x3FA0]  }
0x2e: {  	s3 =	simm.s32 @!p0 $0x1082;
	s9 =	sld [smem:$0x3FA1]  }
0x2f: {  	lr =	sadd.s32 s0, s3;
	s0 =	sld [smem:$0x3F98]  }
0x30: {  	s3 =	sld [smem:$0x3F9B]  }
0x31: {  	[smem:$0x3FA4] =	sst s10  }
0x32: {  	s10 =	sld [smem:$0x3FA2];
	_ =	sdelay $0x3  }
0x33: {  	p0 =	seq.s32 s10, $0x1;
	s10 =	sld [smem:$0x3FA4];
	_ =	sdelay $0x3  }
0x34: {  	[smem:$0x3FA4] =	sst s10  }
0x35: {  	s10 =	sld [smem:$0x3FA3];
	_ =	sdelay $0x3  }
0x36: {  	p1 =	seq.s32 s10, $0x1;
	s10 =	sld [smem:$0x3FA4];
	_ =	sdelay $0x3  }
0x37: {  	[smem:$0x3FA4] =	sst s10  }
0x38: {  	s10 =	sld [smem:$0x3FA5]  }
0x39: {  	_ = 	snop;
	(pc) =	sbr.ind lr, $3  }
0x3a: {  	_ = 	snop  }
0x3b: {  	_ = 	snop  }
0x3c: {  	p2 =	seq.s32 s10, $0x1;
	s10 =	sld [smem:$0x3FA4]  }
0x3d: {  	_ =	shalt  }
0x3e: {  	_ =	shalt  }
0x3f: {  	_ =	shalt  }
0x40: {  	_ =	shalt  }
0x41: {  	_ =	shalt  }
0x42: {  	_ =	shalt  }
0x43: {  	_ =	shalt  }
0x44: {  	_ =	shalt  }
0x45: {  	_ =	shalt  }
0x46: {  	_ =	shalt  }
0x47: {  	_ =	shalt  }
0x48: {  	_ =	shalt  }
0x49: {  	_ =	shalt  }
0x4a: {  	_ =	shalt  }
0x4b: {  	_ =	shalt  }
0x4c: {  	_ =	shalt  }
0x4d: {  	_ =	shalt  }
0x4e: {  	_ =	shalt  }
0x4f: {  	_ =	shalt  }
0x50: {  	_ =	shalt  }
0x51: {  	_ =	shalt  }
0x52: {  	_ =	shalt  }
0x53: {  	_ =	shalt  }
0x54: {  	_ =	shalt  }
0x55: {  	_ =	shalt  }
0x56: {  	_ =	shalt  }
0x57: {  	_ =	shalt  }
0x58: {  	_ =	shalt  }
0x59: {  	_ =	shalt  }
0x5a: {  	_ =	shalt  }
0x5b: {  	_ =	shalt  }
0x5c: {  	_ =	shalt  }
0x5d: {  	_ =	shalt  }
0x5e: {  	_ =	shalt  }
0x5f: {  	_ =	shalt  }
0x60: {  	_ =	shalt  }
0x61: {  	_ =	shalt  }
0x62: {  	_ =	shalt  }
0x63: {  	_ =	shalt  }
0x64: {  	_ =	shalt  }
0x65: {  	_ =	shalt  }
0x66: {  	_ =	shalt  }
0x67: {  	_ =	shalt  }
0x68: {  	_ =	shalt  }
0x69: {  	_ =	shalt  }
0x6a: {  	_ =	shalt  }
0x6b: {  	_ =	shalt  }
0x6c: {  	_ =	shalt  }
0x6d: {  	_ =	shalt  }
0x6e: {  	_ =	shalt  }
0x6f: {  	_ =	shalt  }
0x70: {  	_ =	shalt  }
0x71: {  	_ =	shalt  }
0x72: {  	_ =	shalt  }
0x73: {  	_ =	shalt  }
0x74: {  	_ =	shalt  }
0x75: {  	_ =	shalt  }
0x76: {  	_ =	shalt  }
0x77: {  	_ =	shalt  }
0x78: {  	_ =	shalt  }
0x79: {  	_ =	shalt  }
0x7a: {  	_ =	shalt  }
0x7b: {  	_ =	shalt  }
0x7c: {  	_ =	shalt  }
0x7d: {  	_ =	shalt  }
0x7e: {  	_ =	shalt  }
0x7f: {  	_ =	shalt  }
0x80: {  	_ =	shalt  }
0x81: {  	_ =	shalt  }
0x82: {  	_ =	shalt  }
0x83: {  	_ =	shalt  }
0x84: {  	_ =	shalt  }
0x85: {  	_ =	shalt  }
0x86: {  	_ =	shalt  }
0x87: {  	_ =	shalt  }
.Lfunc_end0:
.L_simem_size_0:
called_computation.2_lowered:
.L_overlay_start_0:
0x88: {  	s2 =	sld [smem:$0x3FD9]  }
0x89: {  	s3 =	sld [smem:$0x3FFE];
	_ =	sdelay $0x1  }
0x8a: {  	s1 =	srdreg.scid  }
0x8b: {  	s0 =	sand.u32 $0x1, s1  }
0x8c: {  	s17 =	sshll.u32 s0, $0xA;
	s2 =	sadd.s32 s3, s2  }
0x8d: {  	s2 =	sadd.s32 s2, s17  }
0x8e: {  	[smem:$0x3FB0] =	sst s2  }
0x8f: {  	_ = 	snop  }
0x90: {  	s2 =	sld [smem:$0x3FD0];
	(tm) =	ssettm $0x1  }
0x91: {  	s18 =	sld [smem:$0x3FFB];
	_ =	sdelay $0x3  }
0x92: {  	_ =	strace s18  }
0x93: {  	s3 =	sld [smem:$0x3FFC];
	_ =	sdelay $0x3  }
0x94: {  	_ =	strace s3  }
0x95: {  	s3 =	sld [smem:$0x3FFD];
	_ =	sdelay $0x3  }
0x96: {  	_ =	strace s3  }
0x97: {  	_ =	strace $0x8FFFFFFF  }
0x98: {  	s19 =	sld [smem:$0x3FDB];
	_ =	sdelay $0x1  }
0x99: {  	s4 =	simm.s32 $_scs_section_size  }
0x9a: {  	s5 =	simm.s32 $_size__tile_overlayer_lowered;
	s6 =	simm.s32 $_tile_overlayer_lowered  }
0x9b: {  	s22 =	simm.s32 $0x1BFF;
	s21 =	sshll.u32 s6, $0x1;
	s3 =	sadd.s32 s4, s19  }
0x9c: {  	s7 =	simm.s32 $0x0;
	s20 =	sshll.u32 s5, $0x1;
	s5 =	sadd.s32 s21, s3  }
0x9d: {  	[timem:s7], [sflag:s22] =	dma.local [hbm:s5], s20  }
0x9e: {  	_ =	swait.ge [sflag:s22], s20  }
0x9f: {  	s4 =	ssub.s32 $0x0, s20;
	[sflag:s22] =	ssyncset.done $0x0  }
0xa0: {  	[sflag:s22] =	ssyncadd.s32 s4;
	_ =	sdelay $0x1  }
0xa1: {  	s23 =	simm.s32 $0x1B8B  }
0xa2: {  	_ =	swait.ge [sflag:s23], $0x1  }
0xa3: {  	[sflag:s23] =	ssyncset.done $0x0  }
0xa4: {  	s25 =	simm.s32 $0x1B8E;
	s24 =	sld [smem:$0x3FFE];
	[sflag:s23] =	ssyncadd.s32 $0xFFFFFFFF  }
0xa5: {  	s26 =	simm.s32 $execute0_lowered;
	[smem:$0x3FD2] =	sst s25  }
0xa6: {  	s5 =	sshll.u32 s26, $0x1;
	_ =	strace $0x8000004C;
	[dreg:$0x1] =	wrdreg $0xFFFFFFFF  }
0xa7: {  	s28 =	simm.s32 $_size_execute0_lowered;
	s3 =	sadd.s32 s3, s5;
	[dreg:$0x0] =	wrdreg $0x0  }
0xa8: {  	s5 =	sshll.u32 s28, $0x1;
	[dreg:$0x2] =	wrdreg s3  }
0xa9: {  	[dreg:$0x3] =	wrdreg s5  }
0xaa: {  	[dreg:$0x4] =	wrdreg $0xC0  }
0xab: {  	_ =	task [dreg:s7], $0x5FFFF  }
0xac: {  	[dreg:$0x1] =	wrdreg $0xFFFFFFFF  }
0xad: {  	[dreg:$0x0] =	wrdreg $0x60  }
0xae: {  	[dreg:$0x2] =	wrdreg s24  }
0xaf: {  	[dreg:$0x3] =	wrdreg s2  }
0xb0: {  	[dreg:$0x4] =	wrdreg $0xA4000  }
0xb1: {  	[dreg:$0x5] =	wrdreg $0x9  }
0xb2: {  	_ =	task.clear_ibuf [dreg:s7], $0x6FFFF;
	_ =	strace $0x9000004C  }
0xb3: {  	s29 =	simm.s32 $0x9;
	_ =	strace $0x8000004E  }
0xb4: {  	_ =	swait.ge [sflag:s29], $0x1  }
0xb5: {  	[sflag:s29] =	ssyncadd.s32 $0xFFFFFFFF  }
0xb6: {  	_ =	strace $0x9000004E  }
0xb7: {  	_ =	sfence  }
0xb8: {  	s30 =	sld [smem:$0x0];
	_ =	sdelay $0x2  }
0xb9: {  	s31 =	sshll.u32 s1, $0xD;
	s1 =	sshrl.u32 s1, $0x2  }
0xba: {  	s3 =	sand.u32 $0x4000, s31;
	s1 =	sadd.s32 s1, s30  }
0xbb: {  	s0 =	sor.u32 s3, s0;
	s1 =	sshll.u32 s1, $0x11  }
0xbc: {  	s0 =	sor.u32 s1, s0  }
0xbd: {  	s0 =	sadd.s32 $0x8F2B, s0  }
0xbe: {  	[sflag:s0] =	ssyncadd.remote.s32 $0x1  }
0xbf: {  	_ =	sfence.sel $0xFFFF  }
0xc0: {  	[dreg:$0x0] =	wrdreg $0xFFFFFFFF;
	(pc) =	sbr.abs _section_cstart, $3  }
0xc1: {  	[dreg:$0x1] =	wrdreg $0xFFFFFFFF  }
0xc2: {  	_ =	task.clear_ibuf [dreg:s7], $0x2FFFF;
	_ =	strace $0x9FFFFFFF  }
0xc3: {  	(tm) =	ssettm $0x7FFFFFFF  }
tec
execute0_lowered:
.L_overlay_start_1:
0x0: {  	(tag) =	ssettag $0x1  }
0x1: {  	s0 =	rddreg [dreg:$0x0]  }
0x2: {  	s2 =	rddreg [dreg:$0x1]  }
0x3: {  	s1 =	rddreg [dreg:$0x2]  }
0x4: {  	s3 =	simm.s32 $0x0;
	s15 =	stileid.u32;
	s14 =	srdreg.scid  }
0x5: {  	s31 =	simm.s32 $0x12;
	s29 =	simm.s32 $0x8;
	s30 =	simm.s32 $0x10  }
0x6: {  	[smem:$0x7FF] =	sst s3;
	s4 =	sadd.s32 $0x54200, s0;
	s5 =	sadd.s32 $0xA27800, s0  }
0x7: {  	s10 =	smul.u32 $0x13C00, s15;
	s3 =	sand.u32 $0x1, s14;
	s6 =	sadd.s32 $0x4E7800, s0  }
0x8: {  	s23 =	smul.u32 $0x4F000, s15;
	_ =	strace $0x8000004D;
	s7 =	ssub.s32 $0x2, s3  }
0x9: {  	s8 =	sshll.u32 s3, $0x4;
	s20 =	smul.u32 $0x13C000, s3;
	s9 =	sshrl.u32 s10, $0x3  }
0xa: {  	s11 =	sshrl.u32 s7, $0x1;
	s12 =	sor.u32 s15, s8;
	s8 =	sadd.s32 $0x4E7810, s0  }
0xb: {  	s3 =	sshrl.u32 s23, $0x2;
	s15 =	simm.s32 $0xF;
	s23 =	simm.s32 $0x13  }
0xc: {  	s13 =	sadd.s32 s9, s0;
	s11 =	ssub.s32 s7, s11;
	s7 =	smul.u32 $0x2800, s12  }
0xd: {  	s14 =	sshll.u32 s12, $0xD;
	s16 =	smul.u32 $0x28000, s12;
	s3 =	sadd.s32 s3, s1  }
0xe: {  	s17 =	sadd.s32 s6, s14;
	s14 =	sadd.s32 s14, s8;
	[dreg:$0xd] =	wrdreg s3  }
0xf: {  	s9 =	sshll.u32 s12, $0x10;
	s0 =	sadd.s32 s10, s20;
	[dreg:$0x5] =	wrdreg s14  }
0x10: {  	s20 =	simm.s32 $0x11;
	s26 =	sadd.s32 $0x5800, s13;
	[dreg:$0x4] =	wrdreg s17  }
0x11: {  	s10 =	simm.s32 $0x6;
	s28 =	smax.u32 s11, $0x1;
	[dreg:$0xe] =	wrdreg s26  }
0x12: {  	s0 =	sshrl.u32 s0, $0x3;
	s19 =	sadd.s32 $0x20, s17;
	[dreg:$0x10] =	wrdreg s28  }
0x13: {  	s11 =	simm.s32 $0xB;
	s21 =	sadd.s32 $0x30, s17;
	[dreg:$0x7] =	wrdreg s19  }
0x14: {  	s3 =	simm.s32 $0x7;
	s24 =	sadd.s32 $0x40, s17;
	[dreg:$0x8] =	wrdreg s21  }
0x15: {  	s13 =	simm.s32 $0x0;
	s12 =	sadd.s32 $0x50, s17;
	[dreg:$0xa] =	wrdreg s24  }
0x16: {  	s18 =	sadd.s32 s5, s16;
	s0 =	sadd.s32 s2, s0;
	[dreg:$0xb] =	wrdreg s12  }
0x17: {  	s26 =	simm.s32 $0xC;
	s22 =	sadd.s32 $0x280, s18;
	[dreg:$0x6] =	wrdreg s18  }
0x18: {  	s25 =	sadd.s32 $0x500, s18;
	[dreg:$0xf] =	wrdreg s0;
	s24 =	simm.s32 $0x28  }
0x19: {  	s18 =	simm.s32 $0x5;
	s19 =	simm.s32 $0xD;
	s21 =	simm.s32 $0x4  }
0x1a: {  	s12 =	simm.s32 $0xA;
	s0 =	simm.s32 $0xE;
	[dreg:$0x9] =	wrdreg s22  }
0x1b: {  	[dreg:$0xc] =	wrdreg s25;
	s22 =	simm.s32 $0x15;
	s25 =	simm.s32 $0x180  }
.LBB2_1:
0x1c: {  	s2 =	simm.s32 $0x0;
	s16 =	rddreg [dreg:$0x4]  }
0x1d: {  	[tilespmem:s2], [sflag:$0x1] =	stream.linear.gather [hbm4b:s16+s2], $0x80, $0x38;
	[tilespmem:$0x1E000] =	vst v63  }
0x1e: {  	s17 =	rddreg [dreg:$0x5];
	s14 =	simm.s32 $0x200  }
0x1f: {  	[tilespmem:s14], [sflag:$0x5] =	stream.linear.gather [hbm4b:s17+s2], $0x80, $0x38;
	[tilespmem:$0x1E000] =	vst v63  }
0x20: {  	s16 =	rddreg [dreg:$0x6];
	s17 =	simm.s32 $0x5400  }
0x21: {  	[tilespmem:s17], [sflag:$0x9] =	stream.linear.gather [hbm4b:s16+s2], $0x1400, $0x38;
	[tilespmem:$0x1E000] =	vst v63  }
0x22: {  	s14 =	simm.s32 $0x80;
	s16 =	rddreg [dreg:$0x7]  }
0x23: {  	[tilespmem:s14], [sflag:$0x2] =	stream.linear.gather [hbm4b:s16+s2], $0x80, $0x38;
	[tilespmem:$0x1E000] =	vst v63  }
0x24: {  	s17 =	rddreg [dreg:$0x8];
	s16 =	simm.s32 $0x280  }
0x25: {  	[tilespmem:s16], [sflag:$0x6] =	stream.linear.gather [hbm4b:s17+s2], $0x80, $0x38;
	[tilespmem:$0x1E000] =	vst v63  }
0x26: {  	s16 =	rddreg [dreg:$0x9];
	s17 =	simm.s32 $0x6800  }
0x27: {  	[tilespmem:s17], [sflag:$0xA] =	stream.linear.gather [hbm4b:s16+s2], $0x1400, $0x38;
	[tilespmem:$0x1E000] =	vst v63  }
0x28: {  	s16 =	rddreg [dreg:$0xa];
	s17 =	simm.s32 $0x100  }
0x29: {  	[tilespmem:s17], [sflag:$0x3] =	stream.linear.gather [hbm4b:s16+s2], $0x80, $0x38;
	[tilespmem:$0x1E000] =	vst v63  }
0x2a: {  	s16 =	rddreg [dreg:$0xb];
	s17 =	simm.s32 $0x300  }
0x2b: {  	[tilespmem:s17], [sflag:$0x7] =	stream.linear.gather [hbm4b:s16+s2], $0x80, $0x38;
	[tilespmem:$0x1E000] =	vst v63  }
0x2c: {  	s16 =	rddreg [dreg:$0xc];
	s17 =	simm.s32 $0x7C00  }
0x2d: {  	[tilespmem:s17], [sflag:$0xB] =	stream.linear.gather [hbm4b:s16+s2], $0x1400, $0x38;
	[tilespmem:$0x1E000] =	vst v63  }
0x2e: {  	[dreg:$0x11] =	wrdreg s13;
	s16 =	simm.s32 $0x1  }
0x2f: {  	_ =	swait.ge [sflag:s16], $0x80  }
0x30: {  	s13 =	stileid.u32;
	[sflag:s16] =	ssyncset.done $0x0  }
0x31: {  	s17 =	simm.s32 $0x400;
	[sflag:s16] =	ssyncadd.s32 $0xFFFFFF80;
	s16 =	simm.s32 $0x2  }
0x32: {  	[tilespmem:s17], [sflag:$0xD] =	stream.indirect.gather [hbm4b:s4+s24], $0x80, s2, s24, $0xb8;
	[tilespmem:$0x1E000] =	vst v63  }
0x33: {  	s2 =	sshll.u32 s13, $0x6;
	_ =	swait.ge [sflag:s16], $0x80  }
0x34: {  	s13 =	sor.u32 $0x1C15, s2;
	[sflag:s16] =	ssyncset.done $0x0  }
0x35: {  	s17 =	simm.s32 $0x1800;
	[dreg:$0x12] =	wrdreg s13;
	[sflag:s16] =	ssyncadd.s32 $0xFFFFFF80  }
0x36: {  	[tilespmem:s17], [sflag:$0xE] =	stream.indirect.gather [hbm4b:s4+s24], $0x80, s14, s24, $0xb8;
	[tilespmem:$0x1E000] =	vst v63  }
0x37: {  	s14 =	rddreg [dreg:$0xd]  }
0x38: {  	s17 =	rddreg [dreg:$0xe];
	s16 =	sshrl.u32 s14, $0x3  }
0x39: {  	[dreg:$0x13] =	wrdreg s16  }
0x3a: {  	[spmem:s16], [sflag:s13] =	dma.local [hbm:s17], $0x2780  }
0x3b: {  	_ =	swait.ge [sflag:s22], $0x2780  }
0x3c: {  	[sflag:s22] =	ssyncset.done $0x0  }
0x3d: {  	[sflag:s22] =	ssyncadd.s32 $0xFFFFD880  }
0x3e: {  	s28 =	simm.s32 $0x0;
	s17 =	simm.s32 $0x380;
	[bflag:$0x0] =	sbarrier.arrive $0xFFFF  }
.LBB2_2:
0x3f: {  	s2 =	sshll.u32 s28, $0x2  }
0x40: {  	p0 =	seq.s32 s28, $0x0;
	s13 =	sor.u32 $0x3, s2  }
0x41: {  	s14 =	simm.s32 @!p0 $0x14;
	s16 =	sshll.u32 s13, $0x8  }
0x42: {  	_ =	swait.ge @!p0 [sflag:s14], $0x1400;
	s13 =	smul.u32 $0x28, s13;
	s16 =	sadd.s32 s9, s16  }
0x43: {  	s22 =	simm.s32 $0x0;
	[sflag:s14] =	ssyncset.done @!p0 $0x0;
	s16 =	sshrl.u32 s16, $0x3  }
0x44: {  	[sflag:s14] =	ssyncadd.s32 @!p0 $0xFFFFEC00;
	s13 =	sadd.s32 s7, s13;
	s14 =	sadd.s32 s6, s16  }
0x45: {  	[tilespmem:s25], [sflag:$0x4] =	stream.linear.gather [hbm4b:s14+s22], $0x80, $0x38;
	[tilespmem:$0x1E000] =	vst v63  }
0x46: {  	s16 =	sadd.s32 s16, s8;
	s13 =	sshll.u32 s13, $0x4  }
0x47: {  	[tilespmem:s17], [sflag:$0x8] =	stream.linear.gather [hbm4b:s16+s22], $0x80, $0x38;
	[tilespmem:$0x1E000] =	vst v63  }
0x48: {  	s13 =	sadd.s32 s5, s13;
	s14 =	simm.s32 $0x3;
	s17 =	simm.s32 $0x9000  }
0x49: {  	[tilespmem:s17], [sflag:$0xC] =	stream.linear.gather [hbm4b:s13+s22], $0x1400, $0x38;
	[tilespmem:$0x1E000] =	vst v63  }
0x4a: {  	_ =	swait.ge [sflag:s14], $0x80  }
0x4b: {  	s16 =	simm.s32 $0x100;
	[sflag:s14] =	ssyncset.done $0x0  }
0x4c: {  	s17 =	simm.s32 $0x2C00;
	s22 =	simm.s32 $0x9;
	[sflag:s14] =	ssyncadd.s32 $0xFFFFFF80  }
0x4d: {  	[tilespmem:s17], [sflag:$0xF] =	stream.indirect.gather [hbm4b:s4+s24], $0x80, s16, s24, $0xb8;
	[tilespmem:$0x1E000] =	vst v63  }
0x4e: {  	_ =	swait.ge [sflag:s22], $0x1400  }
0x4f: {  	[sflag:s22] =	ssyncset.done $0x0  }
0x50: {  	[sflag:s22] =	ssyncadd.s32 $0xFFFFEC00  }
0x51: {  	_ =	swait.ge [sflag:s18], $0x80  }
0x52: {  	[sflag:s18] =	ssyncset.done $0x0  }
0x53: {  	[sflag:s18] =	ssyncadd.s32 $0xFFFFFF80  }
0x54: {  	_ =	swait.ge [sflag:s19], $0x1400  }
0x55: {  	[sflag:s19] =	ssyncset.done $0x0  }
0x56: {  	s13 =	simm.s32 $0x0;
	[sflag:s19] =	ssyncadd.s32 $0xFFFFEC00  }
0x57: {  	v0 =	vld [tilespmem:s13+$0x470]  }
0x58: {  	v1 =	vld [tilespmem:s13+$0x5470]  }
0x59: {  	v2 =	vld [tilespmem:s13+$0x400]  }
0x5a: {  	v3 =	vld [tilespmem:s13+$0x5400]  }
0x5b: {  	v4 =	vld [tilespmem:s13+$0x410]  }
0x5c: {  	v5 =	vld [tilespmem:s13+$0x5410]  }
0x5d: {  	v6 =	vld [tilespmem:s13+$0x420]  }
0x5e: {  	v7 =	vld [tilespmem:s13+$0x430];
	v0 =	vadd.f32 v1, v0  }
0x5f: {  	v1 =	vld [tilespmem:s13+$0x5420];
	v2 =	vadd.f32 v3, v2  }
0x60: {  	v3 =	vld [tilespmem:s13+$0x5430];
	v0 =	vmax.f32 v0, $0.0e+00  }
0x61: {  	v8 =	vld [tilespmem:s13+$0x440];
	[tilespmem:s13+$0x470] =	vst v0;
	v0 =	vmax.f32 v2, $0.0e+00;
	v2 =	vadd.f32 v5, v4  }
0x62: {  	v4 =	vld [tilespmem:s13+$0x5440]  }
0x63: {  	[tilespmem:s13+$0x400] =	vst v0;
	v0 =	vld [tilespmem:s13+$0x450];
	v2 =	vmax.f32 v2, $0.0e+00  }
0x64: {  	v1 =	vadd.f32 v1, v6;
	[tilespmem:s13+$0x410] =	vst v2;
	v2 =	vld [tilespmem:s13+$0x5450]  }
0x65: {  	v7 =	vadd.f32 v3, v7;
	v3 =	vld [tilespmem:s13+$0x5460]  }
0x66: {  	s14 =	simm.s32 $0x80;
	v5 =	vmax.f32 v1, $0.0e+00;
	v1 =	vld [tilespmem:s13+$0x460]  }
0x67: {  	s16 =	simm.s32 $0x400;
	v6 =	vld [tilespmem:s14+$0x470];
	[tilespmem:s13+$0x420] =	vst v5;
	v5 =	vmax.f32 v7, $0.0e+00;
	v4 =	vadd.f32 v4, v8  }
.LBB2_3:
0x68: {  	p0 =	sne.s32 s16, $0x4E00;
	v7 =	vld [tilespmem:s14+$0x5470];
	[tilespmem:s13+$0x430] =	vst v5  }
0x69: {  	v5 =	vld [tilespmem:s14+$0x400];
	v4 =	vmax.f32 v4, $0.0e+00;
	v0 =	vadd.f32 v2, v0  }
0x6a: {  	v2 =	vld [tilespmem:s14+$0x5400];
	[tilespmem:s13+$0x440] =	vst v4  }
0x6b: {  	v4 =	vld [tilespmem:s14+$0x410];
	v0 =	vmax.f32 v0, $0.0e+00;
	v1 =	vadd.f32 v3, v1  }
0x6c: {  	v3 =	vld [tilespmem:s14+$0x5410];
	[tilespmem:s13+$0x450] =	vst v0  }
0x6d: {  	v0 =	vld [tilespmem:s14+$0x420];
	v6 =	vadd.f32 v7, v6;
	v1 =	vmax.f32 v1, $0.0e+00  }
0x6e: {  	v7 =	vld [tilespmem:s14+$0x5420];
	[tilespmem:s13+$0x460] =	vst v1;
	s13 =	smov.u32 s14  }
0x6f: {  	v1 =	vadd.f32 v2, v5;
	v5 =	vld [tilespmem:s13+$0x430];
	v2 =	vmax.f32 v6, $0.0e+00  }
0x70: {  	v6 =	vld [tilespmem:s13+$0x5430];
	[tilespmem:s13+$0x470] =	vst v2  }
0x71: {  	v1 =	vmax.f32 v1, $0.0e+00;
	v2 =	vadd.f32 v3, v4;
	v4 =	vld [tilespmem:s13+$0x440]  }
0x72: {  	[tilespmem:s13+$0x400] =	vst v1;
	v8 =	vld [tilespmem:s13+$0x5440]  }
.Ltmp0:
0x73: {  	v1 =	vmax.f32 v2, $0.0e+00;
	v3 =	vadd.f32 v7, v0;
	v0 =	vld [tilespmem:s13+$0x450];
	(pc) =	sbr.rel @p0 .LBB2_3-.Ltmp0, $4  }
0x74: {  	[tilespmem:s13+$0x410] =	vst v1;
	v2 =	vld [tilespmem:s13+$0x5450]  }
0x75: {  	v3 =	vmax.f32 v3, $0.0e+00;
	v5 =	vadd.f32 v6, v5;
	v1 =	vld [tilespmem:s13+$0x460]  }
0x76: {  	s14 =	sshra.s32 s16, $0x2;
	[tilespmem:s13+$0x420] =	vst v3;
	v3 =	vld [tilespmem:s13+$0x5460]  }
0x77: {  	s16 =	sadd.s32 $0x200, s16;
	v6 =	vld [tilespmem:s14+$0x470];
	v5 =	vmax.f32 v5, $0.0e+00;
	v4 =	vadd.f32 v8, v4  }
0x78: {  	v7 =	vld [tilespmem:s14+$0x5470]  }
0x79: {  	v8 =	vld [tilespmem:s14+$0x400]  }
0x7a: {  	v9 =	vld [tilespmem:s14+$0x5400]  }
0x7b: {  	v10 =	vld [tilespmem:s14+$0x410]  }
0x7c: {  	v11 =	vld [tilespmem:s14+$0x5410]  }
0x7d: {  	v12 =	vld [tilespmem:s14+$0x420]  }
0x7e: {  	v13 =	vld [tilespmem:s14+$0x430]  }
0x7f: {  	v60 =	vld [tilespmem:s14+$0x5430]  }
0x80: {  	v61 =	vld [tilespmem:s14+$0x450];
	v6 =	vadd.f32 v7, v6  }
0x81: {  	v62 =	vld [tilespmem:s14+$0x5450];
	v8 =	vadd.f32 v9, v8  }
0x82: {  	v7 =	vld [tilespmem:s14+$0x5420];
	v6 =	vmax.f32 v6, $0.0e+00  }
0x83: {  	[tilespmem:s14+$0x470] =	vst v6;
	v6 =	vmax.f32 v8, $0.0e+00;
	v8 =	vld [tilespmem:s14+$0x440]  }
0x84: {  	v0 =	vadd.f32 v2, v0;
	[tilespmem:s14+$0x400] =	vst v6;
	v6 =	vld [tilespmem:s14+$0x5440]  }
0x85: {  	v63 =	vld [tilespmem:s14+$0x460];
	[tilespmem:s13+$0x430] =	vst v5;
	v1 =	vadd.f32 v3, v1;
	v3 =	vmax.f32 v4, $0.0e+00  }
0x86: {  	v2 =	vld [tilespmem:s14+$0x5460];
	v0 =	vmax.f32 v0, $0.0e+00;
	[tilespmem:s13+$0x440] =	vst v3;
	v10 =	vadd.f32 v11, v10  }
0x87: {  	[tilespmem:s13+$0x450] =	vst v0;
	v3 =	vadd.f32 v60, v13;
	v0 =	vmax.f32 v1, $0.0e+00  }
0x88: {  	[tilespmem:s13+$0x460] =	vst v0;
	v10 =	vmax.f32 v10, $0.0e+00;
	v7 =	vadd.f32 v7, v12  }
0x89: {  	v0 =	vmax.f32 v3, $0.0e+00;
	[tilespmem:s14+$0x410] =	vst v10;
	v1 =	vadd.f32 v6, v8  }
0x8a: {  	v3 =	vadd.f32 v62, v61;
	[tilespmem:s14+$0x430] =	vst v0;
	v7 =	vmax.f32 v7, $0.0e+00  }
0x8b: {  	[tilespmem:s14+$0x420] =	vst v7;
	v0 =	vmax.f32 v1, $0.0e+00;
	v1 =	vadd.f32 v2, v63  }
0x8c: {  	p0 =	seq.s32 s28, $0x3F;
	[tilespmem:s14+$0x440] =	vst v0;
	v0 =	vmax.f32 v3, $0.0e+00  }
0x8d: {  	s13 =	sadd.s32 @!p0 $0x4, s2;
	[tilespmem:s14+$0x450] =	vst v0;
	v0 =	vmax.f32 v1, $0.0e+00  }
0x8e: {  	s16 =	simm.s32 $0x200;
	s17 =	simm.s32 $0x400;
	[tilespmem:s14+$0x460] =	vst v0;
	s14 =	sshll.u32 @!p0 s13, $0x8  }
0x8f: {  	[spmem:s1] =	stream.indirect.scatter.add.f32 [tilespmem:s17], [sflag:$0x11], $0x80, s16, s24, $0xb8;
	[tilespmem:$0x1E000] =	vst v63  }
0x90: {  	s13 =	smul.u32 @!p0 $0x28, s13;
	s14 =	sadd.s32 @!p0 s9, s14;
	_ =	swait.ge [sflag:s20], $0x1400  }
0x91: {  	s22 =	simm.s32 @!p0 $0x0;
	s14 =	sshrl.u32 @!p0 s14, $0x3;
	[sflag:s20] =	ssyncset.done $0x0  }
0x92: {  	s13 =	sadd.s32 @!p0 s7, s13;
	s16 =	sadd.s32 @!p0 s6, s14;
	[sflag:s20] =	ssyncadd.s32 $0xFFFFEC00  }
0x93: {  	[tilespmem:s22], [sflag:$0x1] =	stream.linear.gather @!p0 [hbm4b:s16+s22], $0x80, $0x38;
	[tilespmem:$0x1E000] =	vst v63  }
0x94: {  	s14 =	sadd.s32 @!p0 s14, s8;
	s13 =	sshll.u32 @!p0 s13, $0x4;
	s16 =	simm.s32 @!p0 $0x200  }
0x95: {  	[tilespmem:s16], [sflag:$0x5] =	stream.linear.gather @!p0 [hbm4b:s14+s22], $0x80, $0x38;
	[tilespmem:$0x1E000] =	vst v63  }
0x96: {  	s13 =	sadd.s32 @!p0 s5, s13;
	s14 =	simm.s32 @!p0 $0x5400  }
0x97: {  	[tilespmem:s14], [sflag:$0x9] =	stream.linear.gather @!p0 [hbm4b:s13+s22], $0x1400, $0x38;
	[tilespmem:$0x1E000] =	vst v63  }
0x98: {  	_ =	swait.ge [sflag:s21], $0x80  }
0x99: {  	[sflag:s21] =	ssyncset.done $0x0  }
0x9a: {  	s22 =	simm.s32 $0x4000;
	[sflag:s21] =	ssyncadd.s32 $0xFFFFFF80  }
0x9b: {  	[tilespmem:s22], [sflag:$0x10] =	stream.indirect.gather [hbm4b:s4+s24], $0x80, s25, s24, $0xb8;
	[tilespmem:$0x1E000] =	vst v63  }
0x9c: {  	_ =	swait.ge [sflag:s12], $0x1400  }
0x9d: {  	[sflag:s12] =	ssyncset.done $0x0  }
0x9e: {  	[sflag:s12] =	ssyncadd.s32 $0xFFFFEC00  }
0x9f: {  	_ =	swait.ge [sflag:s10], $0x80  }
0xa0: {  	[sflag:s10] =	ssyncset.done $0x0  }
0xa1: {  	[sflag:s10] =	ssyncadd.s32 $0xFFFFFF80  }
0xa2: {  	_ =	swait.ge [sflag:s0], $0x1400  }
0xa3: {  	[sflag:s0] =	ssyncset.done $0x0  }
0xa4: {  	s13 =	simm.s32 $0x0;
	[sflag:s0] =	ssyncadd.s32 $0xFFFFEC00  }
0xa5: {  	v0 =	vld [tilespmem:s13+$0x1870]  }
0xa6: {  	v1 =	vld [tilespmem:s13+$0x6870]  }
0xa7: {  	v2 =	vld [tilespmem:s13+$0x1800]  }
0xa8: {  	v3 =	vld [tilespmem:s13+$0x6800]  }
0xa9: {  	v4 =	vld [tilespmem:s13+$0x1810]  }
0xaa: {  	v5 =	vld [tilespmem:s13+$0x6810]  }
0xab: {  	v6 =	vld [tilespmem:s13+$0x1820]  }
0xac: {  	v7 =	vld [tilespmem:s13+$0x1830];
	v0 =	vadd.f32 v1, v0  }
0xad: {  	v1 =	vld [tilespmem:s13+$0x6820];
	v2 =	vadd.f32 v3, v2  }
0xae: {  	v3 =	vld [tilespmem:s13+$0x6830];
	v0 =	vmax.f32 v0, $0.0e+00  }
0xaf: {  	v8 =	vld [tilespmem:s13+$0x1840];
	[tilespmem:s13+$0x1870] =	vst v0;
	v0 =	vmax.f32 v2, $0.0e+00;
	v2 =	vadd.f32 v5, v4  }
0xb0: {  	v4 =	vld [tilespmem:s13+$0x6840]  }
0xb1: {  	[tilespmem:s13+$0x1800] =	vst v0;
	v0 =	vld [tilespmem:s13+$0x1850];
	v2 =	vmax.f32 v2, $0.0e+00  }
0xb2: {  	v1 =	vadd.f32 v1, v6;
	[tilespmem:s13+$0x1810] =	vst v2;
	v2 =	vld [tilespmem:s13+$0x6850]  }
0xb3: {  	v7 =	vadd.f32 v3, v7;
	v3 =	vld [tilespmem:s13+$0x6860]  }
0xb4: {  	s14 =	simm.s32 $0x80;
	v5 =	vmax.f32 v1, $0.0e+00;
	v1 =	vld [tilespmem:s13+$0x1860]  }
0xb5: {  	s16 =	simm.s32 $0x400;
	v6 =	vld [tilespmem:s14+$0x1870];
	[tilespmem:s13+$0x1820] =	vst v5;
	v5 =	vmax.f32 v7, $0.0e+00;
	v4 =	vadd.f32 v4, v8  }
.LBB2_5:
0xb6: {  	p1 =	sne.s32 s16, $0x4E00;
	v7 =	vld [tilespmem:s14+$0x6870];
	[tilespmem:s13+$0x1830] =	vst v5  }
0xb7: {  	v5 =	vld [tilespmem:s14+$0x1800];
	v4 =	vmax.f32 v4, $0.0e+00;
	v0 =	vadd.f32 v2, v0  }
0xb8: {  	v2 =	vld [tilespmem:s14+$0x6800];
	[tilespmem:s13+$0x1840] =	vst v4  }
0xb9: {  	v4 =	vld [tilespmem:s14+$0x1810];
	v0 =	vmax.f32 v0, $0.0e+00;
	v1 =	vadd.f32 v3, v1  }
0xba: {  	v3 =	vld [tilespmem:s14+$0x6810];
	[tilespmem:s13+$0x1850] =	vst v0  }
0xbb: {  	v0 =	vld [tilespmem:s14+$0x1820];
	v6 =	vadd.f32 v7, v6;
	v1 =	vmax.f32 v1, $0.0e+00  }
0xbc: {  	v7 =	vld [tilespmem:s14+$0x6820];
	[tilespmem:s13+$0x1860] =	vst v1;
	s13 =	smov.u32 s14  }
0xbd: {  	v1 =	vadd.f32 v2, v5;
	v5 =	vld [tilespmem:s13+$0x1830];
	v2 =	vmax.f32 v6, $0.0e+00  }
0xbe: {  	v6 =	vld [tilespmem:s13+$0x6830];
	[tilespmem:s13+$0x1870] =	vst v2  }
0xbf: {  	v1 =	vmax.f32 v1, $0.0e+00;
	v2 =	vadd.f32 v3, v4;
	v4 =	vld [tilespmem:s13+$0x1840]  }
0xc0: {  	[tilespmem:s13+$0x1800] =	vst v1;
	v8 =	vld [tilespmem:s13+$0x6840]  }
.Ltmp1:
0xc1: {  	v1 =	vmax.f32 v2, $0.0e+00;
	v3 =	vadd.f32 v7, v0;
	v0 =	vld [tilespmem:s13+$0x1850];
	(pc) =	sbr.rel @p1 .LBB2_5-.Ltmp1, $4  }
0xc2: {  	[tilespmem:s13+$0x1810] =	vst v1;
	v2 =	vld [tilespmem:s13+$0x6850]  }
0xc3: {  	v3 =	vmax.f32 v3, $0.0e+00;
	v5 =	vadd.f32 v6, v5;
	v1 =	vld [tilespmem:s13+$0x1860]  }
0xc4: {  	s14 =	sshra.s32 s16, $0x2;
	[tilespmem:s13+$0x1820] =	vst v3;
	v3 =	vld [tilespmem:s13+$0x6860]  }
0xc5: {  	s16 =	sadd.s32 $0x200, s16;
	v6 =	vld [tilespmem:s14+$0x1870];
	v5 =	vmax.f32 v5, $0.0e+00;
	v4 =	vadd.f32 v8, v4  }
0xc6: {  	v7 =	vld [tilespmem:s14+$0x6870]  }
0xc7: {  	v8 =	vld [tilespmem:s14+$0x1800]  }
0xc8: {  	v9 =	vld [tilespmem:s14+$0x6800]  }
0xc9: {  	v10 =	vld [tilespmem:s14+$0x1810]  }
0xca: {  	v11 =	vld [tilespmem:s14+$0x6810]  }
0xcb: {  	v12 =	vld [tilespmem:s14+$0x1820]  }
0xcc: {  	v13 =	vld [tilespmem:s14+$0x1830]  }
0xcd: {  	v60 =	vld [tilespmem:s14+$0x6830]  }
0xce: {  	v61 =	vld [tilespmem:s14+$0x1850];
	v6 =	vadd.f32 v7, v6  }
0xcf: {  	v62 =	vld [tilespmem:s14+$0x6850];
	v8 =	vadd.f32 v9, v8  }
0xd0: {  	v7 =	vld [tilespmem:s14+$0x6820];
	v6 =	vmax.f32 v6, $0.0e+00  }
0xd1: {  	[tilespmem:s14+$0x1870] =	vst v6;
	v6 =	vmax.f32 v8, $0.0e+00;
	v8 =	vld [tilespmem:s14+$0x1840]  }
0xd2: {  	v0 =	vadd.f32 v2, v0;
	[tilespmem:s14+$0x1800] =	vst v6;
	v6 =	vld [tilespmem:s14+$0x6840]  }
0xd3: {  	v63 =	vld [tilespmem:s14+$0x1860];
	[tilespmem:s13+$0x1830] =	vst v5;
	v1 =	vadd.f32 v3, v1;
	v3 =	vmax.f32 v4, $0.0e+00  }
0xd4: {  	v2 =	vld [tilespmem:s14+$0x6860];
	v0 =	vmax.f32 v0, $0.0e+00;
	[tilespmem:s13+$0x1840] =	vst v3;
	v10 =	vadd.f32 v11, v10  }
0xd5: {  	[tilespmem:s13+$0x1850] =	vst v0;
	v3 =	vadd.f32 v60, v13;
	v0 =	vmax.f32 v1, $0.0e+00  }
0xd6: {  	[tilespmem:s13+$0x1860] =	vst v0;
	v10 =	vmax.f32 v10, $0.0e+00;
	v7 =	vadd.f32 v7, v12  }
0xd7: {  	v0 =	vmax.f32 v3, $0.0e+00;
	[tilespmem:s14+$0x1810] =	vst v10;
	v1 =	vadd.f32 v6, v8  }
0xd8: {  	v3 =	vadd.f32 v62, v61;
	[tilespmem:s14+$0x1830] =	vst v0;
	v7 =	vmax.f32 v7, $0.0e+00  }
0xd9: {  	[tilespmem:s14+$0x1820] =	vst v7;
	v0 =	vmax.f32 v1, $0.0e+00;
	v1 =	vadd.f32 v2, v63  }
0xda: {  	[tilespmem:s14+$0x1840] =	vst v0;
	v0 =	vmax.f32 v3, $0.0e+00  }
0xdb: {  	s22 =	simm.s32 $0x280;
	s13 =	sadd.s32 @!p0 $0x5, s2;
	[tilespmem:s14+$0x1850] =	vst v0;
	v0 =	vmax.f32 v1, $0.0e+00  }
0xdc: {  	s25 =	simm.s32 $0x1800;
	[tilespmem:s14+$0x1860] =	vst v0;
	s14 =	sshll.u32 @!p0 s13, $0x8;
	s13 =	smul.u32 @!p0 $0x28, s13  }
0xdd: {  	[spmem:s1] =	stream.indirect.scatter.add.f32 [tilespmem:s25], [sflag:$0x12], $0x80, s22, s24, $0xb8;
	[tilespmem:$0x1E000] =	vst v63  }
0xde: {  	s14 =	sadd.s32 @!p0 s9, s14;
	s22 =	simm.s32 @!p0 $0x0;
	_ =	swait.ge [sflag:s31], $0x1400  }
0xdf: {  	s25 =	simm.s32 @!p0 $0x80;
	s14 =	sshrl.u32 @!p0 s14, $0x3;
	[sflag:s31] =	ssyncset.done $0x0  }
0xe0: {  	s13 =	sadd.s32 @!p0 s7, s13;
	s16 =	sadd.s32 @!p0 s6, s14;
	[sflag:s31] =	ssyncadd.s32 $0xFFFFEC00  }
0xe1: {  	[tilespmem:s25], [sflag:$0x2] =	stream.linear.gather @!p0 [hbm4b:s16+s22], $0x80, $0x38;
	[tilespmem:$0x1E000] =	vst v63  }
0xe2: {  	s14 =	sadd.s32 @!p0 s14, s8;
	s13 =	sshll.u32 @!p0 s13, $0x4;
	s16 =	simm.s32 @!p0 $0x280  }
0xe3: {  	[tilespmem:s16], [sflag:$0x6] =	stream.linear.gather @!p0 [hbm4b:s14+s22], $0x80, $0x38;
	[tilespmem:$0x1E000] =	vst v63  }
0xe4: {  	s13 =	sadd.s32 @!p0 s5, s13;
	s14 =	simm.s32 @!p0 $0x6800  }
0xe5: {  	[tilespmem:s14], [sflag:$0xA] =	stream.linear.gather @!p0 [hbm4b:s13+s22], $0x1400, $0x38;
	[tilespmem:$0x1E000] =	vst v63  }
0xe6: {  	s13 =	simm.s32 @!p0 $0x1  }
0xe7: {  	_ =	swait.ge @!p0 [sflag:s13], $0x80  }
0xe8: {  	[sflag:s13] =	ssyncset.done @!p0 $0x0  }
0xe9: {  	s14 =	simm.s32 @!p0 $0x400;
	[sflag:s13] =	ssyncadd.s32 @!p0 $0xFFFFFF80;
	s13 =	simm.s32 @!p0 $0x28  }
0xea: {  	[tilespmem:s14], [sflag:$0xD] =	stream.indirect.gather @!p0 [hbm4b:s4+s13], $0x80, s22, s13, $0xb8;
	[tilespmem:$0x1E000] =	vst v63  }
0xeb: {  	_ =	swait.ge [sflag:s11], $0x1400  }
0xec: {  	[sflag:s11] =	ssyncset.done $0x0  }
0xed: {  	[sflag:s11] =	ssyncadd.s32 $0xFFFFEC00  }
0xee: {  	_ =	swait.ge [sflag:s3], $0x80  }
0xef: {  	[sflag:s3] =	ssyncset.done $0x0  }
0xf0: {  	[sflag:s3] =	ssyncadd.s32 $0xFFFFFF80  }
0xf1: {  	_ =	swait.ge [sflag:s15], $0x1400  }
0xf2: {  	[sflag:s15] =	ssyncset.done $0x0  }
0xf3: {  	s13 =	simm.s32 $0x0;
	[sflag:s15] =	ssyncadd.s32 $0xFFFFEC00  }
0xf4: {  	v0 =	vld [tilespmem:s13+$0x2C70]  }
0xf5: {  	v1 =	vld [tilespmem:s13+$0x7C70]  }
0xf6: {  	v2 =	vld [tilespmem:s13+$0x2C00]  }
0xf7: {  	v3 =	vld [tilespmem:s13+$0x7C00]  }
0xf8: {  	v4 =	vld [tilespmem:s13+$0x2C10]  }
0xf9: {  	v5 =	vld [tilespmem:s13+$0x7C10]  }
0xfa: {  	v6 =	vld [tilespmem:s13+$0x2C20]  }
0xfb: {  	v7 =	vld [tilespmem:s13+$0x2C30];
	v0 =	vadd.f32 v1, v0  }
0xfc: {  	v1 =	vld [tilespmem:s13+$0x7C20];
	v2 =	vadd.f32 v3, v2  }
0xfd: {  	v3 =	vld [tilespmem:s13+$0x7C30];
	v0 =	vmax.f32 v0, $0.0e+00  }
0xfe: {  	v8 =	vld [tilespmem:s13+$0x2C40];
	[tilespmem:s13+$0x2C70] =	vst v0;
	v0 =	vmax.f32 v2, $0.0e+00;
	v2 =	vadd.f32 v5, v4  }
0xff: {  	v4 =	vld [tilespmem:s13+$0x7C40]  }
0x100: {  	[tilespmem:s13+$0x2C00] =	vst v0;
	v0 =	vld [tilespmem:s13+$0x2C50];
	v2 =	vmax.f32 v2, $0.0e+00  }
0x101: {  	v1 =	vadd.f32 v1, v6;
	[tilespmem:s13+$0x2C10] =	vst v2;
	v2 =	vld [tilespmem:s13+$0x7C50]  }
0x102: {  	v7 =	vadd.f32 v3, v7;
	v3 =	vld [tilespmem:s13+$0x7C60]  }
0x103: {  	s14 =	simm.s32 $0x80;
	v5 =	vmax.f32 v1, $0.0e+00;
	v1 =	vld [tilespmem:s13+$0x2C60]  }
0x104: {  	s16 =	simm.s32 $0x400;
	v6 =	vld [tilespmem:s14+$0x2C70];
	[tilespmem:s13+$0x2C20] =	vst v5;
	v5 =	vmax.f32 v7, $0.0e+00;
	v4 =	vadd.f32 v4, v8  }
.LBB2_7:
0x105: {  	p1 =	sne.s32 s16, $0x4E00;
	v7 =	vld [tilespmem:s14+$0x7C70];
	[tilespmem:s13+$0x2C30] =	vst v5  }
0x106: {  	v5 =	vld [tilespmem:s14+$0x2C00];
	v4 =	vmax.f32 v4, $0.0e+00;
	v0 =	vadd.f32 v2, v0  }
0x107: {  	v2 =	vld [tilespmem:s14+$0x7C00];
	[tilespmem:s13+$0x2C40] =	vst v4  }
0x108: {  	v4 =	vld [tilespmem:s14+$0x2C10];
	v0 =	vmax.f32 v0, $0.0e+00;
	v1 =	vadd.f32 v3, v1  }
0x109: {  	v3 =	vld [tilespmem:s14+$0x7C10];
	[tilespmem:s13+$0x2C50] =	vst v0  }
0x10a: {  	v0 =	vld [tilespmem:s14+$0x2C20];
	v6 =	vadd.f32 v7, v6;
	v1 =	vmax.f32 v1, $0.0e+00  }
0x10b: {  	v7 =	vld [tilespmem:s14+$0x7C20];
	[tilespmem:s13+$0x2C60] =	vst v1;
	s13 =	smov.u32 s14  }
0x10c: {  	v1 =	vadd.f32 v2, v5;
	v5 =	vld [tilespmem:s13+$0x2C30];
	v2 =	vmax.f32 v6, $0.0e+00  }
0x10d: {  	v6 =	vld [tilespmem:s13+$0x7C30];
	[tilespmem:s13+$0x2C70] =	vst v2  }
0x10e: {  	v1 =	vmax.f32 v1, $0.0e+00;
	v2 =	vadd.f32 v3, v4;
	v4 =	vld [tilespmem:s13+$0x2C40]  }
0x10f: {  	[tilespmem:s13+$0x2C00] =	vst v1;
	v8 =	vld [tilespmem:s13+$0x7C40]  }
.Ltmp2:
0x110: {  	v1 =	vmax.f32 v2, $0.0e+00;
	v3 =	vadd.f32 v7, v0;
	v0 =	vld [tilespmem:s13+$0x2C50];
	(pc) =	sbr.rel @p1 .LBB2_7-.Ltmp2, $4  }
0x111: {  	[tilespmem:s13+$0x2C10] =	vst v1;
	v2 =	vld [tilespmem:s13+$0x7C50]  }
0x112: {  	v3 =	vmax.f32 v3, $0.0e+00;
	v5 =	vadd.f32 v6, v5;
	v1 =	vld [tilespmem:s13+$0x2C60]  }
0x113: {  	s14 =	sshra.s32 s16, $0x2;
	[tilespmem:s13+$0x2C20] =	vst v3;
	v3 =	vld [tilespmem:s13+$0x7C60]  }
0x114: {  	s16 =	sadd.s32 $0x200, s16;
	v6 =	vld [tilespmem:s14+$0x2C70];
	v5 =	vmax.f32 v5, $0.0e+00;
	v4 =	vadd.f32 v8, v4  }
0x115: {  	v7 =	vld [tilespmem:s14+$0x7C70]  }
0x116: {  	v8 =	vld [tilespmem:s14+$0x2C00]  }
0x117: {  	v9 =	vld [tilespmem:s14+$0x7C00]  }
0x118: {  	v10 =	vld [tilespmem:s14+$0x2C10]  }
0x119: {  	v11 =	vld [tilespmem:s14+$0x7C10]  }
0x11a: {  	v12 =	vld [tilespmem:s14+$0x2C20]  }
0x11b: {  	v13 =	vld [tilespmem:s14+$0x2C30]  }
0x11c: {  	v60 =	vld [tilespmem:s14+$0x7C30]  }
0x11d: {  	v61 =	vld [tilespmem:s14+$0x2C50];
	v6 =	vadd.f32 v7, v6  }
0x11e: {  	v62 =	vld [tilespmem:s14+$0x7C50];
	v8 =	vadd.f32 v9, v8  }
0x11f: {  	v7 =	vld [tilespmem:s14+$0x7C20];
	v6 =	vmax.f32 v6, $0.0e+00  }
0x120: {  	[tilespmem:s14+$0x2C70] =	vst v6;
	v6 =	vmax.f32 v8, $0.0e+00;
	v8 =	vld [tilespmem:s14+$0x2C40]  }
0x121: {  	v0 =	vadd.f32 v2, v0;
	[tilespmem:s14+$0x2C00] =	vst v6;
	v6 =	vld [tilespmem:s14+$0x7C40]  }
0x122: {  	v63 =	vld [tilespmem:s14+$0x2C60];
	[tilespmem:s13+$0x2C30] =	vst v5;
	v1 =	vadd.f32 v3, v1;
	v3 =	vmax.f32 v4, $0.0e+00  }
0x123: {  	v2 =	vld [tilespmem:s14+$0x7C60];
	v0 =	vmax.f32 v0, $0.0e+00;
	[tilespmem:s13+$0x2C40] =	vst v3;
	v10 =	vadd.f32 v11, v10  }
0x124: {  	[tilespmem:s13+$0x2C50] =	vst v0;
	v3 =	vadd.f32 v60, v13;
	v0 =	vmax.f32 v1, $0.0e+00  }
0x125: {  	[tilespmem:s13+$0x2C60] =	vst v0;
	v10 =	vmax.f32 v10, $0.0e+00;
	v7 =	vadd.f32 v7, v12  }
0x126: {  	v0 =	vmax.f32 v3, $0.0e+00;
	[tilespmem:s14+$0x2C10] =	vst v10;
	v1 =	vadd.f32 v6, v8  }
0x127: {  	v3 =	vadd.f32 v62, v61;
	[tilespmem:s14+$0x2C30] =	vst v0;
	v7 =	vmax.f32 v7, $0.0e+00  }
0x128: {  	[tilespmem:s14+$0x2C20] =	vst v7;
	v0 =	vmax.f32 v1, $0.0e+00;
	v1 =	vadd.f32 v2, v63  }
0x129: {  	[tilespmem:s14+$0x2C40] =	vst v0;
	v0 =	vmax.f32 v3, $0.0e+00  }
0x12a: {  	s22 =	simm.s32 $0x300;
	s2 =	sadd.s32 @!p0 $0x6, s2;
	[tilespmem:s14+$0x2C50] =	vst v0;
	v0 =	vmax.f32 v1, $0.0e+00  }
0x12b: {  	s25 =	simm.s32 $0x2C00;
	s13 =	sshll.u32 @!p0 s2, $0x8;
	s2 =	smul.u32 @!p0 $0x28, s2;
	[tilespmem:s14+$0x2C60] =	vst v0  }
0x12c: {  	[spmem:s1] =	stream.indirect.scatter.add.f32 [tilespmem:s25], [sflag:$0x13], $0x80, s22, s24, $0xb8;
	[tilespmem:$0x1E000] =	vst v63  }
0x12d: {  	s16 =	simm.s32 @!p0 $0x0;
	s13 =	sadd.s32 @!p0 s9, s13;
	_ =	swait.ge [sflag:s23], $0x1400  }
0x12e: {  	s13 =	sshrl.u32 @!p0 s13, $0x3;
	s2 =	sadd.s32 @!p0 s7, s2;
	[sflag:s23] =	ssyncset.done $0x0  }
0x12f: {  	s14 =	sadd.s32 @!p0 s6, s13;
	s22 =	simm.s32 @!p0 $0x100;
	[sflag:s23] =	ssyncadd.s32 $0xFFFFEC00  }
0x130: {  	[tilespmem:s22], [sflag:$0x3] =	stream.linear.gather @!p0 [hbm4b:s14+s16], $0x80, $0x38;
	[tilespmem:$0x1E000] =	vst v63  }
0x131: {  	s2 =	sshll.u32 @!p0 s2, $0x4;
	s13 =	sadd.s32 @!p0 s13, s8;
	s14 =	simm.s32 @!p0 $0x300  }
0x132: {  	[tilespmem:s14], [sflag:$0x7] =	stream.linear.gather @!p0 [hbm4b:s13+s16], $0x80, $0x38;
	[tilespmem:$0x1E000] =	vst v63  }
0x133: {  	s2 =	sadd.s32 @!p0 s5, s2;
	s13 =	simm.s32 @!p0 $0x7C00  }
0x134: {  	[tilespmem:s13], [sflag:$0xB] =	stream.linear.gather @!p0 [hbm4b:s2+s16], $0x1400, $0x38;
	[tilespmem:$0x1E000] =	vst v63  }
0x135: {  	s2 =	simm.s32 @!p0 $0x2  }
0x136: {  	_ =	swait.ge @!p0 [sflag:s2], $0x80  }
0x137: {  	s14 =	simm.s32 @!p0 $0x1800;
	[sflag:s2] =	ssyncset.done @!p0 $0x0  }
0x138: {  	s13 =	simm.s32 @!p0 $0x80;
	[sflag:s2] =	ssyncadd.s32 @!p0 $0xFFFFFF80;
	s2 =	simm.s32 @!p0 $0x28  }
0x139: {  	[tilespmem:s14], [sflag:$0xE] =	stream.indirect.gather @!p0 [hbm4b:s4+s2], $0x80, s13, s2, $0xb8;
	[tilespmem:$0x1E000] =	vst v63  }
0x13a: {  	_ =	swait.ge [sflag:s26], $0x1400  }
0x13b: {  	[sflag:s26] =	ssyncset.done $0x0  }
0x13c: {  	[sflag:s26] =	ssyncadd.s32 $0xFFFFEC00  }
0x13d: {  	_ =	swait.ge [sflag:s29], $0x80  }
0x13e: {  	[sflag:s29] =	ssyncset.done $0x0  }
0x13f: {  	[sflag:s29] =	ssyncadd.s32 $0xFFFFFF80  }
0x140: {  	_ =	swait.ge [sflag:s30], $0x1400  }
0x141: {  	[sflag:s30] =	ssyncset.done $0x0  }
0x142: {  	s2 =	simm.s32 $0x0;
	[sflag:s30] =	ssyncadd.s32 $0xFFFFEC00  }
0x143: {  	v0 =	vld [tilespmem:s2+$0x4070]  }
0x144: {  	v1 =	vld [tilespmem:s2+$0x9070]  }
0x145: {  	v2 =	vld [tilespmem:s2+$0x4000]  }
0x146: {  	v3 =	vld [tilespmem:s2+$0x9000]  }
0x147: {  	v4 =	vld [tilespmem:s2+$0x4010]  }
0x148: {  	v5 =	vld [tilespmem:s2+$0x9010]  }
0x149: {  	v6 =	vld [tilespmem:s2+$0x4020]  }
0x14a: {  	v7 =	vld [tilespmem:s2+$0x4030];
	v0 =	vadd.f32 v1, v0  }
0x14b: {  	v1 =	vld [tilespmem:s2+$0x9020];
	v2 =	vadd.f32 v3, v2  }
0x14c: {  	v3 =	vld [tilespmem:s2+$0x9030];
	v0 =	vmax.f32 v0, $0.0e+00  }
0x14d: {  	v8 =	vld [tilespmem:s2+$0x4040];
	[tilespmem:s2+$0x4070] =	vst v0;
	v0 =	vmax.f32 v2, $0.0e+00;
	v2 =	vadd.f32 v5, v4  }
0x14e: {  	v4 =	vld [tilespmem:s2+$0x9040]  }
0x14f: {  	[tilespmem:s2+$0x4000] =	vst v0;
	v0 =	vld [tilespmem:s2+$0x4050];
	v2 =	vmax.f32 v2, $0.0e+00  }
0x150: {  	v1 =	vadd.f32 v1, v6;
	[tilespmem:s2+$0x4010] =	vst v2;
	v2 =	vld [tilespmem:s2+$0x9050]  }
0x151: {  	v7 =	vadd.f32 v3, v7;
	v3 =	vld [tilespmem:s2+$0x9060]  }
0x152: {  	s13 =	simm.s32 $0x80;
	v5 =	vmax.f32 v1, $0.0e+00;
	v1 =	vld [tilespmem:s2+$0x4060]  }
0x153: {  	s16 =	simm.s32 $0x380;
	s14 =	simm.s32 $0x400;
	v6 =	vld [tilespmem:s13+$0x4070];
	[tilespmem:s2+$0x4020] =	vst v5;
	v5 =	vmax.f32 v7, $0.0e+00;
	v4 =	vadd.f32 v4, v8  }
.LBB2_9:
0x154: {  	p0 =	sne.s32 s14, $0x4E00;
	v7 =	vld [tilespmem:s13+$0x9070];
	[tilespmem:s2+$0x4030] =	vst v5  }
0x155: {  	v5 =	vld [tilespmem:s13+$0x4000];
	v4 =	vmax.f32 v4, $0.0e+00;
	v0 =	vadd.f32 v2, v0  }
0x156: {  	v2 =	vld [tilespmem:s13+$0x9000];
	[tilespmem:s2+$0x4040] =	vst v4  }
0x157: {  	v4 =	vld [tilespmem:s13+$0x4010];
	v0 =	vmax.f32 v0, $0.0e+00;
	v1 =	vadd.f32 v3, v1  }
0x158: {  	v3 =	vld [tilespmem:s13+$0x9010];
	[tilespmem:s2+$0x4050] =	vst v0  }
0x159: {  	v0 =	vld [tilespmem:s13+$0x4020];
	v6 =	vadd.f32 v7, v6;
	v1 =	vmax.f32 v1, $0.0e+00  }
0x15a: {  	v7 =	vld [tilespmem:s13+$0x9020];
	[tilespmem:s2+$0x4060] =	vst v1;
	s2 =	smov.u32 s13  }
0x15b: {  	v1 =	vadd.f32 v2, v5;
	v5 =	vld [tilespmem:s2+$0x4030];
	v2 =	vmax.f32 v6, $0.0e+00  }
0x15c: {  	v6 =	vld [tilespmem:s2+$0x9030];
	[tilespmem:s2+$0x4070] =	vst v2  }
0x15d: {  	v1 =	vmax.f32 v1, $0.0e+00;
	v2 =	vadd.f32 v3, v4;
	v4 =	vld [tilespmem:s2+$0x4040]  }
0x15e: {  	[tilespmem:s2+$0x4000] =	vst v1;
	v8 =	vld [tilespmem:s2+$0x9040]  }
.Ltmp3:
0x15f: {  	v1 =	vmax.f32 v2, $0.0e+00;
	v3 =	vadd.f32 v7, v0;
	v0 =	vld [tilespmem:s2+$0x4050];
	(pc) =	sbr.rel @p0 .LBB2_9-.Ltmp3, $4  }
0x160: {  	[tilespmem:s2+$0x4010] =	vst v1;
	v2 =	vld [tilespmem:s2+$0x9050]  }
0x161: {  	v3 =	vmax.f32 v3, $0.0e+00;
	v5 =	vadd.f32 v6, v5;
	v1 =	vld [tilespmem:s2+$0x4060]  }
0x162: {  	s13 =	sshra.s32 s14, $0x2;
	[tilespmem:s2+$0x4020] =	vst v3;
	v3 =	vld [tilespmem:s2+$0x9060]  }
0x163: {  	s14 =	sadd.s32 $0x200, s14;
	v6 =	vld [tilespmem:s13+$0x4070];
	v5 =	vmax.f32 v5, $0.0e+00;
	v4 =	vadd.f32 v8, v4  }
0x164: {  	v7 =	vld [tilespmem:s13+$0x9070]  }
0x165: {  	v8 =	vld [tilespmem:s13+$0x4000]  }
0x166: {  	v9 =	vld [tilespmem:s13+$0x9000]  }
0x167: {  	v10 =	vld [tilespmem:s13+$0x4010]  }
0x168: {  	v11 =	vld [tilespmem:s13+$0x9010]  }
0x169: {  	v12 =	vld [tilespmem:s13+$0x4020]  }
0x16a: {  	v45 =	vld [tilespmem:s13+$0x9020]  }
0x16b: {  	v13 =	vld [tilespmem:s13+$0x4030]  }
0x16c: {  	v46 =	vld [tilespmem:s13+$0x9030]  }
0x16d: {  	v48 =	vld [tilespmem:s13+$0x4040]  }
0x16e: {  	v49 =	vld [tilespmem:s13+$0x9040];
	v0 =	vadd.f32 v2, v0  }
0x16f: {  	v50 =	vld [tilespmem:s13+$0x4050];
	[tilespmem:s2+$0x4030] =	vst v5;
	v54 =	vmax.f32 v4, $0.0e+00;
	v1 =	vadd.f32 v3, v1  }
0x170: {  	v51 =	vld [tilespmem:s13+$0x9050];
	[tilespmem:s2+$0x4040] =	vst v54;
	v0 =	vmax.f32 v0, $0.0e+00;
	v6 =	vadd.f32 v7, v6  }
0x171: {  	v52 =	vld [tilespmem:s13+$0x4060];
	[tilespmem:s2+$0x4050] =	vst v0;
	v8 =	vadd.f32 v9, v8;
	v56 =	vmax.f32 v1, $0.0e+00  }
0x172: {  	v53 =	vld [tilespmem:s13+$0x9060];
	v10 =	vadd.f32 v11, v10;
	[tilespmem:s2+$0x4060] =	vst v56;
	v6 =	vmax.f32 v6, $0.0e+00  }
0x173: {  	v7 =	vadd.f32 v45, v12;
	v47 =	vmax.f32 v8, $0.0e+00;
	[tilespmem:s13+$0x4070] =	vst v6  }
0x174: {  	v55 =	vadd.f32 v46, v13;
	v10 =	vmax.f32 v10, $0.0e+00;
	[tilespmem:s13+$0x4000] =	vst v47  }
0x175: {  	v57 =	vadd.f32 v49, v48;
	v7 =	vmax.f32 v7, $0.0e+00;
	[tilespmem:s13+$0x4010] =	vst v10  }
0x176: {  	s28 =	sadd.s32 $0x1, s28;
	v59 =	vadd.f32 v51, v50;
	v58 =	vmax.f32 v55, $0.0e+00;
	[tilespmem:s13+$0x4020] =	vst v7  }
0x177: {  	p0 =	sne.s32 s28, $0x40;
	v61 =	vadd.f32 v53, v52;
	v60 =	vmax.f32 v57, $0.0e+00;
	[tilespmem:s13+$0x4030] =	vst v58  }
.Ltmp4:
0x178: {  	v62 =	vmax.f32 v59, $0.0e+00;
	[tilespmem:s13+$0x4040] =	vst v60;
	(pc) =	sbr.rel @p0 .LBB2_2-.Ltmp4, $4  }
0x179: {  	v63 =	vmax.f32 v61, $0.0e+00;
	[tilespmem:s13+$0x4050] =	vst v62  }
0x17a: {  	s25 =	simm.s32 $0x4000;
	[tilespmem:s13+$0x4060] =	vst v63  }
0x17b: {  	[spmem:s1] =	stream.indirect.scatter.add.f32 [tilespmem:s25], [sflag:$0x14], $0x80, s16, s24, $0xb8;
	[tilespmem:$0x1E000] =	vst v63  }
0x17c: {  	s17 =	simm.s32 $0x380;
	s25 =	simm.s32 $0x180  }
0x17d: {  	s2 =	simm.s32 $0x14  }
0x17e: {  	_ =	swait.ge [sflag:s2], $0x1400  }
0x17f: {  	[sflag:s2] =	ssyncset.done $0x0  }
0x180: {  	[sflag:s2] =	ssyncadd.s32 $0xFFFFEC00  }
0x181: {  	[bflag:$0x0] =	sbarrier.arrive $0xFFFF  }
0x182: {  	s16 =	rddreg [dreg:$0xf]  }
0x183: {  	s13 =	rddreg [dreg:$0x12]  }
0x184: {  	s22 =	simm.s32 $0x15;
	s14 =	rddreg [dreg:$0x13]  }
0x185: {  	[hbm:s16], [sflag:s13] =	dma.local [spmem:s14], $0x2780  }
0x186: {  	_ =	swait.ge [sflag:s22], $0x2780  }
0x187: {  	s17 =	rddreg [dreg:$0x11]  }
0x188: {  	s28 =	rddreg [dreg:$0x10];
	s13 =	sadd.s32 $0x1, s17  }
0x189: {  	p0 =	sne.s32 s13, s28  }
.Ltmp5:
0x18a: {  	_ = 	snop;
	(pc) =	sbr.rel @p0 .LBB2_1-.Ltmp5, $3  }
0x18b: {  	_ =	sdelay $0x1  }
0x18c: {  	[sflag:s22] =	ssyncset.done $0x0  }
0x18d: {  	[sflag:s22] =	ssyncadd.s32 $0xFFFFD880  }
0x18e: {  	_ =	sfence.sel $0x180000  }
0x18f: {  	[bflag:$0x0] =	sbarrier.arrive $0xFFFF  }
0x190: {  	_ =	strace $0x9000004D  }
0x191: {  	s0 =	stileid.u32;
	[bflag:$0x2] =	sbarrier.arrive $0xFFFF  }
0x192: {  	p0 =	sne.s32 s0, $0x0;
	s0 =	rddreg [dreg:$0x3]  }
0x193: {  	s0 =	sadd.s32 @!p0 $0x100000, s0  }
0x194: {  	[sflag:s0] =	ssyncadd.tile.s32 @!p0 $0x1;
	_ =	shalt  }
.Lfunc_end2:
_tile_overlayer_lowered:
.L_overlay_start_2:
0x195: {  	(tag) =	ssettag $0x2  }
0x196: {  	s0 =	rddreg [dreg:$0x0];
	s2 =	stileid.u32  }
0x197: {  	s1 =	rddreg [dreg:$0x1];
	p0 =	sne.s32 s2, $0x0  }
0x198: {  	s3 =	rddreg [dreg:$0x2];
	[bflag:$0x3] =	sbarrier.arrive $0xFFFF;
	s2 =	simm.s32 @!p0 $0x1C15  }
0x199: {  	[timem:s3], [sflag:s2] =	dma.local @!p0 [hbm:s0], s1  }
0x19a: {  	s0 =	simm.s32 @!p0 $0x15  }
0x19b: {  	_ =	swait.ge @!p0 [sflag:s0], s1  }
0x19c: {  	s1 =	ssub.s32 @!p0 $0x0, s1;
	[sflag:s0] =	ssyncset.done @!p0 $0x0  }
0x19d: {  	[sflag:s0] =	ssyncadd.s32 @!p0 s1  }
0x19e: {  	[bflag:$0x3] =	sbarrier.arrive $0xFFFF  }
0x19f: {  	_ =	shalt  }

</sc_bundles>
